<compile_context>
chip_gen: v7x
topology: tpu7x:2x2x1
jax: 0.10.2.dev20260603
libtpu: 0.0.44.dev20260713+nightly
codegen_flags: <defaults>
</compile_context>

<pallas_src>
import functools

import jax
import jax.numpy as jnp
from jax import lax
from jax.experimental import pallas as pl
from jax.experimental.pallas import tpu as pltpu
from jax.experimental.pallas import tpu_sc as plsc

_N = 10000
_E = 320000
_D = 128
_NC = 2
_NS = 16
_NW = _NC * _NS
_CH = 128
_NCHUNKS = _E // _CH

_RPT = 632
_LAST = _N - (_NS - 1) * _RPT


def _run(f):
    return f()


def _agg_body(two_streams, table, eidx, zeros, out,
              ev0, ev1, ev2, dv0, dv1, dv2, rows0, rows1, rows2,
              isem0, isem1, isem2,
              gsem0, gsem1, gsem2, asem0, asem1, asem2, acc_sh):
    c = lax.axis_index("c")
    s = lax.axis_index("s")

    @pl.when(s < _NS - 1)
    def _():
        b = s * _RPT
        pltpu.sync_copy(zeros.at[pl.ds(b, _RPT)], acc_sh.at[pl.ds(b, _RPT)])

    @pl.when(s == _NS - 1)
    def _():
        b = (_NS - 1) * _RPT
        pltpu.sync_copy(zeros.at[pl.ds(b, _LAST)], acc_sh.at[pl.ds(b, _LAST)])

    plsc.subcore_barrier()

    if two_streams:
        nk = jnp.where(s < _NCHUNKS - _NS * (_NCHUNKS // _NS),
                       _NCHUNKS // _NS + 1, _NCHUNKS // _NS)
        stride = _NS
        first = s
        row_base = 0
    else:
        wid = s * _NC + c
        nk = jnp.where(wid < _NCHUNKS - _NW * (_NCHUNKS // _NW),
                       _NCHUNKS // _NW + 1, _NCHUNKS // _NW)
        stride = _NW
        first = wid
        row_base = 0

    ev = [ev0, ev1, ev2]
    dv = [dv0, dv1, dv2]
    rv = [rows0, rows1, rows2]
    isem = [isem0, isem1, isem2]
    gsem = [gsem0, gsem1, gsem2]
    asem = [asem0, asem1, asem2]

    def fire_idx(m, slot):
        r0 = row_base + 2 * (first + stride * m)
        pltpu.async_copy(eidx.at[pl.ds(r0, 2)], ev[slot], isem[slot])

    def fire_gather(slot):
        if two_streams:
            pltpu.async_copy(table.at[c].at[ev[slot].at[0]], rv[slot],
                             gsem[slot])
        else:
            pltpu.async_copy(table.at[ev[slot].at[0]], rv[slot], gsem[slot])

    def drain_idx(slot):
        pltpu.make_async_copy(eidx.at[pl.ds(0, 2)], ev[slot],
                              isem[slot]).wait()

    def drain(sem, slot):
        pltpu.make_async_copy(zeros.at[pl.ds(0, _CH)], rv[slot],
                              sem[slot]).wait()

    def process(m, slot, warmup):
        if not warmup:
            drain(asem, (slot + 1) % 3)

        idx_pf = _run if warmup else pl.when(m + 2 < nk)

        @idx_pf
        def _():
            fire_idx(m + 2, (slot + 2) % 3)

        g_pf = _run if warmup else pl.when(m + 1 < nk)

        @g_pf
        def _():
            drain_idx((slot + 1) % 3)
            fire_gather((slot + 1) % 3)

        drain(gsem, slot)
        for tt in range(_CH // 16):
            dv[slot][pl.ds(16 * tt, 16)] = ev[slot][1, pl.ds(16 * tt, 16)]
        pltpu.async_copy(rv[slot], acc_sh.at[dv[slot]], asem[slot],
                         add=True)

    fire_idx(0, 0)
    fire_idx(1, 1)
    drain_idx(0)
    fire_gather(0)
    process(0, 0, warmup=True)
    process(1, 1, warmup=True)

    @pl.loop(0, nk // 3)
    def _(kk):
        m0 = 2 + 3 * kk
        for i in range(3):
            @pl.when(m0 + i < nk)
            def _(i=i):
                process(m0 + i, (2 + i) % 3, warmup=False)

    for tail in (2, 1):
        for jj in range(3):
            @pl.when((nk - tail) % 3 == jj)
            def _(jj=jj):
                drain(asem, jj)

    plsc.subcore_barrier()

    @pl.when(s < _NS - 1)
    def _():
        b = s * _RPT
        pltpu.sync_copy(acc_sh.at[pl.ds(b, _RPT)],
                        out.at[pl.ds(c * _N + b, _RPT)])

    @pl.when(s == _NS - 1)
    def _():
        b = (_NS - 1) * _RPT
        pltpu.sync_copy(acc_sh.at[pl.ds(b, _LAST)],
                        out.at[pl.ds(c * _N + b, _LAST)])


def _sc_agg(table, eidx, zeros, two_streams):
    body = functools.partial(_agg_body, two_streams)
    return pl.kernel(
        body,
        out_type=jax.ShapeDtypeStruct((2 * _N, _D), jnp.float32),
        mesh=plsc.VectorSubcoreMesh(core_axis_name="c", subcore_axis_name="s",
                                    num_cores=_NC, num_subcores=_NS),
        scratch_types=(
            [pltpu.VMEM((2, _CH), jnp.int32) for _ in range(3)]
            + [pltpu.VMEM((_CH,), jnp.int32) for _ in range(3)]
            + [pltpu.VMEM((_CH, _D), jnp.float32) for _ in range(3)]
            + [pltpu.SemaphoreType.DMA for _ in range(9)]
            + [pltpu.VMEM_SHARED((_N, _D), jnp.float32)]
        ),
    )(table, eidx, zeros)


def _tc1_body(x_ref, p_ref, wmu_ref, bmu_ref, wlv_ref, blv_ref, out_ref):
    h = x_ref[...] + p_ref[0] + p_ref[1]
    mu = jnp.dot(h, wmu_ref[...], preferred_element_type=jnp.float32)
    lv = jnp.dot(h, wlv_ref[...], preferred_element_type=jnp.float32)
    out_ref[0] = jnp.maximum(mu + bmu_ref[...], 0.0)
    out_ref[1] = jnp.maximum(lv + blv_ref[...], 0.0)


def _tc2_body(h_ref, a_ref, wmu_ref, bmu_ref, wlv_ref, blv_ref,
              mu_ref, lv_ref):
    hmu = h_ref[0] + a_ref[0]
    hlv = h_ref[1] + a_ref[1]
    mu_ref[...] = (jnp.dot(hmu, wmu_ref[...], preferred_element_type=jnp.float32)
                   + bmu_ref[...])
    lv_ref[...] = (jnp.dot(hlv, wlv_ref[...], preferred_element_type=jnp.float32)
                   + blv_ref[...])


_BN = 1000

_W_SPEC = pl.BlockSpec((_D, _D), lambda i: (0, 0))
_B_SPEC = pl.BlockSpec((1, _D), lambda i: (0, 0))


def _tc1(x, parts, wmu, bmu, wlv, blv):
    return pl.pallas_call(
        _tc1_body,
        grid=(_N // _BN,),
        in_specs=[
            pl.BlockSpec((_BN, _D), lambda i: (i, 0)),
            pl.BlockSpec((2, _BN, _D), lambda i: (0, i, 0)),
            _W_SPEC, _B_SPEC, _W_SPEC, _B_SPEC,
        ],
        out_specs=pl.BlockSpec((2, _BN, _D), lambda i: (0, i, 0)),
        out_shape=jax.ShapeDtypeStruct((2, _N, _D), jnp.float32),
    )(x, parts, wmu, bmu, wlv, blv)


def _tc2(h01, aggs, wmu, bmu, wlv, blv):
    return pl.pallas_call(
        _tc2_body,
        grid=(_N // _BN,),
        in_specs=[
            pl.BlockSpec((2, _BN, _D), lambda i: (0, i, 0)),
            pl.BlockSpec((2, _BN, _D), lambda i: (0, i, 0)),
            _W_SPEC, _B_SPEC, _W_SPEC, _B_SPEC,
        ],
        out_specs=[
            pl.BlockSpec((_BN, _D), lambda i: (i, 0)),
            pl.BlockSpec((_BN, _D), lambda i: (i, 0)),
        ],
        out_shape=[
            jax.ShapeDtypeStruct((_N, _D), jnp.float32),
            jax.ShapeDtypeStruct((_N, _D), jnp.float32),
        ],
    )(h01, aggs, wmu, bmu, wlv, blv)


def _pack_eidx(src, dst):
    return jnp.stack([src.reshape(_NCHUNKS, _CH),
                      dst.reshape(_NCHUNKS, _CH)],
                     axis=1).reshape(2 * _NCHUNKS, _CH)


def kernel(x, edge_index, W_mu0, b_mu0, W_lv0, b_lv0,
           W_mu1, b_mu1, W_lv1, b_lv1):
    src = edge_index[0]
    dst = edge_index[1]
    zeros = jnp.zeros((_N, _D), jnp.float32)

    eidx_a = _pack_eidx(src, dst)
    parts = _sc_agg(x, eidx_a, zeros, two_streams=False)
    parts = parts.reshape(2, _N, _D)
    h01 = _tc1(x, parts, W_mu0, b_mu0.reshape(1, _D),
               W_lv0, b_lv0.reshape(1, _D))

    aggs = _sc_agg(h01, eidx_a, zeros, two_streams=True)
    mu, lv = _tc2(h01, aggs.reshape(2, _N, _D), W_mu1, b_mu1.reshape(1, _D),
                  W_lv1, b_lv1.reshape(1, _D))
    return (mu, lv)

# --- scband reference (transcript-rebuilt; emitter-appended) ---
"""Pipeline reference for scband-multi-ginencoder-75505525064379 (READ-ONLY COPY).

The authoritative reference and input builder live on the scoring server;
editing this copy changes nothing except your own understanding.
"""

import jax, jax.numpy as jnp
import numpy as np

N = 10000
E = 320000
D = 128


def setup_inputs(seed: int = 0) -> dict:
    key = jax.random.key(seed)
    ks = jax.random.split(key, 12)
    x = jax.random.normal(ks[0], (N, D), dtype=jnp.float32)
    edge_index = jax.random.randint(ks[1], (2, E), 0, N, dtype=jnp.int32)
    s = 1.0 / np.sqrt(D)
    inp = {"x": x, "edge_index": edge_index}
    names = ["W_mu0", "b_mu0", "W_lv0", "b_lv0", "W_mu1", "b_mu1", "W_lv1", "b_lv1"]
    for i, nm in enumerate(names):
        if nm.startswith("W"):
            inp[nm] = jax.random.uniform(ks[2 + i], (D, D), dtype=jnp.float32, minval=-s, maxval=s)
        else:
            inp[nm] = jax.random.uniform(ks[2 + i], (D,), dtype=jnp.float32, minval=-s, maxval=s)
    return inp


def _gin_conv(h, src, dst, W, b):
    # GINConv with eps=0: nn((1+eps)*x + sum_{j in N(i)} x_j)
    agg = jax.ops.segment_sum(h[src], dst, num_segments=N)
    return (h + agg) @ W + b


def reference(x, edge_index, W_mu0, b_mu0, W_lv0, b_lv0, W_mu1, b_mu1, W_lv1, b_lv1):
    src = edge_index[0]
    dst = edge_index[1]
    # layer 0 (relu)
    mu = jax.nn.relu(_gin_conv(x, src, dst, W_mu0, b_mu0))
    lv = jax.nn.relu(_gin_conv(x, src, dst, W_lv0, b_lv0))
    # layer 1 (last, no relu)
    mu = _gin_conv(mu, src, dst, W_mu1, b_mu1)
    lv = _gin_conv(lv, src, dst, W_lv1, b_lv1)
    return (mu, lv)

if __name__ == "__main__":
    import jax
    _d = setup_inputs()
    print(jax.jit(kernel)(*tuple(_d.values())))

</pallas_src>

<mosaic_0001>
#map = affine_map<(d0, d1) -> (0, 0)>
module attributes {stable_mosaic.version = 14 : i64} {
  func.func @_agg_body(%arg0: i32, %arg1: i32, %arg2: memref<10000x128xf32, #tpu.memory_space<hbm>>, %arg3: memref<5000x128xi32, #tpu.memory_space<hbm>>, %arg4: memref<10000x128xf32, #tpu.memory_space<hbm>>, %arg5: memref<20000x128xf32, #tpu.memory_space<hbm>>, %arg6: memref<2x128xi32, #tpu.memory_space<vmem>>, %arg7: memref<2x128xi32, #tpu.memory_space<vmem>>, %arg8: memref<2x128xi32, #tpu.memory_space<vmem>>, %arg9: memref<128xi32, #tpu.memory_space<vmem>>, %arg10: memref<128xi32, #tpu.memory_space<vmem>>, %arg11: memref<128xi32, #tpu.memory_space<vmem>>, %arg12: memref<128x128xf32, #tpu.memory_space<vmem>>, %arg13: memref<128x128xf32, #tpu.memory_space<vmem>>, %arg14: memref<128x128xf32, #tpu.memory_space<vmem>>, %arg15: memref<!tpu.dma_semaphore, #tpu.memory_space<semaphore_mem>>, %arg16: memref<!tpu.dma_semaphore, #tpu.memory_space<semaphore_mem>>, %arg17: memref<!tpu.dma_semaphore, #tpu.memory_space<semaphore_mem>>, %arg18: memref<!tpu.dma_semaphore, #tpu.memory_space<semaphore_mem>>, %arg19: memref<!tpu.dma_semaphore, #tpu.memory_space<semaphore_mem>>, %arg20: memref<!tpu.dma_semaphore, #tpu.memory_space<semaphore_mem>>, %arg21: memref<!tpu.dma_semaphore, #tpu.memory_space<semaphore_mem>>, %arg22: memref<!tpu.dma_semaphore, #tpu.memory_space<semaphore_mem>>, %arg23: memref<!tpu.dma_semaphore, #tpu.memory_space<semaphore_mem>>, %arg24: memref<10000x128xf32, #tpu.memory_space<vmem_shared>>) attributes {dimension_semantics = [#tpu.dimension_semantics<core_parallel>, #tpu.dimension_semantics<subcore_parallel>], iteration_bounds = array<i64: 2, 16>, scalar_prefetch = 0 : i64, scratch_operands = 19 : i64, tpu.core_type = #tpu.core_type<sc_vector_subcore>, window_params = [{transform_indices = #map}, {transform_indices = #map}, {transform_indices = #map}, {transform_indices = #map}]} {
    %lt3A = arith.constant 15 : i32
    %lt3A_0 = arith.cmpi slt, %arg1, %lt3A : i32
    %convert_element_type3A = arith.extui %lt3A_0 : i1 to i32
    %cond3A = arith.constant 0 : i32
    %cond3A_1 = arith.cmpi ne, %convert_element_type3A, %cond3A : i32
    scf.if %cond3A_1 {
      %mul3A_432 = arith.constant 632 : i32
      %mul3A_433 = arith.muli %arg1, %mul3A_432 : i32
      "tpu.region"() ({
        %run_scoped3A = tpu.sem_alloc : memref<!tpu.dma_semaphore, #tpu.memory_space<semaphore_mem>>
        %dma_start3A_434 = arith.constant 0 : i32
        %dma_start3A_435 = tpu.memref_slice %arg24[%mul3A_433, %dma_start3A_434] : memref<10000x128xf32, #tpu.memory_space<vmem_shared>> -> memref<632x128xf32, #tpu.memory_space<vmem_shared>>
        %dma_start3A_436 = arith.constant 0 : i32
        %dma_start3A_437 = tpu.memref_slice %arg4[%mul3A_433, %dma_start3A_436] : memref<10000x128xf32, #tpu.memory_space<hbm>> -> memref<632x128xf32, #tpu.memory_space<hbm>>
        tpu.enqueue_dma source(%dma_start3A_437 : memref<632x128xf32, #tpu.memory_space<hbm>>) target(%dma_start3A_435 : memref<632x128xf32, #tpu.memory_space<vmem_shared>>) target_semaphore(%run_scoped3A : memref<!tpu.dma_semaphore, #tpu.memory_space<semaphore_mem>>)
        %dma_wait3A_438 = arith.constant 0 : i32
        %dma_wait3A_439 = tpu.memref_slice %arg24[%mul3A_433, %dma_wait3A_438] : memref<10000x128xf32, #tpu.memory_space<vmem_shared>> -> memref<632x128xf32, #tpu.memory_space<vmem_shared>>
        %dma_wait3A_440 = arith.constant 0 : i32
        %dma_wait3A_441 = tpu.memref_slice %arg4[%mul3A_433, %dma_wait3A_440] : memref<10000x128xf32, #tpu.memory_space<hbm>> -> memref<632x128xf32, #tpu.memory_space<hbm>>
        tpu.wait_dma2 semaphore(%run_scoped3A : memref<!tpu.dma_semaphore, #tpu.memory_space<semaphore_mem>>) src(%dma_wait3A_441 : memref<632x128xf32, #tpu.memory_space<hbm>>) dst(%dma_wait3A_439 : memref<632x128xf32, #tpu.memory_space<vmem_shared>>)
        tpu.yield
      }) : () -> ()
    } else {
    }
    %eq3A = arith.constant 15 : i32
    %eq3A_2 = arith.cmpi eq, %arg1, %eq3A : i32
    %convert_element_type3A_3 = arith.extui %eq3A_2 : i1 to i32
    %cond3A_4 = arith.constant 0 : i32
    %cond3A_5 = arith.cmpi ne, %convert_element_type3A_3, %cond3A_4 : i32
    scf.if %cond3A_5 {
      "tpu.region"() ({
        %run_scoped3A = tpu.sem_alloc : memref<!tpu.dma_semaphore, #tpu.memory_space<semaphore_mem>>
        %dma_start3A_432 = arith.constant 9480 : i32
        %dma_start3A_433 = arith.constant 0 : i32
        %dma_start3A_434 = tpu.memref_slice %arg24[%dma_start3A_432, %dma_start3A_433] : memref<10000x128xf32, #tpu.memory_space<vmem_shared>> -> memref<520x128xf32, #tpu.memory_space<vmem_shared>>
        %dma_start3A_435 = arith.constant 9480 : i32
        %dma_start3A_436 = arith.constant 0 : i32
        %dma_start3A_437 = tpu.memref_slice %arg4[%dma_start3A_435, %dma_start3A_436] : memref<10000x128xf32, #tpu.memory_space<hbm>> -> memref<520x128xf32, #tpu.memory_space<hbm>>
        tpu.enqueue_dma source(%dma_start3A_437 : memref<520x128xf32, #tpu.memory_space<hbm>>) target(%dma_start3A_434 : memref<520x128xf32, #tpu.memory_space<vmem_shared>>) target_semaphore(%run_scoped3A : memref<!tpu.dma_semaphore, #tpu.memory_space<semaphore_mem>>)
        %dma_wait3A_438 = arith.constant 9480 : i32
        %dma_wait3A_439 = arith.constant 0 : i32
        %dma_wait3A_440 = tpu.memref_slice %arg24[%dma_wait3A_438, %dma_wait3A_439] : memref<10000x128xf32, #tpu.memory_space<vmem_shared>> -> memref<520x128xf32, #tpu.memory_space<vmem_shared>>
        %dma_wait3A_441 = arith.constant 9480 : i32
        %dma_wait3A_442 = arith.constant 0 : i32
        %dma_wait3A_443 = tpu.memref_slice %arg4[%dma_wait3A_441, %dma_wait3A_442] : memref<10000x128xf32, #tpu.memory_space<hbm>> -> memref<520x128xf32, #tpu.memory_space<hbm>>
        tpu.wait_dma2 semaphore(%run_scoped3A : memref<!tpu.dma_semaphore, #tpu.memory_space<semaphore_mem>>) src(%dma_wait3A_443 : memref<520x128xf32, #tpu.memory_space<hbm>>) dst(%dma_wait3A_440 : memref<520x128xf32, #tpu.memory_space<vmem_shared>>)
        tpu.yield
      }) : () -> ()
    } else {
    }
    %barrier3A = arith.constant 0 : index
    tpu.barrier barrier_id(%barrier3A)
    %mul3A = arith.constant 2 : i32
    %mul3A_6 = arith.muli %arg1, %mul3A : i32
    %add3A = arith.addi %mul3A_6, %arg0 : i32
    %lt3A_7 = arith.constant 4 : i32
    %lt3A_8 = arith.cmpi slt, %add3A, %lt3A_7 : i32
    %jit3A = arith.constant 79 : i32
    %jit3A_9 = arith.constant 78 : i32
    %select_n3A = arith.select %lt3A_8, %jit3A, %jit3A_9 : i32
    %add3A_10 = arith.constant 0 : i32
    %add3A_11 = arith.addi %add3A, %add3A_10 : i32
    %mul3A_12 = arith.constant 2 : i32
    %mul3A_13 = arith.muli %mul3A_12, %add3A_11 : i32
    %add3A_14 = arith.constant 0 : i32
    %add3A_15 = arith.addi %add3A_14, %mul3A_13 : i32
    %dma_start3A = arith.constant 0 : i32
    %dma_start3A_16 = tpu.memref_slice %arg3[%add3A_15, %dma_start3A] : memref<5000x128xi32, #tpu.memory_space<hbm>> -> memref<2x128xi32, #tpu.memory_space<hbm>>
    %dma_start3A_17 = arith.constant 0 : i32
    %dma_start3A_18 = tpu.memref_slice %arg3[%add3A_15, %dma_start3A_17] : memref<5000x128xi32, #tpu.memory_space<hbm>> -> memref<2x128xi32, #tpu.memory_space<hbm>>
    tpu.enqueue_dma source(%dma_start3A_18 : memref<2x128xi32, #tpu.memory_space<hbm>>) target(%arg6 : memref<2x128xi32, #tpu.memory_space<vmem>>) target_semaphore(%arg15 : memref<!tpu.dma_semaphore, #tpu.memory_space<semaphore_mem>>)
    %add3A_19 = arith.constant 32 : i32
    %add3A_20 = arith.addi %add3A, %add3A_19 : i32
    %mul3A_21 = arith.constant 2 : i32
    %mul3A_22 = arith.muli %mul3A_21, %add3A_20 : i32
    %add3A_23 = arith.constant 0 : i32
    %add3A_24 = arith.addi %add3A_23, %mul3A_22 : i32
    %dma_start3A_25 = arith.constant 0 : i32
    %dma_start3A_26 = tpu.memref_slice %arg3[%add3A_24, %dma_start3A_25] : memref<5000x128xi32, #tpu.memory_space<hbm>> -> memref<2x128xi32, #tpu.memory_space<hbm>>
    %dma_start3A_27 = arith.constant 0 : i32
    %dma_start3A_28 = tpu.memref_slice %arg3[%add3A_24, %dma_start3A_27] : memref<5000x128xi32, #tpu.memory_space<hbm>> -> memref<2x128xi32, #tpu.memory_space<hbm>>
    tpu.enqueue_dma source(%dma_start3A_28 : memref<2x128xi32, #tpu.memory_space<hbm>>) target(%arg7 : memref<2x128xi32, #tpu.memory_space<vmem>>) target_semaphore(%arg16 : memref<!tpu.dma_semaphore, #tpu.memory_space<semaphore_mem>>)
    %dma_wait3A = arith.constant 0 : i32
    %dma_wait3A_29 = arith.constant 0 : i32
    %dma_wait3A_30 = tpu.memref_slice %arg3[%dma_wait3A, %dma_wait3A_29] : memref<5000x128xi32, #tpu.memory_space<hbm>> -> memref<2x128xi32, #tpu.memory_space<hbm>>
    %dma_wait3A_31 = arith.constant 0 : i32
    %dma_wait3A_32 = arith.constant 0 : i32
    %dma_wait3A_33 = tpu.memref_slice %arg3[%dma_wait3A_31, %dma_wait3A_32] : memref<5000x128xi32, #tpu.memory_space<hbm>> -> memref<2x128xi32, #tpu.memory_space<hbm>>
    tpu.wait_dma2 semaphore(%arg15 : memref<!tpu.dma_semaphore, #tpu.memory_space<semaphore_mem>>) src(%dma_wait3A_33 : memref<2x128xi32, #tpu.memory_space<hbm>>) dst(%arg6 : memref<2x128xi32, #tpu.memory_space<vmem>>)
    %dma_start3A_34 = arith.constant 0 : i32
    %dma_start3A_35 = arith.constant 0 : i32
    %dma_start3A_36 = tpu.memref_slice %arg6[%dma_start3A_34, %dma_start3A_35] : memref<2x128xi32, #tpu.memory_space<vmem>> -> memref<1x128xi32, #tpu.memory_space<vmem>>
    %dma_start3A_37 = tpu.memref_squeeze %dma_start3A_36 : memref<1x128xi32, #tpu.memory_space<vmem>> -> memref<128xi32, #tpu.memory_space<vmem>>
    %dma_start3A_38 = arith.constant 0 : i32
    %dma_start3A_39 = arith.constant 0 : i32
    %dma_start3A_40 = tpu.memref_slice %arg2[%dma_start3A_38, %dma_start3A_39] : memref<10000x128xf32, #tpu.memory_space<hbm>> -> memref<10000x128xf32, #tpu.memory_space<hbm>>
    tpu.enqueue_indirect_dma source(%dma_start3A_40 : memref<10000x128xf32, #tpu.memory_space<hbm>>) target(%arg12 : memref<128x128xf32, #tpu.memory_space<vmem>>) offsets(%dma_start3A_37 : memref<128xi32, #tpu.memory_space<vmem>>) semaphore(%arg18 : memref<!tpu.dma_semaphore, #tpu.memory_space<semaphore_mem>>)
    %add3A_41 = arith.constant 64 : i32
    %add3A_42 = arith.addi %add3A, %add3A_41 : i32
    %mul3A_43 = arith.constant 2 : i32
    %mul3A_44 = arith.muli %mul3A_43, %add3A_42 : i32
    %add3A_45 = arith.constant 0 : i32
    %add3A_46 = arith.addi %add3A_45, %mul3A_44 : i32
    %dma_start3A_47 = arith.constant 0 : i32
    %dma_start3A_48 = tpu.memref_slice %arg3[%add3A_46, %dma_start3A_47] : memref<5000x128xi32, #tpu.memory_space<hbm>> -> memref<2x128xi32, #tpu.memory_space<hbm>>
    %dma_start3A_49 = arith.constant 0 : i32
    %dma_start3A_50 = tpu.memref_slice %arg3[%add3A_46, %dma_start3A_49] : memref<5000x128xi32, #tpu.memory_space<hbm>> -> memref<2x128xi32, #tpu.memory_space<hbm>>
    tpu.enqueue_dma source(%dma_start3A_50 : memref<2x128xi32, #tpu.memory_space<hbm>>) target(%arg8 : memref<2x128xi32, #tpu.memory_space<vmem>>) target_semaphore(%arg17 : memref<!tpu.dma_semaphore, #tpu.memory_space<semaphore_mem>>)
    %dma_wait3A_51 = arith.constant 0 : i32
    %dma_wait3A_52 = arith.constant 0 : i32
    %dma_wait3A_53 = tpu.memref_slice %arg3[%dma_wait3A_51, %dma_wait3A_52] : memref<5000x128xi32, #tpu.memory_space<hbm>> -> memref<2x128xi32, #tpu.memory_space<hbm>>
    %dma_wait3A_54 = arith.constant 0 : i32
    %dma_wait3A_55 = arith.constant 0 : i32
    %dma_wait3A_56 = tpu.memref_slice %arg3[%dma_wait3A_54, %dma_wait3A_55] : memref<5000x128xi32, #tpu.memory_space<hbm>> -> memref<2x128xi32, #tpu.memory_space<hbm>>
    tpu.wait_dma2 semaphore(%arg16 : memref<!tpu.dma_semaphore, #tpu.memory_space<semaphore_mem>>) src(%dma_wait3A_56 : memref<2x128xi32, #tpu.memory_space<hbm>>) dst(%arg7 : memref<2x128xi32, #tpu.memory_space<vmem>>)
    %dma_start3A_57 = arith.constant 0 : i32
    %dma_start3A_58 = arith.constant 0 : i32
    %dma_start3A_59 = tpu.memref_slice %arg7[%dma_start3A_57, %dma_start3A_58] : memref<2x128xi32, #tpu.memory_space<vmem>> -> memref<1x128xi32, #tpu.memory_space<vmem>>
    %dma_start3A_60 = tpu.memref_squeeze %dma_start3A_59 : memref<1x128xi32, #tpu.memory_space<vmem>> -> memref<128xi32, #tpu.memory_space<vmem>>
    %dma_start3A_61 = arith.constant 0 : i32
    %dma_start3A_62 = arith.constant 0 : i32
    %dma_start3A_63 = tpu.memref_slice %arg2[%dma_start3A_61, %dma_start3A_62] : memref<10000x128xf32, #tpu.memory_space<hbm>> -> memref<10000x128xf32, #tpu.memory_space<hbm>>
    tpu.enqueue_indirect_dma source(%dma_start3A_63 : memref<10000x128xf32, #tpu.memory_space<hbm>>) target(%arg13 : memref<128x128xf32, #tpu.memory_space<vmem>>) offsets(%dma_start3A_60 : memref<128xi32, #tpu.memory_space<vmem>>) semaphore(%arg19 : memref<!tpu.dma_semaphore, #tpu.memory_space<semaphore_mem>>)
    %dma_wait3A_64 = arith.constant 0 : i32
    %dma_wait3A_65 = arith.constant 0 : i32
    %dma_wait3A_66 = tpu.memref_slice %arg4[%dma_wait3A_64, %dma_wait3A_65] : memref<10000x128xf32, #tpu.memory_space<hbm>> -> memref<128x128xf32, #tpu.memory_space<hbm>>
    %dma_wait3A_67 = arith.constant 0 : i32
    %dma_wait3A_68 = arith.constant 0 : i32
    %dma_wait3A_69 = tpu.memref_slice %arg4[%dma_wait3A_67, %dma_wait3A_68] : memref<10000x128xf32, #tpu.memory_space<hbm>> -> memref<128x128xf32, #tpu.memory_space<hbm>>
    tpu.wait_dma2 semaphore(%arg18 : memref<!tpu.dma_semaphore, #tpu.memory_space<semaphore_mem>>) src(%dma_wait3A_69 : memref<128x128xf32, #tpu.memory_space<hbm>>) dst(%arg12 : memref<128x128xf32, #tpu.memory_space<vmem>>)
    %get3A = arith.constant 1 : i32
    %get3A_70 = arith.index_cast %get3A : i32 to index
    %get3A_71 = arith.constant 0 : index
    %get3A_72 = tpu.vector_load %arg6[%get3A_70, %get3A_71] {strides = array<i32>} : memref<2x128xi32, #tpu.memory_space<vmem>>, vector<1x16xi32>,
    %get3A_73 = vector.shape_cast %get3A_72 : vector<1x16xi32> to vector<16xi32>
    %swap3A = arith.constant 0 : index
    %swap3A_74 = tpu.vector_load %arg9[%swap3A] {strides = array<i32>} : memref<128xi32, #tpu.memory_space<vmem>>, vector<16xi32>,
    %swap3A_75 = vector.shape_cast %swap3A_74 : vector<16xi32> to vector<16xi32>
    %swap3A_76 = vector.shape_cast %get3A_73 : vector<16xi32> to vector<16xi32>
    tpu.vector_store %arg9[%swap3A], %swap3A_76 {strides = array<i32>} : memref<128xi32, #tpu.memory_space<vmem>>, vector<16xi32>,
    %get3A_77 = arith.constant 1 : i32
    %get3A_78 = arith.index_cast %get3A_77 : i32 to index
    %get3A_79 = arith.constant 16 : index
    %get3A_80 = tpu.vector_load %arg6[%get3A_78, %get3A_79] {strides = array<i32>} : memref<2x128xi32, #tpu.memory_space<vmem>>, vector<1x16xi32>,
    %get3A_81 = vector.shape_cast %get3A_80 : vector<1x16xi32> to vector<16xi32>
    %swap3A_82 = arith.constant 16 : index
    %swap3A_83 = tpu.vector_load %arg9[%swap3A_82] {strides = array<i32>} : memref<128xi32, #tpu.memory_space<vmem>>, vector<16xi32>,
    %swap3A_84 = vector.shape_cast %swap3A_83 : vector<16xi32> to vector<16xi32>
    %swap3A_85 = vector.shape_cast %get3A_81 : vector<16xi32> to vector<16xi32>
    tpu.vector_store %arg9[%swap3A_82], %swap3A_85 {strides = array<i32>} : memref<128xi32, #tpu.memory_space<vmem>>, vector<16xi32>,
    %get3A_86 = arith.constant 1 : i32
    %get3A_87 = arith.index_cast %get3A_86 : i32 to index
    %get3A_88 = arith.constant 32 : index
    %get3A_89 = tpu.vector_load %arg6[%get3A_87, %get3A_88] {strides = array<i32>} : memref<2x128xi32, #tpu.memory_space<vmem>>, vector<1x16xi32>,
    %get3A_90 = vector.shape_cast %get3A_89 : vector<1x16xi32> to vector<16xi32>
    %swap3A_91 = arith.constant 32 : index
    %swap3A_92 = tpu.vector_load %arg9[%swap3A_91] {strides = array<i32>} : memref<128xi32, #tpu.memory_space<vmem>>, vector<16xi32>,
    %swap3A_93 = vector.shape_cast %swap3A_92 : vector<16xi32> to vector<16xi32>
    %swap3A_94 = vector.shape_cast %get3A_90 : vector<16xi32> to vector<16xi32>
    tpu.vector_store %arg9[%swap3A_91], %swap3A_94 {strides = array<i32>} : memref<128xi32, #tpu.memory_space<vmem>>, vector<16xi32>,
    %get3A_95 = arith.constant 1 : i32
    %get3A_96 = arith.index_cast %get3A_95 : i32 to index
    %get3A_97 = arith.constant 48 : index
    %get3A_98 = tpu.vector_load %arg6[%get3A_96, %get3A_97] {strides = array<i32>} : memref<2x128xi32, #tpu.memory_space<vmem>>, vector<1x16xi32>,
    %get3A_99 = vector.shape_cast %get3A_98 : vector<1x16xi32> to vector<16xi32>
    %swap3A_100 = arith.constant 48 : index
    %swap3A_101 = tpu.vector_load %arg9[%swap3A_100] {strides = array<i32>} : memref<128xi32, #tpu.memory_space<vmem>>, vector<16xi32>,
    %swap3A_102 = vector.shape_cast %swap3A_101 : vector<16xi32> to vector<16xi32>
    %swap3A_103 = vector.shape_cast %get3A_99 : vector<16xi32> to vector<16xi32>
    tpu.vector_store %arg9[%swap3A_100], %swap3A_103 {strides = array<i32>} : memref<128xi32, #tpu.memory_space<vmem>>, vector<16xi32>,
    %get3A_104 = arith.constant 1 : i32
    %get3A_105 = arith.index_cast %get3A_104 : i32 to index
    %get3A_106 = arith.constant 64 : index
    %get3A_107 = tpu.vector_load %arg6[%get3A_105, %get3A_106] {strides = array<i32>} : memref<2x128xi32, #tpu.memory_space<vmem>>, vector<1x16xi32>,
    %get3A_108 = vector.shape_cast %get3A_107 : vector<1x16xi32> to vector<16xi32>
    %swap3A_109 = arith.constant 64 : index
    %swap3A_110 = tpu.vector_load %arg9[%swap3A_109] {strides = array<i32>} : memref<128xi32, #tpu.memory_space<vmem>>, vector<16xi32>,
    %swap3A_111 = vector.shape_cast %swap3A_110 : vector<16xi32> to vector<16xi32>
    %swap3A_112 = vector.shape_cast %get3A_108 : vector<16xi32> to vector<16xi32>
    tpu.vector_store %arg9[%swap3A_109], %swap3A_112 {strides = array<i32>} : memref<128xi32, #tpu.memory_space<vmem>>, vector<16xi32>,
    %get3A_113 = arith.constant 1 : i32
    %get3A_114 = arith.index_cast %get3A_113 : i32 to index
    %get3A_115 = arith.constant 80 : index
    %get3A_116 = tpu.vector_load %arg6[%get3A_114, %get3A_115] {strides = array<i32>} : memref<2x128xi32, #tpu.memory_space<vmem>>, vector<1x16xi32>,
    %get3A_117 = vector.shape_cast %get3A_116 : vector<1x16xi32> to vector<16xi32>
    %swap3A_118 = arith.constant 80 : index
    %swap3A_119 = tpu.vector_load %arg9[%swap3A_118] {strides = array<i32>} : memref<128xi32, #tpu.memory_space<vmem>>, vector<16xi32>,
    %swap3A_120 = vector.shape_cast %swap3A_119 : vector<16xi32> to vector<16xi32>
    %swap3A_121 = vector.shape_cast %get3A_117 : vector<16xi32> to vector<16xi32>
    tpu.vector_store %arg9[%swap3A_118], %swap3A_121 {strides = array<i32>} : memref<128xi32, #tpu.memory_space<vmem>>, vector<16xi32>,
    %get3A_122 = arith.constant 1 : i32
    %get3A_123 = arith.index_cast %get3A_122 : i32 to index
    %get3A_124 = arith.constant 96 : index
    %get3A_125 = tpu.vector_load %arg6[%get3A_123, %get3A_124] {strides = array<i32>} : memref<2x128xi32, #tpu.memory_space<vmem>>, vector<1x16xi32>,
    %get3A_126 = vector.shape_cast %get3A_125 : vector<1x16xi32> to vector<16xi32>
    %swap3A_127 = arith.constant 96 : index
    %swap3A_128 = tpu.vector_load %arg9[%swap3A_127] {strides = array<i32>} : memref<128xi32, #tpu.memory_space<vmem>>, vector<16xi32>,
    %swap3A_129 = vector.shape_cast %swap3A_128 : vector<16xi32> to vector<16xi32>
    %swap3A_130 = vector.shape_cast %get3A_126 : vector<16xi32> to vector<16xi32>
    tpu.vector_store %arg9[%swap3A_127], %swap3A_130 {strides = array<i32>} : memref<128xi32, #tpu.memory_space<vmem>>, vector<16xi32>,
    %get3A_131 = arith.constant 1 : i32
    %get3A_132 = arith.index_cast %get3A_131 : i32 to index
    %get3A_133 = arith.constant 112 : index
    %get3A_134 = tpu.vector_load %arg6[%get3A_132, %get3A_133] {strides = array<i32>} : memref<2x128xi32, #tpu.memory_space<vmem>>, vector<1x16xi32>,
    %get3A_135 = vector.shape_cast %get3A_134 : vector<1x16xi32> to vector<16xi32>
    %swap3A_136 = arith.constant 112 : index
    %swap3A_137 = tpu.vector_load %arg9[%swap3A_136] {strides = array<i32>} : memref<128xi32, #tpu.memory_space<vmem>>, vector<16xi32>,
    %swap3A_138 = vector.shape_cast %swap3A_137 : vector<16xi32> to vector<16xi32>
    %swap3A_139 = vector.shape_cast %get3A_135 : vector<16xi32> to vector<16xi32>
    tpu.vector_store %arg9[%swap3A_136], %swap3A_139 {strides = array<i32>} : memref<128xi32, #tpu.memory_space<vmem>>, vector<16xi32>,
    %dma_start3A_140 = arith.constant 0 : i32
    %dma_start3A_141 = arith.constant 0 : i32
    %dma_start3A_142 = tpu.memref_slice %arg24[%dma_start3A_140, %dma_start3A_141] : memref<10000x128xf32, #tpu.memory_space<vmem_shared>> -> memref<10000x128xf32, #tpu.memory_space<vmem_shared>>
    tpu.enqueue_indirect_dma source(%arg12 : memref<128x128xf32, #tpu.memory_space<vmem>>) target(%dma_start3A_142 : memref<10000x128xf32, #tpu.memory_space<vmem_shared>>) offsets(%arg9 : memref<128xi32, #tpu.memory_space<vmem>>) semaphore(%arg21 : memref<!tpu.dma_semaphore, #tpu.memory_space<semaphore_mem>>) {add = true}
    %add3A_143 = arith.constant 96 : i32
    %add3A_144 = arith.addi %add3A, %add3A_143 : i32
    %mul3A_145 = arith.constant 2 : i32
    %mul3A_146 = arith.muli %mul3A_145, %add3A_144 : i32
    %add3A_147 = arith.constant 0 : i32
    %add3A_148 = arith.addi %add3A_147, %mul3A_146 : i32
    %dma_start3A_149 = arith.constant 0 : i32
    %dma_start3A_150 = tpu.memref_slice %arg3[%add3A_148, %dma_start3A_149] : memref<5000x128xi32, #tpu.memory_space<hbm>> -> memref<2x128xi32, #tpu.memory_space<hbm>>
    %dma_start3A_151 = arith.constant 0 : i32
    %dma_start3A_152 = tpu.memref_slice %arg3[%add3A_148, %dma_start3A_151] : memref<5000x128xi32, #tpu.memory_space<hbm>> -> memref<2x128xi32, #tpu.memory_space<hbm>>
    tpu.enqueue_dma source(%dma_start3A_152 : memref<2x128xi32, #tpu.memory_space<hbm>>) target(%arg6 : memref<2x128xi32, #tpu.memory_space<vmem>>) target_semaphore(%arg15 : memref<!tpu.dma_semaphore, #tpu.memory_space<semaphore_mem>>)
    %dma_wait3A_153 = arith.constant 0 : i32
    %dma_wait3A_154 = arith.constant 0 : i32
    %dma_wait3A_155 = tpu.memref_slice %arg3[%dma_wait3A_153, %dma_wait3A_154] : memref<5000x128xi32, #tpu.memory_space<hbm>> -> memref<2x128xi32, #tpu.memory_space<hbm>>
    %dma_wait3A_156 = arith.constant 0 : i32
    %dma_wait3A_157 = arith.constant 0 : i32
    %dma_wait3A_158 = tpu.memref_slice %arg3[%dma_wait3A_156, %dma_wait3A_157] : memref<5000x128xi32, #tpu.memory_space<hbm>> -> memref<2x128xi32, #tpu.memory_space<hbm>>
    tpu.wait_dma2 semaphore(%arg17 : memref<!tpu.dma_semaphore, #tpu.memory_space<semaphore_mem>>) src(%dma_wait3A_158 : memref<2x128xi32, #tpu.memory_space<hbm>>) dst(%arg8 : memref<2x128xi32, #tpu.memory_space<vmem>>)
    %dma_start3A_159 = arith.constant 0 : i32
    %dma_start3A_160 = arith.constant 0 : i32
    %dma_start3A_161 = tpu.memref_slice %arg8[%dma_start3A_159, %dma_start3A_160] : memref<2x128xi32, #tpu.memory_space<vmem>> -> memref<1x128xi32, #tpu.memory_space<vmem>>
    %dma_start3A_162 = tpu.memref_squeeze %dma_start3A_161 : memref<1x128xi32, #tpu.memory_space<vmem>> -> memref<128xi32, #tpu.memory_space<vmem>>
    %dma_start3A_163 = arith.constant 0 : i32
    %dma_start3A_164 = arith.constant 0 : i32
    %dma_start3A_165 = tpu.memref_slice %arg2[%dma_start3A_163, %dma_start3A_164] : memref<10000x128xf32, #tpu.memory_space<hbm>> -> memref<10000x128xf32, #tpu.memory_space<hbm>>
    tpu.enqueue_indirect_dma source(%dma_start3A_165 : memref<10000x128xf32, #tpu.memory_space<hbm>>) target(%arg14 : memref<128x128xf32, #tpu.memory_space<vmem>>) offsets(%dma_start3A_162 : memref<128xi32, #tpu.memory_space<vmem>>) semaphore(%arg20 : memref<!tpu.dma_semaphore, #tpu.memory_space<semaphore_mem>>)
    %dma_wait3A_166 = arith.constant 0 : i32
    %dma_wait3A_167 = arith.constant 0 : i32
    %dma_wait3A_168 = tpu.memref_slice %arg4[%dma_wait3A_166, %dma_wait3A_167] : memref<10000x128xf32, #tpu.memory_space<hbm>> -> memref<128x128xf32, #tpu.memory_space<hbm>>
    %dma_wait3A_169 = arith.constant 0 : i32
    %dma_wait3A_170 = arith.constant 0 : i32
    %dma_wait3A_171 = tpu.memref_slice %arg4[%dma_wait3A_169, %dma_wait3A_170] : memref<10000x128xf32, #tpu.memory_space<hbm>> -> memref<128x128xf32, #tpu.memory_space<hbm>>
    tpu.wait_dma2 semaphore(%arg19 : memref<!tpu.dma_semaphore, #tpu.memory_space<semaphore_mem>>) src(%dma_wait3A_171 : memref<128x128xf32, #tpu.memory_space<hbm>>) dst(%arg13 : memref<128x128xf32, #tpu.memory_space<vmem>>)
    %get3A_172 = arith.constant 1 : i32
    %get3A_173 = arith.index_cast %get3A_172 : i32 to index
    %get3A_174 = arith.constant 0 : index
    %get3A_175 = tpu.vector_load %arg7[%get3A_173, %get3A_174] {strides = array<i32>} : memref<2x128xi32, #tpu.memory_space<vmem>>, vector<1x16xi32>,
    %get3A_176 = vector.shape_cast %get3A_175 : vector<1x16xi32> to vector<16xi32>
    %swap3A_177 = arith.constant 0 : index
    %swap3A_178 = tpu.vector_load %arg10[%swap3A_177] {strides = array<i32>} : memref<128xi32, #tpu.memory_space<vmem>>, vector<16xi32>,
    %swap3A_179 = vector.shape_cast %swap3A_178 : vector<16xi32> to vector<16xi32>
    %swap3A_180 = vector.shape_cast %get3A_176 : vector<16xi32> to vector<16xi32>
    tpu.vector_store %arg10[%swap3A_177], %swap3A_180 {strides = array<i32>} : memref<128xi32, #tpu.memory_space<vmem>>, vector<16xi32>,
    %get3A_181 = arith.constant 1 : i32
    %get3A_182 = arith.index_cast %get3A_181 : i32 to index
    %get3A_183 = arith.constant 16 : index
    %get3A_184 = tpu.vector_load %arg7[%get3A_182, %get3A_183] {strides = array<i32>} : memref<2x128xi32, #tpu.memory_space<vmem>>, vector<1x16xi32>,
    %get3A_185 = vector.shape_cast %get3A_184 : vector<1x16xi32> to vector<16xi32>
    %swap3A_186 = arith.constant 16 : index
    %swap3A_187 = tpu.vector_load %arg10[%swap3A_186] {strides = array<i32>} : memref<128xi32, #tpu.memory_space<vmem>>, vector<16xi32>,
    %swap3A_188 = vector.shape_cast %swap3A_187 : vector<16xi32> to vector<16xi32>
    %swap3A_189 = vector.shape_cast %get3A_185 : vector<16xi32> to vector<16xi32>
    tpu.vector_store %arg10[%swap3A_186], %swap3A_189 {strides = array<i32>} : memref<128xi32, #tpu.memory_space<vmem>>, vector<16xi32>,
    %get3A_190 = arith.constant 1 : i32
    %get3A_191 = arith.index_cast %get3A_190 : i32 to index
    %get3A_192 = arith.constant 32 : index
    %get3A_193 = tpu.vector_load %arg7[%get3A_191, %get3A_192] {strides = array<i32>} : memref<2x128xi32, #tpu.memory_space<vmem>>, vector<1x16xi32>,
    %get3A_194 = vector.shape_cast %get3A_193 : vector<1x16xi32> to vector<16xi32>
    %swap3A_195 = arith.constant 32 : index
    %swap3A_196 = tpu.vector_load %arg10[%swap3A_195] {strides = array<i32>} : memref<128xi32, #tpu.memory_space<vmem>>, vector<16xi32>,
    %swap3A_197 = vector.shape_cast %swap3A_196 : vector<16xi32> to vector<16xi32>
    %swap3A_198 = vector.shape_cast %get3A_194 : vector<16xi32> to vector<16xi32>
    tpu.vector_store %arg10[%swap3A_195], %swap3A_198 {strides = array<i32>} : memref<128xi32, #tpu.memory_space<vmem>>, vector<16xi32>,
    %get3A_199 = arith.constant 1 : i32
    %get3A_200 = arith.index_cast %get3A_199 : i32 to index
    %get3A_201 = arith.constant 48 : index
    %get3A_202 = tpu.vector_load %arg7[%get3A_200, %get3A_201] {strides = array<i32>} : memref<2x128xi32, #tpu.memory_space<vmem>>, vector<1x16xi32>,
    %get3A_203 = vector.shape_cast %get3A_202 : vector<1x16xi32> to vector<16xi32>
    %swap3A_204 = arith.constant 48 : index
    %swap3A_205 = tpu.vector_load %arg10[%swap3A_204] {strides = array<i32>} : memref<128xi32, #tpu.memory_space<vmem>>, vector<16xi32>,
    %swap3A_206 = vector.shape_cast %swap3A_205 : vector<16xi32> to vector<16xi32>
    %swap3A_207 = vector.shape_cast %get3A_203 : vector<16xi32> to vector<16xi32>
    tpu.vector_store %arg10[%swap3A_204], %swap3A_207 {strides = array<i32>} : memref<128xi32, #tpu.memory_space<vmem>>, vector<16xi32>,
    %get3A_208 = arith.constant 1 : i32
    %get3A_209 = arith.index_cast %get3A_208 : i32 to index
    %get3A_210 = arith.constant 64 : index
    %get3A_211 = tpu.vector_load %arg7[%get3A_209, %get3A_210] {strides = array<i32>} : memref<2x128xi32, #tpu.memory_space<vmem>>, vector<1x16xi32>,
    %get3A_212 = vector.shape_cast %get3A_211 : vector<1x16xi32> to vector<16xi32>
    %swap3A_213 = arith.constant 64 : index
    %swap3A_214 = tpu.vector_load %arg10[%swap3A_213] {strides = array<i32>} : memref<128xi32, #tpu.memory_space<vmem>>, vector<16xi32>,
    %swap3A_215 = vector.shape_cast %swap3A_214 : vector<16xi32> to vector<16xi32>
    %swap3A_216 = vector.shape_cast %get3A_212 : vector<16xi32> to vector<16xi32>
    tpu.vector_store %arg10[%swap3A_213], %swap3A_216 {strides = array<i32>} : memref<128xi32, #tpu.memory_space<vmem>>, vector<16xi32>,
    %get3A_217 = arith.constant 1 : i32
    %get3A_218 = arith.index_cast %get3A_217 : i32 to index
    %get3A_219 = arith.constant 80 : index
    %get3A_220 = tpu.vector_load %arg7[%get3A_218, %get3A_219] {strides = array<i32>} : memref<2x128xi32, #tpu.memory_space<vmem>>, vector<1x16xi32>,
    %get3A_221 = vector.shape_cast %get3A_220 : vector<1x16xi32> to vector<16xi32>
    %swap3A_222 = arith.constant 80 : index
    %swap3A_223 = tpu.vector_load %arg10[%swap3A_222] {strides = array<i32>} : memref<128xi32, #tpu.memory_space<vmem>>, vector<16xi32>,
    %swap3A_224 = vector.shape_cast %swap3A_223 : vector<16xi32> to vector<16xi32>
    %swap3A_225 = vector.shape_cast %get3A_221 : vector<16xi32> to vector<16xi32>
    tpu.vector_store %arg10[%swap3A_222], %swap3A_225 {strides = array<i32>} : memref<128xi32, #tpu.memory_space<vmem>>, vector<16xi32>,
    %get3A_226 = arith.constant 1 : i32
    %get3A_227 = arith.index_cast %get3A_226 : i32 to index
    %get3A_228 = arith.constant 96 : index
    %get3A_229 = tpu.vector_load %arg7[%get3A_227, %get3A_228] {strides = array<i32>} : memref<2x128xi32, #tpu.memory_space<vmem>>, vector<1x16xi32>,
    %get3A_230 = vector.shape_cast %get3A_229 : vector<1x16xi32> to vector<16xi32>
    %swap3A_231 = arith.constant 96 : index
    %swap3A_232 = tpu.vector_load %arg10[%swap3A_231] {strides = array<i32>} : memref<128xi32, #tpu.memory_space<vmem>>, vector<16xi32>,
    %swap3A_233 = vector.shape_cast %swap3A_232 : vector<16xi32> to vector<16xi32>
    %swap3A_234 = vector.shape_cast %get3A_230 : vector<16xi32> to vector<16xi32>
    tpu.vector_store %arg10[%swap3A_231], %swap3A_234 {strides = array<i32>} : memref<128xi32, #tpu.memory_space<vmem>>, vector<16xi32>,
    %get3A_235 = arith.constant 1 : i32
    %get3A_236 = arith.index_cast %get3A_235 : i32 to index
    %get3A_237 = arith.constant 112 : index
    %get3A_238 = tpu.vector_load %arg7[%get3A_236, %get3A_237] {strides = array<i32>} : memref<2x128xi32, #tpu.memory_space<vmem>>, vector<1x16xi32>,
    %get3A_239 = vector.shape_cast %get3A_238 : vector<1x16xi32> to vector<16xi32>
    %swap3A_240 = arith.constant 112 : index
    %swap3A_241 = tpu.vector_load %arg10[%swap3A_240] {strides = array<i32>} : memref<128xi32, #tpu.memory_space<vmem>>, vector<16xi32>,
    %swap3A_242 = vector.shape_cast %swap3A_241 : vector<16xi32> to vector<16xi32>
    %swap3A_243 = vector.shape_cast %get3A_239 : vector<16xi32> to vector<16xi32>
    tpu.vector_store %arg10[%swap3A_240], %swap3A_243 {strides = array<i32>} : memref<128xi32, #tpu.memory_space<vmem>>, vector<16xi32>,
    %dma_start3A_244 = arith.constant 0 : i32
    %dma_start3A_245 = arith.constant 0 : i32
    %dma_start3A_246 = tpu.memref_slice %arg24[%dma_start3A_244, %dma_start3A_245] : memref<10000x128xf32, #tpu.memory_space<vmem_shared>> -> memref<10000x128xf32, #tpu.memory_space<vmem_shared>>
    tpu.enqueue_indirect_dma source(%arg13 : memref<128x128xf32, #tpu.memory_space<vmem>>) target(%dma_start3A_246 : memref<10000x128xf32, #tpu.memory_space<vmem_shared>>) offsets(%arg10 : memref<128xi32, #tpu.memory_space<vmem>>) semaphore(%arg22 : memref<!tpu.dma_semaphore, #tpu.memory_space<semaphore_mem>>) {add = true}
    %jit3A_247 = arith.constant 3 : i32
    %div3A = arith.divsi %select_n3A, %jit3A_247 : i32
    %sign3A = arith.constant 0 : i32
    %sign3A_248 = arith.cmpi sgt, %select_n3A, %sign3A : i32
    %sign3A_249 = arith.extui %sign3A_248 : i1 to i32
    %sign3A_250 = arith.constant 0 : i32
    %sign3A_251 = arith.cmpi slt, %select_n3A, %sign3A_250 : i32
    %sign3A_252 = arith.extui %sign3A_251 : i1 to i32
    %sign3A_253 = arith.subi %sign3A_249, %sign3A_252 : i32
    %sign3A_254 = arith.constant 0 : i32
    %sign3A_255 = arith.cmpi sgt, %jit3A_247, %sign3A_254 : i32
    %sign3A_256 = arith.extui %sign3A_255 : i1 to i32
    %sign3A_257 = arith.constant 0 : i32
    %sign3A_258 = arith.cmpi slt, %jit3A_247, %sign3A_257 : i32
    %sign3A_259 = arith.extui %sign3A_258 : i1 to i32
    %sign3A_260 = arith.subi %sign3A_256, %sign3A_259 : i32
    %ne3A = arith.cmpi ne, %sign3A_253, %sign3A_260 : i32
    %rem3A = arith.remsi %select_n3A, %jit3A_247 : i32
    %ne3A_261 = arith.constant 0 : i32
    %ne3A_262 = arith.cmpi ne, %rem3A, %ne3A_261 : i32
    %and3A = arith.andi %ne3A, %ne3A_262 : i1
    %sub3A = arith.constant 1 : i32
    %sub3A_263 = arith.subi %div3A, %sub3A : i32
    %select_n3A_264 = arith.select %and3A, %sub3A_263, %div3A : i32
    %sub3A_265 = arith.constant 0 : i32
    %sub3A_266 = arith.subi %select_n3A_264, %sub3A_265 : i32
    %sub3A_267 = arith.constant 1 : i32
    %sub3A_268 = arith.constant 1 : i32
    %sub3A_269 = arith.subi %sub3A_267, %sub3A_268 : i32
    %add3A_270 = arith.addi %sub3A_266, %sub3A_269 : i32
    %div3A_271 = arith.constant 1 : i32
    %div3A_272 = arith.divsi %add3A_270, %div3A_271 : i32
    %while3A = arith.constant 1 : i32
    %while3A_273 = arith.constant 0 : i32
    %while3A_274 = arith.constant 0 : i32
    %while3A_275 = arith.subi %div3A_272, %while3A_274 : i32
    %while3A_276 = arith.addi %while3A_274, %while3A_275 : i32
    %while3A_277 = arith.constant 1 : i32
    %while3A_278 = arith.divsi %while3A_275, %while3A_277 : i32
    %while3A_279 = arith.muli %while3A_278, %while3A_277 : i32
    %while3A_280 = arith.addi %while3A_274, %while3A_279 : i32
    %while3A_281 = arith.constant 1 : i32
    scf.for %while3A_432 = %while3A_274 to %while3A_280 step %while3A_281  : i32 {
      %mul3A_433 = arith.muli %while3A_432, %while3A : i32
      %add3A_434 = arith.addi %while3A_273, %mul3A_433 : i32
      %mul3A_435 = arith.constant 3 : i32
      %mul3A_436 = arith.muli %mul3A_435, %add3A_434 : i32
      %add3A_437 = arith.constant 2 : i32
      %add3A_438 = arith.addi %add3A_437, %mul3A_436 : i32
      %add3A_439 = arith.constant 0 : i32
      %add3A_440 = arith.addi %add3A_438, %add3A_439 : i32
      %lt3A_441 = arith.cmpi slt, %add3A_440, %select_n3A : i32
      %convert_element_type3A_442 = arith.extui %lt3A_441 : i1 to i32
      %cond3A_443 = arith.constant 0 : i32
      %cond3A_444 = arith.cmpi ne, %convert_element_type3A_442, %cond3A_443 : i32
      scf.if %cond3A_444 {
        %add3A_457 = arith.constant 0 : i32
        %add3A_458 = arith.addi %add3A_438, %add3A_457 : i32
        %dma_wait3A_459 = arith.constant 0 : i32
        %dma_wait3A_460 = arith.constant 0 : i32
        %dma_wait3A_461 = tpu.memref_slice %arg4[%dma_wait3A_459, %dma_wait3A_460] : memref<10000x128xf32, #tpu.memory_space<hbm>> -> memref<128x128xf32, #tpu.memory_space<hbm>>
        %dma_wait3A_462 = arith.constant 0 : i32
        %dma_wait3A_463 = arith.constant 0 : i32
        %dma_wait3A_464 = tpu.memref_slice %arg4[%dma_wait3A_462, %dma_wait3A_463] : memref<10000x128xf32, #tpu.memory_space<hbm>> -> memref<128x128xf32, #tpu.memory_space<hbm>>
        tpu.wait_dma2 semaphore(%arg21 : memref<!tpu.dma_semaphore, #tpu.memory_space<semaphore_mem>>) src(%dma_wait3A_464 : memref<128x128xf32, #tpu.memory_space<hbm>>) dst(%arg12 : memref<128x128xf32, #tpu.memory_space<vmem>>)
        %add3A_465 = arith.constant 2 : i32
        %add3A_466 = arith.addi %add3A_458, %add3A_465 : i32
        %lt3A_467 = arith.cmpi slt, %add3A_466, %select_n3A : i32
        %convert_element_type3A_468 = arith.extui %lt3A_467 : i1 to i32
        %cond3A_469 = arith.constant 0 : i32
        %cond3A_470 = arith.cmpi ne, %convert_element_type3A_468, %cond3A_469 : i32
        scf.if %cond3A_470 {
          %add3A_558 = arith.constant 2 : i32
          %add3A_559 = arith.addi %add3A_458, %add3A_558 : i32
          %mul3A_560 = arith.constant 32 : i32
          %mul3A_561 = arith.muli %mul3A_560, %add3A_559 : i32
          %add3A_562 = arith.addi %add3A, %mul3A_561 : i32
          %mul3A_563 = arith.constant 2 : i32
          %mul3A_564 = arith.muli %mul3A_563, %add3A_562 : i32
          %add3A_565 = arith.constant 0 : i32
          %add3A_566 = arith.addi %add3A_565, %mul3A_564 : i32
          %dma_start3A_567 = arith.constant 0 : i32
          %dma_start3A_568 = tpu.memref_slice %arg3[%add3A_566, %dma_start3A_567] : memref<5000x128xi32, #tpu.memory_space<hbm>> -> memref<2x128xi32, #tpu.memory_space<hbm>>
          %dma_start3A_569 = arith.constant 0 : i32
          %dma_start3A_570 = tpu.memref_slice %arg3[%add3A_566, %dma_start3A_569] : memref<5000x128xi32, #tpu.memory_space<hbm>> -> memref<2x128xi32, #tpu.memory_space<hbm>>
          tpu.enqueue_dma source(%dma_start3A_570 : memref<2x128xi32, #tpu.memory_space<hbm>>) target(%arg7 : memref<2x128xi32, #tpu.memory_space<vmem>>) target_semaphore(%arg16 : memref<!tpu.dma_semaphore, #tpu.memory_space<semaphore_mem>>)
        } else {
        }
        %add3A_471 = arith.constant 1 : i32
        %add3A_472 = arith.addi %add3A_458, %add3A_471 : i32
        %lt3A_473 = arith.cmpi slt, %add3A_472, %select_n3A : i32
        %convert_element_type3A_474 = arith.extui %lt3A_473 : i1 to i32
        %cond3A_475 = arith.constant 0 : i32
        %cond3A_476 = arith.cmpi ne, %convert_element_type3A_474, %cond3A_475 : i32
        scf.if %cond3A_476 {
          %dma_wait3A_558 = arith.constant 0 : i32
          %dma_wait3A_559 = arith.constant 0 : i32
          %dma_wait3A_560 = tpu.memref_slice %arg3[%dma_wait3A_558, %dma_wait3A_559] : memref<5000x128xi32, #tpu.memory_space<hbm>> -> memref<2x128xi32, #tpu.memory_space<hbm>>
          %dma_wait3A_561 = arith.constant 0 : i32
          %dma_wait3A_562 = arith.constant 0 : i32
          %dma_wait3A_563 = tpu.memref_slice %arg3[%dma_wait3A_561, %dma_wait3A_562] : memref<5000x128xi32, #tpu.memory_space<hbm>> -> memref<2x128xi32, #tpu.memory_space<hbm>>
          tpu.wait_dma2 semaphore(%arg15 : memref<!tpu.dma_semaphore, #tpu.memory_space<semaphore_mem>>) src(%dma_wait3A_563 : memref<2x128xi32, #tpu.memory_space<hbm>>) dst(%arg6 : memref<2x128xi32, #tpu.memory_space<vmem>>)
          %dma_start3A_564 = arith.constant 0 : i32
          %dma_start3A_565 = arith.constant 0 : i32
          %dma_start3A_566 = tpu.memref_slice %arg6[%dma_start3A_564, %dma_start3A_565] : memref<2x128xi32, #tpu.memory_space<vmem>> -> memref<1x128xi32, #tpu.memory_space<vmem>>
          %dma_start3A_567 = tpu.memref_squeeze %dma_start3A_566 : memref<1x128xi32, #tpu.memory_space<vmem>> -> memref<128xi32, #tpu.memory_space<vmem>>
          %dma_start3A_568 = arith.constant 0 : i32
          %dma_start3A_569 = arith.constant 0 : i32
          %dma_start3A_570 = tpu.memref_slice %arg2[%dma_start3A_568, %dma_start3A_569] : memref<10000x128xf32, #tpu.memory_space<hbm>> -> memref<10000x128xf32, #tpu.memory_space<hbm>>
          tpu.enqueue_indirect_dma source(%dma_start3A_570 : memref<10000x128xf32, #tpu.memory_space<hbm>>) target(%arg12 : memref<128x128xf32, #tpu.memory_space<vmem>>) offsets(%dma_start3A_567 : memref<128xi32, #tpu.memory_space<vmem>>) semaphore(%arg18 : memref<!tpu.dma_semaphore, #tpu.memory_space<semaphore_mem>>)
        } else {
        }
        %dma_wait3A_477 = arith.constant 0 : i32
        %dma_wait3A_478 = arith.constant 0 : i32
        %dma_wait3A_479 = tpu.memref_slice %arg4[%dma_wait3A_477, %dma_wait3A_478] : memref<10000x128xf32, #tpu.memory_space<hbm>> -> memref<128x128xf32, #tpu.memory_space<hbm>>
        %dma_wait3A_480 = arith.constant 0 : i32
        %dma_wait3A_481 = arith.constant 0 : i32
        %dma_wait3A_482 = tpu.memref_slice %arg4[%dma_wait3A_480, %dma_wait3A_481] : memref<10000x128xf32, #tpu.memory_space<hbm>> -> memref<128x128xf32, #tpu.memory_space<hbm>>
        tpu.wait_dma2 semaphore(%arg20 : memref<!tpu.dma_semaphore, #tpu.memory_space<semaphore_mem>>) src(%dma_wait3A_482 : memref<128x128xf32, #tpu.memory_space<hbm>>) dst(%arg14 : memref<128x128xf32, #tpu.memory_space<vmem>>)
        %get3A_483 = arith.constant 1 : i32
        %get3A_484 = arith.index_cast %get3A_483 : i32 to index
        %get3A_485 = arith.constant 0 : index
        %get3A_486 = tpu.vector_load %arg8[%get3A_484, %get3A_485] {strides = array<i32>} : memref<2x128xi32, #tpu.memory_space<vmem>>, vector<1x16xi32>,
        %get3A_487 = vector.shape_cast %get3A_486 : vector<1x16xi32> to vector<16xi32>
        %swap3A_488 = arith.constant 0 : index
        %swap3A_489 = tpu.vector_load %arg11[%swap3A_488] {strides = array<i32>} : memref<128xi32, #tpu.memory_space<vmem>>, vector<16xi32>,
        %swap3A_490 = vector.shape_cast %swap3A_489 : vector<16xi32> to vector<16xi32>
        %swap3A_491 = vector.shape_cast %get3A_487 : vector<16xi32> to vector<16xi32>
        tpu.vector_store %arg11[%swap3A_488], %swap3A_491 {strides = array<i32>} : memref<128xi32, #tpu.memory_space<vmem>>, vector<16xi32>,
        %get3A_492 = arith.constant 1 : i32
        %get3A_493 = arith.index_cast %get3A_492 : i32 to index
        %get3A_494 = arith.constant 16 : index
        %get3A_495 = tpu.vector_load %arg8[%get3A_493, %get3A_494] {strides = array<i32>} : memref<2x128xi32, #tpu.memory_space<vmem>>, vector<1x16xi32>,
        %get3A_496 = vector.shape_cast %get3A_495 : vector<1x16xi32> to vector<16xi32>
        %swap3A_497 = arith.constant 16 : index
        %swap3A_498 = tpu.vector_load %arg11[%swap3A_497] {strides = array<i32>} : memref<128xi32, #tpu.memory_space<vmem>>, vector<16xi32>,
        %swap3A_499 = vector.shape_cast %swap3A_498 : vector<16xi32> to vector<16xi32>
        %swap3A_500 = vector.shape_cast %get3A_496 : vector<16xi32> to vector<16xi32>
        tpu.vector_store %arg11[%swap3A_497], %swap3A_500 {strides = array<i32>} : memref<128xi32, #tpu.memory_space<vmem>>, vector<16xi32>,
        %get3A_501 = arith.constant 1 : i32
        %get3A_502 = arith.index_cast %get3A_501 : i32 to index
        %get3A_503 = arith.constant 32 : index
        %get3A_504 = tpu.vector_load %arg8[%get3A_502, %get3A_503] {strides = array<i32>} : memref<2x128xi32, #tpu.memory_space<vmem>>, vector<1x16xi32>,
        %get3A_505 = vector.shape_cast %get3A_504 : vector<1x16xi32> to vector<16xi32>
        %swap3A_506 = arith.constant 32 : index
        %swap3A_507 = tpu.vector_load %arg11[%swap3A_506] {strides = array<i32>} : memref<128xi32, #tpu.memory_space<vmem>>, vector<16xi32>,
        %swap3A_508 = vector.shape_cast %swap3A_507 : vector<16xi32> to vector<16xi32>
        %swap3A_509 = vector.shape_cast %get3A_505 : vector<16xi32> to vector<16xi32>
        tpu.vector_store %arg11[%swap3A_506], %swap3A_509 {strides = array<i32>} : memref<128xi32, #tpu.memory_space<vmem>>, vector<16xi32>,
        %get3A_510 = arith.constant 1 : i32
        %get3A_511 = arith.index_cast %get3A_510 : i32 to index
        %get3A_512 = arith.constant 48 : index
        %get3A_513 = tpu.vector_load %arg8[%get3A_511, %get3A_512] {strides = array<i32>} : memref<2x128xi32, #tpu.memory_space<vmem>>, vector<1x16xi32>,
        %get3A_514 = vector.shape_cast %get3A_513 : vector<1x16xi32> to vector<16xi32>
        %swap3A_515 = arith.constant 48 : index
        %swap3A_516 = tpu.vector_load %arg11[%swap3A_515] {strides = array<i32>} : memref<128xi32, #tpu.memory_space<vmem>>, vector<16xi32>,
        %swap3A_517 = vector.shape_cast %swap3A_516 : vector<16xi32> to vector<16xi32>
        %swap3A_518 = vector.shape_cast %get3A_514 : vector<16xi32> to vector<16xi32>
        tpu.vector_store %arg11[%swap3A_515], %swap3A_518 {strides = array<i32>} : memref<128xi32, #tpu.memory_space<vmem>>, vector<16xi32>,
        %get3A_519 = arith.constant 1 : i32
        %get3A_520 = arith.index_cast %get3A_519 : i32 to index
        %get3A_521 = arith.constant 64 : index
        %get3A_522 = tpu.vector_load %arg8[%get3A_520, %get3A_521] {strides = array<i32>} : memref<2x128xi32, #tpu.memory_space<vmem>>, vector<1x16xi32>,
        %get3A_523 = vector.shape_cast %get3A_522 : vector<1x16xi32> to vector<16xi32>
        %swap3A_524 = arith.constant 64 : index
        %swap3A_525 = tpu.vector_load %arg11[%swap3A_524] {strides = array<i32>} : memref<128xi32, #tpu.memory_space<vmem>>, vector<16xi32>,
        %swap3A_526 = vector.shape_cast %swap3A_525 : vector<16xi32> to vector<16xi32>
        %swap3A_527 = vector.shape_cast %get3A_523 : vector<16xi32> to vector<16xi32>
        tpu.vector_store %arg11[%swap3A_524], %swap3A_527 {strides = array<i32>} : memref<128xi32, #tpu.memory_space<vmem>>, vector<16xi32>,
        %get3A_528 = arith.constant 1 : i32
        %get3A_529 = arith.index_cast %get3A_528 : i32 to index
        %get3A_530 = arith.constant 80 : index
        %get3A_531 = tpu.vector_load %arg8[%get3A_529, %get3A_530] {strides = array<i32>} : memref<2x128xi32, #tpu.memory_space<vmem>>, vector<1x16xi32>,
        %get3A_532 = vector.shape_cast %get3A_531 : vector<1x16xi32> to vector<16xi32>
        %swap3A_533 = arith.constant 80 : index
        %swap3A_534 = tpu.vector_load %arg11[%swap3A_533] {strides = array<i32>} : memref<128xi32, #tpu.memory_space<vmem>>, vector<16xi32>,
        %swap3A_535 = vector.shape_cast %swap3A_534 : vector<16xi32> to vector<16xi32>
        %swap3A_536 = vector.shape_cast %get3A_532 : vector<16xi32> to vector<16xi32>
        tpu.vector_store %arg11[%swap3A_533], %swap3A_536 {strides = array<i32>} : memref<128xi32, #tpu.memory_space<vmem>>, vector<16xi32>,
        %get3A_537 = arith.constant 1 : i32
        %get3A_538 = arith.index_cast %get3A_537 : i32 to index
        %get3A_539 = arith.constant 96 : index
        %get3A_540 = tpu.vector_load %arg8[%get3A_538, %get3A_539] {strides = array<i32>} : memref<2x128xi32, #tpu.memory_space<vmem>>, vector<1x16xi32>,
        %get3A_541 = vector.shape_cast %get3A_540 : vector<1x16xi32> to vector<16xi32>
        %swap3A_542 = arith.constant 96 : index
        %swap3A_543 = tpu.vector_load %arg11[%swap3A_542] {strides = array<i32>} : memref<128xi32, #tpu.memory_space<vmem>>, vector<16xi32>,
        %swap3A_544 = vector.shape_cast %swap3A_543 : vector<16xi32> to vector<16xi32>
        %swap3A_545 = vector.shape_cast %get3A_541 : vector<16xi32> to vector<16xi32>
        tpu.vector_store %arg11[%swap3A_542], %swap3A_545 {strides = array<i32>} : memref<128xi32, #tpu.memory_space<vmem>>, vector<16xi32>,
        %get3A_546 = arith.constant 1 : i32
        %get3A_547 = arith.index_cast %get3A_546 : i32 to index
        %get3A_548 = arith.constant 112 : index
        %get3A_549 = tpu.vector_load %arg8[%get3A_547, %get3A_548] {strides = array<i32>} : memref<2x128xi32, #tpu.memory_space<vmem>>, vector<1x16xi32>,
        %get3A_550 = vector.shape_cast %get3A_549 : vector<1x16xi32> to vector<16xi32>
        %swap3A_551 = arith.constant 112 : index
        %swap3A_552 = tpu.vector_load %arg11[%swap3A_551] {strides = array<i32>} : memref<128xi32, #tpu.memory_space<vmem>>, vector<16xi32>,
        %swap3A_553 = vector.shape_cast %swap3A_552 : vector<16xi32> to vector<16xi32>
        %swap3A_554 = vector.shape_cast %get3A_550 : vector<16xi32> to vector<16xi32>
        tpu.vector_store %arg11[%swap3A_551], %swap3A_554 {strides = array<i32>} : memref<128xi32, #tpu.memory_space<vmem>>, vector<16xi32>,
        %dma_start3A_555 = arith.constant 0 : i32
        %dma_start3A_556 = arith.constant 0 : i32
        %dma_start3A_557 = tpu.memref_slice %arg24[%dma_start3A_555, %dma_start3A_556] : memref<10000x128xf32, #tpu.memory_space<vmem_shared>> -> memref<10000x128xf32, #tpu.memory_space<vmem_shared>>
        tpu.enqueue_indirect_dma source(%arg14 : memref<128x128xf32, #tpu.memory_space<vmem>>) target(%dma_start3A_557 : memref<10000x128xf32, #tpu.memory_space<vmem_shared>>) offsets(%arg11 : memref<128xi32, #tpu.memory_space<vmem>>) semaphore(%arg23 : memref<!tpu.dma_semaphore, #tpu.memory_space<semaphore_mem>>) {add = true}
      } else {
      }
      %add3A_445 = arith.constant 1 : i32
      %add3A_446 = arith.addi %add3A_438, %add3A_445 : i32
      %lt3A_447 = arith.cmpi slt, %add3A_446, %select_n3A : i32
      %convert_element_type3A_448 = arith.extui %lt3A_447 : i1 to i32
      %cond3A_449 = arith.constant 0 : i32
      %cond3A_450 = arith.cmpi ne, %convert_element_type3A_448, %cond3A_449 : i32
      scf.if %cond3A_450 {
        %add3A_457 = arith.constant 1 : i32
        %add3A_458 = arith.addi %add3A_438, %add3A_457 : i32
        %dma_wait3A_459 = arith.constant 0 : i32
        %dma_wait3A_460 = arith.constant 0 : i32
        %dma_wait3A_461 = tpu.memref_slice %arg4[%dma_wait3A_459, %dma_wait3A_460] : memref<10000x128xf32, #tpu.memory_space<hbm>> -> memref<128x128xf32, #tpu.memory_space<hbm>>
        %dma_wait3A_462 = arith.constant 0 : i32
        %dma_wait3A_463 = arith.constant 0 : i32
        %dma_wait3A_464 = tpu.memref_slice %arg4[%dma_wait3A_462, %dma_wait3A_463] : memref<10000x128xf32, #tpu.memory_space<hbm>> -> memref<128x128xf32, #tpu.memory_space<hbm>>
        tpu.wait_dma2 semaphore(%arg22 : memref<!tpu.dma_semaphore, #tpu.memory_space<semaphore_mem>>) src(%dma_wait3A_464 : memref<128x128xf32, #tpu.memory_space<hbm>>) dst(%arg13 : memref<128x128xf32, #tpu.memory_space<vmem>>)
        %add3A_465 = arith.constant 2 : i32
        %add3A_466 = arith.addi %add3A_458, %add3A_465 : i32
        %lt3A_467 = arith.cmpi slt, %add3A_466, %select_n3A : i32
        %convert_element_type3A_468 = arith.extui %lt3A_467 : i1 to i32
        %cond3A_469 = arith.constant 0 : i32
        %cond3A_470 = arith.cmpi ne, %convert_element_type3A_468, %cond3A_469 : i32
        scf.if %cond3A_470 {
          %add3A_558 = arith.constant 2 : i32
          %add3A_559 = arith.addi %add3A_458, %add3A_558 : i32
          %mul3A_560 = arith.constant 32 : i32
          %mul3A_561 = arith.muli %mul3A_560, %add3A_559 : i32
          %add3A_562 = arith.addi %add3A, %mul3A_561 : i32
          %mul3A_563 = arith.constant 2 : i32
          %mul3A_564 = arith.muli %mul3A_563, %add3A_562 : i32
          %add3A_565 = arith.constant 0 : i32
          %add3A_566 = arith.addi %add3A_565, %mul3A_564 : i32
          %dma_start3A_567 = arith.constant 0 : i32
          %dma_start3A_568 = tpu.memref_slice %arg3[%add3A_566, %dma_start3A_567] : memref<5000x128xi32, #tpu.memory_space<hbm>> -> memref<2x128xi32, #tpu.memory_space<hbm>>
          %dma_start3A_569 = arith.constant 0 : i32
          %dma_start3A_570 = tpu.memref_slice %arg3[%add3A_566, %dma_start3A_569] : memref<5000x128xi32, #tpu.memory_space<hbm>> -> memref<2x128xi32, #tpu.memory_space<hbm>>
          tpu.enqueue_dma source(%dma_start3A_570 : memref<2x128xi32, #tpu.memory_space<hbm>>) target(%arg8 : memref<2x128xi32, #tpu.memory_space<vmem>>) target_semaphore(%arg17 : memref<!tpu.dma_semaphore, #tpu.memory_space<semaphore_mem>>)
        } else {
        }
        %add3A_471 = arith.constant 1 : i32
        %add3A_472 = arith.addi %add3A_458, %add3A_471 : i32
        %lt3A_473 = arith.cmpi slt, %add3A_472, %select_n3A : i32
        %convert_element_type3A_474 = arith.extui %lt3A_473 : i1 to i32
        %cond3A_475 = arith.constant 0 : i32
        %cond3A_476 = arith.cmpi ne, %convert_element_type3A_474, %cond3A_475 : i32
        scf.if %cond3A_476 {
          %dma_wait3A_558 = arith.constant 0 : i32
          %dma_wait3A_559 = arith.constant 0 : i32
          %dma_wait3A_560 = tpu.memref_slice %arg3[%dma_wait3A_558, %dma_wait3A_559] : memref<5000x128xi32, #tpu.memory_space<hbm>> -> memref<2x128xi32, #tpu.memory_space<hbm>>
          %dma_wait3A_561 = arith.constant 0 : i32
          %dma_wait3A_562 = arith.constant 0 : i32
          %dma_wait3A_563 = tpu.memref_slice %arg3[%dma_wait3A_561, %dma_wait3A_562] : memref<5000x128xi32, #tpu.memory_space<hbm>> -> memref<2x128xi32, #tpu.memory_space<hbm>>
          tpu.wait_dma2 semaphore(%arg16 : memref<!tpu.dma_semaphore, #tpu.memory_space<semaphore_mem>>) src(%dma_wait3A_563 : memref<2x128xi32, #tpu.memory_space<hbm>>) dst(%arg7 : memref<2x128xi32, #tpu.memory_space<vmem>>)
          %dma_start3A_564 = arith.constant 0 : i32
          %dma_start3A_565 = arith.constant 0 : i32
          %dma_start3A_566 = tpu.memref_slice %arg7[%dma_start3A_564, %dma_start3A_565] : memref<2x128xi32, #tpu.memory_space<vmem>> -> memref<1x128xi32, #tpu.memory_space<vmem>>
          %dma_start3A_567 = tpu.memref_squeeze %dma_start3A_566 : memref<1x128xi32, #tpu.memory_space<vmem>> -> memref<128xi32, #tpu.memory_space<vmem>>
          %dma_start3A_568 = arith.constant 0 : i32
          %dma_start3A_569 = arith.constant 0 : i32
          %dma_start3A_570 = tpu.memref_slice %arg2[%dma_start3A_568, %dma_start3A_569] : memref<10000x128xf32, #tpu.memory_space<hbm>> -> memref<10000x128xf32, #tpu.memory_space<hbm>>
          tpu.enqueue_indirect_dma source(%dma_start3A_570 : memref<10000x128xf32, #tpu.memory_space<hbm>>) target(%arg13 : memref<128x128xf32, #tpu.memory_space<vmem>>) offsets(%dma_start3A_567 : memref<128xi32, #tpu.memory_space<vmem>>) semaphore(%arg19 : memref<!tpu.dma_semaphore, #tpu.memory_space<semaphore_mem>>)
        } else {
        }
        %dma_wait3A_477 = arith.constant 0 : i32
        %dma_wait3A_478 = arith.constant 0 : i32
        %dma_wait3A_479 = tpu.memref_slice %arg4[%dma_wait3A_477, %dma_wait3A_478] : memref<10000x128xf32, #tpu.memory_space<hbm>> -> memref<128x128xf32, #tpu.memory_space<hbm>>
        %dma_wait3A_480 = arith.constant 0 : i32
        %dma_wait3A_481 = arith.constant 0 : i32
        %dma_wait3A_482 = tpu.memref_slice %arg4[%dma_wait3A_480, %dma_wait3A_481] : memref<10000x128xf32, #tpu.memory_space<hbm>> -> memref<128x128xf32, #tpu.memory_space<hbm>>
        tpu.wait_dma2 semaphore(%arg18 : memref<!tpu.dma_semaphore, #tpu.memory_space<semaphore_mem>>) src(%dma_wait3A_482 : memref<128x128xf32, #tpu.memory_space<hbm>>) dst(%arg12 : memref<128x128xf32, #tpu.memory_space<vmem>>)
        %get3A_483 = arith.constant 1 : i32
        %get3A_484 = arith.index_cast %get3A_483 : i32 to index
        %get3A_485 = arith.constant 0 : index
        %get3A_486 = tpu.vector_load %arg6[%get3A_484, %get3A_485] {strides = array<i32>} : memref<2x128xi32, #tpu.memory_space<vmem>>, vector<1x16xi32>,
        %get3A_487 = vector.shape_cast %get3A_486 : vector<1x16xi32> to vector<16xi32>
        %swap3A_488 = arith.constant 0 : index
        %swap3A_489 = tpu.vector_load %arg9[%swap3A_488] {strides = array<i32>} : memref<128xi32, #tpu.memory_space<vmem>>, vector<16xi32>,
        %swap3A_490 = vector.shape_cast %swap3A_489 : vector<16xi32> to vector<16xi32>
        %swap3A_491 = vector.shape_cast %get3A_487 : vector<16xi32> to vector<16xi32>
        tpu.vector_store %arg9[%swap3A_488], %swap3A_491 {strides = array<i32>} : memref<128xi32, #tpu.memory_space<vmem>>, vector<16xi32>,
        %get3A_492 = arith.constant 1 : i32
        %get3A_493 = arith.index_cast %get3A_492 : i32 to index
        %get3A_494 = arith.constant 16 : index
        %get3A_495 = tpu.vector_load %arg6[%get3A_493, %get3A_494] {strides = array<i32>} : memref<2x128xi32, #tpu.memory_space<vmem>>, vector<1x16xi32>,
        %get3A_496 = vector.shape_cast %get3A_495 : vector<1x16xi32> to vector<16xi32>
        %swap3A_497 = arith.constant 16 : index
        %swap3A_498 = tpu.vector_load %arg9[%swap3A_497] {strides = array<i32>} : memref<128xi32, #tpu.memory_space<vmem>>, vector<16xi32>,
        %swap3A_499 = vector.shape_cast %swap3A_498 : vector<16xi32> to vector<16xi32>
        %swap3A_500 = vector.shape_cast %get3A_496 : vector<16xi32> to vector<16xi32>
        tpu.vector_store %arg9[%swap3A_497], %swap3A_500 {strides = array<i32>} : memref<128xi32, #tpu.memory_space<vmem>>, vector<16xi32>,
        %get3A_501 = arith.constant 1 : i32
        %get3A_502 = arith.index_cast %get3A_501 : i32 to index
        %get3A_503 = arith.constant 32 : index
        %get3A_504 = tpu.vector_load %arg6[%get3A_502, %get3A_503] {strides = array<i32>} : memref<2x128xi32, #tpu.memory_space<vmem>>, vector<1x16xi32>,
        %get3A_505 = vector.shape_cast %get3A_504 : vector<1x16xi32> to vector<16xi32>
        %swap3A_506 = arith.constant 32 : index
        %swap3A_507 = tpu.vector_load %arg9[%swap3A_506] {strides = array<i32>} : memref<128xi32, #tpu.memory_space<vmem>>, vector<16xi32>,
        %swap3A_508 = vector.shape_cast %swap3A_507 : vector<16xi32> to vector<16xi32>
        %swap3A_509 = vector.shape_cast %get3A_505 : vector<16xi32> to vector<16xi32>
        tpu.vector_store %arg9[%swap3A_506], %swap3A_509 {strides = array<i32>} : memref<128xi32, #tpu.memory_space<vmem>>, vector<16xi32>,
        %get3A_510 = arith.constant 1 : i32
        %get3A_511 = arith.index_cast %get3A_510 : i32 to index
        %get3A_512 = arith.constant 48 : index
        %get3A_513 = tpu.vector_load %arg6[%get3A_511, %get3A_512] {strides = array<i32>} : memref<2x128xi32, #tpu.memory_space<vmem>>, vector<1x16xi32>,
        %get3A_514 = vector.shape_cast %get3A_513 : vector<1x16xi32> to vector<16xi32>
        %swap3A_515 = arith.constant 48 : index
        %swap3A_516 = tpu.vector_load %arg9[%swap3A_515] {strides = array<i32>} : memref<128xi32, #tpu.memory_space<vmem>>, vector<16xi32>,
        %swap3A_517 = vector.shape_cast %swap3A_516 : vector<16xi32> to vector<16xi32>
        %swap3A_518 = vector.shape_cast %get3A_514 : vector<16xi32> to vector<16xi32>
        tpu.vector_store %arg9[%swap3A_515], %swap3A_518 {strides = array<i32>} : memref<128xi32, #tpu.memory_space<vmem>>, vector<16xi32>,
        %get3A_519 = arith.constant 1 : i32
        %get3A_520 = arith.index_cast %get3A_519 : i32 to index
        %get3A_521 = arith.constant 64 : index
        %get3A_522 = tpu.vector_load %arg6[%get3A_520, %get3A_521] {strides = array<i32>} : memref<2x128xi32, #tpu.memory_space<vmem>>, vector<1x16xi32>,
        %get3A_523 = vector.shape_cast %get3A_522 : vector<1x16xi32> to vector<16xi32>
        %swap3A_524 = arith.constant 64 : index
        %swap3A_525 = tpu.vector_load %arg9[%swap3A_524] {strides = array<i32>} : memref<128xi32, #tpu.memory_space<vmem>>, vector<16xi32>,
        %swap3A_526 = vector.shape_cast %swap3A_525 : vector<16xi32> to vector<16xi32>
        %swap3A_527 = vector.shape_cast %get3A_523 : vector<16xi32> to vector<16xi32>
        tpu.vector_store %arg9[%swap3A_524], %swap3A_527 {strides = array<i32>} : memref<128xi32, #tpu.memory_space<vmem>>, vector<16xi32>,
        %get3A_528 = arith.constant 1 : i32
        %get3A_529 = arith.index_cast %get3A_528 : i32 to index
        %get3A_530 = arith.constant 80 : index
        %get3A_531 = tpu.vector_load %arg6[%get3A_529, %get3A_530] {strides = array<i32>} : memref<2x128xi32, #tpu.memory_space<vmem>>, vector<1x16xi32>,
        %get3A_532 = vector.shape_cast %get3A_531 : vector<1x16xi32> to vector<16xi32>
        %swap3A_533 = arith.constant 80 : index
        %swap3A_534 = tpu.vector_load %arg9[%swap3A_533] {strides = array<i32>} : memref<128xi32, #tpu.memory_space<vmem>>, vector<16xi32>,
        %swap3A_535 = vector.shape_cast %swap3A_534 : vector<16xi32> to vector<16xi32>
        %swap3A_536 = vector.shape_cast %get3A_532 : vector<16xi32> to vector<16xi32>
        tpu.vector_store %arg9[%swap3A_533], %swap3A_536 {strides = array<i32>} : memref<128xi32, #tpu.memory_space<vmem>>, vector<16xi32>,
        %get3A_537 = arith.constant 1 : i32
        %get3A_538 = arith.index_cast %get3A_537 : i32 to index
        %get3A_539 = arith.constant 96 : index
        %get3A_540 = tpu.vector_load %arg6[%get3A_538, %get3A_539] {strides = array<i32>} : memref<2x128xi32, #tpu.memory_space<vmem>>, vector<1x16xi32>,
        %get3A_541 = vector.shape_cast %get3A_540 : vector<1x16xi32> to vector<16xi32>
        %swap3A_542 = arith.constant 96 : index
        %swap3A_543 = tpu.vector_load %arg9[%swap3A_542] {strides = array<i32>} : memref<128xi32, #tpu.memory_space<vmem>>, vector<16xi32>,
        %swap3A_544 = vector.shape_cast %swap3A_543 : vector<16xi32> to vector<16xi32>
        %swap3A_545 = vector.shape_cast %get3A_541 : vector<16xi32> to vector<16xi32>
        tpu.vector_store %arg9[%swap3A_542], %swap3A_545 {strides = array<i32>} : memref<128xi32, #tpu.memory_space<vmem>>, vector<16xi32>,
        %get3A_546 = arith.constant 1 : i32
        %get3A_547 = arith.index_cast %get3A_546 : i32 to index
        %get3A_548 = arith.constant 112 : index
        %get3A_549 = tpu.vector_load %arg6[%get3A_547, %get3A_548] {strides = array<i32>} : memref<2x128xi32, #tpu.memory_space<vmem>>, vector<1x16xi32>,
        %get3A_550 = vector.shape_cast %get3A_549 : vector<1x16xi32> to vector<16xi32>
        %swap3A_551 = arith.constant 112 : index
        %swap3A_552 = tpu.vector_load %arg9[%swap3A_551] {strides = array<i32>} : memref<128xi32, #tpu.memory_space<vmem>>, vector<16xi32>,
        %swap3A_553 = vector.shape_cast %swap3A_552 : vector<16xi32> to vector<16xi32>
        %swap3A_554 = vector.shape_cast %get3A_550 : vector<16xi32> to vector<16xi32>
        tpu.vector_store %arg9[%swap3A_551], %swap3A_554 {strides = array<i32>} : memref<128xi32, #tpu.memory_space<vmem>>, vector<16xi32>,
        %dma_start3A_555 = arith.constant 0 : i32
        %dma_start3A_556 = arith.constant 0 : i32
        %dma_start3A_557 = tpu.memref_slice %arg24[%dma_start3A_555, %dma_start3A_556] : memref<10000x128xf32, #tpu.memory_space<vmem_shared>> -> memref<10000x128xf32, #tpu.memory_space<vmem_shared>>
        tpu.enqueue_indirect_dma source(%arg12 : memref<128x128xf32, #tpu.memory_space<vmem>>) target(%dma_start3A_557 : memref<10000x128xf32, #tpu.memory_space<vmem_shared>>) offsets(%arg9 : memref<128xi32, #tpu.memory_space<vmem>>) semaphore(%arg21 : memref<!tpu.dma_semaphore, #tpu.memory_space<semaphore_mem>>) {add = true}
      } else {
      }
      %add3A_451 = arith.constant 2 : i32
      %add3A_452 = arith.addi %add3A_438, %add3A_451 : i32
      %lt3A_453 = arith.cmpi slt, %add3A_452, %select_n3A : i32
      %convert_element_type3A_454 = arith.extui %lt3A_453 : i1 to i32
      %cond3A_455 = arith.constant 0 : i32
      %cond3A_456 = arith.cmpi ne, %convert_element_type3A_454, %cond3A_455 : i32
      scf.if %cond3A_456 {
        %add3A_457 = arith.constant 2 : i32
        %add3A_458 = arith.addi %add3A_438, %add3A_457 : i32
        %dma_wait3A_459 = arith.constant 0 : i32
        %dma_wait3A_460 = arith.constant 0 : i32
        %dma_wait3A_461 = tpu.memref_slice %arg4[%dma_wait3A_459, %dma_wait3A_460] : memref<10000x128xf32, #tpu.memory_space<hbm>> -> memref<128x128xf32, #tpu.memory_space<hbm>>
        %dma_wait3A_462 = arith.constant 0 : i32
        %dma_wait3A_463 = arith.constant 0 : i32
        %dma_wait3A_464 = tpu.memref_slice %arg4[%dma_wait3A_462, %dma_wait3A_463] : memref<10000x128xf32, #tpu.memory_space<hbm>> -> memref<128x128xf32, #tpu.memory_space<hbm>>
        tpu.wait_dma2 semaphore(%arg23 : memref<!tpu.dma_semaphore, #tpu.memory_space<semaphore_mem>>) src(%dma_wait3A_464 : memref<128x128xf32, #tpu.memory_space<hbm>>) dst(%arg14 : memref<128x128xf32, #tpu.memory_space<vmem>>)
        %add3A_465 = arith.constant 2 : i32
        %add3A_466 = arith.addi %add3A_458, %add3A_465 : i32
        %lt3A_467 = arith.cmpi slt, %add3A_466, %select_n3A : i32
        %convert_element_type3A_468 = arith.extui %lt3A_467 : i1 to i32
        %cond3A_469 = arith.constant 0 : i32
        %cond3A_470 = arith.cmpi ne, %convert_element_type3A_468, %cond3A_469 : i32
        scf.if %cond3A_470 {
          %add3A_558 = arith.constant 2 : i32
          %add3A_559 = arith.addi %add3A_458, %add3A_558 : i32
          %mul3A_560 = arith.constant 32 : i32
          %mul3A_561 = arith.muli %mul3A_560, %add3A_559 : i32
          %add3A_562 = arith.addi %add3A, %mul3A_561 : i32
          %mul3A_563 = arith.constant 2 : i32
          %mul3A_564 = arith.muli %mul3A_563, %add3A_562 : i32
          %add3A_565 = arith.constant 0 : i32
          %add3A_566 = arith.addi %add3A_565, %mul3A_564 : i32
          %dma_start3A_567 = arith.constant 0 : i32
          %dma_start3A_568 = tpu.memref_slice %arg3[%add3A_566, %dma_start3A_567] : memref<5000x128xi32, #tpu.memory_space<hbm>> -> memref<2x128xi32, #tpu.memory_space<hbm>>
          %dma_start3A_569 = arith.constant 0 : i32
          %dma_start3A_570 = tpu.memref_slice %arg3[%add3A_566, %dma_start3A_569] : memref<5000x128xi32, #tpu.memory_space<hbm>> -> memref<2x128xi32, #tpu.memory_space<hbm>>
          tpu.enqueue_dma source(%dma_start3A_570 : memref<2x128xi32, #tpu.memory_space<hbm>>) target(%arg6 : memref<2x128xi32, #tpu.memory_space<vmem>>) target_semaphore(%arg15 : memref<!tpu.dma_semaphore, #tpu.memory_space<semaphore_mem>>)
        } else {
        }
        %add3A_471 = arith.constant 1 : i32
        %add3A_472 = arith.addi %add3A_458, %add3A_471 : i32
        %lt3A_473 = arith.cmpi slt, %add3A_472, %select_n3A : i32
        %convert_element_type3A_474 = arith.extui %lt3A_473 : i1 to i32
        %cond3A_475 = arith.constant 0 : i32
        %cond3A_476 = arith.cmpi ne, %convert_element_type3A_474, %cond3A_475 : i32
        scf.if %cond3A_476 {
          %dma_wait3A_558 = arith.constant 0 : i32
          %dma_wait3A_559 = arith.constant 0 : i32
          %dma_wait3A_560 = tpu.memref_slice %arg3[%dma_wait3A_558, %dma_wait3A_559] : memref<5000x128xi32, #tpu.memory_space<hbm>> -> memref<2x128xi32, #tpu.memory_space<hbm>>
          %dma_wait3A_561 = arith.constant 0 : i32
          %dma_wait3A_562 = arith.constant 0 : i32
          %dma_wait3A_563 = tpu.memref_slice %arg3[%dma_wait3A_561, %dma_wait3A_562] : memref<5000x128xi32, #tpu.memory_space<hbm>> -> memref<2x128xi32, #tpu.memory_space<hbm>>
          tpu.wait_dma2 semaphore(%arg17 : memref<!tpu.dma_semaphore, #tpu.memory_space<semaphore_mem>>) src(%dma_wait3A_563 : memref<2x128xi32, #tpu.memory_space<hbm>>) dst(%arg8 : memref<2x128xi32, #tpu.memory_space<vmem>>)
          %dma_start3A_564 = arith.constant 0 : i32
          %dma_start3A_565 = arith.constant 0 : i32
          %dma_start3A_566 = tpu.memref_slice %arg8[%dma_start3A_564, %dma_start3A_565] : memref<2x128xi32, #tpu.memory_space<vmem>> -> memref<1x128xi32, #tpu.memory_space<vmem>>
          %dma_start3A_567 = tpu.memref_squeeze %dma_start3A_566 : memref<1x128xi32, #tpu.memory_space<vmem>> -> memref<128xi32, #tpu.memory_space<vmem>>
          %dma_start3A_568 = arith.constant 0 : i32
          %dma_start3A_569 = arith.constant 0 : i32
          %dma_start3A_570 = tpu.memref_slice %arg2[%dma_start3A_568, %dma_start3A_569] : memref<10000x128xf32, #tpu.memory_space<hbm>> -> memref<10000x128xf32, #tpu.memory_space<hbm>>
          tpu.enqueue_indirect_dma source(%dma_start3A_570 : memref<10000x128xf32, #tpu.memory_space<hbm>>) target(%arg14 : memref<128x128xf32, #tpu.memory_space<vmem>>) offsets(%dma_start3A_567 : memref<128xi32, #tpu.memory_space<vmem>>) semaphore(%arg20 : memref<!tpu.dma_semaphore, #tpu.memory_space<semaphore_mem>>)
        } else {
        }
        %dma_wait3A_477 = arith.constant 0 : i32
        %dma_wait3A_478 = arith.constant 0 : i32
        %dma_wait3A_479 = tpu.memref_slice %arg4[%dma_wait3A_477, %dma_wait3A_478] : memref<10000x128xf32, #tpu.memory_space<hbm>> -> memref<128x128xf32, #tpu.memory_space<hbm>>
        %dma_wait3A_480 = arith.constant 0 : i32
        %dma_wait3A_481 = arith.constant 0 : i32
        %dma_wait3A_482 = tpu.memref_slice %arg4[%dma_wait3A_480, %dma_wait3A_481] : memref<10000x128xf32, #tpu.memory_space<hbm>> -> memref<128x128xf32, #tpu.memory_space<hbm>>
        tpu.wait_dma2 semaphore(%arg19 : memref<!tpu.dma_semaphore, #tpu.memory_space<semaphore_mem>>) src(%dma_wait3A_482 : memref<128x128xf32, #tpu.memory_space<hbm>>) dst(%arg13 : memref<128x128xf32, #tpu.memory_space<vmem>>)
        %get3A_483 = arith.constant 1 : i32
        %get3A_484 = arith.index_cast %get3A_483 : i32 to index
        %get3A_485 = arith.constant 0 : index
        %get3A_486 = tpu.vector_load %arg7[%get3A_484, %get3A_485] {strides = array<i32>} : memref<2x128xi32, #tpu.memory_space<vmem>>, vector<1x16xi32>,
        %get3A_487 = vector.shape_cast %get3A_486 : vector<1x16xi32> to vector<16xi32>
        %swap3A_488 = arith.constant 0 : index
        %swap3A_489 = tpu.vector_load %arg10[%swap3A_488] {strides = array<i32>} : memref<128xi32, #tpu.memory_space<vmem>>, vector<16xi32>,
        %swap3A_490 = vector.shape_cast %swap3A_489 : vector<16xi32> to vector<16xi32>
        %swap3A_491 = vector.shape_cast %get3A_487 : vector<16xi32> to vector<16xi32>
        tpu.vector_store %arg10[%swap3A_488], %swap3A_491 {strides = array<i32>} : memref<128xi32, #tpu.memory_space<vmem>>, vector<16xi32>,
        %get3A_492 = arith.constant 1 : i32
        %get3A_493 = arith.index_cast %get3A_492 : i32 to index
        %get3A_494 = arith.constant 16 : index
        %get3A_495 = tpu.vector_load %arg7[%get3A_493, %get3A_494] {strides = array<i32>} : memref<2x128xi32, #tpu.memory_space<vmem>>, vector<1x16xi32>,
        %get3A_496 = vector.shape_cast %get3A_495 : vector<1x16xi32> to vector<16xi32>
        %swap3A_497 = arith.constant 16 : index
        %swap3A_498 = tpu.vector_load %arg10[%swap3A_497] {strides = array<i32>} : memref<128xi32, #tpu.memory_space<vmem>>, vector<16xi32>,
        %swap3A_499 = vector.shape_cast %swap3A_498 : vector<16xi32> to vector<16xi32>
        %swap3A_500 = vector.shape_cast %get3A_496 : vector<16xi32> to vector<16xi32>
        tpu.vector_store %arg10[%swap3A_497], %swap3A_500 {strides = array<i32>} : memref<128xi32, #tpu.memory_space<vmem>>, vector<16xi32>,
        %get3A_501 = arith.constant 1 : i32
        %get3A_502 = arith.index_cast %get3A_501 : i32 to index
        %get3A_503 = arith.constant 32 : index
        %get3A_504 = tpu.vector_load %arg7[%get3A_502, %get3A_503] {strides = array<i32>} : memref<2x128xi32, #tpu.memory_space<vmem>>, vector<1x16xi32>,
        %get3A_505 = vector.shape_cast %get3A_504 : vector<1x16xi32> to vector<16xi32>
        %swap3A_506 = arith.constant 32 : index
        %swap3A_507 = tpu.vector_load %arg10[%swap3A_506] {strides = array<i32>} : memref<128xi32, #tpu.memory_space<vmem>>, vector<16xi32>,
        %swap3A_508 = vector.shape_cast %swap3A_507 : vector<16xi32> to vector<16xi32>
        %swap3A_509 = vector.shape_cast %get3A_505 : vector<16xi32> to vector<16xi32>
        tpu.vector_store %arg10[%swap3A_506], %swap3A_509 {strides = array<i32>} : memref<128xi32, #tpu.memory_space<vmem>>, vector<16xi32>,
        %get3A_510 = arith.constant 1 : i32
        %get3A_511 = arith.index_cast %get3A_510 : i32 to index
        %get3A_512 = arith.constant 48 : index
        %get3A_513 = tpu.vector_load %arg7[%get3A_511, %get3A_512] {strides = array<i32>} : memref<2x128xi32, #tpu.memory_space<vmem>>, vector<1x16xi32>,
        %get3A_514 = vector.shape_cast %get3A_513 : vector<1x16xi32> to vector<16xi32>
        %swap3A_515 = arith.constant 48 : index
        %swap3A_516 = tpu.vector_load %arg10[%swap3A_515] {strides = array<i32>} : memref<128xi32, #tpu.memory_space<vmem>>, vector<16xi32>,
        %swap3A_517 = vector.shape_cast %swap3A_516 : vector<16xi32> to vector<16xi32>
        %swap3A_518 = vector.shape_cast %get3A_514 : vector<16xi32> to vector<16xi32>
        tpu.vector_store %arg10[%swap3A_515], %swap3A_518 {strides = array<i32>} : memref<128xi32, #tpu.memory_space<vmem>>, vector<16xi32>,
        %get3A_519 = arith.constant 1 : i32
        %get3A_520 = arith.index_cast %get3A_519 : i32 to index
        %get3A_521 = arith.constant 64 : index
        %get3A_522 = tpu.vector_load %arg7[%get3A_520, %get3A_521] {strides = array<i32>} : memref<2x128xi32, #tpu.memory_space<vmem>>, vector<1x16xi32>,
        %get3A_523 = vector.shape_cast %get3A_522 : vector<1x16xi32> to vector<16xi32>
        %swap3A_524 = arith.constant 64 : index
        %swap3A_525 = tpu.vector_load %arg10[%swap3A_524] {strides = array<i32>} : memref<128xi32, #tpu.memory_space<vmem>>, vector<16xi32>,
        %swap3A_526 = vector.shape_cast %swap3A_525 : vector<16xi32> to vector<16xi32>
        %swap3A_527 = vector.shape_cast %get3A_523 : vector<16xi32> to vector<16xi32>
        tpu.vector_store %arg10[%swap3A_524], %swap3A_527 {strides = array<i32>} : memref<128xi32, #tpu.memory_space<vmem>>, vector<16xi32>,
        %get3A_528 = arith.constant 1 : i32
        %get3A_529 = arith.index_cast %get3A_528 : i32 to index
        %get3A_530 = arith.constant 80 : index
        %get3A_531 = tpu.vector_load %arg7[%get3A_529, %get3A_530] {strides = array<i32>} : memref<2x128xi32, #tpu.memory_space<vmem>>, vector<1x16xi32>,
        %get3A_532 = vector.shape_cast %get3A_531 : vector<1x16xi32> to vector<16xi32>
        %swap3A_533 = arith.constant 80 : index
        %swap3A_534 = tpu.vector_load %arg10[%swap3A_533] {strides = array<i32>} : memref<128xi32, #tpu.memory_space<vmem>>, vector<16xi32>,
        %swap3A_535 = vector.shape_cast %swap3A_534 : vector<16xi32> to vector<16xi32>
        %swap3A_536 = vector.shape_cast %get3A_532 : vector<16xi32> to vector<16xi32>
        tpu.vector_store %arg10[%swap3A_533], %swap3A_536 {strides = array<i32>} : memref<128xi32, #tpu.memory_space<vmem>>, vector<16xi32>,
        %get3A_537 = arith.constant 1 : i32
        %get3A_538 = arith.index_cast %get3A_537 : i32 to index
        %get3A_539 = arith.constant 96 : index
        %get3A_540 = tpu.vector_load %arg7[%get3A_538, %get3A_539] {strides = array<i32>} : memref<2x128xi32, #tpu.memory_space<vmem>>, vector<1x16xi32>,
        %get3A_541 = vector.shape_cast %get3A_540 : vector<1x16xi32> to vector<16xi32>
        %swap3A_542 = arith.constant 96 : index
        %swap3A_543 = tpu.vector_load %arg10[%swap3A_542] {strides = array<i32>} : memref<128xi32, #tpu.memory_space<vmem>>, vector<16xi32>,
        %swap3A_544 = vector.shape_cast %swap3A_543 : vector<16xi32> to vector<16xi32>
        %swap3A_545 = vector.shape_cast %get3A_541 : vector<16xi32> to vector<16xi32>
        tpu.vector_store %arg10[%swap3A_542], %swap3A_545 {strides = array<i32>} : memref<128xi32, #tpu.memory_space<vmem>>, vector<16xi32>,
        %get3A_546 = arith.constant 1 : i32
        %get3A_547 = arith.index_cast %get3A_546 : i32 to index
        %get3A_548 = arith.constant 112 : index
        %get3A_549 = tpu.vector_load %arg7[%get3A_547, %get3A_548] {strides = array<i32>} : memref<2x128xi32, #tpu.memory_space<vmem>>, vector<1x16xi32>,
        %get3A_550 = vector.shape_cast %get3A_549 : vector<1x16xi32> to vector<16xi32>
        %swap3A_551 = arith.constant 112 : index
        %swap3A_552 = tpu.vector_load %arg10[%swap3A_551] {strides = array<i32>} : memref<128xi32, #tpu.memory_space<vmem>>, vector<16xi32>,
        %swap3A_553 = vector.shape_cast %swap3A_552 : vector<16xi32> to vector<16xi32>
        %swap3A_554 = vector.shape_cast %get3A_550 : vector<16xi32> to vector<16xi32>
        tpu.vector_store %arg10[%swap3A_551], %swap3A_554 {strides = array<i32>} : memref<128xi32, #tpu.memory_space<vmem>>, vector<16xi32>,
        %dma_start3A_555 = arith.constant 0 : i32
        %dma_start3A_556 = arith.constant 0 : i32
        %dma_start3A_557 = tpu.memref_slice %arg24[%dma_start3A_555, %dma_start3A_556] : memref<10000x128xf32, #tpu.memory_space<vmem_shared>> -> memref<10000x128xf32, #tpu.memory_space<vmem_shared>>
        tpu.enqueue_indirect_dma source(%arg13 : memref<128x128xf32, #tpu.memory_space<vmem>>) target(%dma_start3A_557 : memref<10000x128xf32, #tpu.memory_space<vmem_shared>>) offsets(%arg10 : memref<128xi32, #tpu.memory_space<vmem>>) semaphore(%arg22 : memref<!tpu.dma_semaphore, #tpu.memory_space<semaphore_mem>>) {add = true}
      } else {
      }
    }
    %while3A_282 = arith.constant 1 : i32
    scf.for %while3A_432 = %while3A_280 to %while3A_276 step %while3A_282  : i32 {
      %mul3A_433 = arith.muli %while3A_432, %while3A : i32
      %add3A_434 = arith.addi %while3A_273, %mul3A_433 : i32
      %mul3A_435 = arith.constant 3 : i32
      %mul3A_436 = arith.muli %mul3A_435, %add3A_434 : i32
      %add3A_437 = arith.constant 2 : i32
      %add3A_438 = arith.addi %add3A_437, %mul3A_436 : i32
      %add3A_439 = arith.constant 0 : i32
      %add3A_440 = arith.addi %add3A_438, %add3A_439 : i32
      %lt3A_441 = arith.cmpi slt, %add3A_440, %select_n3A : i32
      %convert_element_type3A_442 = arith.extui %lt3A_441 : i1 to i32
      %cond3A_443 = arith.constant 0 : i32
      %cond3A_444 = arith.cmpi ne, %convert_element_type3A_442, %cond3A_443 : i32
      scf.if %cond3A_444 {
        %add3A_457 = arith.constant 0 : i32
        %add3A_458 = arith.addi %add3A_438, %add3A_457 : i32
        %dma_wait3A_459 = arith.constant 0 : i32
        %dma_wait3A_460 = arith.constant 0 : i32
        %dma_wait3A_461 = tpu.memref_slice %arg4[%dma_wait3A_459, %dma_wait3A_460] : memref<10000x128xf32, #tpu.memory_space<hbm>> -> memref<128x128xf32, #tpu.memory_space<hbm>>
        %dma_wait3A_462 = arith.constant 0 : i32
        %dma_wait3A_463 = arith.constant 0 : i32
        %dma_wait3A_464 = tpu.memref_slice %arg4[%dma_wait3A_462, %dma_wait3A_463] : memref<10000x128xf32, #tpu.memory_space<hbm>> -> memref<128x128xf32, #tpu.memory_space<hbm>>
        tpu.wait_dma2 semaphore(%arg21 : memref<!tpu.dma_semaphore, #tpu.memory_space<semaphore_mem>>) src(%dma_wait3A_464 : memref<128x128xf32, #tpu.memory_space<hbm>>) dst(%arg12 : memref<128x128xf32, #tpu.memory_space<vmem>>)
        %add3A_465 = arith.constant 2 : i32
        %add3A_466 = arith.addi %add3A_458, %add3A_465 : i32
        %lt3A_467 = arith.cmpi slt, %add3A_466, %select_n3A : i32
        %convert_element_type3A_468 = arith.extui %lt3A_467 : i1 to i32
        %cond3A_469 = arith.constant 0 : i32
        %cond3A_470 = arith.cmpi ne, %convert_element_type3A_468, %cond3A_469 : i32
        scf.if %cond3A_470 {
          %add3A_558 = arith.constant 2 : i32
          %add3A_559 = arith.addi %add3A_458, %add3A_558 : i32
          %mul3A_560 = arith.constant 32 : i32
          %mul3A_561 = arith.muli %mul3A_560, %add3A_559 : i32
          %add3A_562 = arith.addi %add3A, %mul3A_561 : i32
          %mul3A_563 = arith.constant 2 : i32
          %mul3A_564 = arith.muli %mul3A_563, %add3A_562 : i32
          %add3A_565 = arith.constant 0 : i32
          %add3A_566 = arith.addi %add3A_565, %mul3A_564 : i32
          %dma_start3A_567 = arith.constant 0 : i32
          %dma_start3A_568 = tpu.memref_slice %arg3[%add3A_566, %dma_start3A_567] : memref<5000x128xi32, #tpu.memory_space<hbm>> -> memref<2x128xi32, #tpu.memory_space<hbm>>
          %dma_start3A_569 = arith.constant 0 : i32
          %dma_start3A_570 = tpu.memref_slice %arg3[%add3A_566, %dma_start3A_569] : memref<5000x128xi32, #tpu.memory_space<hbm>> -> memref<2x128xi32, #tpu.memory_space<hbm>>
          tpu.enqueue_dma source(%dma_start3A_570 : memref<2x128xi32, #tpu.memory_space<hbm>>) target(%arg7 : memref<2x128xi32, #tpu.memory_space<vmem>>) target_semaphore(%arg16 : memref<!tpu.dma_semaphore, #tpu.memory_space<semaphore_mem>>)
        } else {
        }
        %add3A_471 = arith.constant 1 : i32
        %add3A_472 = arith.addi %add3A_458, %add3A_471 : i32
        %lt3A_473 = arith.cmpi slt, %add3A_472, %select_n3A : i32
        %convert_element_type3A_474 = arith.extui %lt3A_473 : i1 to i32
        %cond3A_475 = arith.constant 0 : i32
        %cond3A_476 = arith.cmpi ne, %convert_element_type3A_474, %cond3A_475 : i32
        scf.if %cond3A_476 {
          %dma_wait3A_558 = arith.constant 0 : i32
          %dma_wait3A_559 = arith.constant 0 : i32
          %dma_wait3A_560 = tpu.memref_slice %arg3[%dma_wait3A_558, %dma_wait3A_559] : memref<5000x128xi32, #tpu.memory_space<hbm>> -> memref<2x128xi32, #tpu.memory_space<hbm>>
          %dma_wait3A_561 = arith.constant 0 : i32
          %dma_wait3A_562 = arith.constant 0 : i32
          %dma_wait3A_563 = tpu.memref_slice %arg3[%dma_wait3A_561, %dma_wait3A_562] : memref<5000x128xi32, #tpu.memory_space<hbm>> -> memref<2x128xi32, #tpu.memory_space<hbm>>
          tpu.wait_dma2 semaphore(%arg15 : memref<!tpu.dma_semaphore, #tpu.memory_space<semaphore_mem>>) src(%dma_wait3A_563 : memref<2x128xi32, #tpu.memory_space<hbm>>) dst(%arg6 : memref<2x128xi32, #tpu.memory_space<vmem>>)
          %dma_start3A_564 = arith.constant 0 : i32
          %dma_start3A_565 = arith.constant 0 : i32
          %dma_start3A_566 = tpu.memref_slice %arg6[%dma_start3A_564, %dma_start3A_565] : memref<2x128xi32, #tpu.memory_space<vmem>> -> memref<1x128xi32, #tpu.memory_space<vmem>>
          %dma_start3A_567 = tpu.memref_squeeze %dma_start3A_566 : memref<1x128xi32, #tpu.memory_space<vmem>> -> memref<128xi32, #tpu.memory_space<vmem>>
          %dma_start3A_568 = arith.constant 0 : i32
          %dma_start3A_569 = arith.constant 0 : i32
          %dma_start3A_570 = tpu.memref_slice %arg2[%dma_start3A_568, %dma_start3A_569] : memref<10000x128xf32, #tpu.memory_space<hbm>> -> memref<10000x128xf32, #tpu.memory_space<hbm>>
          tpu.enqueue_indirect_dma source(%dma_start3A_570 : memref<10000x128xf32, #tpu.memory_space<hbm>>) target(%arg12 : memref<128x128xf32, #tpu.memory_space<vmem>>) offsets(%dma_start3A_567 : memref<128xi32, #tpu.memory_space<vmem>>) semaphore(%arg18 : memref<!tpu.dma_semaphore, #tpu.memory_space<semaphore_mem>>)
        } else {
        }
        %dma_wait3A_477 = arith.constant 0 : i32
        %dma_wait3A_478 = arith.constant 0 : i32
        %dma_wait3A_479 = tpu.memref_slice %arg4[%dma_wait3A_477, %dma_wait3A_478] : memref<10000x128xf32, #tpu.memory_space<hbm>> -> memref<128x128xf32, #tpu.memory_space<hbm>>
        %dma_wait3A_480 = arith.constant 0 : i32
        %dma_wait3A_481 = arith.constant 0 : i32
        %dma_wait3A_482 = tpu.memref_slice %arg4[%dma_wait3A_480, %dma_wait3A_481] : memref<10000x128xf32, #tpu.memory_space<hbm>> -> memref<128x128xf32, #tpu.memory_space<hbm>>
        tpu.wait_dma2 semaphore(%arg20 : memref<!tpu.dma_semaphore, #tpu.memory_space<semaphore_mem>>) src(%dma_wait3A_482 : memref<128x128xf32, #tpu.memory_space<hbm>>) dst(%arg14 : memref<128x128xf32, #tpu.memory_space<vmem>>)
        %get3A_483 = arith.constant 1 : i32
        %get3A_484 = arith.index_cast %get3A_483 : i32 to index
        %get3A_485 = arith.constant 0 : index
        %get3A_486 = tpu.vector_load %arg8[%get3A_484, %get3A_485] {strides = array<i32>} : memref<2x128xi32, #tpu.memory_space<vmem>>, vector<1x16xi32>,
        %get3A_487 = vector.shape_cast %get3A_486 : vector<1x16xi32> to vector<16xi32>
        %swap3A_488 = arith.constant 0 : index
        %swap3A_489 = tpu.vector_load %arg11[%swap3A_488] {strides = array<i32>} : memref<128xi32, #tpu.memory_space<vmem>>, vector<16xi32>,
        %swap3A_490 = vector.shape_cast %swap3A_489 : vector<16xi32> to vector<16xi32>
        %swap3A_491 = vector.shape_cast %get3A_487 : vector<16xi32> to vector<16xi32>
        tpu.vector_store %arg11[%swap3A_488], %swap3A_491 {strides = array<i32>} : memref<128xi32, #tpu.memory_space<vmem>>, vector<16xi32>,
        %get3A_492 = arith.constant 1 : i32
        %get3A_493 = arith.index_cast %get3A_492 : i32 to index
        %get3A_494 = arith.constant 16 : index
        %get3A_495 = tpu.vector_load %arg8[%get3A_493, %get3A_494] {strides = array<i32>} : memref<2x128xi32, #tpu.memory_space<vmem>>, vector<1x16xi32>,
        %get3A_496 = vector.shape_cast %get3A_495 : vector<1x16xi32> to vector<16xi32>
        %swap3A_497 = arith.constant 16 : index
        %swap3A_498 = tpu.vector_load %arg11[%swap3A_497] {strides = array<i32>} : memref<128xi32, #tpu.memory_space<vmem>>, vector<16xi32>,
        %swap3A_499 = vector.shape_cast %swap3A_498 : vector<16xi32> to vector<16xi32>
        %swap3A_500 = vector.shape_cast %get3A_496 : vector<16xi32> to vector<16xi32>
        tpu.vector_store %arg11[%swap3A_497], %swap3A_500 {strides = array<i32>} : memref<128xi32, #tpu.memory_space<vmem>>, vector<16xi32>,
        %get3A_501 = arith.constant 1 : i32
        %get3A_502 = arith.index_cast %get3A_501 : i32 to index
        %get3A_503 = arith.constant 32 : index
        %get3A_504 = tpu.vector_load %arg8[%get3A_502, %get3A_503] {strides = array<i32>} : memref<2x128xi32, #tpu.memory_space<vmem>>, vector<1x16xi32>,
        %get3A_505 = vector.shape_cast %get3A_504 : vector<1x16xi32> to vector<16xi32>
        %swap3A_506 = arith.constant 32 : index
        %swap3A_507 = tpu.vector_load %arg11[%swap3A_506] {strides = array<i32>} : memref<128xi32, #tpu.memory_space<vmem>>, vector<16xi32>,
        %swap3A_508 = vector.shape_cast %swap3A_507 : vector<16xi32> to vector<16xi32>
        %swap3A_509 = vector.shape_cast %get3A_505 : vector<16xi32> to vector<16xi32>
        tpu.vector_store %arg11[%swap3A_506], %swap3A_509 {strides = array<i32>} : memref<128xi32, #tpu.memory_space<vmem>>, vector<16xi32>,
        %get3A_510 = arith.constant 1 : i32
        %get3A_511 = arith.index_cast %get3A_510 : i32 to index
        %get3A_512 = arith.constant 48 : index
        %get3A_513 = tpu.vector_load %arg8[%get3A_511, %get3A_512] {strides = array<i32>} : memref<2x128xi32, #tpu.memory_space<vmem>>, vector<1x16xi32>,
        %get3A_514 = vector.shape_cast %get3A_513 : vector<1x16xi32> to vector<16xi32>
        %swap3A_515 = arith.constant 48 : index
        %swap3A_516 = tpu.vector_load %arg11[%swap3A_515] {strides = array<i32>} : memref<128xi32, #tpu.memory_space<vmem>>, vector<16xi32>,
        %swap3A_517 = vector.shape_cast %swap3A_516 : vector<16xi32> to vector<16xi32>
        %swap3A_518 = vector.shape_cast %get3A_514 : vector<16xi32> to vector<16xi32>
        tpu.vector_store %arg11[%swap3A_515], %swap3A_518 {strides = array<i32>} : memref<128xi32, #tpu.memory_space<vmem>>, vector<16xi32>,
        %get3A_519 = arith.constant 1 : i32
        %get3A_520 = arith.index_cast %get3A_519 : i32 to index
        %get3A_521 = arith.constant 64 : index
        %get3A_522 = tpu.vector_load %arg8[%get3A_520, %get3A_521] {strides = array<i32>} : memref<2x128xi32, #tpu.memory_space<vmem>>, vector<1x16xi32>,
        %get3A_523 = vector.shape_cast %get3A_522 : vector<1x16xi32> to vector<16xi32>
        %swap3A_524 = arith.constant 64 : index
        %swap3A_525 = tpu.vector_load %arg11[%swap3A_524] {strides = array<i32>} : memref<128xi32, #tpu.memory_space<vmem>>, vector<16xi32>,
        %swap3A_526 = vector.shape_cast %swap3A_525 : vector<16xi32> to vector<16xi32>
        %swap3A_527 = vector.shape_cast %get3A_523 : vector<16xi32> to vector<16xi32>
        tpu.vector_store %arg11[%swap3A_524], %swap3A_527 {strides = array<i32>} : memref<128xi32, #tpu.memory_space<vmem>>, vector<16xi32>,
        %get3A_528 = arith.constant 1 : i32
        %get3A_529 = arith.index_cast %get3A_528 : i32 to index
        %get3A_530 = arith.constant 80 : index
        %get3A_531 = tpu.vector_load %arg8[%get3A_529, %get3A_530] {strides = array<i32>} : memref<2x128xi32, #tpu.memory_space<vmem>>, vector<1x16xi32>,
        %get3A_532 = vector.shape_cast %get3A_531 : vector<1x16xi32> to vector<16xi32>
        %swap3A_533 = arith.constant 80 : index
        %swap3A_534 = tpu.vector_load %arg11[%swap3A_533] {strides = array<i32>} : memref<128xi32, #tpu.memory_space<vmem>>, vector<16xi32>,
        %swap3A_535 = vector.shape_cast %swap3A_534 : vector<16xi32> to vector<16xi32>
        %swap3A_536 = vector.shape_cast %get3A_532 : vector<16xi32> to vector<16xi32>
        tpu.vector_store %arg11[%swap3A_533], %swap3A_536 {strides = array<i32>} : memref<128xi32, #tpu.memory_space<vmem>>, vector<16xi32>,
        %get3A_537 = arith.constant 1 : i32
        %get3A_538 = arith.index_cast %get3A_537 : i32 to index
        %get3A_539 = arith.constant 96 : index
        %get3A_540 = tpu.vector_load %arg8[%get3A_538, %get3A_539] {strides = array<i32>} : memref<2x128xi32, #tpu.memory_space<vmem>>, vector<1x16xi32>,
        %get3A_541 = vector.shape_cast %get3A_540 : vector<1x16xi32> to vector<16xi32>
        %swap3A_542 = arith.constant 96 : index
        %swap3A_543 = tpu.vector_load %arg11[%swap3A_542] {strides = array<i32>} : memref<128xi32, #tpu.memory_space<vmem>>, vector<16xi32>,
        %swap3A_544 = vector.shape_cast %swap3A_543 : vector<16xi32> to vector<16xi32>
        %swap3A_545 = vector.shape_cast %get3A_541 : vector<16xi32> to vector<16xi32>
        tpu.vector_store %arg11[%swap3A_542], %swap3A_545 {strides = array<i32>} : memref<128xi32, #tpu.memory_space<vmem>>, vector<16xi32>,
        %get3A_546 = arith.constant 1 : i32
        %get3A_547 = arith.index_cast %get3A_546 : i32 to index
        %get3A_548 = arith.constant 112 : index
        %get3A_549 = tpu.vector_load %arg8[%get3A_547, %get3A_548] {strides = array<i32>} : memref<2x128xi32, #tpu.memory_space<vmem>>, vector<1x16xi32>,
        %get3A_550 = vector.shape_cast %get3A_549 : vector<1x16xi32> to vector<16xi32>
        %swap3A_551 = arith.constant 112 : index
        %swap3A_552 = tpu.vector_load %arg11[%swap3A_551] {strides = array<i32>} : memref<128xi32, #tpu.memory_space<vmem>>, vector<16xi32>,
        %swap3A_553 = vector.shape_cast %swap3A_552 : vector<16xi32> to vector<16xi32>
        %swap3A_554 = vector.shape_cast %get3A_550 : vector<16xi32> to vector<16xi32>
        tpu.vector_store %arg11[%swap3A_551], %swap3A_554 {strides = array<i32>} : memref<128xi32, #tpu.memory_space<vmem>>, vector<16xi32>,
        %dma_start3A_555 = arith.constant 0 : i32
        %dma_start3A_556 = arith.constant 0 : i32
        %dma_start3A_557 = tpu.memref_slice %arg24[%dma_start3A_555, %dma_start3A_556] : memref<10000x128xf32, #tpu.memory_space<vmem_shared>> -> memref<10000x128xf32, #tpu.memory_space<vmem_shared>>
        tpu.enqueue_indirect_dma source(%arg14 : memref<128x128xf32, #tpu.memory_space<vmem>>) target(%dma_start3A_557 : memref<10000x128xf32, #tpu.memory_space<vmem_shared>>) offsets(%arg11 : memref<128xi32, #tpu.memory_space<vmem>>) semaphore(%arg23 : memref<!tpu.dma_semaphore, #tpu.memory_space<semaphore_mem>>) {add = true}
      } else {
      }
      %add3A_445 = arith.constant 1 : i32
      %add3A_446 = arith.addi %add3A_438, %add3A_445 : i32
      %lt3A_447 = arith.cmpi slt, %add3A_446, %select_n3A : i32
      %convert_element_type3A_448 = arith.extui %lt3A_447 : i1 to i32
      %cond3A_449 = arith.constant 0 : i32
      %cond3A_450 = arith.cmpi ne, %convert_element_type3A_448, %cond3A_449 : i32
      scf.if %cond3A_450 {
        %add3A_457 = arith.constant 1 : i32
        %add3A_458 = arith.addi %add3A_438, %add3A_457 : i32
        %dma_wait3A_459 = arith.constant 0 : i32
        %dma_wait3A_460 = arith.constant 0 : i32
        %dma_wait3A_461 = tpu.memref_slice %arg4[%dma_wait3A_459, %dma_wait3A_460] : memref<10000x128xf32, #tpu.memory_space<hbm>> -> memref<128x128xf32, #tpu.memory_space<hbm>>
        %dma_wait3A_462 = arith.constant 0 : i32
        %dma_wait3A_463 = arith.constant 0 : i32
        %dma_wait3A_464 = tpu.memref_slice %arg4[%dma_wait3A_462, %dma_wait3A_463] : memref<10000x128xf32, #tpu.memory_space<hbm>> -> memref<128x128xf32, #tpu.memory_space<hbm>>
        tpu.wait_dma2 semaphore(%arg22 : memref<!tpu.dma_semaphore, #tpu.memory_space<semaphore_mem>>) src(%dma_wait3A_464 : memref<128x128xf32, #tpu.memory_space<hbm>>) dst(%arg13 : memref<128x128xf32, #tpu.memory_space<vmem>>)
        %add3A_465 = arith.constant 2 : i32
        %add3A_466 = arith.addi %add3A_458, %add3A_465 : i32
        %lt3A_467 = arith.cmpi slt, %add3A_466, %select_n3A : i32
        %convert_element_type3A_468 = arith.extui %lt3A_467 : i1 to i32
        %cond3A_469 = arith.constant 0 : i32
        %cond3A_470 = arith.cmpi ne, %convert_element_type3A_468, %cond3A_469 : i32
        scf.if %cond3A_470 {
          %add3A_558 = arith.constant 2 : i32
          %add3A_559 = arith.addi %add3A_458, %add3A_558 : i32
          %mul3A_560 = arith.constant 32 : i32
          %mul3A_561 = arith.muli %mul3A_560, %add3A_559 : i32
          %add3A_562 = arith.addi %add3A, %mul3A_561 : i32
          %mul3A_563 = arith.constant 2 : i32
          %mul3A_564 = arith.muli %mul3A_563, %add3A_562 : i32
          %add3A_565 = arith.constant 0 : i32
          %add3A_566 = arith.addi %add3A_565, %mul3A_564 : i32
          %dma_start3A_567 = arith.constant 0 : i32
          %dma_start3A_568 = tpu.memref_slice %arg3[%add3A_566, %dma_start3A_567] : memref<5000x128xi32, #tpu.memory_space<hbm>> -> memref<2x128xi32, #tpu.memory_space<hbm>>
          %dma_start3A_569 = arith.constant 0 : i32
          %dma_start3A_570 = tpu.memref_slice %arg3[%add3A_566, %dma_start3A_569] : memref<5000x128xi32, #tpu.memory_space<hbm>> -> memref<2x128xi32, #tpu.memory_space<hbm>>
          tpu.enqueue_dma source(%dma_start3A_570 : memref<2x128xi32, #tpu.memory_space<hbm>>) target(%arg8 : memref<2x128xi32, #tpu.memory_space<vmem>>) target_semaphore(%arg17 : memref<!tpu.dma_semaphore, #tpu.memory_space<semaphore_mem>>)
        } else {
        }
        %add3A_471 = arith.constant 1 : i32
        %add3A_472 = arith.addi %add3A_458, %add3A_471 : i32
        %lt3A_473 = arith.cmpi slt, %add3A_472, %select_n3A : i32
        %convert_element_type3A_474 = arith.extui %lt3A_473 : i1 to i32
        %cond3A_475 = arith.constant 0 : i32
        %cond3A_476 = arith.cmpi ne, %convert_element_type3A_474, %cond3A_475 : i32
        scf.if %cond3A_476 {
          %dma_wait3A_558 = arith.constant 0 : i32
          %dma_wait3A_559 = arith.constant 0 : i32
          %dma_wait3A_560 = tpu.memref_slice %arg3[%dma_wait3A_558, %dma_wait3A_559] : memref<5000x128xi32, #tpu.memory_space<hbm>> -> memref<2x128xi32, #tpu.memory_space<hbm>>
          %dma_wait3A_561 = arith.constant 0 : i32
          %dma_wait3A_562 = arith.constant 0 : i32
          %dma_wait3A_563 = tpu.memref_slice %arg3[%dma_wait3A_561, %dma_wait3A_562] : memref<5000x128xi32, #tpu.memory_space<hbm>> -> memref<2x128xi32, #tpu.memory_space<hbm>>
          tpu.wait_dma2 semaphore(%arg16 : memref<!tpu.dma_semaphore, #tpu.memory_space<semaphore_mem>>) src(%dma_wait3A_563 : memref<2x128xi32, #tpu.memory_space<hbm>>) dst(%arg7 : memref<2x128xi32, #tpu.memory_space<vmem>>)
          %dma_start3A_564 = arith.constant 0 : i32
          %dma_start3A_565 = arith.constant 0 : i32
          %dma_start3A_566 = tpu.memref_slice %arg7[%dma_start3A_564, %dma_start3A_565] : memref<2x128xi32, #tpu.memory_space<vmem>> -> memref<1x128xi32, #tpu.memory_space<vmem>>
          %dma_start3A_567 = tpu.memref_squeeze %dma_start3A_566 : memref<1x128xi32, #tpu.memory_space<vmem>> -> memref<128xi32, #tpu.memory_space<vmem>>
          %dma_start3A_568 = arith.constant 0 : i32
          %dma_start3A_569 = arith.constant 0 : i32
          %dma_start3A_570 = tpu.memref_slice %arg2[%dma_start3A_568, %dma_start3A_569] : memref<10000x128xf32, #tpu.memory_space<hbm>> -> memref<10000x128xf32, #tpu.memory_space<hbm>>
          tpu.enqueue_indirect_dma source(%dma_start3A_570 : memref<10000x128xf32, #tpu.memory_space<hbm>>) target(%arg13 : memref<128x128xf32, #tpu.memory_space<vmem>>) offsets(%dma_start3A_567 : memref<128xi32, #tpu.memory_space<vmem>>) semaphore(%arg19 : memref<!tpu.dma_semaphore, #tpu.memory_space<semaphore_mem>>)
        } else {
        }
        %dma_wait3A_477 = arith.constant 0 : i32
        %dma_wait3A_478 = arith.constant 0 : i32
        %dma_wait3A_479 = tpu.memref_slice %arg4[%dma_wait3A_477, %dma_wait3A_478] : memref<10000x128xf32, #tpu.memory_space<hbm>> -> memref<128x128xf32, #tpu.memory_space<hbm>>
        %dma_wait3A_480 = arith.constant 0 : i32
        %dma_wait3A_481 = arith.constant 0 : i32
        %dma_wait3A_482 = tpu.memref_slice %arg4[%dma_wait3A_480, %dma_wait3A_481] : memref<10000x128xf32, #tpu.memory_space<hbm>> -> memref<128x128xf32, #tpu.memory_space<hbm>>
        tpu.wait_dma2 semaphore(%arg18 : memref<!tpu.dma_semaphore, #tpu.memory_space<semaphore_mem>>) src(%dma_wait3A_482 : memref<128x128xf32, #tpu.memory_space<hbm>>) dst(%arg12 : memref<128x128xf32, #tpu.memory_space<vmem>>)
        %get3A_483 = arith.constant 1 : i32
        %get3A_484 = arith.index_cast %get3A_483 : i32 to index
        %get3A_485 = arith.constant 0 : index
        %get3A_486 = tpu.vector_load %arg6[%get3A_484, %get3A_485] {strides = array<i32>} : memref<2x128xi32, #tpu.memory_space<vmem>>, vector<1x16xi32>,
        %get3A_487 = vector.shape_cast %get3A_486 : vector<1x16xi32> to vector<16xi32>
        %swap3A_488 = arith.constant 0 : index
        %swap3A_489 = tpu.vector_load %arg9[%swap3A_488] {strides = array<i32>} : memref<128xi32, #tpu.memory_space<vmem>>, vector<16xi32>,
        %swap3A_490 = vector.shape_cast %swap3A_489 : vector<16xi32> to vector<16xi32>
        %swap3A_491 = vector.shape_cast %get3A_487 : vector<16xi32> to vector<16xi32>
        tpu.vector_store %arg9[%swap3A_488], %swap3A_491 {strides = array<i32>} : memref<128xi32, #tpu.memory_space<vmem>>, vector<16xi32>,
        %get3A_492 = arith.constant 1 : i32
        %get3A_493 = arith.index_cast %get3A_492 : i32 to index
        %get3A_494 = arith.constant 16 : index
        %get3A_495 = tpu.vector_load %arg6[%get3A_493, %get3A_494] {strides = array<i32>} : memref<2x128xi32, #tpu.memory_space<vmem>>, vector<1x16xi32>,
        %get3A_496 = vector.shape_cast %get3A_495 : vector<1x16xi32> to vector<16xi32>
        %swap3A_497 = arith.constant 16 : index
        %swap3A_498 = tpu.vector_load %arg9[%swap3A_497] {strides = array<i32>} : memref<128xi32, #tpu.memory_space<vmem>>, vector<16xi32>,
        %swap3A_499 = vector.shape_cast %swap3A_498 : vector<16xi32> to vector<16xi32>
        %swap3A_500 = vector.shape_cast %get3A_496 : vector<16xi32> to vector<16xi32>
        tpu.vector_store %arg9[%swap3A_497], %swap3A_500 {strides = array<i32>} : memref<128xi32, #tpu.memory_space<vmem>>, vector<16xi32>,
        %get3A_501 = arith.constant 1 : i32
        %get3A_502 = arith.index_cast %get3A_501 : i32 to index
        %get3A_503 = arith.constant 32 : index
        %get3A_504 = tpu.vector_load %arg6[%get3A_502, %get3A_503] {strides = array<i32>} : memref<2x128xi32, #tpu.memory_space<vmem>>, vector<1x16xi32>,
        %get3A_505 = vector.shape_cast %get3A_504 : vector<1x16xi32> to vector<16xi32>
        %swap3A_506 = arith.constant 32 : index
        %swap3A_507 = tpu.vector_load %arg9[%swap3A_506] {strides = array<i32>} : memref<128xi32, #tpu.memory_space<vmem>>, vector<16xi32>,
        %swap3A_508 = vector.shape_cast %swap3A_507 : vector<16xi32> to vector<16xi32>
        %swap3A_509 = vector.shape_cast %get3A_505 : vector<16xi32> to vector<16xi32>
        tpu.vector_store %arg9[%swap3A_506], %swap3A_509 {strides = array<i32>} : memref<128xi32, #tpu.memory_space<vmem>>, vector<16xi32>,
        %get3A_510 = arith.constant 1 : i32
        %get3A_511 = arith.index_cast %get3A_510 : i32 to index
        %get3A_512 = arith.constant 48 : index
        %get3A_513 = tpu.vector_load %arg6[%get3A_511, %get3A_512] {strides = array<i32>} : memref<2x128xi32, #tpu.memory_space<vmem>>, vector<1x16xi32>,
        %get3A_514 = vector.shape_cast %get3A_513 : vector<1x16xi32> to vector<16xi32>
        %swap3A_515 = arith.constant 48 : index
        %swap3A_516 = tpu.vector_load %arg9[%swap3A_515] {strides = array<i32>} : memref<128xi32, #tpu.memory_space<vmem>>, vector<16xi32>,
        %swap3A_517 = vector.shape_cast %swap3A_516 : vector<16xi32> to vector<16xi32>
        %swap3A_518 = vector.shape_cast %get3A_514 : vector<16xi32> to vector<16xi32>
        tpu.vector_store %arg9[%swap3A_515], %swap3A_518 {strides = array<i32>} : memref<128xi32, #tpu.memory_space<vmem>>, vector<16xi32>,
        %get3A_519 = arith.constant 1 : i32
        %get3A_520 = arith.index_cast %get3A_519 : i32 to index
        %get3A_521 = arith.constant 64 : index
        %get3A_522 = tpu.vector_load %arg6[%get3A_520, %get3A_521] {strides = array<i32>} : memref<2x128xi32, #tpu.memory_space<vmem>>, vector<1x16xi32>,
        %get3A_523 = vector.shape_cast %get3A_522 : vector<1x16xi32> to vector<16xi32>
        %swap3A_524 = arith.constant 64 : index
        %swap3A_525 = tpu.vector_load %arg9[%swap3A_524] {strides = array<i32>} : memref<128xi32, #tpu.memory_space<vmem>>, vector<16xi32>,
        %swap3A_526 = vector.shape_cast %swap3A_525 : vector<16xi32> to vector<16xi32>
        %swap3A_527 = vector.shape_cast %get3A_523 : vector<16xi32> to vector<16xi32>
        tpu.vector_store %arg9[%swap3A_524], %swap3A_527 {strides = array<i32>} : memref<128xi32, #tpu.memory_space<vmem>>, vector<16xi32>,
        %get3A_528 = arith.constant 1 : i32
        %get3A_529 = arith.index_cast %get3A_528 : i32 to index
        %get3A_530 = arith.constant 80 : index
        %get3A_531 = tpu.vector_load %arg6[%get3A_529, %get3A_530] {strides = array<i32>} : memref<2x128xi32, #tpu.memory_space<vmem>>, vector<1x16xi32>,
        %get3A_532 = vector.shape_cast %get3A_531 : vector<1x16xi32> to vector<16xi32>
        %swap3A_533 = arith.constant 80 : index
        %swap3A_534 = tpu.vector_load %arg9[%swap3A_533] {strides = array<i32>} : memref<128xi32, #tpu.memory_space<vmem>>, vector<16xi32>,
        %swap3A_535 = vector.shape_cast %swap3A_534 : vector<16xi32> to vector<16xi32>
        %swap3A_536 = vector.shape_cast %get3A_532 : vector<16xi32> to vector<16xi32>
        tpu.vector_store %arg9[%swap3A_533], %swap3A_536 {strides = array<i32>} : memref<128xi32, #tpu.memory_space<vmem>>, vector<16xi32>,
        %get3A_537 = arith.constant 1 : i32
        %get3A_538 = arith.index_cast %get3A_537 : i32 to index
        %get3A_539 = arith.constant 96 : index
        %get3A_540 = tpu.vector_load %arg6[%get3A_538, %get3A_539] {strides = array<i32>} : memref<2x128xi32, #tpu.memory_space<vmem>>, vector<1x16xi32>,
        %get3A_541 = vector.shape_cast %get3A_540 : vector<1x16xi32> to vector<16xi32>
        %swap3A_542 = arith.constant 96 : index
        %swap3A_543 = tpu.vector_load %arg9[%swap3A_542] {strides = array<i32>} : memref<128xi32, #tpu.memory_space<vmem>>, vector<16xi32>,
        %swap3A_544 = vector.shape_cast %swap3A_543 : vector<16xi32> to vector<16xi32>
        %swap3A_545 = vector.shape_cast %get3A_541 : vector<16xi32> to vector<16xi32>
        tpu.vector_store %arg9[%swap3A_542], %swap3A_545 {strides = array<i32>} : memref<128xi32, #tpu.memory_space<vmem>>, vector<16xi32>,
        %get3A_546 = arith.constant 1 : i32
        %get3A_547 = arith.index_cast %get3A_546 : i32 to index
        %get3A_548 = arith.constant 112 : index
        %get3A_549 = tpu.vector_load %arg6[%get3A_547, %get3A_548] {strides = array<i32>} : memref<2x128xi32, #tpu.memory_space<vmem>>, vector<1x16xi32>,
        %get3A_550 = vector.shape_cast %get3A_549 : vector<1x16xi32> to vector<16xi32>
        %swap3A_551 = arith.constant 112 : index
        %swap3A_552 = tpu.vector_load %arg9[%swap3A_551] {strides = array<i32>} : memref<128xi32, #tpu.memory_space<vmem>>, vector<16xi32>,
        %swap3A_553 = vector.shape_cast %swap3A_552 : vector<16xi32> to vector<16xi32>
        %swap3A_554 = vector.shape_cast %get3A_550 : vector<16xi32> to vector<16xi32>
        tpu.vector_store %arg9[%swap3A_551], %swap3A_554 {strides = array<i32>} : memref<128xi32, #tpu.memory_space<vmem>>, vector<16xi32>,
        %dma_start3A_555 = arith.constant 0 : i32
        %dma_start3A_556 = arith.constant 0 : i32
        %dma_start3A_557 = tpu.memref_slice %arg24[%dma_start3A_555, %dma_start3A_556] : memref<10000x128xf32, #tpu.memory_space<vmem_shared>> -> memref<10000x128xf32, #tpu.memory_space<vmem_shared>>
        tpu.enqueue_indirect_dma source(%arg12 : memref<128x128xf32, #tpu.memory_space<vmem>>) target(%dma_start3A_557 : memref<10000x128xf32, #tpu.memory_space<vmem_shared>>) offsets(%arg9 : memref<128xi32, #tpu.memory_space<vmem>>) semaphore(%arg21 : memref<!tpu.dma_semaphore, #tpu.memory_space<semaphore_mem>>) {add = true}
      } else {
      }
      %add3A_451 = arith.constant 2 : i32
      %add3A_452 = arith.addi %add3A_438, %add3A_451 : i32
      %lt3A_453 = arith.cmpi slt, %add3A_452, %select_n3A : i32
      %convert_element_type3A_454 = arith.extui %lt3A_453 : i1 to i32
      %cond3A_455 = arith.constant 0 : i32
      %cond3A_456 = arith.cmpi ne, %convert_element_type3A_454, %cond3A_455 : i32
      scf.if %cond3A_456 {
        %add3A_457 = arith.constant 2 : i32
        %add3A_458 = arith.addi %add3A_438, %add3A_457 : i32
        %dma_wait3A_459 = arith.constant 0 : i32
        %dma_wait3A_460 = arith.constant 0 : i32
        %dma_wait3A_461 = tpu.memref_slice %arg4[%dma_wait3A_459, %dma_wait3A_460] : memref<10000x128xf32, #tpu.memory_space<hbm>> -> memref<128x128xf32, #tpu.memory_space<hbm>>
        %dma_wait3A_462 = arith.constant 0 : i32
        %dma_wait3A_463 = arith.constant 0 : i32
        %dma_wait3A_464 = tpu.memref_slice %arg4[%dma_wait3A_462, %dma_wait3A_463] : memref<10000x128xf32, #tpu.memory_space<hbm>> -> memref<128x128xf32, #tpu.memory_space<hbm>>
        tpu.wait_dma2 semaphore(%arg23 : memref<!tpu.dma_semaphore, #tpu.memory_space<semaphore_mem>>) src(%dma_wait3A_464 : memref<128x128xf32, #tpu.memory_space<hbm>>) dst(%arg14 : memref<128x128xf32, #tpu.memory_space<vmem>>)
        %add3A_465 = arith.constant 2 : i32
        %add3A_466 = arith.addi %add3A_458, %add3A_465 : i32
        %lt3A_467 = arith.cmpi slt, %add3A_466, %select_n3A : i32
        %convert_element_type3A_468 = arith.extui %lt3A_467 : i1 to i32
        %cond3A_469 = arith.constant 0 : i32
        %cond3A_470 = arith.cmpi ne, %convert_element_type3A_468, %cond3A_469 : i32
        scf.if %cond3A_470 {
          %add3A_558 = arith.constant 2 : i32
          %add3A_559 = arith.addi %add3A_458, %add3A_558 : i32
          %mul3A_560 = arith.constant 32 : i32
          %mul3A_561 = arith.muli %mul3A_560, %add3A_559 : i32
          %add3A_562 = arith.addi %add3A, %mul3A_561 : i32
          %mul3A_563 = arith.constant 2 : i32
          %mul3A_564 = arith.muli %mul3A_563, %add3A_562 : i32
          %add3A_565 = arith.constant 0 : i32
          %add3A_566 = arith.addi %add3A_565, %mul3A_564 : i32
          %dma_start3A_567 = arith.constant 0 : i32
          %dma_start3A_568 = tpu.memref_slice %arg3[%add3A_566, %dma_start3A_567] : memref<5000x128xi32, #tpu.memory_space<hbm>> -> memref<2x128xi32, #tpu.memory_space<hbm>>
          %dma_start3A_569 = arith.constant 0 : i32
          %dma_start3A_570 = tpu.memref_slice %arg3[%add3A_566, %dma_start3A_569] : memref<5000x128xi32, #tpu.memory_space<hbm>> -> memref<2x128xi32, #tpu.memory_space<hbm>>
          tpu.enqueue_dma source(%dma_start3A_570 : memref<2x128xi32, #tpu.memory_space<hbm>>) target(%arg6 : memref<2x128xi32, #tpu.memory_space<vmem>>) target_semaphore(%arg15 : memref<!tpu.dma_semaphore, #tpu.memory_space<semaphore_mem>>)
        } else {
        }
        %add3A_471 = arith.constant 1 : i32
        %add3A_472 = arith.addi %add3A_458, %add3A_471 : i32
        %lt3A_473 = arith.cmpi slt, %add3A_472, %select_n3A : i32
        %convert_element_type3A_474 = arith.extui %lt3A_473 : i1 to i32
        %cond3A_475 = arith.constant 0 : i32
        %cond3A_476 = arith.cmpi ne, %convert_element_type3A_474, %cond3A_475 : i32
        scf.if %cond3A_476 {
          %dma_wait3A_558 = arith.constant 0 : i32
          %dma_wait3A_559 = arith.constant 0 : i32
          %dma_wait3A_560 = tpu.memref_slice %arg3[%dma_wait3A_558, %dma_wait3A_559] : memref<5000x128xi32, #tpu.memory_space<hbm>> -> memref<2x128xi32, #tpu.memory_space<hbm>>
          %dma_wait3A_561 = arith.constant 0 : i32
          %dma_wait3A_562 = arith.constant 0 : i32
          %dma_wait3A_563 = tpu.memref_slice %arg3[%dma_wait3A_561, %dma_wait3A_562] : memref<5000x128xi32, #tpu.memory_space<hbm>> -> memref<2x128xi32, #tpu.memory_space<hbm>>
          tpu.wait_dma2 semaphore(%arg17 : memref<!tpu.dma_semaphore, #tpu.memory_space<semaphore_mem>>) src(%dma_wait3A_563 : memref<2x128xi32, #tpu.memory_space<hbm>>) dst(%arg8 : memref<2x128xi32, #tpu.memory_space<vmem>>)
          %dma_start3A_564 = arith.constant 0 : i32
          %dma_start3A_565 = arith.constant 0 : i32
          %dma_start3A_566 = tpu.memref_slice %arg8[%dma_start3A_564, %dma_start3A_565] : memref<2x128xi32, #tpu.memory_space<vmem>> -> memref<1x128xi32, #tpu.memory_space<vmem>>
          %dma_start3A_567 = tpu.memref_squeeze %dma_start3A_566 : memref<1x128xi32, #tpu.memory_space<vmem>> -> memref<128xi32, #tpu.memory_space<vmem>>
          %dma_start3A_568 = arith.constant 0 : i32
          %dma_start3A_569 = arith.constant 0 : i32
          %dma_start3A_570 = tpu.memref_slice %arg2[%dma_start3A_568, %dma_start3A_569] : memref<10000x128xf32, #tpu.memory_space<hbm>> -> memref<10000x128xf32, #tpu.memory_space<hbm>>
          tpu.enqueue_indirect_dma source(%dma_start3A_570 : memref<10000x128xf32, #tpu.memory_space<hbm>>) target(%arg14 : memref<128x128xf32, #tpu.memory_space<vmem>>) offsets(%dma_start3A_567 : memref<128xi32, #tpu.memory_space<vmem>>) semaphore(%arg20 : memref<!tpu.dma_semaphore, #tpu.memory_space<semaphore_mem>>)
        } else {
        }
        %dma_wait3A_477 = arith.constant 0 : i32
        %dma_wait3A_478 = arith.constant 0 : i32
        %dma_wait3A_479 = tpu.memref_slice %arg4[%dma_wait3A_477, %dma_wait3A_478] : memref<10000x128xf32, #tpu.memory_space<hbm>> -> memref<128x128xf32, #tpu.memory_space<hbm>>
        %dma_wait3A_480 = arith.constant 0 : i32
        %dma_wait3A_481 = arith.constant 0 : i32
        %dma_wait3A_482 = tpu.memref_slice %arg4[%dma_wait3A_480, %dma_wait3A_481] : memref<10000x128xf32, #tpu.memory_space<hbm>> -> memref<128x128xf32, #tpu.memory_space<hbm>>
        tpu.wait_dma2 semaphore(%arg19 : memref<!tpu.dma_semaphore, #tpu.memory_space<semaphore_mem>>) src(%dma_wait3A_482 : memref<128x128xf32, #tpu.memory_space<hbm>>) dst(%arg13 : memref<128x128xf32, #tpu.memory_space<vmem>>)
        %get3A_483 = arith.constant 1 : i32
        %get3A_484 = arith.index_cast %get3A_483 : i32 to index
        %get3A_485 = arith.constant 0 : index
        %get3A_486 = tpu.vector_load %arg7[%get3A_484, %get3A_485] {strides = array<i32>} : memref<2x128xi32, #tpu.memory_space<vmem>>, vector<1x16xi32>,
        %get3A_487 = vector.shape_cast %get3A_486 : vector<1x16xi32> to vector<16xi32>
        %swap3A_488 = arith.constant 0 : index
        %swap3A_489 = tpu.vector_load %arg10[%swap3A_488] {strides = array<i32>} : memref<128xi32, #tpu.memory_space<vmem>>, vector<16xi32>,
        %swap3A_490 = vector.shape_cast %swap3A_489 : vector<16xi32> to vector<16xi32>
        %swap3A_491 = vector.shape_cast %get3A_487 : vector<16xi32> to vector<16xi32>
        tpu.vector_store %arg10[%swap3A_488], %swap3A_491 {strides = array<i32>} : memref<128xi32, #tpu.memory_space<vmem>>, vector<16xi32>,
        %get3A_492 = arith.constant 1 : i32
        %get3A_493 = arith.index_cast %get3A_492 : i32 to index
        %get3A_494 = arith.constant 16 : index
        %get3A_495 = tpu.vector_load %arg7[%get3A_493, %get3A_494] {strides = array<i32>} : memref<2x128xi32, #tpu.memory_space<vmem>>, vector<1x16xi32>,
        %get3A_496 = vector.shape_cast %get3A_495 : vector<1x16xi32> to vector<16xi32>
        %swap3A_497 = arith.constant 16 : index
        %swap3A_498 = tpu.vector_load %arg10[%swap3A_497] {strides = array<i32>} : memref<128xi32, #tpu.memory_space<vmem>>, vector<16xi32>,
        %swap3A_499 = vector.shape_cast %swap3A_498 : vector<16xi32> to vector<16xi32>
        %swap3A_500 = vector.shape_cast %get3A_496 : vector<16xi32> to vector<16xi32>
        tpu.vector_store %arg10[%swap3A_497], %swap3A_500 {strides = array<i32>} : memref<128xi32, #tpu.memory_space<vmem>>, vector<16xi32>,
        %get3A_501 = arith.constant 1 : i32
        %get3A_502 = arith.index_cast %get3A_501 : i32 to index
        %get3A_503 = arith.constant 32 : index
        %get3A_504 = tpu.vector_load %arg7[%get3A_502, %get3A_503] {strides = array<i32>} : memref<2x128xi32, #tpu.memory_space<vmem>>, vector<1x16xi32>,
        %get3A_505 = vector.shape_cast %get3A_504 : vector<1x16xi32> to vector<16xi32>
        %swap3A_506 = arith.constant 32 : index
        %swap3A_507 = tpu.vector_load %arg10[%swap3A_506] {strides = array<i32>} : memref<128xi32, #tpu.memory_space<vmem>>, vector<16xi32>,
        %swap3A_508 = vector.shape_cast %swap3A_507 : vector<16xi32> to vector<16xi32>
        %swap3A_509 = vector.shape_cast %get3A_505 : vector<16xi32> to vector<16xi32>
        tpu.vector_store %arg10[%swap3A_506], %swap3A_509 {strides = array<i32>} : memref<128xi32, #tpu.memory_space<vmem>>, vector<16xi32>,
        %get3A_510 = arith.constant 1 : i32
        %get3A_511 = arith.index_cast %get3A_510 : i32 to index
        %get3A_512 = arith.constant 48 : index
        %get3A_513 = tpu.vector_load %arg7[%get3A_511, %get3A_512] {strides = array<i32>} : memref<2x128xi32, #tpu.memory_space<vmem>>, vector<1x16xi32>,
        %get3A_514 = vector.shape_cast %get3A_513 : vector<1x16xi32> to vector<16xi32>
        %swap3A_515 = arith.constant 48 : index
        %swap3A_516 = tpu.vector_load %arg10[%swap3A_515] {strides = array<i32>} : memref<128xi32, #tpu.memory_space<vmem>>, vector<16xi32>,
        %swap3A_517 = vector.shape_cast %swap3A_516 : vector<16xi32> to vector<16xi32>
        %swap3A_518 = vector.shape_cast %get3A_514 : vector<16xi32> to vector<16xi32>
        tpu.vector_store %arg10[%swap3A_515], %swap3A_518 {strides = array<i32>} : memref<128xi32, #tpu.memory_space<vmem>>, vector<16xi32>,
        %get3A_519 = arith.constant 1 : i32
        %get3A_520 = arith.index_cast %get3A_519 : i32 to index
        %get3A_521 = arith.constant 64 : index
        %get3A_522 = tpu.vector_load %arg7[%get3A_520, %get3A_521] {strides = array<i32>} : memref<2x128xi32, #tpu.memory_space<vmem>>, vector<1x16xi32>,
        %get3A_523 = vector.shape_cast %get3A_522 : vector<1x16xi32> to vector<16xi32>
        %swap3A_524 = arith.constant 64 : index
        %swap3A_525 = tpu.vector_load %arg10[%swap3A_524] {strides = array<i32>} : memref<128xi32, #tpu.memory_space<vmem>>, vector<16xi32>,
        %swap3A_526 = vector.shape_cast %swap3A_525 : vector<16xi32> to vector<16xi32>
        %swap3A_527 = vector.shape_cast %get3A_523 : vector<16xi32> to vector<16xi32>
        tpu.vector_store %arg10[%swap3A_524], %swap3A_527 {strides = array<i32>} : memref<128xi32, #tpu.memory_space<vmem>>, vector<16xi32>,
        %get3A_528 = arith.constant 1 : i32
        %get3A_529 = arith.index_cast %get3A_528 : i32 to index
        %get3A_530 = arith.constant 80 : index
        %get3A_531 = tpu.vector_load %arg7[%get3A_529, %get3A_530] {strides = array<i32>} : memref<2x128xi32, #tpu.memory_space<vmem>>, vector<1x16xi32>,
        %get3A_532 = vector.shape_cast %get3A_531 : vector<1x16xi32> to vector<16xi32>
        %swap3A_533 = arith.constant 80 : index
        %swap3A_534 = tpu.vector_load %arg10[%swap3A_533] {strides = array<i32>} : memref<128xi32, #tpu.memory_space<vmem>>, vector<16xi32>,
        %swap3A_535 = vector.shape_cast %swap3A_534 : vector<16xi32> to vector<16xi32>
        %swap3A_536 = vector.shape_cast %get3A_532 : vector<16xi32> to vector<16xi32>
        tpu.vector_store %arg10[%swap3A_533], %swap3A_536 {strides = array<i32>} : memref<128xi32, #tpu.memory_space<vmem>>, vector<16xi32>,
        %get3A_537 = arith.constant 1 : i32
        %get3A_538 = arith.index_cast %get3A_537 : i32 to index
        %get3A_539 = arith.constant 96 : index
        %get3A_540 = tpu.vector_load %arg7[%get3A_538, %get3A_539] {strides = array<i32>} : memref<2x128xi32, #tpu.memory_space<vmem>>, vector<1x16xi32>,
        %get3A_541 = vector.shape_cast %get3A_540 : vector<1x16xi32> to vector<16xi32>
        %swap3A_542 = arith.constant 96 : index
        %swap3A_543 = tpu.vector_load %arg10[%swap3A_542] {strides = array<i32>} : memref<128xi32, #tpu.memory_space<vmem>>, vector<16xi32>,
        %swap3A_544 = vector.shape_cast %swap3A_543 : vector<16xi32> to vector<16xi32>
        %swap3A_545 = vector.shape_cast %get3A_541 : vector<16xi32> to vector<16xi32>
        tpu.vector_store %arg10[%swap3A_542], %swap3A_545 {strides = array<i32>} : memref<128xi32, #tpu.memory_space<vmem>>, vector<16xi32>,
        %get3A_546 = arith.constant 1 : i32
        %get3A_547 = arith.index_cast %get3A_546 : i32 to index
        %get3A_548 = arith.constant 112 : index
        %get3A_549 = tpu.vector_load %arg7[%get3A_547, %get3A_548] {strides = array<i32>} : memref<2x128xi32, #tpu.memory_space<vmem>>, vector<1x16xi32>,
        %get3A_550 = vector.shape_cast %get3A_549 : vector<1x16xi32> to vector<16xi32>
        %swap3A_551 = arith.constant 112 : index
        %swap3A_552 = tpu.vector_load %arg10[%swap3A_551] {strides = array<i32>} : memref<128xi32, #tpu.memory_space<vmem>>, vector<16xi32>,
        %swap3A_553 = vector.shape_cast %swap3A_552 : vector<16xi32> to vector<16xi32>
        %swap3A_554 = vector.shape_cast %get3A_550 : vector<16xi32> to vector<16xi32>
        tpu.vector_store %arg10[%swap3A_551], %swap3A_554 {strides = array<i32>} : memref<128xi32, #tpu.memory_space<vmem>>, vector<16xi32>,
        %dma_start3A_555 = arith.constant 0 : i32
        %dma_start3A_556 = arith.constant 0 : i32
        %dma_start3A_557 = tpu.memref_slice %arg24[%dma_start3A_555, %dma_start3A_556] : memref<10000x128xf32, #tpu.memory_space<vmem_shared>> -> memref<10000x128xf32, #tpu.memory_space<vmem_shared>>
        tpu.enqueue_indirect_dma source(%arg13 : memref<128x128xf32, #tpu.memory_space<vmem>>) target(%dma_start3A_557 : memref<10000x128xf32, #tpu.memory_space<vmem_shared>>) offsets(%arg10 : memref<128xi32, #tpu.memory_space<vmem>>) semaphore(%arg22 : memref<!tpu.dma_semaphore, #tpu.memory_space<semaphore_mem>>) {add = true}
      } else {
      }
    }
    %sub3A_283 = arith.constant 2 : i32
    %sub3A_284 = arith.subi %select_n3A, %sub3A_283 : i32
    %jit3A_285 = arith.constant 3 : i32
    %eq3A_286 = arith.constant 0 : i32
    %eq3A_287 = arith.cmpi eq, %jit3A_285, %eq3A_286 : i32
    %jit3A_288 = arith.constant 1 : i32
    %select_n3A_289 = arith.select %eq3A_287, %jit3A_288, %jit3A_285 : i32
    %rem3A_290 = arith.remsi %sub3A_284, %select_n3A_289 : i32
    %ne3A_291 = arith.constant 0 : i32
    %ne3A_292 = arith.cmpi ne, %rem3A_290, %ne3A_291 : i32
    %lt3A_293 = arith.constant 0 : i32
    %lt3A_294 = arith.cmpi slt, %rem3A_290, %lt3A_293 : i32
    %lt3A_295 = arith.constant 0 : i32
    %lt3A_296 = arith.cmpi slt, %select_n3A_289, %lt3A_295 : i32
    %ne3A_297 = arith.xori %lt3A_294, %lt3A_296 : i1
    %and3A_298 = arith.andi %ne3A_297, %ne3A_292 : i1
    %add3A_299 = arith.addi %rem3A_290, %select_n3A_289 : i32
    %select_n3A_300 = arith.select %and3A_298, %add3A_299, %rem3A_290 : i32
    %eq3A_301 = arith.constant 0 : i32
    %eq3A_302 = arith.cmpi eq, %select_n3A_300, %eq3A_301 : i32
    %convert_element_type3A_303 = arith.extui %eq3A_302 : i1 to i32
    %cond3A_304 = arith.constant 0 : i32
    %cond3A_305 = arith.cmpi ne, %convert_element_type3A_303, %cond3A_304 : i32
    scf.if %cond3A_305 {
      %dma_wait3A_432 = arith.constant 0 : i32
      %dma_wait3A_433 = arith.constant 0 : i32
      %dma_wait3A_434 = tpu.memref_slice %arg4[%dma_wait3A_432, %dma_wait3A_433] : memref<10000x128xf32, #tpu.memory_space<hbm>> -> memref<128x128xf32, #tpu.memory_space<hbm>>
      %dma_wait3A_435 = arith.constant 0 : i32
      %dma_wait3A_436 = arith.constant 0 : i32
      %dma_wait3A_437 = tpu.memref_slice %arg4[%dma_wait3A_435, %dma_wait3A_436] : memref<10000x128xf32, #tpu.memory_space<hbm>> -> memref<128x128xf32, #tpu.memory_space<hbm>>
      tpu.wait_dma2 semaphore(%arg21 : memref<!tpu.dma_semaphore, #tpu.memory_space<semaphore_mem>>) src(%dma_wait3A_437 : memref<128x128xf32, #tpu.memory_space<hbm>>) dst(%arg12 : memref<128x128xf32, #tpu.memory_space<vmem>>)
    } else {
    }
    %sub3A_306 = arith.constant 2 : i32
    %sub3A_307 = arith.subi %select_n3A, %sub3A_306 : i32
    %jit3A_308 = arith.constant 3 : i32
    %eq3A_309 = arith.constant 0 : i32
    %eq3A_310 = arith.cmpi eq, %jit3A_308, %eq3A_309 : i32
    %jit3A_311 = arith.constant 1 : i32
    %select_n3A_312 = arith.select %eq3A_310, %jit3A_311, %jit3A_308 : i32
    %rem3A_313 = arith.remsi %sub3A_307, %select_n3A_312 : i32
    %ne3A_314 = arith.constant 0 : i32
    %ne3A_315 = arith.cmpi ne, %rem3A_313, %ne3A_314 : i32
    %lt3A_316 = arith.constant 0 : i32
    %lt3A_317 = arith.cmpi slt, %rem3A_313, %lt3A_316 : i32
    %lt3A_318 = arith.constant 0 : i32
    %lt3A_319 = arith.cmpi slt, %select_n3A_312, %lt3A_318 : i32
    %ne3A_320 = arith.xori %lt3A_317, %lt3A_319 : i1
    %and3A_321 = arith.andi %ne3A_320, %ne3A_315 : i1
    %add3A_322 = arith.addi %rem3A_313, %select_n3A_312 : i32
    %select_n3A_323 = arith.select %and3A_321, %add3A_322, %rem3A_313 : i32
    %eq3A_324 = arith.constant 1 : i32
    %eq3A_325 = arith.cmpi eq, %select_n3A_323, %eq3A_324 : i32
    %convert_element_type3A_326 = arith.extui %eq3A_325 : i1 to i32
    %cond3A_327 = arith.constant 0 : i32
    %cond3A_328 = arith.cmpi ne, %convert_element_type3A_326, %cond3A_327 : i32
    scf.if %cond3A_328 {
      %dma_wait3A_432 = arith.constant 0 : i32
      %dma_wait3A_433 = arith.constant 0 : i32
      %dma_wait3A_434 = tpu.memref_slice %arg4[%dma_wait3A_432, %dma_wait3A_433] : memref<10000x128xf32, #tpu.memory_space<hbm>> -> memref<128x128xf32, #tpu.memory_space<hbm>>
      %dma_wait3A_435 = arith.constant 0 : i32
      %dma_wait3A_436 = arith.constant 0 : i32
      %dma_wait3A_437 = tpu.memref_slice %arg4[%dma_wait3A_435, %dma_wait3A_436] : memref<10000x128xf32, #tpu.memory_space<hbm>> -> memref<128x128xf32, #tpu.memory_space<hbm>>
      tpu.wait_dma2 semaphore(%arg22 : memref<!tpu.dma_semaphore, #tpu.memory_space<semaphore_mem>>) src(%dma_wait3A_437 : memref<128x128xf32, #tpu.memory_space<hbm>>) dst(%arg13 : memref<128x128xf32, #tpu.memory_space<vmem>>)
    } else {
    }
    %sub3A_329 = arith.constant 2 : i32
    %sub3A_330 = arith.subi %select_n3A, %sub3A_329 : i32
    %jit3A_331 = arith.constant 3 : i32
    %eq3A_332 = arith.constant 0 : i32
    %eq3A_333 = arith.cmpi eq, %jit3A_331, %eq3A_332 : i32
    %jit3A_334 = arith.constant 1 : i32
    %select_n3A_335 = arith.select %eq3A_333, %jit3A_334, %jit3A_331 : i32
    %rem3A_336 = arith.remsi %sub3A_330, %select_n3A_335 : i32
    %ne3A_337 = arith.constant 0 : i32
    %ne3A_338 = arith.cmpi ne, %rem3A_336, %ne3A_337 : i32
    %lt3A_339 = arith.constant 0 : i32
    %lt3A_340 = arith.cmpi slt, %rem3A_336, %lt3A_339 : i32
    %lt3A_341 = arith.constant 0 : i32
    %lt3A_342 = arith.cmpi slt, %select_n3A_335, %lt3A_341 : i32
    %ne3A_343 = arith.xori %lt3A_340, %lt3A_342 : i1
    %and3A_344 = arith.andi %ne3A_343, %ne3A_338 : i1
    %add3A_345 = arith.addi %rem3A_336, %select_n3A_335 : i32
    %select_n3A_346 = arith.select %and3A_344, %add3A_345, %rem3A_336 : i32
    %eq3A_347 = arith.constant 2 : i32
    %eq3A_348 = arith.cmpi eq, %select_n3A_346, %eq3A_347 : i32
    %convert_element_type3A_349 = arith.extui %eq3A_348 : i1 to i32
    %cond3A_350 = arith.constant 0 : i32
    %cond3A_351 = arith.cmpi ne, %convert_element_type3A_349, %cond3A_350 : i32
    scf.if %cond3A_351 {
      %dma_wait3A_432 = arith.constant 0 : i32
      %dma_wait3A_433 = arith.constant 0 : i32
      %dma_wait3A_434 = tpu.memref_slice %arg4[%dma_wait3A_432, %dma_wait3A_433] : memref<10000x128xf32, #tpu.memory_space<hbm>> -> memref<128x128xf32, #tpu.memory_space<hbm>>
      %dma_wait3A_435 = arith.constant 0 : i32
      %dma_wait3A_436 = arith.constant 0 : i32
      %dma_wait3A_437 = tpu.memref_slice %arg4[%dma_wait3A_435, %dma_wait3A_436] : memref<10000x128xf32, #tpu.memory_space<hbm>> -> memref<128x128xf32, #tpu.memory_space<hbm>>
      tpu.wait_dma2 semaphore(%arg23 : memref<!tpu.dma_semaphore, #tpu.memory_space<semaphore_mem>>) src(%dma_wait3A_437 : memref<128x128xf32, #tpu.memory_space<hbm>>) dst(%arg14 : memref<128x128xf32, #tpu.memory_space<vmem>>)
    } else {
    }
    %sub3A_352 = arith.constant 1 : i32
    %sub3A_353 = arith.subi %select_n3A, %sub3A_352 : i32
    %jit3A_354 = arith.constant 3 : i32
    %eq3A_355 = arith.constant 0 : i32
    %eq3A_356 = arith.cmpi eq, %jit3A_354, %eq3A_355 : i32
    %jit3A_357 = arith.constant 1 : i32
    %select_n3A_358 = arith.select %eq3A_356, %jit3A_357, %jit3A_354 : i32
    %rem3A_359 = arith.remsi %sub3A_353, %select_n3A_358 : i32
    %ne3A_360 = arith.constant 0 : i32
    %ne3A_361 = arith.cmpi ne, %rem3A_359, %ne3A_360 : i32
    %lt3A_362 = arith.constant 0 : i32
    %lt3A_363 = arith.cmpi slt, %rem3A_359, %lt3A_362 : i32
    %lt3A_364 = arith.constant 0 : i32
    %lt3A_365 = arith.cmpi slt, %select_n3A_358, %lt3A_364 : i32
    %ne3A_366 = arith.xori %lt3A_363, %lt3A_365 : i1
    %and3A_367 = arith.andi %ne3A_366, %ne3A_361 : i1
    %add3A_368 = arith.addi %rem3A_359, %select_n3A_358 : i32
    %select_n3A_369 = arith.select %and3A_367, %add3A_368, %rem3A_359 : i32
    %eq3A_370 = arith.constant 0 : i32
    %eq3A_371 = arith.cmpi eq, %select_n3A_369, %eq3A_370 : i32
    %convert_element_type3A_372 = arith.extui %eq3A_371 : i1 to i32
    %cond3A_373 = arith.constant 0 : i32
    %cond3A_374 = arith.cmpi ne, %convert_element_type3A_372, %cond3A_373 : i32
    scf.if %cond3A_374 {
      %dma_wait3A_432 = arith.constant 0 : i32
      %dma_wait3A_433 = arith.constant 0 : i32
      %dma_wait3A_434 = tpu.memref_slice %arg4[%dma_wait3A_432, %dma_wait3A_433] : memref<10000x128xf32, #tpu.memory_space<hbm>> -> memref<128x128xf32, #tpu.memory_space<hbm>>
      %dma_wait3A_435 = arith.constant 0 : i32
      %dma_wait3A_436 = arith.constant 0 : i32
      %dma_wait3A_437 = tpu.memref_slice %arg4[%dma_wait3A_435, %dma_wait3A_436] : memref<10000x128xf32, #tpu.memory_space<hbm>> -> memref<128x128xf32, #tpu.memory_space<hbm>>
      tpu.wait_dma2 semaphore(%arg21 : memref<!tpu.dma_semaphore, #tpu.memory_space<semaphore_mem>>) src(%dma_wait3A_437 : memref<128x128xf32, #tpu.memory_space<hbm>>) dst(%arg12 : memref<128x128xf32, #tpu.memory_space<vmem>>)
    } else {
    }
    %sub3A_375 = arith.constant 1 : i32
    %sub3A_376 = arith.subi %select_n3A, %sub3A_375 : i32
    %jit3A_377 = arith.constant 3 : i32
    %eq3A_378 = arith.constant 0 : i32
    %eq3A_379 = arith.cmpi eq, %jit3A_377, %eq3A_378 : i32
    %jit3A_380 = arith.constant 1 : i32
    %select_n3A_381 = arith.select %eq3A_379, %jit3A_380, %jit3A_377 : i32
    %rem3A_382 = arith.remsi %sub3A_376, %select_n3A_381 : i32
    %ne3A_383 = arith.constant 0 : i32
    %ne3A_384 = arith.cmpi ne, %rem3A_382, %ne3A_383 : i32
    %lt3A_385 = arith.constant 0 : i32
    %lt3A_386 = arith.cmpi slt, %rem3A_382, %lt3A_385 : i32
    %lt3A_387 = arith.constant 0 : i32
    %lt3A_388 = arith.cmpi slt, %select_n3A_381, %lt3A_387 : i32
    %ne3A_389 = arith.xori %lt3A_386, %lt3A_388 : i1
    %and3A_390 = arith.andi %ne3A_389, %ne3A_384 : i1
    %add3A_391 = arith.addi %rem3A_382, %select_n3A_381 : i32
    %select_n3A_392 = arith.select %and3A_390, %add3A_391, %rem3A_382 : i32
    %eq3A_393 = arith.constant 1 : i32
    %eq3A_394 = arith.cmpi eq, %select_n3A_392, %eq3A_393 : i32
    %convert_element_type3A_395 = arith.extui %eq3A_394 : i1 to i32
    %cond3A_396 = arith.constant 0 : i32
    %cond3A_397 = arith.cmpi ne, %convert_element_type3A_395, %cond3A_396 : i32
    scf.if %cond3A_397 {
      %dma_wait3A_432 = arith.constant 0 : i32
      %dma_wait3A_433 = arith.constant 0 : i32
      %dma_wait3A_434 = tpu.memref_slice %arg4[%dma_wait3A_432, %dma_wait3A_433] : memref<10000x128xf32, #tpu.memory_space<hbm>> -> memref<128x128xf32, #tpu.memory_space<hbm>>
      %dma_wait3A_435 = arith.constant 0 : i32
      %dma_wait3A_436 = arith.constant 0 : i32
      %dma_wait3A_437 = tpu.memref_slice %arg4[%dma_wait3A_435, %dma_wait3A_436] : memref<10000x128xf32, #tpu.memory_space<hbm>> -> memref<128x128xf32, #tpu.memory_space<hbm>>
      tpu.wait_dma2 semaphore(%arg22 : memref<!tpu.dma_semaphore, #tpu.memory_space<semaphore_mem>>) src(%dma_wait3A_437 : memref<128x128xf32, #tpu.memory_space<hbm>>) dst(%arg13 : memref<128x128xf32, #tpu.memory_space<vmem>>)
    } else {
    }
    %sub3A_398 = arith.constant 1 : i32
    %sub3A_399 = arith.subi %select_n3A, %sub3A_398 : i32
    %jit3A_400 = arith.constant 3 : i32
    %eq3A_401 = arith.constant 0 : i32
    %eq3A_402 = arith.cmpi eq, %jit3A_400, %eq3A_401 : i32
    %jit3A_403 = arith.constant 1 : i32
    %select_n3A_404 = arith.select %eq3A_402, %jit3A_403, %jit3A_400 : i32
    %rem3A_405 = arith.remsi %sub3A_399, %select_n3A_404 : i32
    %ne3A_406 = arith.constant 0 : i32
    %ne3A_407 = arith.cmpi ne, %rem3A_405, %ne3A_406 : i32
    %lt3A_408 = arith.constant 0 : i32
    %lt3A_409 = arith.cmpi slt, %rem3A_405, %lt3A_408 : i32
    %lt3A_410 = arith.constant 0 : i32
    %lt3A_411 = arith.cmpi slt, %select_n3A_404, %lt3A_410 : i32
    %ne3A_412 = arith.xori %lt3A_409, %lt3A_411 : i1
    %and3A_413 = arith.andi %ne3A_412, %ne3A_407 : i1
    %add3A_414 = arith.addi %rem3A_405, %select_n3A_404 : i32
    %select_n3A_415 = arith.select %and3A_413, %add3A_414, %rem3A_405 : i32
    %eq3A_416 = arith.constant 2 : i32
    %eq3A_417 = arith.cmpi eq, %select_n3A_415, %eq3A_416 : i32
    %convert_element_type3A_418 = arith.extui %eq3A_417 : i1 to i32
    %cond3A_419 = arith.constant 0 : i32
    %cond3A_420 = arith.cmpi ne, %convert_element_type3A_418, %cond3A_419 : i32
    scf.if %cond3A_420 {
      %dma_wait3A_432 = arith.constant 0 : i32
      %dma_wait3A_433 = arith.constant 0 : i32
      %dma_wait3A_434 = tpu.memref_slice %arg4[%dma_wait3A_432, %dma_wait3A_433] : memref<10000x128xf32, #tpu.memory_space<hbm>> -> memref<128x128xf32, #tpu.memory_space<hbm>>
      %dma_wait3A_435 = arith.constant 0 : i32
      %dma_wait3A_436 = arith.constant 0 : i32
      %dma_wait3A_437 = tpu.memref_slice %arg4[%dma_wait3A_435, %dma_wait3A_436] : memref<10000x128xf32, #tpu.memory_space<hbm>> -> memref<128x128xf32, #tpu.memory_space<hbm>>
      tpu.wait_dma2 semaphore(%arg23 : memref<!tpu.dma_semaphore, #tpu.memory_space<semaphore_mem>>) src(%dma_wait3A_437 : memref<128x128xf32, #tpu.memory_space<hbm>>) dst(%arg14 : memref<128x128xf32, #tpu.memory_space<vmem>>)
    } else {
    }
    %barrier3A_421 = arith.constant 0 : index
    tpu.barrier barrier_id(%barrier3A_421)
    %lt3A_422 = arith.constant 15 : i32
    %lt3A_423 = arith.cmpi slt, %arg1, %lt3A_422 : i32
    %convert_element_type3A_424 = arith.extui %lt3A_423 : i1 to i32
    %cond3A_425 = arith.constant 0 : i32
    %cond3A_426 = arith.cmpi ne, %convert_element_type3A_424, %cond3A_425 : i32
    scf.if %cond3A_426 {
      %mul3A_432 = arith.constant 632 : i32
      %mul3A_433 = arith.muli %arg1, %mul3A_432 : i32
      %mul3A_434 = arith.constant 10000 : i32
      %mul3A_435 = arith.muli %arg0, %mul3A_434 : i32
      %add3A_436 = arith.addi %mul3A_435, %mul3A_433 : i32
      "tpu.region"() ({
        %run_scoped3A = tpu.sem_alloc : memref<!tpu.dma_semaphore, #tpu.memory_space<semaphore_mem>>
        %dma_start3A_437 = arith.constant 0 : i32
        %dma_start3A_438 = tpu.memref_slice %arg5[%add3A_436, %dma_start3A_437] : memref<20000x128xf32, #tpu.memory_space<hbm>> -> memref<632x128xf32, #tpu.memory_space<hbm>>
        %dma_start3A_439 = arith.constant 0 : i32
        %dma_start3A_440 = tpu.memref_slice %arg24[%mul3A_433, %dma_start3A_439] : memref<10000x128xf32, #tpu.memory_space<vmem_shared>> -> memref<632x128xf32, #tpu.memory_space<vmem_shared>>
        tpu.enqueue_dma source(%dma_start3A_440 : memref<632x128xf32, #tpu.memory_space<vmem_shared>>) target(%dma_start3A_438 : memref<632x128xf32, #tpu.memory_space<hbm>>) target_semaphore(%run_scoped3A : memref<!tpu.dma_semaphore, #tpu.memory_space<semaphore_mem>>)
        %dma_wait3A_441 = arith.constant 0 : i32
        %dma_wait3A_442 = tpu.memref_slice %arg5[%add3A_436, %dma_wait3A_441] : memref<20000x128xf32, #tpu.memory_space<hbm>> -> memref<632x128xf32, #tpu.memory_space<hbm>>
        %dma_wait3A_443 = arith.constant 0 : i32
        %dma_wait3A_444 = tpu.memref_slice %arg24[%mul3A_433, %dma_wait3A_443] : memref<10000x128xf32, #tpu.memory_space<vmem_shared>> -> memref<632x128xf32, #tpu.memory_space<vmem_shared>>
        tpu.wait_dma2 semaphore(%run_scoped3A : memref<!tpu.dma_semaphore, #tpu.memory_space<semaphore_mem>>) src(%dma_wait3A_444 : memref<632x128xf32, #tpu.memory_space<vmem_shared>>) dst(%dma_wait3A_442 : memref<632x128xf32, #tpu.memory_space<hbm>>)
        tpu.yield
      }) : () -> ()
    } else {
    }
    %eq3A_427 = arith.constant 15 : i32
    %eq3A_428 = arith.cmpi eq, %arg1, %eq3A_427 : i32
    %convert_element_type3A_429 = arith.extui %eq3A_428 : i1 to i32
    %cond3A_430 = arith.constant 0 : i32
    %cond3A_431 = arith.cmpi ne, %convert_element_type3A_429, %cond3A_430 : i32
    scf.if %cond3A_431 {
      %mul3A_432 = arith.constant 10000 : i32
      %mul3A_433 = arith.muli %arg0, %mul3A_432 : i32
      %add3A_434 = arith.constant 9480 : i32
      %add3A_435 = arith.addi %mul3A_433, %add3A_434 : i32
      "tpu.region"() ({
        %run_scoped3A = tpu.sem_alloc : memref<!tpu.dma_semaphore, #tpu.memory_space<semaphore_mem>>
        %dma_start3A_436 = arith.constant 0 : i32
        %dma_start3A_437 = tpu.memref_slice %arg5[%add3A_435, %dma_start3A_436] : memref<20000x128xf32, #tpu.memory_space<hbm>> -> memref<520x128xf32, #tpu.memory_space<hbm>>
        %dma_start3A_438 = arith.constant 9480 : i32
        %dma_start3A_439 = arith.constant 0 : i32
        %dma_start3A_440 = tpu.memref_slice %arg24[%dma_start3A_438, %dma_start3A_439] : memref<10000x128xf32, #tpu.memory_space<vmem_shared>> -> memref<520x128xf32, #tpu.memory_space<vmem_shared>>
        tpu.enqueue_dma source(%dma_start3A_440 : memref<520x128xf32, #tpu.memory_space<vmem_shared>>) target(%dma_start3A_437 : memref<520x128xf32, #tpu.memory_space<hbm>>) target_semaphore(%run_scoped3A : memref<!tpu.dma_semaphore, #tpu.memory_space<semaphore_mem>>)
        %dma_wait3A_441 = arith.constant 0 : i32
        %dma_wait3A_442 = tpu.memref_slice %arg5[%add3A_435, %dma_wait3A_441] : memref<20000x128xf32, #tpu.memory_space<hbm>> -> memref<520x128xf32, #tpu.memory_space<hbm>>
        %dma_wait3A_443 = arith.constant 9480 : i32
        %dma_wait3A_444 = arith.constant 0 : i32
        %dma_wait3A_445 = tpu.memref_slice %arg24[%dma_wait3A_443, %dma_wait3A_444] : memref<10000x128xf32, #tpu.memory_space<vmem_shared>> -> memref<520x128xf32, #tpu.memory_space<vmem_shared>>
        tpu.wait_dma2 semaphore(%run_scoped3A : memref<!tpu.dma_semaphore, #tpu.memory_space<semaphore_mem>>) src(%dma_wait3A_445 : memref<520x128xf32, #tpu.memory_space<vmem_shared>>) dst(%dma_wait3A_442 : memref<520x128xf32, #tpu.memory_space<hbm>>)
        tpu.yield
      }) : () -> ()
    } else {
    }
    return
  }
}

#map = affine_map<(d0, d1) -> (0, 0, 0)>
#map1 = affine_map<(d0, d1) -> (0, 0)>
module attributes {stable_mosaic.version = 14 : i64} {
  func.func @_agg_body(%arg0: i32, %arg1: i32, %arg2: memref<2x10000x128xf32, #tpu.memory_space<hbm>>, %arg3: memref<5000x128xi32, #tpu.memory_space<hbm>>, %arg4: memref<10000x128xf32, #tpu.memory_space<hbm>>, %arg5: memref<20000x128xf32, #tpu.memory_space<hbm>>, %arg6: memref<2x128xi32, #tpu.memory_space<vmem>>, %arg7: memref<2x128xi32, #tpu.memory_space<vmem>>, %arg8: memref<2x128xi32, #tpu.memory_space<vmem>>, %arg9: memref<128xi32, #tpu.memory_space<vmem>>, %arg10: memref<128xi32, #tpu.memory_space<vmem>>, %arg11: memref<128xi32, #tpu.memory_space<vmem>>, %arg12: memref<128x128xf32, #tpu.memory_space<vmem>>, %arg13: memref<128x128xf32, #tpu.memory_space<vmem>>, %arg14: memref<128x128xf32, #tpu.memory_space<vmem>>, %arg15: memref<!tpu.dma_semaphore, #tpu.memory_space<semaphore_mem>>, %arg16: memref<!tpu.dma_semaphore, #tpu.memory_space<semaphore_mem>>, %arg17: memref<!tpu.dma_semaphore, #tpu.memory_space<semaphore_mem>>, %arg18: memref<!tpu.dma_semaphore, #tpu.memory_space<semaphore_mem>>, %arg19: memref<!tpu.dma_semaphore, #tpu.memory_space<semaphore_mem>>, %arg20: memref<!tpu.dma_semaphore, #tpu.memory_space<semaphore_mem>>, %arg21: memref<!tpu.dma_semaphore, #tpu.memory_space<semaphore_mem>>, %arg22: memref<!tpu.dma_semaphore, #tpu.memory_space<semaphore_mem>>, %arg23: memref<!tpu.dma_semaphore, #tpu.memory_space<semaphore_mem>>, %arg24: memref<10000x128xf32, #tpu.memory_space<vmem_shared>>) attributes {dimension_semantics = [#tpu.dimension_semantics<core_parallel>, #tpu.dimension_semantics<subcore_parallel>], iteration_bounds = array<i64: 2, 16>, scalar_prefetch = 0 : i64, scratch_operands = 19 : i64, tpu.core_type = #tpu.core_type<sc_vector_subcore>, window_params = [{transform_indices = #map}, {transform_indices = #map1}, {transform_indices = #map1}, {transform_indices = #map1}]} {
    %lt3A = arith.constant 15 : i32
    %lt3A_0 = arith.cmpi slt, %arg1, %lt3A : i32
    %convert_element_type3A = arith.extui %lt3A_0 : i1 to i32
    %cond3A = arith.constant 0 : i32
    %cond3A_1 = arith.cmpi ne, %convert_element_type3A, %cond3A : i32
    scf.if %cond3A_1 {
      %mul3A_441 = arith.constant 632 : i32
      %mul3A_442 = arith.muli %arg1, %mul3A_441 : i32
      "tpu.region"() ({
        %run_scoped3A = tpu.sem_alloc : memref<!tpu.dma_semaphore, #tpu.memory_space<semaphore_mem>>
        %dma_start3A_443 = arith.constant 0 : i32
        %dma_start3A_444 = tpu.memref_slice %arg24[%mul3A_442, %dma_start3A_443] : memref<10000x128xf32, #tpu.memory_space<vmem_shared>> -> memref<632x128xf32, #tpu.memory_space<vmem_shared>>
        %dma_start3A_445 = arith.constant 0 : i32
        %dma_start3A_446 = tpu.memref_slice %arg4[%mul3A_442, %dma_start3A_445] : memref<10000x128xf32, #tpu.memory_space<hbm>> -> memref<632x128xf32, #tpu.memory_space<hbm>>
        tpu.enqueue_dma source(%dma_start3A_446 : memref<632x128xf32, #tpu.memory_space<hbm>>) target(%dma_start3A_444 : memref<632x128xf32, #tpu.memory_space<vmem_shared>>) target_semaphore(%run_scoped3A : memref<!tpu.dma_semaphore, #tpu.memory_space<semaphore_mem>>)
        %dma_wait3A_447 = arith.constant 0 : i32
        %dma_wait3A_448 = tpu.memref_slice %arg24[%mul3A_442, %dma_wait3A_447] : memref<10000x128xf32, #tpu.memory_space<vmem_shared>> -> memref<632x128xf32, #tpu.memory_space<vmem_shared>>
        %dma_wait3A_449 = arith.constant 0 : i32
        %dma_wait3A_450 = tpu.memref_slice %arg4[%mul3A_442, %dma_wait3A_449] : memref<10000x128xf32, #tpu.memory_space<hbm>> -> memref<632x128xf32, #tpu.memory_space<hbm>>
        tpu.wait_dma2 semaphore(%run_scoped3A : memref<!tpu.dma_semaphore, #tpu.memory_space<semaphore_mem>>) src(%dma_wait3A_450 : memref<632x128xf32, #tpu.memory_space<hbm>>) dst(%dma_wait3A_448 : memref<632x128xf32, #tpu.memory_space<vmem_shared>>)
        tpu.yield
      }) : () -> ()
    } else {
    }
    %eq3A = arith.constant 15 : i32
    %eq3A_2 = arith.cmpi eq, %arg1, %eq3A : i32
    %convert_element_type3A_3 = arith.extui %eq3A_2 : i1 to i32
    %cond3A_4 = arith.constant 0 : i32
    %cond3A_5 = arith.cmpi ne, %convert_element_type3A_3, %cond3A_4 : i32
    scf.if %cond3A_5 {
      "tpu.region"() ({
        %run_scoped3A = tpu.sem_alloc : memref<!tpu.dma_semaphore, #tpu.memory_space<semaphore_mem>>
        %dma_start3A_441 = arith.constant 9480 : i32
        %dma_start3A_442 = arith.constant 0 : i32
        %dma_start3A_443 = tpu.memref_slice %arg24[%dma_start3A_441, %dma_start3A_442] : memref<10000x128xf32, #tpu.memory_space<vmem_shared>> -> memref<520x128xf32, #tpu.memory_space<vmem_shared>>
        %dma_start3A_444 = arith.constant 9480 : i32
        %dma_start3A_445 = arith.constant 0 : i32
        %dma_start3A_446 = tpu.memref_slice %arg4[%dma_start3A_444, %dma_start3A_445] : memref<10000x128xf32, #tpu.memory_space<hbm>> -> memref<520x128xf32, #tpu.memory_space<hbm>>
        tpu.enqueue_dma source(%dma_start3A_446 : memref<520x128xf32, #tpu.memory_space<hbm>>) target(%dma_start3A_443 : memref<520x128xf32, #tpu.memory_space<vmem_shared>>) target_semaphore(%run_scoped3A : memref<!tpu.dma_semaphore, #tpu.memory_space<semaphore_mem>>)
        %dma_wait3A_447 = arith.constant 9480 : i32
        %dma_wait3A_448 = arith.constant 0 : i32
        %dma_wait3A_449 = tpu.memref_slice %arg24[%dma_wait3A_447, %dma_wait3A_448] : memref<10000x128xf32, #tpu.memory_space<vmem_shared>> -> memref<520x128xf32, #tpu.memory_space<vmem_shared>>
        %dma_wait3A_450 = arith.constant 9480 : i32
        %dma_wait3A_451 = arith.constant 0 : i32
        %dma_wait3A_452 = tpu.memref_slice %arg4[%dma_wait3A_450, %dma_wait3A_451] : memref<10000x128xf32, #tpu.memory_space<hbm>> -> memref<520x128xf32, #tpu.memory_space<hbm>>
        tpu.wait_dma2 semaphore(%run_scoped3A : memref<!tpu.dma_semaphore, #tpu.memory_space<semaphore_mem>>) src(%dma_wait3A_452 : memref<520x128xf32, #tpu.memory_space<hbm>>) dst(%dma_wait3A_449 : memref<520x128xf32, #tpu.memory_space<vmem_shared>>)
        tpu.yield
      }) : () -> ()
    } else {
    }
    %barrier3A = arith.constant 0 : index
    tpu.barrier barrier_id(%barrier3A)
    %lt3A_6 = arith.constant 4 : i32
    %lt3A_7 = arith.cmpi slt, %arg1, %lt3A_6 : i32
    %jit3A = arith.constant 157 : i32
    %jit3A_8 = arith.constant 156 : i32
    %select_n3A = arith.select %lt3A_7, %jit3A, %jit3A_8 : i32
    %add3A = arith.constant 0 : i32
    %add3A_9 = arith.addi %arg1, %add3A : i32
    %mul3A = arith.constant 2 : i32
    %mul3A_10 = arith.muli %mul3A, %add3A_9 : i32
    %add3A_11 = arith.constant 0 : i32
    %add3A_12 = arith.addi %add3A_11, %mul3A_10 : i32
    %dma_start3A = arith.constant 0 : i32
    %dma_start3A_13 = tpu.memref_slice %arg3[%add3A_12, %dma_start3A] : memref<5000x128xi32, #tpu.memory_space<hbm>> -> memref<2x128xi32, #tpu.memory_space<hbm>>
    %dma_start3A_14 = arith.constant 0 : i32
    %dma_start3A_15 = tpu.memref_slice %arg3[%add3A_12, %dma_start3A_14] : memref<5000x128xi32, #tpu.memory_space<hbm>> -> memref<2x128xi32, #tpu.memory_space<hbm>>
    tpu.enqueue_dma source(%dma_start3A_15 : memref<2x128xi32, #tpu.memory_space<hbm>>) target(%arg6 : memref<2x128xi32, #tpu.memory_space<vmem>>) target_semaphore(%arg15 : memref<!tpu.dma_semaphore, #tpu.memory_space<semaphore_mem>>)
    %add3A_16 = arith.constant 16 : i32
    %add3A_17 = arith.addi %arg1, %add3A_16 : i32
    %mul3A_18 = arith.constant 2 : i32
    %mul3A_19 = arith.muli %mul3A_18, %add3A_17 : i32
    %add3A_20 = arith.constant 0 : i32
    %add3A_21 = arith.addi %add3A_20, %mul3A_19 : i32
    %dma_start3A_22 = arith.constant 0 : i32
    %dma_start3A_23 = tpu.memref_slice %arg3[%add3A_21, %dma_start3A_22] : memref<5000x128xi32, #tpu.memory_space<hbm>> -> memref<2x128xi32, #tpu.memory_space<hbm>>
    %dma_start3A_24 = arith.constant 0 : i32
    %dma_start3A_25 = tpu.memref_slice %arg3[%add3A_21, %dma_start3A_24] : memref<5000x128xi32, #tpu.memory_space<hbm>> -> memref<2x128xi32, #tpu.memory_space<hbm>>
    tpu.enqueue_dma source(%dma_start3A_25 : memref<2x128xi32, #tpu.memory_space<hbm>>) target(%arg7 : memref<2x128xi32, #tpu.memory_space<vmem>>) target_semaphore(%arg16 : memref<!tpu.dma_semaphore, #tpu.memory_space<semaphore_mem>>)
    %dma_wait3A = arith.constant 0 : i32
    %dma_wait3A_26 = arith.constant 0 : i32
    %dma_wait3A_27 = tpu.memref_slice %arg3[%dma_wait3A, %dma_wait3A_26] : memref<5000x128xi32, #tpu.memory_space<hbm>> -> memref<2x128xi32, #tpu.memory_space<hbm>>
    %dma_wait3A_28 = arith.constant 0 : i32
    %dma_wait3A_29 = arith.constant 0 : i32
    %dma_wait3A_30 = tpu.memref_slice %arg3[%dma_wait3A_28, %dma_wait3A_29] : memref<5000x128xi32, #tpu.memory_space<hbm>> -> memref<2x128xi32, #tpu.memory_space<hbm>>
    tpu.wait_dma2 semaphore(%arg15 : memref<!tpu.dma_semaphore, #tpu.memory_space<semaphore_mem>>) src(%dma_wait3A_30 : memref<2x128xi32, #tpu.memory_space<hbm>>) dst(%arg6 : memref<2x128xi32, #tpu.memory_space<vmem>>)
    %dma_start3A_31 = arith.constant 0 : i32
    %dma_start3A_32 = arith.constant 0 : i32
    %dma_start3A_33 = tpu.memref_slice %arg6[%dma_start3A_31, %dma_start3A_32] : memref<2x128xi32, #tpu.memory_space<vmem>> -> memref<1x128xi32, #tpu.memory_space<vmem>>
    %dma_start3A_34 = tpu.memref_squeeze %dma_start3A_33 : memref<1x128xi32, #tpu.memory_space<vmem>> -> memref<128xi32, #tpu.memory_space<vmem>>
    %dma_start3A_35 = arith.constant 0 : i32
    %dma_start3A_36 = arith.constant 0 : i32
    %dma_start3A_37 = tpu.memref_slice %arg2[%arg0, %dma_start3A_35, %dma_start3A_36] : memref<2x10000x128xf32, #tpu.memory_space<hbm>> -> memref<1x10000x128xf32, #tpu.memory_space<hbm>>
    %dma_start3A_38 = tpu.memref_squeeze %dma_start3A_37 : memref<1x10000x128xf32, #tpu.memory_space<hbm>> -> memref<10000x128xf32, #tpu.memory_space<hbm>>
    %dma_start3A_39 = arith.constant 0 : i32
    %dma_start3A_40 = arith.constant 0 : i32
    %dma_start3A_41 = tpu.memref_slice %dma_start3A_38[%dma_start3A_39, %dma_start3A_40] : memref<10000x128xf32, #tpu.memory_space<hbm>> -> memref<10000x128xf32, #tpu.memory_space<hbm>>
    tpu.enqueue_indirect_dma source(%dma_start3A_41 : memref<10000x128xf32, #tpu.memory_space<hbm>>) target(%arg12 : memref<128x128xf32, #tpu.memory_space<vmem>>) offsets(%dma_start3A_34 : memref<128xi32, #tpu.memory_space<vmem>>) semaphore(%arg18 : memref<!tpu.dma_semaphore, #tpu.memory_space<semaphore_mem>>)
    %add3A_42 = arith.constant 32 : i32
    %add3A_43 = arith.addi %arg1, %add3A_42 : i32
    %mul3A_44 = arith.constant 2 : i32
    %mul3A_45 = arith.muli %mul3A_44, %add3A_43 : i32
    %add3A_46 = arith.constant 0 : i32
    %add3A_47 = arith.addi %add3A_46, %mul3A_45 : i32
    %dma_start3A_48 = arith.constant 0 : i32
    %dma_start3A_49 = tpu.memref_slice %arg3[%add3A_47, %dma_start3A_48] : memref<5000x128xi32, #tpu.memory_space<hbm>> -> memref<2x128xi32, #tpu.memory_space<hbm>>
    %dma_start3A_50 = arith.constant 0 : i32
    %dma_start3A_51 = tpu.memref_slice %arg3[%add3A_47, %dma_start3A_50] : memref<5000x128xi32, #tpu.memory_space<hbm>> -> memref<2x128xi32, #tpu.memory_space<hbm>>
    tpu.enqueue_dma source(%dma_start3A_51 : memref<2x128xi32, #tpu.memory_space<hbm>>) target(%arg8 : memref<2x128xi32, #tpu.memory_space<vmem>>) target_semaphore(%arg17 : memref<!tpu.dma_semaphore, #tpu.memory_space<semaphore_mem>>)
    %dma_wait3A_52 = arith.constant 0 : i32
    %dma_wait3A_53 = arith.constant 0 : i32
    %dma_wait3A_54 = tpu.memref_slice %arg3[%dma_wait3A_52, %dma_wait3A_53] : memref<5000x128xi32, #tpu.memory_space<hbm>> -> memref<2x128xi32, #tpu.memory_space<hbm>>
    %dma_wait3A_55 = arith.constant 0 : i32
    %dma_wait3A_56 = arith.constant 0 : i32
    %dma_wait3A_57 = tpu.memref_slice %arg3[%dma_wait3A_55, %dma_wait3A_56] : memref<5000x128xi32, #tpu.memory_space<hbm>> -> memref<2x128xi32, #tpu.memory_space<hbm>>
    tpu.wait_dma2 semaphore(%arg16 : memref<!tpu.dma_semaphore, #tpu.memory_space<semaphore_mem>>) src(%dma_wait3A_57 : memref<2x128xi32, #tpu.memory_space<hbm>>) dst(%arg7 : memref<2x128xi32, #tpu.memory_space<vmem>>)
    %dma_start3A_58 = arith.constant 0 : i32
    %dma_start3A_59 = arith.constant 0 : i32
    %dma_start3A_60 = tpu.memref_slice %arg7[%dma_start3A_58, %dma_start3A_59] : memref<2x128xi32, #tpu.memory_space<vmem>> -> memref<1x128xi32, #tpu.memory_space<vmem>>
    %dma_start3A_61 = tpu.memref_squeeze %dma_start3A_60 : memref<1x128xi32, #tpu.memory_space<vmem>> -> memref<128xi32, #tpu.memory_space<vmem>>
    %dma_start3A_62 = arith.constant 0 : i32
    %dma_start3A_63 = arith.constant 0 : i32
    %dma_start3A_64 = tpu.memref_slice %arg2[%arg0, %dma_start3A_62, %dma_start3A_63] : memref<2x10000x128xf32, #tpu.memory_space<hbm>> -> memref<1x10000x128xf32, #tpu.memory_space<hbm>>
    %dma_start3A_65 = tpu.memref_squeeze %dma_start3A_64 : memref<1x10000x128xf32, #tpu.memory_space<hbm>> -> memref<10000x128xf32, #tpu.memory_space<hbm>>
    %dma_start3A_66 = arith.constant 0 : i32
    %dma_start3A_67 = arith.constant 0 : i32
    %dma_start3A_68 = tpu.memref_slice %dma_start3A_65[%dma_start3A_66, %dma_start3A_67] : memref<10000x128xf32, #tpu.memory_space<hbm>> -> memref<10000x128xf32, #tpu.memory_space<hbm>>
    tpu.enqueue_indirect_dma source(%dma_start3A_68 : memref<10000x128xf32, #tpu.memory_space<hbm>>) target(%arg13 : memref<128x128xf32, #tpu.memory_space<vmem>>) offsets(%dma_start3A_61 : memref<128xi32, #tpu.memory_space<vmem>>) semaphore(%arg19 : memref<!tpu.dma_semaphore, #tpu.memory_space<semaphore_mem>>)
    %dma_wait3A_69 = arith.constant 0 : i32
    %dma_wait3A_70 = arith.constant 0 : i32
    %dma_wait3A_71 = tpu.memref_slice %arg4[%dma_wait3A_69, %dma_wait3A_70] : memref<10000x128xf32, #tpu.memory_space<hbm>> -> memref<128x128xf32, #tpu.memory_space<hbm>>
    %dma_wait3A_72 = arith.constant 0 : i32
    %dma_wait3A_73 = arith.constant 0 : i32
    %dma_wait3A_74 = tpu.memref_slice %arg4[%dma_wait3A_72, %dma_wait3A_73] : memref<10000x128xf32, #tpu.memory_space<hbm>> -> memref<128x128xf32, #tpu.memory_space<hbm>>
    tpu.wait_dma2 semaphore(%arg18 : memref<!tpu.dma_semaphore, #tpu.memory_space<semaphore_mem>>) src(%dma_wait3A_74 : memref<128x128xf32, #tpu.memory_space<hbm>>) dst(%arg12 : memref<128x128xf32, #tpu.memory_space<vmem>>)
    %get3A = arith.constant 1 : i32
    %get3A_75 = arith.index_cast %get3A : i32 to index
    %get3A_76 = arith.constant 0 : index
    %get3A_77 = tpu.vector_load %arg6[%get3A_75, %get3A_76] {strides = array<i32>} : memref<2x128xi32, #tpu.memory_space<vmem>>, vector<1x16xi32>,
    %get3A_78 = vector.shape_cast %get3A_77 : vector<1x16xi32> to vector<16xi32>
    %swap3A = arith.constant 0 : index
    %swap3A_79 = tpu.vector_load %arg9[%swap3A] {strides = array<i32>} : memref<128xi32, #tpu.memory_space<vmem>>, vector<16xi32>,
    %swap3A_80 = vector.shape_cast %swap3A_79 : vector<16xi32> to vector<16xi32>
    %swap3A_81 = vector.shape_cast %get3A_78 : vector<16xi32> to vector<16xi32>
    tpu.vector_store %arg9[%swap3A], %swap3A_81 {strides = array<i32>} : memref<128xi32, #tpu.memory_space<vmem>>, vector<16xi32>,
    %get3A_82 = arith.constant 1 : i32
    %get3A_83 = arith.index_cast %get3A_82 : i32 to index
    %get3A_84 = arith.constant 16 : index
    %get3A_85 = tpu.vector_load %arg6[%get3A_83, %get3A_84] {strides = array<i32>} : memref<2x128xi32, #tpu.memory_space<vmem>>, vector<1x16xi32>,
    %get3A_86 = vector.shape_cast %get3A_85 : vector<1x16xi32> to vector<16xi32>
    %swap3A_87 = arith.constant 16 : index
    %swap3A_88 = tpu.vector_load %arg9[%swap3A_87] {strides = array<i32>} : memref<128xi32, #tpu.memory_space<vmem>>, vector<16xi32>,
    %swap3A_89 = vector.shape_cast %swap3A_88 : vector<16xi32> to vector<16xi32>
    %swap3A_90 = vector.shape_cast %get3A_86 : vector<16xi32> to vector<16xi32>
    tpu.vector_store %arg9[%swap3A_87], %swap3A_90 {strides = array<i32>} : memref<128xi32, #tpu.memory_space<vmem>>, vector<16xi32>,
    %get3A_91 = arith.constant 1 : i32
    %get3A_92 = arith.index_cast %get3A_91 : i32 to index
    %get3A_93 = arith.constant 32 : index
    %get3A_94 = tpu.vector_load %arg6[%get3A_92, %get3A_93] {strides = array<i32>} : memref<2x128xi32, #tpu.memory_space<vmem>>, vector<1x16xi32>,
    %get3A_95 = vector.shape_cast %get3A_94 : vector<1x16xi32> to vector<16xi32>
    %swap3A_96 = arith.constant 32 : index
    %swap3A_97 = tpu.vector_load %arg9[%swap3A_96] {strides = array<i32>} : memref<128xi32, #tpu.memory_space<vmem>>, vector<16xi32>,
    %swap3A_98 = vector.shape_cast %swap3A_97 : vector<16xi32> to vector<16xi32>
    %swap3A_99 = vector.shape_cast %get3A_95 : vector<16xi32> to vector<16xi32>
    tpu.vector_store %arg9[%swap3A_96], %swap3A_99 {strides = array<i32>} : memref<128xi32, #tpu.memory_space<vmem>>, vector<16xi32>,
    %get3A_100 = arith.constant 1 : i32
    %get3A_101 = arith.index_cast %get3A_100 : i32 to index
    %get3A_102 = arith.constant 48 : index
    %get3A_103 = tpu.vector_load %arg6[%get3A_101, %get3A_102] {strides = array<i32>} : memref<2x128xi32, #tpu.memory_space<vmem>>, vector<1x16xi32>,
    %get3A_104 = vector.shape_cast %get3A_103 : vector<1x16xi32> to vector<16xi32>
    %swap3A_105 = arith.constant 48 : index
    %swap3A_106 = tpu.vector_load %arg9[%swap3A_105] {strides = array<i32>} : memref<128xi32, #tpu.memory_space<vmem>>, vector<16xi32>,
    %swap3A_107 = vector.shape_cast %swap3A_106 : vector<16xi32> to vector<16xi32>
    %swap3A_108 = vector.shape_cast %get3A_104 : vector<16xi32> to vector<16xi32>
    tpu.vector_store %arg9[%swap3A_105], %swap3A_108 {strides = array<i32>} : memref<128xi32, #tpu.memory_space<vmem>>, vector<16xi32>,
    %get3A_109 = arith.constant 1 : i32
    %get3A_110 = arith.index_cast %get3A_109 : i32 to index
    %get3A_111 = arith.constant 64 : index
    %get3A_112 = tpu.vector_load %arg6[%get3A_110, %get3A_111] {strides = array<i32>} : memref<2x128xi32, #tpu.memory_space<vmem>>, vector<1x16xi32>,
    %get3A_113 = vector.shape_cast %get3A_112 : vector<1x16xi32> to vector<16xi32>
    %swap3A_114 = arith.constant 64 : index
    %swap3A_115 = tpu.vector_load %arg9[%swap3A_114] {strides = array<i32>} : memref<128xi32, #tpu.memory_space<vmem>>, vector<16xi32>,
    %swap3A_116 = vector.shape_cast %swap3A_115 : vector<16xi32> to vector<16xi32>
    %swap3A_117 = vector.shape_cast %get3A_113 : vector<16xi32> to vector<16xi32>
    tpu.vector_store %arg9[%swap3A_114], %swap3A_117 {strides = array<i32>} : memref<128xi32, #tpu.memory_space<vmem>>, vector<16xi32>,
    %get3A_118 = arith.constant 1 : i32
    %get3A_119 = arith.index_cast %get3A_118 : i32 to index
    %get3A_120 = arith.constant 80 : index
    %get3A_121 = tpu.vector_load %arg6[%get3A_119, %get3A_120] {strides = array<i32>} : memref<2x128xi32, #tpu.memory_space<vmem>>, vector<1x16xi32>,
    %get3A_122 = vector.shape_cast %get3A_121 : vector<1x16xi32> to vector<16xi32>
    %swap3A_123 = arith.constant 80 : index
    %swap3A_124 = tpu.vector_load %arg9[%swap3A_123] {strides = array<i32>} : memref<128xi32, #tpu.memory_space<vmem>>, vector<16xi32>,
    %swap3A_125 = vector.shape_cast %swap3A_124 : vector<16xi32> to vector<16xi32>
    %swap3A_126 = vector.shape_cast %get3A_122 : vector<16xi32> to vector<16xi32>
    tpu.vector_store %arg9[%swap3A_123], %swap3A_126 {strides = array<i32>} : memref<128xi32, #tpu.memory_space<vmem>>, vector<16xi32>,
    %get3A_127 = arith.constant 1 : i32
    %get3A_128 = arith.index_cast %get3A_127 : i32 to index
    %get3A_129 = arith.constant 96 : index
    %get3A_130 = tpu.vector_load %arg6[%get3A_128, %get3A_129] {strides = array<i32>} : memref<2x128xi32, #tpu.memory_space<vmem>>, vector<1x16xi32>,
    %get3A_131 = vector.shape_cast %get3A_130 : vector<1x16xi32> to vector<16xi32>
    %swap3A_132 = arith.constant 96 : index
    %swap3A_133 = tpu.vector_load %arg9[%swap3A_132] {strides = array<i32>} : memref<128xi32, #tpu.memory_space<vmem>>, vector<16xi32>,
    %swap3A_134 = vector.shape_cast %swap3A_133 : vector<16xi32> to vector<16xi32>
    %swap3A_135 = vector.shape_cast %get3A_131 : vector<16xi32> to vector<16xi32>
    tpu.vector_store %arg9[%swap3A_132], %swap3A_135 {strides = array<i32>} : memref<128xi32, #tpu.memory_space<vmem>>, vector<16xi32>,
    %get3A_136 = arith.constant 1 : i32
    %get3A_137 = arith.index_cast %get3A_136 : i32 to index
    %get3A_138 = arith.constant 112 : index
    %get3A_139 = tpu.vector_load %arg6[%get3A_137, %get3A_138] {strides = array<i32>} : memref<2x128xi32, #tpu.memory_space<vmem>>, vector<1x16xi32>,
    %get3A_140 = vector.shape_cast %get3A_139 : vector<1x16xi32> to vector<16xi32>
    %swap3A_141 = arith.constant 112 : index
    %swap3A_142 = tpu.vector_load %arg9[%swap3A_141] {strides = array<i32>} : memref<128xi32, #tpu.memory_space<vmem>>, vector<16xi32>,
    %swap3A_143 = vector.shape_cast %swap3A_142 : vector<16xi32> to vector<16xi32>
    %swap3A_144 = vector.shape_cast %get3A_140 : vector<16xi32> to vector<16xi32>
    tpu.vector_store %arg9[%swap3A_141], %swap3A_144 {strides = array<i32>} : memref<128xi32, #tpu.memory_space<vmem>>, vector<16xi32>,
    %dma_start3A_145 = arith.constant 0 : i32
    %dma_start3A_146 = arith.constant 0 : i32
    %dma_start3A_147 = tpu.memref_slice %arg24[%dma_start3A_145, %dma_start3A_146] : memref<10000x128xf32, #tpu.memory_space<vmem_shared>> -> memref<10000x128xf32, #tpu.memory_space<vmem_shared>>
    tpu.enqueue_indirect_dma source(%arg12 : memref<128x128xf32, #tpu.memory_space<vmem>>) target(%dma_start3A_147 : memref<10000x128xf32, #tpu.memory_space<vmem_shared>>) offsets(%arg9 : memref<128xi32, #tpu.memory_space<vmem>>) semaphore(%arg21 : memref<!tpu.dma_semaphore, #tpu.memory_space<semaphore_mem>>) {add = true}
    %add3A_148 = arith.constant 48 : i32
    %add3A_149 = arith.addi %arg1, %add3A_148 : i32
    %mul3A_150 = arith.constant 2 : i32
    %mul3A_151 = arith.muli %mul3A_150, %add3A_149 : i32
    %add3A_152 = arith.constant 0 : i32
    %add3A_153 = arith.addi %add3A_152, %mul3A_151 : i32
    %dma_start3A_154 = arith.constant 0 : i32
    %dma_start3A_155 = tpu.memref_slice %arg3[%add3A_153, %dma_start3A_154] : memref<5000x128xi32, #tpu.memory_space<hbm>> -> memref<2x128xi32, #tpu.memory_space<hbm>>
    %dma_start3A_156 = arith.constant 0 : i32
    %dma_start3A_157 = tpu.memref_slice %arg3[%add3A_153, %dma_start3A_156] : memref<5000x128xi32, #tpu.memory_space<hbm>> -> memref<2x128xi32, #tpu.memory_space<hbm>>
    tpu.enqueue_dma source(%dma_start3A_157 : memref<2x128xi32, #tpu.memory_space<hbm>>) target(%arg6 : memref<2x128xi32, #tpu.memory_space<vmem>>) target_semaphore(%arg15 : memref<!tpu.dma_semaphore, #tpu.memory_space<semaphore_mem>>)
    %dma_wait3A_158 = arith.constant 0 : i32
    %dma_wait3A_159 = arith.constant 0 : i32
    %dma_wait3A_160 = tpu.memref_slice %arg3[%dma_wait3A_158, %dma_wait3A_159] : memref<5000x128xi32, #tpu.memory_space<hbm>> -> memref<2x128xi32, #tpu.memory_space<hbm>>
    %dma_wait3A_161 = arith.constant 0 : i32
    %dma_wait3A_162 = arith.constant 0 : i32
    %dma_wait3A_163 = tpu.memref_slice %arg3[%dma_wait3A_161, %dma_wait3A_162] : memref<5000x128xi32, #tpu.memory_space<hbm>> -> memref<2x128xi32, #tpu.memory_space<hbm>>
    tpu.wait_dma2 semaphore(%arg17 : memref<!tpu.dma_semaphore, #tpu.memory_space<semaphore_mem>>) src(%dma_wait3A_163 : memref<2x128xi32, #tpu.memory_space<hbm>>) dst(%arg8 : memref<2x128xi32, #tpu.memory_space<vmem>>)
    %dma_start3A_164 = arith.constant 0 : i32
    %dma_start3A_165 = arith.constant 0 : i32
    %dma_start3A_166 = tpu.memref_slice %arg8[%dma_start3A_164, %dma_start3A_165] : memref<2x128xi32, #tpu.memory_space<vmem>> -> memref<1x128xi32, #tpu.memory_space<vmem>>
    %dma_start3A_167 = tpu.memref_squeeze %dma_start3A_166 : memref<1x128xi32, #tpu.memory_space<vmem>> -> memref<128xi32, #tpu.memory_space<vmem>>
    %dma_start3A_168 = arith.constant 0 : i32
    %dma_start3A_169 = arith.constant 0 : i32
    %dma_start3A_170 = tpu.memref_slice %arg2[%arg0, %dma_start3A_168, %dma_start3A_169] : memref<2x10000x128xf32, #tpu.memory_space<hbm>> -> memref<1x10000x128xf32, #tpu.memory_space<hbm>>
    %dma_start3A_171 = tpu.memref_squeeze %dma_start3A_170 : memref<1x10000x128xf32, #tpu.memory_space<hbm>> -> memref<10000x128xf32, #tpu.memory_space<hbm>>
    %dma_start3A_172 = arith.constant 0 : i32
    %dma_start3A_173 = arith.constant 0 : i32
    %dma_start3A_174 = tpu.memref_slice %dma_start3A_171[%dma_start3A_172, %dma_start3A_173] : memref<10000x128xf32, #tpu.memory_space<hbm>> -> memref<10000x128xf32, #tpu.memory_space<hbm>>
    tpu.enqueue_indirect_dma source(%dma_start3A_174 : memref<10000x128xf32, #tpu.memory_space<hbm>>) target(%arg14 : memref<128x128xf32, #tpu.memory_space<vmem>>) offsets(%dma_start3A_167 : memref<128xi32, #tpu.memory_space<vmem>>) semaphore(%arg20 : memref<!tpu.dma_semaphore, #tpu.memory_space<semaphore_mem>>)
    %dma_wait3A_175 = arith.constant 0 : i32
    %dma_wait3A_176 = arith.constant 0 : i32
    %dma_wait3A_177 = tpu.memref_slice %arg4[%dma_wait3A_175, %dma_wait3A_176] : memref<10000x128xf32, #tpu.memory_space<hbm>> -> memref<128x128xf32, #tpu.memory_space<hbm>>
    %dma_wait3A_178 = arith.constant 0 : i32
    %dma_wait3A_179 = arith.constant 0 : i32
    %dma_wait3A_180 = tpu.memref_slice %arg4[%dma_wait3A_178, %dma_wait3A_179] : memref<10000x128xf32, #tpu.memory_space<hbm>> -> memref<128x128xf32, #tpu.memory_space<hbm>>
    tpu.wait_dma2 semaphore(%arg19 : memref<!tpu.dma_semaphore, #tpu.memory_space<semaphore_mem>>) src(%dma_wait3A_180 : memref<128x128xf32, #tpu.memory_space<hbm>>) dst(%arg13 : memref<128x128xf32, #tpu.memory_space<vmem>>)
    %get3A_181 = arith.constant 1 : i32
    %get3A_182 = arith.index_cast %get3A_181 : i32 to index
    %get3A_183 = arith.constant 0 : index
    %get3A_184 = tpu.vector_load %arg7[%get3A_182, %get3A_183] {strides = array<i32>} : memref<2x128xi32, #tpu.memory_space<vmem>>, vector<1x16xi32>,
    %get3A_185 = vector.shape_cast %get3A_184 : vector<1x16xi32> to vector<16xi32>
    %swap3A_186 = arith.constant 0 : index
    %swap3A_187 = tpu.vector_load %arg10[%swap3A_186] {strides = array<i32>} : memref<128xi32, #tpu.memory_space<vmem>>, vector<16xi32>,
    %swap3A_188 = vector.shape_cast %swap3A_187 : vector<16xi32> to vector<16xi32>
    %swap3A_189 = vector.shape_cast %get3A_185 : vector<16xi32> to vector<16xi32>
    tpu.vector_store %arg10[%swap3A_186], %swap3A_189 {strides = array<i32>} : memref<128xi32, #tpu.memory_space<vmem>>, vector<16xi32>,
    %get3A_190 = arith.constant 1 : i32
    %get3A_191 = arith.index_cast %get3A_190 : i32 to index
    %get3A_192 = arith.constant 16 : index
    %get3A_193 = tpu.vector_load %arg7[%get3A_191, %get3A_192] {strides = array<i32>} : memref<2x128xi32, #tpu.memory_space<vmem>>, vector<1x16xi32>,
    %get3A_194 = vector.shape_cast %get3A_193 : vector<1x16xi32> to vector<16xi32>
    %swap3A_195 = arith.constant 16 : index
    %swap3A_196 = tpu.vector_load %arg10[%swap3A_195] {strides = array<i32>} : memref<128xi32, #tpu.memory_space<vmem>>, vector<16xi32>,
    %swap3A_197 = vector.shape_cast %swap3A_196 : vector<16xi32> to vector<16xi32>
    %swap3A_198 = vector.shape_cast %get3A_194 : vector<16xi32> to vector<16xi32>
    tpu.vector_store %arg10[%swap3A_195], %swap3A_198 {strides = array<i32>} : memref<128xi32, #tpu.memory_space<vmem>>, vector<16xi32>,
    %get3A_199 = arith.constant 1 : i32
    %get3A_200 = arith.index_cast %get3A_199 : i32 to index
    %get3A_201 = arith.constant 32 : index
    %get3A_202 = tpu.vector_load %arg7[%get3A_200, %get3A_201] {strides = array<i32>} : memref<2x128xi32, #tpu.memory_space<vmem>>, vector<1x16xi32>,
    %get3A_203 = vector.shape_cast %get3A_202 : vector<1x16xi32> to vector<16xi32>
    %swap3A_204 = arith.constant 32 : index
    %swap3A_205 = tpu.vector_load %arg10[%swap3A_204] {strides = array<i32>} : memref<128xi32, #tpu.memory_space<vmem>>, vector<16xi32>,
    %swap3A_206 = vector.shape_cast %swap3A_205 : vector<16xi32> to vector<16xi32>
    %swap3A_207 = vector.shape_cast %get3A_203 : vector<16xi32> to vector<16xi32>
    tpu.vector_store %arg10[%swap3A_204], %swap3A_207 {strides = array<i32>} : memref<128xi32, #tpu.memory_space<vmem>>, vector<16xi32>,
    %get3A_208 = arith.constant 1 : i32
    %get3A_209 = arith.index_cast %get3A_208 : i32 to index
    %get3A_210 = arith.constant 48 : index
    %get3A_211 = tpu.vector_load %arg7[%get3A_209, %get3A_210] {strides = array<i32>} : memref<2x128xi32, #tpu.memory_space<vmem>>, vector<1x16xi32>,
    %get3A_212 = vector.shape_cast %get3A_211 : vector<1x16xi32> to vector<16xi32>
    %swap3A_213 = arith.constant 48 : index
    %swap3A_214 = tpu.vector_load %arg10[%swap3A_213] {strides = array<i32>} : memref<128xi32, #tpu.memory_space<vmem>>, vector<16xi32>,
    %swap3A_215 = vector.shape_cast %swap3A_214 : vector<16xi32> to vector<16xi32>
    %swap3A_216 = vector.shape_cast %get3A_212 : vector<16xi32> to vector<16xi32>
    tpu.vector_store %arg10[%swap3A_213], %swap3A_216 {strides = array<i32>} : memref<128xi32, #tpu.memory_space<vmem>>, vector<16xi32>,
    %get3A_217 = arith.constant 1 : i32
    %get3A_218 = arith.index_cast %get3A_217 : i32 to index
    %get3A_219 = arith.constant 64 : index
    %get3A_220 = tpu.vector_load %arg7[%get3A_218, %get3A_219] {strides = array<i32>} : memref<2x128xi32, #tpu.memory_space<vmem>>, vector<1x16xi32>,
    %get3A_221 = vector.shape_cast %get3A_220 : vector<1x16xi32> to vector<16xi32>
    %swap3A_222 = arith.constant 64 : index
    %swap3A_223 = tpu.vector_load %arg10[%swap3A_222] {strides = array<i32>} : memref<128xi32, #tpu.memory_space<vmem>>, vector<16xi32>,
    %swap3A_224 = vector.shape_cast %swap3A_223 : vector<16xi32> to vector<16xi32>
    %swap3A_225 = vector.shape_cast %get3A_221 : vector<16xi32> to vector<16xi32>
    tpu.vector_store %arg10[%swap3A_222], %swap3A_225 {strides = array<i32>} : memref<128xi32, #tpu.memory_space<vmem>>, vector<16xi32>,
    %get3A_226 = arith.constant 1 : i32
    %get3A_227 = arith.index_cast %get3A_226 : i32 to index
    %get3A_228 = arith.constant 80 : index
    %get3A_229 = tpu.vector_load %arg7[%get3A_227, %get3A_228] {strides = array<i32>} : memref<2x128xi32, #tpu.memory_space<vmem>>, vector<1x16xi32>,
    %get3A_230 = vector.shape_cast %get3A_229 : vector<1x16xi32> to vector<16xi32>
    %swap3A_231 = arith.constant 80 : index
    %swap3A_232 = tpu.vector_load %arg10[%swap3A_231] {strides = array<i32>} : memref<128xi32, #tpu.memory_space<vmem>>, vector<16xi32>,
    %swap3A_233 = vector.shape_cast %swap3A_232 : vector<16xi32> to vector<16xi32>
    %swap3A_234 = vector.shape_cast %get3A_230 : vector<16xi32> to vector<16xi32>
    tpu.vector_store %arg10[%swap3A_231], %swap3A_234 {strides = array<i32>} : memref<128xi32, #tpu.memory_space<vmem>>, vector<16xi32>,
    %get3A_235 = arith.constant 1 : i32
    %get3A_236 = arith.index_cast %get3A_235 : i32 to index
    %get3A_237 = arith.constant 96 : index
    %get3A_238 = tpu.vector_load %arg7[%get3A_236, %get3A_237] {strides = array<i32>} : memref<2x128xi32, #tpu.memory_space<vmem>>, vector<1x16xi32>,
    %get3A_239 = vector.shape_cast %get3A_238 : vector<1x16xi32> to vector<16xi32>
    %swap3A_240 = arith.constant 96 : index
    %swap3A_241 = tpu.vector_load %arg10[%swap3A_240] {strides = array<i32>} : memref<128xi32, #tpu.memory_space<vmem>>, vector<16xi32>,
    %swap3A_242 = vector.shape_cast %swap3A_241 : vector<16xi32> to vector<16xi32>
    %swap3A_243 = vector.shape_cast %get3A_239 : vector<16xi32> to vector<16xi32>
    tpu.vector_store %arg10[%swap3A_240], %swap3A_243 {strides = array<i32>} : memref<128xi32, #tpu.memory_space<vmem>>, vector<16xi32>,
    %get3A_244 = arith.constant 1 : i32
    %get3A_245 = arith.index_cast %get3A_244 : i32 to index
    %get3A_246 = arith.constant 112 : index
    %get3A_247 = tpu.vector_load %arg7[%get3A_245, %get3A_246] {strides = array<i32>} : memref<2x128xi32, #tpu.memory_space<vmem>>, vector<1x16xi32>,
    %get3A_248 = vector.shape_cast %get3A_247 : vector<1x16xi32> to vector<16xi32>
    %swap3A_249 = arith.constant 112 : index
    %swap3A_250 = tpu.vector_load %arg10[%swap3A_249] {strides = array<i32>} : memref<128xi32, #tpu.memory_space<vmem>>, vector<16xi32>,
    %swap3A_251 = vector.shape_cast %swap3A_250 : vector<16xi32> to vector<16xi32>
    %swap3A_252 = vector.shape_cast %get3A_248 : vector<16xi32> to vector<16xi32>
    tpu.vector_store %arg10[%swap3A_249], %swap3A_252 {strides = array<i32>} : memref<128xi32, #tpu.memory_space<vmem>>, vector<16xi32>,
    %dma_start3A_253 = arith.constant 0 : i32
    %dma_start3A_254 = arith.constant 0 : i32
    %dma_start3A_255 = tpu.memref_slice %arg24[%dma_start3A_253, %dma_start3A_254] : memref<10000x128xf32, #tpu.memory_space<vmem_shared>> -> memref<10000x128xf32, #tpu.memory_space<vmem_shared>>
    tpu.enqueue_indirect_dma source(%arg13 : memref<128x128xf32, #tpu.memory_space<vmem>>) target(%dma_start3A_255 : memref<10000x128xf32, #tpu.memory_space<vmem_shared>>) offsets(%arg10 : memref<128xi32, #tpu.memory_space<vmem>>) semaphore(%arg22 : memref<!tpu.dma_semaphore, #tpu.memory_space<semaphore_mem>>) {add = true}
    %jit3A_256 = arith.constant 3 : i32
    %div3A = arith.divsi %select_n3A, %jit3A_256 : i32
    %sign3A = arith.constant 0 : i32
    %sign3A_257 = arith.cmpi sgt, %select_n3A, %sign3A : i32
    %sign3A_258 = arith.extui %sign3A_257 : i1 to i32
    %sign3A_259 = arith.constant 0 : i32
    %sign3A_260 = arith.cmpi slt, %select_n3A, %sign3A_259 : i32
    %sign3A_261 = arith.extui %sign3A_260 : i1 to i32
    %sign3A_262 = arith.subi %sign3A_258, %sign3A_261 : i32
    %sign3A_263 = arith.constant 0 : i32
    %sign3A_264 = arith.cmpi sgt, %jit3A_256, %sign3A_263 : i32
    %sign3A_265 = arith.extui %sign3A_264 : i1 to i32
    %sign3A_266 = arith.constant 0 : i32
    %sign3A_267 = arith.cmpi slt, %jit3A_256, %sign3A_266 : i32
    %sign3A_268 = arith.extui %sign3A_267 : i1 to i32
    %sign3A_269 = arith.subi %sign3A_265, %sign3A_268 : i32
    %ne3A = arith.cmpi ne, %sign3A_262, %sign3A_269 : i32
    %rem3A = arith.remsi %select_n3A, %jit3A_256 : i32
    %ne3A_270 = arith.constant 0 : i32
    %ne3A_271 = arith.cmpi ne, %rem3A, %ne3A_270 : i32
    %and3A = arith.andi %ne3A, %ne3A_271 : i1
    %sub3A = arith.constant 1 : i32
    %sub3A_272 = arith.subi %div3A, %sub3A : i32
    %select_n3A_273 = arith.select %and3A, %sub3A_272, %div3A : i32
    %sub3A_274 = arith.constant 0 : i32
    %sub3A_275 = arith.subi %select_n3A_273, %sub3A_274 : i32
    %sub3A_276 = arith.constant 1 : i32
    %sub3A_277 = arith.constant 1 : i32
    %sub3A_278 = arith.subi %sub3A_276, %sub3A_277 : i32
    %add3A_279 = arith.addi %sub3A_275, %sub3A_278 : i32
    %div3A_280 = arith.constant 1 : i32
    %div3A_281 = arith.divsi %add3A_279, %div3A_280 : i32
    %while3A = arith.constant 1 : i32
    %while3A_282 = arith.constant 0 : i32
    %while3A_283 = arith.constant 0 : i32
    %while3A_284 = arith.subi %div3A_281, %while3A_283 : i32
    %while3A_285 = arith.addi %while3A_283, %while3A_284 : i32
    %while3A_286 = arith.constant 1 : i32
    %while3A_287 = arith.divsi %while3A_284, %while3A_286 : i32
    %while3A_288 = arith.muli %while3A_287, %while3A_286 : i32
    %while3A_289 = arith.addi %while3A_283, %while3A_288 : i32
    %while3A_290 = arith.constant 1 : i32
    scf.for %while3A_441 = %while3A_283 to %while3A_289 step %while3A_290  : i32 {
      %mul3A_442 = arith.muli %while3A_441, %while3A : i32
      %add3A_443 = arith.addi %while3A_282, %mul3A_442 : i32
      %mul3A_444 = arith.constant 3 : i32
      %mul3A_445 = arith.muli %mul3A_444, %add3A_443 : i32
      %add3A_446 = arith.constant 2 : i32
      %add3A_447 = arith.addi %add3A_446, %mul3A_445 : i32
      %add3A_448 = arith.constant 0 : i32
      %add3A_449 = arith.addi %add3A_447, %add3A_448 : i32
      %lt3A_450 = arith.cmpi slt, %add3A_449, %select_n3A : i32
      %convert_element_type3A_451 = arith.extui %lt3A_450 : i1 to i32
      %cond3A_452 = arith.constant 0 : i32
      %cond3A_453 = arith.cmpi ne, %convert_element_type3A_451, %cond3A_452 : i32
      scf.if %cond3A_453 {
        %add3A_466 = arith.constant 0 : i32
        %add3A_467 = arith.addi %add3A_447, %add3A_466 : i32
        %dma_wait3A_468 = arith.constant 0 : i32
        %dma_wait3A_469 = arith.constant 0 : i32
        %dma_wait3A_470 = tpu.memref_slice %arg4[%dma_wait3A_468, %dma_wait3A_469] : memref<10000x128xf32, #tpu.memory_space<hbm>> -> memref<128x128xf32, #tpu.memory_space<hbm>>
        %dma_wait3A_471 = arith.constant 0 : i32
        %dma_wait3A_472 = arith.constant 0 : i32
        %dma_wait3A_473 = tpu.memref_slice %arg4[%dma_wait3A_471, %dma_wait3A_472] : memref<10000x128xf32, #tpu.memory_space<hbm>> -> memref<128x128xf32, #tpu.memory_space<hbm>>
        tpu.wait_dma2 semaphore(%arg21 : memref<!tpu.dma_semaphore, #tpu.memory_space<semaphore_mem>>) src(%dma_wait3A_473 : memref<128x128xf32, #tpu.memory_space<hbm>>) dst(%arg12 : memref<128x128xf32, #tpu.memory_space<vmem>>)
        %add3A_474 = arith.constant 2 : i32
        %add3A_475 = arith.addi %add3A_467, %add3A_474 : i32
        %lt3A_476 = arith.cmpi slt, %add3A_475, %select_n3A : i32
        %convert_element_type3A_477 = arith.extui %lt3A_476 : i1 to i32
        %cond3A_478 = arith.constant 0 : i32
        %cond3A_479 = arith.cmpi ne, %convert_element_type3A_477, %cond3A_478 : i32
        scf.if %cond3A_479 {
          %add3A_567 = arith.constant 2 : i32
          %add3A_568 = arith.addi %add3A_467, %add3A_567 : i32
          %mul3A_569 = arith.constant 16 : i32
          %mul3A_570 = arith.muli %mul3A_569, %add3A_568 : i32
          %add3A_571 = arith.addi %arg1, %mul3A_570 : i32
          %mul3A_572 = arith.constant 2 : i32
          %mul3A_573 = arith.muli %mul3A_572, %add3A_571 : i32
          %add3A_574 = arith.constant 0 : i32
          %add3A_575 = arith.addi %add3A_574, %mul3A_573 : i32
          %dma_start3A_576 = arith.constant 0 : i32
          %dma_start3A_577 = tpu.memref_slice %arg3[%add3A_575, %dma_start3A_576] : memref<5000x128xi32, #tpu.memory_space<hbm>> -> memref<2x128xi32, #tpu.memory_space<hbm>>
          %dma_start3A_578 = arith.constant 0 : i32
          %dma_start3A_579 = tpu.memref_slice %arg3[%add3A_575, %dma_start3A_578] : memref<5000x128xi32, #tpu.memory_space<hbm>> -> memref<2x128xi32, #tpu.memory_space<hbm>>
          tpu.enqueue_dma source(%dma_start3A_579 : memref<2x128xi32, #tpu.memory_space<hbm>>) target(%arg7 : memref<2x128xi32, #tpu.memory_space<vmem>>) target_semaphore(%arg16 : memref<!tpu.dma_semaphore, #tpu.memory_space<semaphore_mem>>)
        } else {
        }
        %add3A_480 = arith.constant 1 : i32
        %add3A_481 = arith.addi %add3A_467, %add3A_480 : i32
        %lt3A_482 = arith.cmpi slt, %add3A_481, %select_n3A : i32
        %convert_element_type3A_483 = arith.extui %lt3A_482 : i1 to i32
        %cond3A_484 = arith.constant 0 : i32
        %cond3A_485 = arith.cmpi ne, %convert_element_type3A_483, %cond3A_484 : i32
        scf.if %cond3A_485 {
          %dma_wait3A_567 = arith.constant 0 : i32
          %dma_wait3A_568 = arith.constant 0 : i32
          %dma_wait3A_569 = tpu.memref_slice %arg3[%dma_wait3A_567, %dma_wait3A_568] : memref<5000x128xi32, #tpu.memory_space<hbm>> -> memref<2x128xi32, #tpu.memory_space<hbm>>
          %dma_wait3A_570 = arith.constant 0 : i32
          %dma_wait3A_571 = arith.constant 0 : i32
          %dma_wait3A_572 = tpu.memref_slice %arg3[%dma_wait3A_570, %dma_wait3A_571] : memref<5000x128xi32, #tpu.memory_space<hbm>> -> memref<2x128xi32, #tpu.memory_space<hbm>>
          tpu.wait_dma2 semaphore(%arg15 : memref<!tpu.dma_semaphore, #tpu.memory_space<semaphore_mem>>) src(%dma_wait3A_572 : memref<2x128xi32, #tpu.memory_space<hbm>>) dst(%arg6 : memref<2x128xi32, #tpu.memory_space<vmem>>)
          %dma_start3A_573 = arith.constant 0 : i32
          %dma_start3A_574 = arith.constant 0 : i32
          %dma_start3A_575 = tpu.memref_slice %arg6[%dma_start3A_573, %dma_start3A_574] : memref<2x128xi32, #tpu.memory_space<vmem>> -> memref<1x128xi32, #tpu.memory_space<vmem>>
          %dma_start3A_576 = tpu.memref_squeeze %dma_start3A_575 : memref<1x128xi32, #tpu.memory_space<vmem>> -> memref<128xi32, #tpu.memory_space<vmem>>
          %dma_start3A_577 = arith.constant 0 : i32
          %dma_start3A_578 = arith.constant 0 : i32
          %dma_start3A_579 = tpu.memref_slice %arg2[%arg0, %dma_start3A_577, %dma_start3A_578] : memref<2x10000x128xf32, #tpu.memory_space<hbm>> -> memref<1x10000x128xf32, #tpu.memory_space<hbm>>
          %dma_start3A_580 = tpu.memref_squeeze %dma_start3A_579 : memref<1x10000x128xf32, #tpu.memory_space<hbm>> -> memref<10000x128xf32, #tpu.memory_space<hbm>>
          %dma_start3A_581 = arith.constant 0 : i32
          %dma_start3A_582 = arith.constant 0 : i32
          %dma_start3A_583 = tpu.memref_slice %dma_start3A_580[%dma_start3A_581, %dma_start3A_582] : memref<10000x128xf32, #tpu.memory_space<hbm>> -> memref<10000x128xf32, #tpu.memory_space<hbm>>
          tpu.enqueue_indirect_dma source(%dma_start3A_583 : memref<10000x128xf32, #tpu.memory_space<hbm>>) target(%arg12 : memref<128x128xf32, #tpu.memory_space<vmem>>) offsets(%dma_start3A_576 : memref<128xi32, #tpu.memory_space<vmem>>) semaphore(%arg18 : memref<!tpu.dma_semaphore, #tpu.memory_space<semaphore_mem>>)
        } else {
        }
        %dma_wait3A_486 = arith.constant 0 : i32
        %dma_wait3A_487 = arith.constant 0 : i32
        %dma_wait3A_488 = tpu.memref_slice %arg4[%dma_wait3A_486, %dma_wait3A_487] : memref<10000x128xf32, #tpu.memory_space<hbm>> -> memref<128x128xf32, #tpu.memory_space<hbm>>
        %dma_wait3A_489 = arith.constant 0 : i32
        %dma_wait3A_490 = arith.constant 0 : i32
        %dma_wait3A_491 = tpu.memref_slice %arg4[%dma_wait3A_489, %dma_wait3A_490] : memref<10000x128xf32, #tpu.memory_space<hbm>> -> memref<128x128xf32, #tpu.memory_space<hbm>>
        tpu.wait_dma2 semaphore(%arg20 : memref<!tpu.dma_semaphore, #tpu.memory_space<semaphore_mem>>) src(%dma_wait3A_491 : memref<128x128xf32, #tpu.memory_space<hbm>>) dst(%arg14 : memref<128x128xf32, #tpu.memory_space<vmem>>)
        %get3A_492 = arith.constant 1 : i32
        %get3A_493 = arith.index_cast %get3A_492 : i32 to index
        %get3A_494 = arith.constant 0 : index
        %get3A_495 = tpu.vector_load %arg8[%get3A_493, %get3A_494] {strides = array<i32>} : memref<2x128xi32, #tpu.memory_space<vmem>>, vector<1x16xi32>,
        %get3A_496 = vector.shape_cast %get3A_495 : vector<1x16xi32> to vector<16xi32>
        %swap3A_497 = arith.constant 0 : index
        %swap3A_498 = tpu.vector_load %arg11[%swap3A_497] {strides = array<i32>} : memref<128xi32, #tpu.memory_space<vmem>>, vector<16xi32>,
        %swap3A_499 = vector.shape_cast %swap3A_498 : vector<16xi32> to vector<16xi32>
        %swap3A_500 = vector.shape_cast %get3A_496 : vector<16xi32> to vector<16xi32>
        tpu.vector_store %arg11[%swap3A_497], %swap3A_500 {strides = array<i32>} : memref<128xi32, #tpu.memory_space<vmem>>, vector<16xi32>,
        %get3A_501 = arith.constant 1 : i32
        %get3A_502 = arith.index_cast %get3A_501 : i32 to index
        %get3A_503 = arith.constant 16 : index
        %get3A_504 = tpu.vector_load %arg8[%get3A_502, %get3A_503] {strides = array<i32>} : memref<2x128xi32, #tpu.memory_space<vmem>>, vector<1x16xi32>,
        %get3A_505 = vector.shape_cast %get3A_504 : vector<1x16xi32> to vector<16xi32>
        %swap3A_506 = arith.constant 16 : index
        %swap3A_507 = tpu.vector_load %arg11[%swap3A_506] {strides = array<i32>} : memref<128xi32, #tpu.memory_space<vmem>>, vector<16xi32>,
        %swap3A_508 = vector.shape_cast %swap3A_507 : vector<16xi32> to vector<16xi32>
        %swap3A_509 = vector.shape_cast %get3A_505 : vector<16xi32> to vector<16xi32>
        tpu.vector_store %arg11[%swap3A_506], %swap3A_509 {strides = array<i32>} : memref<128xi32, #tpu.memory_space<vmem>>, vector<16xi32>,
        %get3A_510 = arith.constant 1 : i32
        %get3A_511 = arith.index_cast %get3A_510 : i32 to index
        %get3A_512 = arith.constant 32 : index
        %get3A_513 = tpu.vector_load %arg8[%get3A_511, %get3A_512] {strides = array<i32>} : memref<2x128xi32, #tpu.memory_space<vmem>>, vector<1x16xi32>,
        %get3A_514 = vector.shape_cast %get3A_513 : vector<1x16xi32> to vector<16xi32>
        %swap3A_515 = arith.constant 32 : index
        %swap3A_516 = tpu.vector_load %arg11[%swap3A_515] {strides = array<i32>} : memref<128xi32, #tpu.memory_space<vmem>>, vector<16xi32>,
        %swap3A_517 = vector.shape_cast %swap3A_516 : vector<16xi32> to vector<16xi32>
        %swap3A_518 = vector.shape_cast %get3A_514 : vector<16xi32> to vector<16xi32>
        tpu.vector_store %arg11[%swap3A_515], %swap3A_518 {strides = array<i32>} : memref<128xi32, #tpu.memory_space<vmem>>, vector<16xi32>,
        %get3A_519 = arith.constant 1 : i32
        %get3A_520 = arith.index_cast %get3A_519 : i32 to index
        %get3A_521 = arith.constant 48 : index
        %get3A_522 = tpu.vector_load %arg8[%get3A_520, %get3A_521] {strides = array<i32>} : memref<2x128xi32, #tpu.memory_space<vmem>>, vector<1x16xi32>,
        %get3A_523 = vector.shape_cast %get3A_522 : vector<1x16xi32> to vector<16xi32>
        %swap3A_524 = arith.constant 48 : index
        %swap3A_525 = tpu.vector_load %arg11[%swap3A_524] {strides = array<i32>} : memref<128xi32, #tpu.memory_space<vmem>>, vector<16xi32>,
        %swap3A_526 = vector.shape_cast %swap3A_525 : vector<16xi32> to vector<16xi32>
        %swap3A_527 = vector.shape_cast %get3A_523 : vector<16xi32> to vector<16xi32>
        tpu.vector_store %arg11[%swap3A_524], %swap3A_527 {strides = array<i32>} : memref<128xi32, #tpu.memory_space<vmem>>, vector<16xi32>,
        %get3A_528 = arith.constant 1 : i32
        %get3A_529 = arith.index_cast %get3A_528 : i32 to index
        %get3A_530 = arith.constant 64 : index
        %get3A_531 = tpu.vector_load %arg8[%get3A_529, %get3A_530] {strides = array<i32>} : memref<2x128xi32, #tpu.memory_space<vmem>>, vector<1x16xi32>,
        %get3A_532 = vector.shape_cast %get3A_531 : vector<1x16xi32> to vector<16xi32>
        %swap3A_533 = arith.constant 64 : index
        %swap3A_534 = tpu.vector_load %arg11[%swap3A_533] {strides = array<i32>} : memref<128xi32, #tpu.memory_space<vmem>>, vector<16xi32>,
        %swap3A_535 = vector.shape_cast %swap3A_534 : vector<16xi32> to vector<16xi32>
        %swap3A_536 = vector.shape_cast %get3A_532 : vector<16xi32> to vector<16xi32>
        tpu.vector_store %arg11[%swap3A_533], %swap3A_536 {strides = array<i32>} : memref<128xi32, #tpu.memory_space<vmem>>, vector<16xi32>,
        %get3A_537 = arith.constant 1 : i32
        %get3A_538 = arith.index_cast %get3A_537 : i32 to index
        %get3A_539 = arith.constant 80 : index
        %get3A_540 = tpu.vector_load %arg8[%get3A_538, %get3A_539] {strides = array<i32>} : memref<2x128xi32, #tpu.memory_space<vmem>>, vector<1x16xi32>,
        %get3A_541 = vector.shape_cast %get3A_540 : vector<1x16xi32> to vector<16xi32>
        %swap3A_542 = arith.constant 80 : index
        %swap3A_543 = tpu.vector_load %arg11[%swap3A_542] {strides = array<i32>} : memref<128xi32, #tpu.memory_space<vmem>>, vector<16xi32>,
        %swap3A_544 = vector.shape_cast %swap3A_543 : vector<16xi32> to vector<16xi32>
        %swap3A_545 = vector.shape_cast %get3A_541 : vector<16xi32> to vector<16xi32>
        tpu.vector_store %arg11[%swap3A_542], %swap3A_545 {strides = array<i32>} : memref<128xi32, #tpu.memory_space<vmem>>, vector<16xi32>,
        %get3A_546 = arith.constant 1 : i32
        %get3A_547 = arith.index_cast %get3A_546 : i32 to index
        %get3A_548 = arith.constant 96 : index
        %get3A_549 = tpu.vector_load %arg8[%get3A_547, %get3A_548] {strides = array<i32>} : memref<2x128xi32, #tpu.memory_space<vmem>>, vector<1x16xi32>,
        %get3A_550 = vector.shape_cast %get3A_549 : vector<1x16xi32> to vector<16xi32>
        %swap3A_551 = arith.constant 96 : index
        %swap3A_552 = tpu.vector_load %arg11[%swap3A_551] {strides = array<i32>} : memref<128xi32, #tpu.memory_space<vmem>>, vector<16xi32>,
        %swap3A_553 = vector.shape_cast %swap3A_552 : vector<16xi32> to vector<16xi32>
        %swap3A_554 = vector.shape_cast %get3A_550 : vector<16xi32> to vector<16xi32>
        tpu.vector_store %arg11[%swap3A_551], %swap3A_554 {strides = array<i32>} : memref<128xi32, #tpu.memory_space<vmem>>, vector<16xi32>,
        %get3A_555 = arith.constant 1 : i32
        %get3A_556 = arith.index_cast %get3A_555 : i32 to index
        %get3A_557 = arith.constant 112 : index
        %get3A_558 = tpu.vector_load %arg8[%get3A_556, %get3A_557] {strides = array<i32>} : memref<2x128xi32, #tpu.memory_space<vmem>>, vector<1x16xi32>,
        %get3A_559 = vector.shape_cast %get3A_558 : vector<1x16xi32> to vector<16xi32>
        %swap3A_560 = arith.constant 112 : index
        %swap3A_561 = tpu.vector_load %arg11[%swap3A_560] {strides = array<i32>} : memref<128xi32, #tpu.memory_space<vmem>>, vector<16xi32>,
        %swap3A_562 = vector.shape_cast %swap3A_561 : vector<16xi32> to vector<16xi32>
        %swap3A_563 = vector.shape_cast %get3A_559 : vector<16xi32> to vector<16xi32>
        tpu.vector_store %arg11[%swap3A_560], %swap3A_563 {strides = array<i32>} : memref<128xi32, #tpu.memory_space<vmem>>, vector<16xi32>,
        %dma_start3A_564 = arith.constant 0 : i32
        %dma_start3A_565 = arith.constant 0 : i32
        %dma_start3A_566 = tpu.memref_slice %arg24[%dma_start3A_564, %dma_start3A_565] : memref<10000x128xf32, #tpu.memory_space<vmem_shared>> -> memref<10000x128xf32, #tpu.memory_space<vmem_shared>>
        tpu.enqueue_indirect_dma source(%arg14 : memref<128x128xf32, #tpu.memory_space<vmem>>) target(%dma_start3A_566 : memref<10000x128xf32, #tpu.memory_space<vmem_shared>>) offsets(%arg11 : memref<128xi32, #tpu.memory_space<vmem>>) semaphore(%arg23 : memref<!tpu.dma_semaphore, #tpu.memory_space<semaphore_mem>>) {add = true}
      } else {
      }
      %add3A_454 = arith.constant 1 : i32
      %add3A_455 = arith.addi %add3A_447, %add3A_454 : i32
      %lt3A_456 = arith.cmpi slt, %add3A_455, %select_n3A : i32
      %convert_element_type3A_457 = arith.extui %lt3A_456 : i1 to i32
      %cond3A_458 = arith.constant 0 : i32
      %cond3A_459 = arith.cmpi ne, %convert_element_type3A_457, %cond3A_458 : i32
      scf.if %cond3A_459 {
        %add3A_466 = arith.constant 1 : i32
        %add3A_467 = arith.addi %add3A_447, %add3A_466 : i32
        %dma_wait3A_468 = arith.constant 0 : i32
        %dma_wait3A_469 = arith.constant 0 : i32
        %dma_wait3A_470 = tpu.memref_slice %arg4[%dma_wait3A_468, %dma_wait3A_469] : memref<10000x128xf32, #tpu.memory_space<hbm>> -> memref<128x128xf32, #tpu.memory_space<hbm>>
        %dma_wait3A_471 = arith.constant 0 : i32
        %dma_wait3A_472 = arith.constant 0 : i32
        %dma_wait3A_473 = tpu.memref_slice %arg4[%dma_wait3A_471, %dma_wait3A_472] : memref<10000x128xf32, #tpu.memory_space<hbm>> -> memref<128x128xf32, #tpu.memory_space<hbm>>
        tpu.wait_dma2 semaphore(%arg22 : memref<!tpu.dma_semaphore, #tpu.memory_space<semaphore_mem>>) src(%dma_wait3A_473 : memref<128x128xf32, #tpu.memory_space<hbm>>) dst(%arg13 : memref<128x128xf32, #tpu.memory_space<vmem>>)
        %add3A_474 = arith.constant 2 : i32
        %add3A_475 = arith.addi %add3A_467, %add3A_474 : i32
        %lt3A_476 = arith.cmpi slt, %add3A_475, %select_n3A : i32
        %convert_element_type3A_477 = arith.extui %lt3A_476 : i1 to i32
        %cond3A_478 = arith.constant 0 : i32
        %cond3A_479 = arith.cmpi ne, %convert_element_type3A_477, %cond3A_478 : i32
        scf.if %cond3A_479 {
          %add3A_567 = arith.constant 2 : i32
          %add3A_568 = arith.addi %add3A_467, %add3A_567 : i32
          %mul3A_569 = arith.constant 16 : i32
          %mul3A_570 = arith.muli %mul3A_569, %add3A_568 : i32
          %add3A_571 = arith.addi %arg1, %mul3A_570 : i32
          %mul3A_572 = arith.constant 2 : i32
          %mul3A_573 = arith.muli %mul3A_572, %add3A_571 : i32
          %add3A_574 = arith.constant 0 : i32
          %add3A_575 = arith.addi %add3A_574, %mul3A_573 : i32
          %dma_start3A_576 = arith.constant 0 : i32
          %dma_start3A_577 = tpu.memref_slice %arg3[%add3A_575, %dma_start3A_576] : memref<5000x128xi32, #tpu.memory_space<hbm>> -> memref<2x128xi32, #tpu.memory_space<hbm>>
          %dma_start3A_578 = arith.constant 0 : i32
          %dma_start3A_579 = tpu.memref_slice %arg3[%add3A_575, %dma_start3A_578] : memref<5000x128xi32, #tpu.memory_space<hbm>> -> memref<2x128xi32, #tpu.memory_space<hbm>>
          tpu.enqueue_dma source(%dma_start3A_579 : memref<2x128xi32, #tpu.memory_space<hbm>>) target(%arg8 : memref<2x128xi32, #tpu.memory_space<vmem>>) target_semaphore(%arg17 : memref<!tpu.dma_semaphore, #tpu.memory_space<semaphore_mem>>)
        } else {
        }
        %add3A_480 = arith.constant 1 : i32
        %add3A_481 = arith.addi %add3A_467, %add3A_480 : i32
        %lt3A_482 = arith.cmpi slt, %add3A_481, %select_n3A : i32
        %convert_element_type3A_483 = arith.extui %lt3A_482 : i1 to i32
        %cond3A_484 = arith.constant 0 : i32
        %cond3A_485 = arith.cmpi ne, %convert_element_type3A_483, %cond3A_484 : i32
        scf.if %cond3A_485 {
          %dma_wait3A_567 = arith.constant 0 : i32
          %dma_wait3A_568 = arith.constant 0 : i32
          %dma_wait3A_569 = tpu.memref_slice %arg3[%dma_wait3A_567, %dma_wait3A_568] : memref<5000x128xi32, #tpu.memory_space<hbm>> -> memref<2x128xi32, #tpu.memory_space<hbm>>
          %dma_wait3A_570 = arith.constant 0 : i32
          %dma_wait3A_571 = arith.constant 0 : i32
          %dma_wait3A_572 = tpu.memref_slice %arg3[%dma_wait3A_570, %dma_wait3A_571] : memref<5000x128xi32, #tpu.memory_space<hbm>> -> memref<2x128xi32, #tpu.memory_space<hbm>>
          tpu.wait_dma2 semaphore(%arg16 : memref<!tpu.dma_semaphore, #tpu.memory_space<semaphore_mem>>) src(%dma_wait3A_572 : memref<2x128xi32, #tpu.memory_space<hbm>>) dst(%arg7 : memref<2x128xi32, #tpu.memory_space<vmem>>)
          %dma_start3A_573 = arith.constant 0 : i32
          %dma_start3A_574 = arith.constant 0 : i32
          %dma_start3A_575 = tpu.memref_slice %arg7[%dma_start3A_573, %dma_start3A_574] : memref<2x128xi32, #tpu.memory_space<vmem>> -> memref<1x128xi32, #tpu.memory_space<vmem>>
          %dma_start3A_576 = tpu.memref_squeeze %dma_start3A_575 : memref<1x128xi32, #tpu.memory_space<vmem>> -> memref<128xi32, #tpu.memory_space<vmem>>
          %dma_start3A_577 = arith.constant 0 : i32
          %dma_start3A_578 = arith.constant 0 : i32
          %dma_start3A_579 = tpu.memref_slice %arg2[%arg0, %dma_start3A_577, %dma_start3A_578] : memref<2x10000x128xf32, #tpu.memory_space<hbm>> -> memref<1x10000x128xf32, #tpu.memory_space<hbm>>
          %dma_start3A_580 = tpu.memref_squeeze %dma_start3A_579 : memref<1x10000x128xf32, #tpu.memory_space<hbm>> -> memref<10000x128xf32, #tpu.memory_space<hbm>>
          %dma_start3A_581 = arith.constant 0 : i32
          %dma_start3A_582 = arith.constant 0 : i32
          %dma_start3A_583 = tpu.memref_slice %dma_start3A_580[%dma_start3A_581, %dma_start3A_582] : memref<10000x128xf32, #tpu.memory_space<hbm>> -> memref<10000x128xf32, #tpu.memory_space<hbm>>
          tpu.enqueue_indirect_dma source(%dma_start3A_583 : memref<10000x128xf32, #tpu.memory_space<hbm>>) target(%arg13 : memref<128x128xf32, #tpu.memory_space<vmem>>) offsets(%dma_start3A_576 : memref<128xi32, #tpu.memory_space<vmem>>) semaphore(%arg19 : memref<!tpu.dma_semaphore, #tpu.memory_space<semaphore_mem>>)
        } else {
        }
        %dma_wait3A_486 = arith.constant 0 : i32
        %dma_wait3A_487 = arith.constant 0 : i32
        %dma_wait3A_488 = tpu.memref_slice %arg4[%dma_wait3A_486, %dma_wait3A_487] : memref<10000x128xf32, #tpu.memory_space<hbm>> -> memref<128x128xf32, #tpu.memory_space<hbm>>
        %dma_wait3A_489 = arith.constant 0 : i32
        %dma_wait3A_490 = arith.constant 0 : i32
        %dma_wait3A_491 = tpu.memref_slice %arg4[%dma_wait3A_489, %dma_wait3A_490] : memref<10000x128xf32, #tpu.memory_space<hbm>> -> memref<128x128xf32, #tpu.memory_space<hbm>>
        tpu.wait_dma2 semaphore(%arg18 : memref<!tpu.dma_semaphore, #tpu.memory_space<semaphore_mem>>) src(%dma_wait3A_491 : memref<128x128xf32, #tpu.memory_space<hbm>>) dst(%arg12 : memref<128x128xf32, #tpu.memory_space<vmem>>)
        %get3A_492 = arith.constant 1 : i32
        %get3A_493 = arith.index_cast %get3A_492 : i32 to index
        %get3A_494 = arith.constant 0 : index
        %get3A_495 = tpu.vector_load %arg6[%get3A_493, %get3A_494] {strides = array<i32>} : memref<2x128xi32, #tpu.memory_space<vmem>>, vector<1x16xi32>,
        %get3A_496 = vector.shape_cast %get3A_495 : vector<1x16xi32> to vector<16xi32>
        %swap3A_497 = arith.constant 0 : index
        %swap3A_498 = tpu.vector_load %arg9[%swap3A_497] {strides = array<i32>} : memref<128xi32, #tpu.memory_space<vmem>>, vector<16xi32>,
        %swap3A_499 = vector.shape_cast %swap3A_498 : vector<16xi32> to vector<16xi32>
        %swap3A_500 = vector.shape_cast %get3A_496 : vector<16xi32> to vector<16xi32>
        tpu.vector_store %arg9[%swap3A_497], %swap3A_500 {strides = array<i32>} : memref<128xi32, #tpu.memory_space<vmem>>, vector<16xi32>,
        %get3A_501 = arith.constant 1 : i32
        %get3A_502 = arith.index_cast %get3A_501 : i32 to index
        %get3A_503 = arith.constant 16 : index
        %get3A_504 = tpu.vector_load %arg6[%get3A_502, %get3A_503] {strides = array<i32>} : memref<2x128xi32, #tpu.memory_space<vmem>>, vector<1x16xi32>,
        %get3A_505 = vector.shape_cast %get3A_504 : vector<1x16xi32> to vector<16xi32>
        %swap3A_506 = arith.constant 16 : index
        %swap3A_507 = tpu.vector_load %arg9[%swap3A_506] {strides = array<i32>} : memref<128xi32, #tpu.memory_space<vmem>>, vector<16xi32>,
        %swap3A_508 = vector.shape_cast %swap3A_507 : vector<16xi32> to vector<16xi32>
        %swap3A_509 = vector.shape_cast %get3A_505 : vector<16xi32> to vector<16xi32>
        tpu.vector_store %arg9[%swap3A_506], %swap3A_509 {strides = array<i32>} : memref<128xi32, #tpu.memory_space<vmem>>, vector<16xi32>,
        %get3A_510 = arith.constant 1 : i32
        %get3A_511 = arith.index_cast %get3A_510 : i32 to index
        %get3A_512 = arith.constant 32 : index
        %get3A_513 = tpu.vector_load %arg6[%get3A_511, %get3A_512] {strides = array<i32>} : memref<2x128xi32, #tpu.memory_space<vmem>>, vector<1x16xi32>,
        %get3A_514 = vector.shape_cast %get3A_513 : vector<1x16xi32> to vector<16xi32>
        %swap3A_515 = arith.constant 32 : index
        %swap3A_516 = tpu.vector_load %arg9[%swap3A_515] {strides = array<i32>} : memref<128xi32, #tpu.memory_space<vmem>>, vector<16xi32>,
        %swap3A_517 = vector.shape_cast %swap3A_516 : vector<16xi32> to vector<16xi32>
        %swap3A_518 = vector.shape_cast %get3A_514 : vector<16xi32> to vector<16xi32>
        tpu.vector_store %arg9[%swap3A_515], %swap3A_518 {strides = array<i32>} : memref<128xi32, #tpu.memory_space<vmem>>, vector<16xi32>,
        %get3A_519 = arith.constant 1 : i32
        %get3A_520 = arith.index_cast %get3A_519 : i32 to index
        %get3A_521 = arith.constant 48 : index
        %get3A_522 = tpu.vector_load %arg6[%get3A_520, %get3A_521] {strides = array<i32>} : memref<2x128xi32, #tpu.memory_space<vmem>>, vector<1x16xi32>,
        %get3A_523 = vector.shape_cast %get3A_522 : vector<1x16xi32> to vector<16xi32>
        %swap3A_524 = arith.constant 48 : index
        %swap3A_525 = tpu.vector_load %arg9[%swap3A_524] {strides = array<i32>} : memref<128xi32, #tpu.memory_space<vmem>>, vector<16xi32>,
        %swap3A_526 = vector.shape_cast %swap3A_525 : vector<16xi32> to vector<16xi32>
        %swap3A_527 = vector.shape_cast %get3A_523 : vector<16xi32> to vector<16xi32>
        tpu.vector_store %arg9[%swap3A_524], %swap3A_527 {strides = array<i32>} : memref<128xi32, #tpu.memory_space<vmem>>, vector<16xi32>,
        %get3A_528 = arith.constant 1 : i32
        %get3A_529 = arith.index_cast %get3A_528 : i32 to index
        %get3A_530 = arith.constant 64 : index
        %get3A_531 = tpu.vector_load %arg6[%get3A_529, %get3A_530] {strides = array<i32>} : memref<2x128xi32, #tpu.memory_space<vmem>>, vector<1x16xi32>,
        %get3A_532 = vector.shape_cast %get3A_531 : vector<1x16xi32> to vector<16xi32>
        %swap3A_533 = arith.constant 64 : index
        %swap3A_534 = tpu.vector_load %arg9[%swap3A_533] {strides = array<i32>} : memref<128xi32, #tpu.memory_space<vmem>>, vector<16xi32>,
        %swap3A_535 = vector.shape_cast %swap3A_534 : vector<16xi32> to vector<16xi32>
        %swap3A_536 = vector.shape_cast %get3A_532 : vector<16xi32> to vector<16xi32>
        tpu.vector_store %arg9[%swap3A_533], %swap3A_536 {strides = array<i32>} : memref<128xi32, #tpu.memory_space<vmem>>, vector<16xi32>,
        %get3A_537 = arith.constant 1 : i32
        %get3A_538 = arith.index_cast %get3A_537 : i32 to index
        %get3A_539 = arith.constant 80 : index
        %get3A_540 = tpu.vector_load %arg6[%get3A_538, %get3A_539] {strides = array<i32>} : memref<2x128xi32, #tpu.memory_space<vmem>>, vector<1x16xi32>,
        %get3A_541 = vector.shape_cast %get3A_540 : vector<1x16xi32> to vector<16xi32>
        %swap3A_542 = arith.constant 80 : index
        %swap3A_543 = tpu.vector_load %arg9[%swap3A_542] {strides = array<i32>} : memref<128xi32, #tpu.memory_space<vmem>>, vector<16xi32>,
        %swap3A_544 = vector.shape_cast %swap3A_543 : vector<16xi32> to vector<16xi32>
        %swap3A_545 = vector.shape_cast %get3A_541 : vector<16xi32> to vector<16xi32>
        tpu.vector_store %arg9[%swap3A_542], %swap3A_545 {strides = array<i32>} : memref<128xi32, #tpu.memory_space<vmem>>, vector<16xi32>,
        %get3A_546 = arith.constant 1 : i32
        %get3A_547 = arith.index_cast %get3A_546 : i32 to index
        %get3A_548 = arith.constant 96 : index
        %get3A_549 = tpu.vector_load %arg6[%get3A_547, %get3A_548] {strides = array<i32>} : memref<2x128xi32, #tpu.memory_space<vmem>>, vector<1x16xi32>,
        %get3A_550 = vector.shape_cast %get3A_549 : vector<1x16xi32> to vector<16xi32>
        %swap3A_551 = arith.constant 96 : index
        %swap3A_552 = tpu.vector_load %arg9[%swap3A_551] {strides = array<i32>} : memref<128xi32, #tpu.memory_space<vmem>>, vector<16xi32>,
        %swap3A_553 = vector.shape_cast %swap3A_552 : vector<16xi32> to vector<16xi32>
        %swap3A_554 = vector.shape_cast %get3A_550 : vector<16xi32> to vector<16xi32>
        tpu.vector_store %arg9[%swap3A_551], %swap3A_554 {strides = array<i32>} : memref<128xi32, #tpu.memory_space<vmem>>, vector<16xi32>,
        %get3A_555 = arith.constant 1 : i32
        %get3A_556 = arith.index_cast %get3A_555 : i32 to index
        %get3A_557 = arith.constant 112 : index
        %get3A_558 = tpu.vector_load %arg6[%get3A_556, %get3A_557] {strides = array<i32>} : memref<2x128xi32, #tpu.memory_space<vmem>>, vector<1x16xi32>,
        %get3A_559 = vector.shape_cast %get3A_558 : vector<1x16xi32> to vector<16xi32>
        %swap3A_560 = arith.constant 112 : index
        %swap3A_561 = tpu.vector_load %arg9[%swap3A_560] {strides = array<i32>} : memref<128xi32, #tpu.memory_space<vmem>>, vector<16xi32>,
        %swap3A_562 = vector.shape_cast %swap3A_561 : vector<16xi32> to vector<16xi32>
        %swap3A_563 = vector.shape_cast %get3A_559 : vector<16xi32> to vector<16xi32>
        tpu.vector_store %arg9[%swap3A_560], %swap3A_563 {strides = array<i32>} : memref<128xi32, #tpu.memory_space<vmem>>, vector<16xi32>,
        %dma_start3A_564 = arith.constant 0 : i32
        %dma_start3A_565 = arith.constant 0 : i32
        %dma_start3A_566 = tpu.memref_slice %arg24[%dma_start3A_564, %dma_start3A_565] : memref<10000x128xf32, #tpu.memory_space<vmem_shared>> -> memref<10000x128xf32, #tpu.memory_space<vmem_shared>>
        tpu.enqueue_indirect_dma source(%arg12 : memref<128x128xf32, #tpu.memory_space<vmem>>) target(%dma_start3A_566 : memref<10000x128xf32, #tpu.memory_space<vmem_shared>>) offsets(%arg9 : memref<128xi32, #tpu.memory_space<vmem>>) semaphore(%arg21 : memref<!tpu.dma_semaphore, #tpu.memory_space<semaphore_mem>>) {add = true}
      } else {
      }
      %add3A_460 = arith.constant 2 : i32
      %add3A_461 = arith.addi %add3A_447, %add3A_460 : i32
      %lt3A_462 = arith.cmpi slt, %add3A_461, %select_n3A : i32
      %convert_element_type3A_463 = arith.extui %lt3A_462 : i1 to i32
      %cond3A_464 = arith.constant 0 : i32
      %cond3A_465 = arith.cmpi ne, %convert_element_type3A_463, %cond3A_464 : i32
      scf.if %cond3A_465 {
        %add3A_466 = arith.constant 2 : i32
        %add3A_467 = arith.addi %add3A_447, %add3A_466 : i32
        %dma_wait3A_468 = arith.constant 0 : i32
        %dma_wait3A_469 = arith.constant 0 : i32
        %dma_wait3A_470 = tpu.memref_slice %arg4[%dma_wait3A_468, %dma_wait3A_469] : memref<10000x128xf32, #tpu.memory_space<hbm>> -> memref<128x128xf32, #tpu.memory_space<hbm>>
        %dma_wait3A_471 = arith.constant 0 : i32
        %dma_wait3A_472 = arith.constant 0 : i32
        %dma_wait3A_473 = tpu.memref_slice %arg4[%dma_wait3A_471, %dma_wait3A_472] : memref<10000x128xf32, #tpu.memory_space<hbm>> -> memref<128x128xf32, #tpu.memory_space<hbm>>
        tpu.wait_dma2 semaphore(%arg23 : memref<!tpu.dma_semaphore, #tpu.memory_space<semaphore_mem>>) src(%dma_wait3A_473 : memref<128x128xf32, #tpu.memory_space<hbm>>) dst(%arg14 : memref<128x128xf32, #tpu.memory_space<vmem>>)
        %add3A_474 = arith.constant 2 : i32
        %add3A_475 = arith.addi %add3A_467, %add3A_474 : i32
        %lt3A_476 = arith.cmpi slt, %add3A_475, %select_n3A : i32
        %convert_element_type3A_477 = arith.extui %lt3A_476 : i1 to i32
        %cond3A_478 = arith.constant 0 : i32
        %cond3A_479 = arith.cmpi ne, %convert_element_type3A_477, %cond3A_478 : i32
        scf.if %cond3A_479 {
          %add3A_567 = arith.constant 2 : i32
          %add3A_568 = arith.addi %add3A_467, %add3A_567 : i32
          %mul3A_569 = arith.constant 16 : i32
          %mul3A_570 = arith.muli %mul3A_569, %add3A_568 : i32
          %add3A_571 = arith.addi %arg1, %mul3A_570 : i32
          %mul3A_572 = arith.constant 2 : i32
          %mul3A_573 = arith.muli %mul3A_572, %add3A_571 : i32
          %add3A_574 = arith.constant 0 : i32
          %add3A_575 = arith.addi %add3A_574, %mul3A_573 : i32
          %dma_start3A_576 = arith.constant 0 : i32
          %dma_start3A_577 = tpu.memref_slice %arg3[%add3A_575, %dma_start3A_576] : memref<5000x128xi32, #tpu.memory_space<hbm>> -> memref<2x128xi32, #tpu.memory_space<hbm>>
          %dma_start3A_578 = arith.constant 0 : i32
          %dma_start3A_579 = tpu.memref_slice %arg3[%add3A_575, %dma_start3A_578] : memref<5000x128xi32, #tpu.memory_space<hbm>> -> memref<2x128xi32, #tpu.memory_space<hbm>>
          tpu.enqueue_dma source(%dma_start3A_579 : memref<2x128xi32, #tpu.memory_space<hbm>>) target(%arg6 : memref<2x128xi32, #tpu.memory_space<vmem>>) target_semaphore(%arg15 : memref<!tpu.dma_semaphore, #tpu.memory_space<semaphore_mem>>)
        } else {
        }
        %add3A_480 = arith.constant 1 : i32
        %add3A_481 = arith.addi %add3A_467, %add3A_480 : i32
        %lt3A_482 = arith.cmpi slt, %add3A_481, %select_n3A : i32
        %convert_element_type3A_483 = arith.extui %lt3A_482 : i1 to i32
        %cond3A_484 = arith.constant 0 : i32
        %cond3A_485 = arith.cmpi ne, %convert_element_type3A_483, %cond3A_484 : i32
        scf.if %cond3A_485 {
          %dma_wait3A_567 = arith.constant 0 : i32
          %dma_wait3A_568 = arith.constant 0 : i32
          %dma_wait3A_569 = tpu.memref_slice %arg3[%dma_wait3A_567, %dma_wait3A_568] : memref<5000x128xi32, #tpu.memory_space<hbm>> -> memref<2x128xi32, #tpu.memory_space<hbm>>
          %dma_wait3A_570 = arith.constant 0 : i32
          %dma_wait3A_571 = arith.constant 0 : i32
          %dma_wait3A_572 = tpu.memref_slice %arg3[%dma_wait3A_570, %dma_wait3A_571] : memref<5000x128xi32, #tpu.memory_space<hbm>> -> memref<2x128xi32, #tpu.memory_space<hbm>>
          tpu.wait_dma2 semaphore(%arg17 : memref<!tpu.dma_semaphore, #tpu.memory_space<semaphore_mem>>) src(%dma_wait3A_572 : memref<2x128xi32, #tpu.memory_space<hbm>>) dst(%arg8 : memref<2x128xi32, #tpu.memory_space<vmem>>)
          %dma_start3A_573 = arith.constant 0 : i32
          %dma_start3A_574 = arith.constant 0 : i32
          %dma_start3A_575 = tpu.memref_slice %arg8[%dma_start3A_573, %dma_start3A_574] : memref<2x128xi32, #tpu.memory_space<vmem>> -> memref<1x128xi32, #tpu.memory_space<vmem>>
          %dma_start3A_576 = tpu.memref_squeeze %dma_start3A_575 : memref<1x128xi32, #tpu.memory_space<vmem>> -> memref<128xi32, #tpu.memory_space<vmem>>
          %dma_start3A_577 = arith.constant 0 : i32
          %dma_start3A_578 = arith.constant 0 : i32
          %dma_start3A_579 = tpu.memref_slice %arg2[%arg0, %dma_start3A_577, %dma_start3A_578] : memref<2x10000x128xf32, #tpu.memory_space<hbm>> -> memref<1x10000x128xf32, #tpu.memory_space<hbm>>
          %dma_start3A_580 = tpu.memref_squeeze %dma_start3A_579 : memref<1x10000x128xf32, #tpu.memory_space<hbm>> -> memref<10000x128xf32, #tpu.memory_space<hbm>>
          %dma_start3A_581 = arith.constant 0 : i32
          %dma_start3A_582 = arith.constant 0 : i32
          %dma_start3A_583 = tpu.memref_slice %dma_start3A_580[%dma_start3A_581, %dma_start3A_582] : memref<10000x128xf32, #tpu.memory_space<hbm>> -> memref<10000x128xf32, #tpu.memory_space<hbm>>
          tpu.enqueue_indirect_dma source(%dma_start3A_583 : memref<10000x128xf32, #tpu.memory_space<hbm>>) target(%arg14 : memref<128x128xf32, #tpu.memory_space<vmem>>) offsets(%dma_start3A_576 : memref<128xi32, #tpu.memory_space<vmem>>) semaphore(%arg20 : memref<!tpu.dma_semaphore, #tpu.memory_space<semaphore_mem>>)
        } else {
        }
        %dma_wait3A_486 = arith.constant 0 : i32
        %dma_wait3A_487 = arith.constant 0 : i32
        %dma_wait3A_488 = tpu.memref_slice %arg4[%dma_wait3A_486, %dma_wait3A_487] : memref<10000x128xf32, #tpu.memory_space<hbm>> -> memref<128x128xf32, #tpu.memory_space<hbm>>
        %dma_wait3A_489 = arith.constant 0 : i32
        %dma_wait3A_490 = arith.constant 0 : i32
        %dma_wait3A_491 = tpu.memref_slice %arg4[%dma_wait3A_489, %dma_wait3A_490] : memref<10000x128xf32, #tpu.memory_space<hbm>> -> memref<128x128xf32, #tpu.memory_space<hbm>>
        tpu.wait_dma2 semaphore(%arg19 : memref<!tpu.dma_semaphore, #tpu.memory_space<semaphore_mem>>) src(%dma_wait3A_491 : memref<128x128xf32, #tpu.memory_space<hbm>>) dst(%arg13 : memref<128x128xf32, #tpu.memory_space<vmem>>)
        %get3A_492 = arith.constant 1 : i32
        %get3A_493 = arith.index_cast %get3A_492 : i32 to index
        %get3A_494 = arith.constant 0 : index
        %get3A_495 = tpu.vector_load %arg7[%get3A_493, %get3A_494] {strides = array<i32>} : memref<2x128xi32, #tpu.memory_space<vmem>>, vector<1x16xi32>,
        %get3A_496 = vector.shape_cast %get3A_495 : vector<1x16xi32> to vector<16xi32>
        %swap3A_497 = arith.constant 0 : index
        %swap3A_498 = tpu.vector_load %arg10[%swap3A_497] {strides = array<i32>} : memref<128xi32, #tpu.memory_space<vmem>>, vector<16xi32>,
        %swap3A_499 = vector.shape_cast %swap3A_498 : vector<16xi32> to vector<16xi32>
        %swap3A_500 = vector.shape_cast %get3A_496 : vector<16xi32> to vector<16xi32>
        tpu.vector_store %arg10[%swap3A_497], %swap3A_500 {strides = array<i32>} : memref<128xi32, #tpu.memory_space<vmem>>, vector<16xi32>,
        %get3A_501 = arith.constant 1 : i32
        %get3A_502 = arith.index_cast %get3A_501 : i32 to index
        %get3A_503 = arith.constant 16 : index
        %get3A_504 = tpu.vector_load %arg7[%get3A_502, %get3A_503] {strides = array<i32>} : memref<2x128xi32, #tpu.memory_space<vmem>>, vector<1x16xi32>,
        %get3A_505 = vector.shape_cast %get3A_504 : vector<1x16xi32> to vector<16xi32>
        %swap3A_506 = arith.constant 16 : index
        %swap3A_507 = tpu.vector_load %arg10[%swap3A_506] {strides = array<i32>} : memref<128xi32, #tpu.memory_space<vmem>>, vector<16xi32>,
        %swap3A_508 = vector.shape_cast %swap3A_507 : vector<16xi32> to vector<16xi32>
        %swap3A_509 = vector.shape_cast %get3A_505 : vector<16xi32> to vector<16xi32>
        tpu.vector_store %arg10[%swap3A_506], %swap3A_509 {strides = array<i32>} : memref<128xi32, #tpu.memory_space<vmem>>, vector<16xi32>,
        %get3A_510 = arith.constant 1 : i32
        %get3A_511 = arith.index_cast %get3A_510 : i32 to index
        %get3A_512 = arith.constant 32 : index
        %get3A_513 = tpu.vector_load %arg7[%get3A_511, %get3A_512] {strides = array<i32>} : memref<2x128xi32, #tpu.memory_space<vmem>>, vector<1x16xi32>,
        %get3A_514 = vector.shape_cast %get3A_513 : vector<1x16xi32> to vector<16xi32>
        %swap3A_515 = arith.constant 32 : index
        %swap3A_516 = tpu.vector_load %arg10[%swap3A_515] {strides = array<i32>} : memref<128xi32, #tpu.memory_space<vmem>>, vector<16xi32>,
        %swap3A_517 = vector.shape_cast %swap3A_516 : vector<16xi32> to vector<16xi32>
        %swap3A_518 = vector.shape_cast %get3A_514 : vector<16xi32> to vector<16xi32>
        tpu.vector_store %arg10[%swap3A_515], %swap3A_518 {strides = array<i32>} : memref<128xi32, #tpu.memory_space<vmem>>, vector<16xi32>,
        %get3A_519 = arith.constant 1 : i32
        %get3A_520 = arith.index_cast %get3A_519 : i32 to index
        %get3A_521 = arith.constant 48 : index
        %get3A_522 = tpu.vector_load %arg7[%get3A_520, %get3A_521] {strides = array<i32>} : memref<2x128xi32, #tpu.memory_space<vmem>>, vector<1x16xi32>,
        %get3A_523 = vector.shape_cast %get3A_522 : vector<1x16xi32> to vector<16xi32>
        %swap3A_524 = arith.constant 48 : index
        %swap3A_525 = tpu.vector_load %arg10[%swap3A_524] {strides = array<i32>} : memref<128xi32, #tpu.memory_space<vmem>>, vector<16xi32>,
        %swap3A_526 = vector.shape_cast %swap3A_525 : vector<16xi32> to vector<16xi32>
        %swap3A_527 = vector.shape_cast %get3A_523 : vector<16xi32> to vector<16xi32>
        tpu.vector_store %arg10[%swap3A_524], %swap3A_527 {strides = array<i32>} : memref<128xi32, #tpu.memory_space<vmem>>, vector<16xi32>,
        %get3A_528 = arith.constant 1 : i32
        %get3A_529 = arith.index_cast %get3A_528 : i32 to index
        %get3A_530 = arith.constant 64 : index
        %get3A_531 = tpu.vector_load %arg7[%get3A_529, %get3A_530] {strides = array<i32>} : memref<2x128xi32, #tpu.memory_space<vmem>>, vector<1x16xi32>,
        %get3A_532 = vector.shape_cast %get3A_531 : vector<1x16xi32> to vector<16xi32>
        %swap3A_533 = arith.constant 64 : index
        %swap3A_534 = tpu.vector_load %arg10[%swap3A_533] {strides = array<i32>} : memref<128xi32, #tpu.memory_space<vmem>>, vector<16xi32>,
        %swap3A_535 = vector.shape_cast %swap3A_534 : vector<16xi32> to vector<16xi32>
        %swap3A_536 = vector.shape_cast %get3A_532 : vector<16xi32> to vector<16xi32>
        tpu.vector_store %arg10[%swap3A_533], %swap3A_536 {strides = array<i32>} : memref<128xi32, #tpu.memory_space<vmem>>, vector<16xi32>,
        %get3A_537 = arith.constant 1 : i32
        %get3A_538 = arith.index_cast %get3A_537 : i32 to index
        %get3A_539 = arith.constant 80 : index
        %get3A_540 = tpu.vector_load %arg7[%get3A_538, %get3A_539] {strides = array<i32>} : memref<2x128xi32, #tpu.memory_space<vmem>>, vector<1x16xi32>,
        %get3A_541 = vector.shape_cast %get3A_540 : vector<1x16xi32> to vector<16xi32>
        %swap3A_542 = arith.constant 80 : index
        %swap3A_543 = tpu.vector_load %arg10[%swap3A_542] {strides = array<i32>} : memref<128xi32, #tpu.memory_space<vmem>>, vector<16xi32>,
        %swap3A_544 = vector.shape_cast %swap3A_543 : vector<16xi32> to vector<16xi32>
        %swap3A_545 = vector.shape_cast %get3A_541 : vector<16xi32> to vector<16xi32>
        tpu.vector_store %arg10[%swap3A_542], %swap3A_545 {strides = array<i32>} : memref<128xi32, #tpu.memory_space<vmem>>, vector<16xi32>,
        %get3A_546 = arith.constant 1 : i32
        %get3A_547 = arith.index_cast %get3A_546 : i32 to index
        %get3A_548 = arith.constant 96 : index
        %get3A_549 = tpu.vector_load %arg7[%get3A_547, %get3A_548] {strides = array<i32>} : memref<2x128xi32, #tpu.memory_space<vmem>>, vector<1x16xi32>,
        %get3A_550 = vector.shape_cast %get3A_549 : vector<1x16xi32> to vector<16xi32>
        %swap3A_551 = arith.constant 96 : index
        %swap3A_552 = tpu.vector_load %arg10[%swap3A_551] {strides = array<i32>} : memref<128xi32, #tpu.memory_space<vmem>>, vector<16xi32>,
        %swap3A_553 = vector.shape_cast %swap3A_552 : vector<16xi32> to vector<16xi32>
        %swap3A_554 = vector.shape_cast %get3A_550 : vector<16xi32> to vector<16xi32>
        tpu.vector_store %arg10[%swap3A_551], %swap3A_554 {strides = array<i32>} : memref<128xi32, #tpu.memory_space<vmem>>, vector<16xi32>,
        %get3A_555 = arith.constant 1 : i32
        %get3A_556 = arith.index_cast %get3A_555 : i32 to index
        %get3A_557 = arith.constant 112 : index
        %get3A_558 = tpu.vector_load %arg7[%get3A_556, %get3A_557] {strides = array<i32>} : memref<2x128xi32, #tpu.memory_space<vmem>>, vector<1x16xi32>,
        %get3A_559 = vector.shape_cast %get3A_558 : vector<1x16xi32> to vector<16xi32>
        %swap3A_560 = arith.constant 112 : index
        %swap3A_561 = tpu.vector_load %arg10[%swap3A_560] {strides = array<i32>} : memref<128xi32, #tpu.memory_space<vmem>>, vector<16xi32>,
        %swap3A_562 = vector.shape_cast %swap3A_561 : vector<16xi32> to vector<16xi32>
        %swap3A_563 = vector.shape_cast %get3A_559 : vector<16xi32> to vector<16xi32>
        tpu.vector_store %arg10[%swap3A_560], %swap3A_563 {strides = array<i32>} : memref<128xi32, #tpu.memory_space<vmem>>, vector<16xi32>,
        %dma_start3A_564 = arith.constant 0 : i32
        %dma_start3A_565 = arith.constant 0 : i32
        %dma_start3A_566 = tpu.memref_slice %arg24[%dma_start3A_564, %dma_start3A_565] : memref<10000x128xf32, #tpu.memory_space<vmem_shared>> -> memref<10000x128xf32, #tpu.memory_space<vmem_shared>>
        tpu.enqueue_indirect_dma source(%arg13 : memref<128x128xf32, #tpu.memory_space<vmem>>) target(%dma_start3A_566 : memref<10000x128xf32, #tpu.memory_space<vmem_shared>>) offsets(%arg10 : memref<128xi32, #tpu.memory_space<vmem>>) semaphore(%arg22 : memref<!tpu.dma_semaphore, #tpu.memory_space<semaphore_mem>>) {add = true}
      } else {
      }
    }
    %while3A_291 = arith.constant 1 : i32
    scf.for %while3A_441 = %while3A_289 to %while3A_285 step %while3A_291  : i32 {
      %mul3A_442 = arith.muli %while3A_441, %while3A : i32
      %add3A_443 = arith.addi %while3A_282, %mul3A_442 : i32
      %mul3A_444 = arith.constant 3 : i32
      %mul3A_445 = arith.muli %mul3A_444, %add3A_443 : i32
      %add3A_446 = arith.constant 2 : i32
      %add3A_447 = arith.addi %add3A_446, %mul3A_445 : i32
      %add3A_448 = arith.constant 0 : i32
      %add3A_449 = arith.addi %add3A_447, %add3A_448 : i32
      %lt3A_450 = arith.cmpi slt, %add3A_449, %select_n3A : i32
      %convert_element_type3A_451 = arith.extui %lt3A_450 : i1 to i32
      %cond3A_452 = arith.constant 0 : i32
      %cond3A_453 = arith.cmpi ne, %convert_element_type3A_451, %cond3A_452 : i32
      scf.if %cond3A_453 {
        %add3A_466 = arith.constant 0 : i32
        %add3A_467 = arith.addi %add3A_447, %add3A_466 : i32
        %dma_wait3A_468 = arith.constant 0 : i32
        %dma_wait3A_469 = arith.constant 0 : i32
        %dma_wait3A_470 = tpu.memref_slice %arg4[%dma_wait3A_468, %dma_wait3A_469] : memref<10000x128xf32, #tpu.memory_space<hbm>> -> memref<128x128xf32, #tpu.memory_space<hbm>>
        %dma_wait3A_471 = arith.constant 0 : i32
        %dma_wait3A_472 = arith.constant 0 : i32
        %dma_wait3A_473 = tpu.memref_slice %arg4[%dma_wait3A_471, %dma_wait3A_472] : memref<10000x128xf32, #tpu.memory_space<hbm>> -> memref<128x128xf32, #tpu.memory_space<hbm>>
        tpu.wait_dma2 semaphore(%arg21 : memref<!tpu.dma_semaphore, #tpu.memory_space<semaphore_mem>>) src(%dma_wait3A_473 : memref<128x128xf32, #tpu.memory_space<hbm>>) dst(%arg12 : memref<128x128xf32, #tpu.memory_space<vmem>>)
        %add3A_474 = arith.constant 2 : i32
        %add3A_475 = arith.addi %add3A_467, %add3A_474 : i32
        %lt3A_476 = arith.cmpi slt, %add3A_475, %select_n3A : i32
        %convert_element_type3A_477 = arith.extui %lt3A_476 : i1 to i32
        %cond3A_478 = arith.constant 0 : i32
        %cond3A_479 = arith.cmpi ne, %convert_element_type3A_477, %cond3A_478 : i32
        scf.if %cond3A_479 {
          %add3A_567 = arith.constant 2 : i32
          %add3A_568 = arith.addi %add3A_467, %add3A_567 : i32
          %mul3A_569 = arith.constant 16 : i32
          %mul3A_570 = arith.muli %mul3A_569, %add3A_568 : i32
          %add3A_571 = arith.addi %arg1, %mul3A_570 : i32
          %mul3A_572 = arith.constant 2 : i32
          %mul3A_573 = arith.muli %mul3A_572, %add3A_571 : i32
          %add3A_574 = arith.constant 0 : i32
          %add3A_575 = arith.addi %add3A_574, %mul3A_573 : i32
          %dma_start3A_576 = arith.constant 0 : i32
          %dma_start3A_577 = tpu.memref_slice %arg3[%add3A_575, %dma_start3A_576] : memref<5000x128xi32, #tpu.memory_space<hbm>> -> memref<2x128xi32, #tpu.memory_space<hbm>>
          %dma_start3A_578 = arith.constant 0 : i32
          %dma_start3A_579 = tpu.memref_slice %arg3[%add3A_575, %dma_start3A_578] : memref<5000x128xi32, #tpu.memory_space<hbm>> -> memref<2x128xi32, #tpu.memory_space<hbm>>
          tpu.enqueue_dma source(%dma_start3A_579 : memref<2x128xi32, #tpu.memory_space<hbm>>) target(%arg7 : memref<2x128xi32, #tpu.memory_space<vmem>>) target_semaphore(%arg16 : memref<!tpu.dma_semaphore, #tpu.memory_space<semaphore_mem>>)
        } else {
        }
        %add3A_480 = arith.constant 1 : i32
        %add3A_481 = arith.addi %add3A_467, %add3A_480 : i32
        %lt3A_482 = arith.cmpi slt, %add3A_481, %select_n3A : i32
        %convert_element_type3A_483 = arith.extui %lt3A_482 : i1 to i32
        %cond3A_484 = arith.constant 0 : i32
        %cond3A_485 = arith.cmpi ne, %convert_element_type3A_483, %cond3A_484 : i32
        scf.if %cond3A_485 {
          %dma_wait3A_567 = arith.constant 0 : i32
          %dma_wait3A_568 = arith.constant 0 : i32
          %dma_wait3A_569 = tpu.memref_slice %arg3[%dma_wait3A_567, %dma_wait3A_568] : memref<5000x128xi32, #tpu.memory_space<hbm>> -> memref<2x128xi32, #tpu.memory_space<hbm>>
          %dma_wait3A_570 = arith.constant 0 : i32
          %dma_wait3A_571 = arith.constant 0 : i32
          %dma_wait3A_572 = tpu.memref_slice %arg3[%dma_wait3A_570, %dma_wait3A_571] : memref<5000x128xi32, #tpu.memory_space<hbm>> -> memref<2x128xi32, #tpu.memory_space<hbm>>
          tpu.wait_dma2 semaphore(%arg15 : memref<!tpu.dma_semaphore, #tpu.memory_space<semaphore_mem>>) src(%dma_wait3A_572 : memref<2x128xi32, #tpu.memory_space<hbm>>) dst(%arg6 : memref<2x128xi32, #tpu.memory_space<vmem>>)
          %dma_start3A_573 = arith.constant 0 : i32
          %dma_start3A_574 = arith.constant 0 : i32
          %dma_start3A_575 = tpu.memref_slice %arg6[%dma_start3A_573, %dma_start3A_574] : memref<2x128xi32, #tpu.memory_space<vmem>> -> memref<1x128xi32, #tpu.memory_space<vmem>>
          %dma_start3A_576 = tpu.memref_squeeze %dma_start3A_575 : memref<1x128xi32, #tpu.memory_space<vmem>> -> memref<128xi32, #tpu.memory_space<vmem>>
          %dma_start3A_577 = arith.constant 0 : i32
          %dma_start3A_578 = arith.constant 0 : i32
          %dma_start3A_579 = tpu.memref_slice %arg2[%arg0, %dma_start3A_577, %dma_start3A_578] : memref<2x10000x128xf32, #tpu.memory_space<hbm>> -> memref<1x10000x128xf32, #tpu.memory_space<hbm>>
          %dma_start3A_580 = tpu.memref_squeeze %dma_start3A_579 : memref<1x10000x128xf32, #tpu.memory_space<hbm>> -> memref<10000x128xf32, #tpu.memory_space<hbm>>
          %dma_start3A_581 = arith.constant 0 : i32
          %dma_start3A_582 = arith.constant 0 : i32
          %dma_start3A_583 = tpu.memref_slice %dma_start3A_580[%dma_start3A_581, %dma_start3A_582] : memref<10000x128xf32, #tpu.memory_space<hbm>> -> memref<10000x128xf32, #tpu.memory_space<hbm>>
          tpu.enqueue_indirect_dma source(%dma_start3A_583 : memref<10000x128xf32, #tpu.memory_space<hbm>>) target(%arg12 : memref<128x128xf32, #tpu.memory_space<vmem>>) offsets(%dma_start3A_576 : memref<128xi32, #tpu.memory_space<vmem>>) semaphore(%arg18 : memref<!tpu.dma_semaphore, #tpu.memory_space<semaphore_mem>>)
        } else {
        }
        %dma_wait3A_486 = arith.constant 0 : i32
        %dma_wait3A_487 = arith.constant 0 : i32
        %dma_wait3A_488 = tpu.memref_slice %arg4[%dma_wait3A_486, %dma_wait3A_487] : memref<10000x128xf32, #tpu.memory_space<hbm>> -> memref<128x128xf32, #tpu.memory_space<hbm>>
        %dma_wait3A_489 = arith.constant 0 : i32
        %dma_wait3A_490 = arith.constant 0 : i32
        %dma_wait3A_491 = tpu.memref_slice %arg4[%dma_wait3A_489, %dma_wait3A_490] : memref<10000x128xf32, #tpu.memory_space<hbm>> -> memref<128x128xf32, #tpu.memory_space<hbm>>
        tpu.wait_dma2 semaphore(%arg20 : memref<!tpu.dma_semaphore, #tpu.memory_space<semaphore_mem>>) src(%dma_wait3A_491 : memref<128x128xf32, #tpu.memory_space<hbm>>) dst(%arg14 : memref<128x128xf32, #tpu.memory_space<vmem>>)
        %get3A_492 = arith.constant 1 : i32
        %get3A_493 = arith.index_cast %get3A_492 : i32 to index
        %get3A_494 = arith.constant 0 : index
        %get3A_495 = tpu.vector_load %arg8[%get3A_493, %get3A_494] {strides = array<i32>} : memref<2x128xi32, #tpu.memory_space<vmem>>, vector<1x16xi32>,
        %get3A_496 = vector.shape_cast %get3A_495 : vector<1x16xi32> to vector<16xi32>
        %swap3A_497 = arith.constant 0 : index
        %swap3A_498 = tpu.vector_load %arg11[%swap3A_497] {strides = array<i32>} : memref<128xi32, #tpu.memory_space<vmem>>, vector<16xi32>,
        %swap3A_499 = vector.shape_cast %swap3A_498 : vector<16xi32> to vector<16xi32>
        %swap3A_500 = vector.shape_cast %get3A_496 : vector<16xi32> to vector<16xi32>
        tpu.vector_store %arg11[%swap3A_497], %swap3A_500 {strides = array<i32>} : memref<128xi32, #tpu.memory_space<vmem>>, vector<16xi32>,
        %get3A_501 = arith.constant 1 : i32
        %get3A_502 = arith.index_cast %get3A_501 : i32 to index
        %get3A_503 = arith.constant 16 : index
        %get3A_504 = tpu.vector_load %arg8[%get3A_502, %get3A_503] {strides = array<i32>} : memref<2x128xi32, #tpu.memory_space<vmem>>, vector<1x16xi32>,
        %get3A_505 = vector.shape_cast %get3A_504 : vector<1x16xi32> to vector<16xi32>
        %swap3A_506 = arith.constant 16 : index
        %swap3A_507 = tpu.vector_load %arg11[%swap3A_506] {strides = array<i32>} : memref<128xi32, #tpu.memory_space<vmem>>, vector<16xi32>,
        %swap3A_508 = vector.shape_cast %swap3A_507 : vector<16xi32> to vector<16xi32>
        %swap3A_509 = vector.shape_cast %get3A_505 : vector<16xi32> to vector<16xi32>
        tpu.vector_store %arg11[%swap3A_506], %swap3A_509 {strides = array<i32>} : memref<128xi32, #tpu.memory_space<vmem>>, vector<16xi32>,
        %get3A_510 = arith.constant 1 : i32
        %get3A_511 = arith.index_cast %get3A_510 : i32 to index
        %get3A_512 = arith.constant 32 : index
        %get3A_513 = tpu.vector_load %arg8[%get3A_511, %get3A_512] {strides = array<i32>} : memref<2x128xi32, #tpu.memory_space<vmem>>, vector<1x16xi32>,
        %get3A_514 = vector.shape_cast %get3A_513 : vector<1x16xi32> to vector<16xi32>
        %swap3A_515 = arith.constant 32 : index
        %swap3A_516 = tpu.vector_load %arg11[%swap3A_515] {strides = array<i32>} : memref<128xi32, #tpu.memory_space<vmem>>, vector<16xi32>,
        %swap3A_517 = vector.shape_cast %swap3A_516 : vector<16xi32> to vector<16xi32>
        %swap3A_518 = vector.shape_cast %get3A_514 : vector<16xi32> to vector<16xi32>
        tpu.vector_store %arg11[%swap3A_515], %swap3A_518 {strides = array<i32>} : memref<128xi32, #tpu.memory_space<vmem>>, vector<16xi32>,
        %get3A_519 = arith.constant 1 : i32
        %get3A_520 = arith.index_cast %get3A_519 : i32 to index
        %get3A_521 = arith.constant 48 : index
        %get3A_522 = tpu.vector_load %arg8[%get3A_520, %get3A_521] {strides = array<i32>} : memref<2x128xi32, #tpu.memory_space<vmem>>, vector<1x16xi32>,
        %get3A_523 = vector.shape_cast %get3A_522 : vector<1x16xi32> to vector<16xi32>
        %swap3A_524 = arith.constant 48 : index
        %swap3A_525 = tpu.vector_load %arg11[%swap3A_524] {strides = array<i32>} : memref<128xi32, #tpu.memory_space<vmem>>, vector<16xi32>,
        %swap3A_526 = vector.shape_cast %swap3A_525 : vector<16xi32> to vector<16xi32>
        %swap3A_527 = vector.shape_cast %get3A_523 : vector<16xi32> to vector<16xi32>
        tpu.vector_store %arg11[%swap3A_524], %swap3A_527 {strides = array<i32>} : memref<128xi32, #tpu.memory_space<vmem>>, vector<16xi32>,
        %get3A_528 = arith.constant 1 : i32
        %get3A_529 = arith.index_cast %get3A_528 : i32 to index
        %get3A_530 = arith.constant 64 : index
        %get3A_531 = tpu.vector_load %arg8[%get3A_529, %get3A_530] {strides = array<i32>} : memref<2x128xi32, #tpu.memory_space<vmem>>, vector<1x16xi32>,
        %get3A_532 = vector.shape_cast %get3A_531 : vector<1x16xi32> to vector<16xi32>
        %swap3A_533 = arith.constant 64 : index
        %swap3A_534 = tpu.vector_load %arg11[%swap3A_533] {strides = array<i32>} : memref<128xi32, #tpu.memory_space<vmem>>, vector<16xi32>,
        %swap3A_535 = vector.shape_cast %swap3A_534 : vector<16xi32> to vector<16xi32>
        %swap3A_536 = vector.shape_cast %get3A_532 : vector<16xi32> to vector<16xi32>
        tpu.vector_store %arg11[%swap3A_533], %swap3A_536 {strides = array<i32>} : memref<128xi32, #tpu.memory_space<vmem>>, vector<16xi32>,
        %get3A_537 = arith.constant 1 : i32
        %get3A_538 = arith.index_cast %get3A_537 : i32 to index
        %get3A_539 = arith.constant 80 : index
        %get3A_540 = tpu.vector_load %arg8[%get3A_538, %get3A_539] {strides = array<i32>} : memref<2x128xi32, #tpu.memory_space<vmem>>, vector<1x16xi32>,
        %get3A_541 = vector.shape_cast %get3A_540 : vector<1x16xi32> to vector<16xi32>
        %swap3A_542 = arith.constant 80 : index
        %swap3A_543 = tpu.vector_load %arg11[%swap3A_542] {strides = array<i32>} : memref<128xi32, #tpu.memory_space<vmem>>, vector<16xi32>,
        %swap3A_544 = vector.shape_cast %swap3A_543 : vector<16xi32> to vector<16xi32>
        %swap3A_545 = vector.shape_cast %get3A_541 : vector<16xi32> to vector<16xi32>
        tpu.vector_store %arg11[%swap3A_542], %swap3A_545 {strides = array<i32>} : memref<128xi32, #tpu.memory_space<vmem>>, vector<16xi32>,
        %get3A_546 = arith.constant 1 : i32
        %get3A_547 = arith.index_cast %get3A_546 : i32 to index
        %get3A_548 = arith.constant 96 : index
        %get3A_549 = tpu.vector_load %arg8[%get3A_547, %get3A_548] {strides = array<i32>} : memref<2x128xi32, #tpu.memory_space<vmem>>, vector<1x16xi32>,
        %get3A_550 = vector.shape_cast %get3A_549 : vector<1x16xi32> to vector<16xi32>
        %swap3A_551 = arith.constant 96 : index
        %swap3A_552 = tpu.vector_load %arg11[%swap3A_551] {strides = array<i32>} : memref<128xi32, #tpu.memory_space<vmem>>, vector<16xi32>,
        %swap3A_553 = vector.shape_cast %swap3A_552 : vector<16xi32> to vector<16xi32>
        %swap3A_554 = vector.shape_cast %get3A_550 : vector<16xi32> to vector<16xi32>
        tpu.vector_store %arg11[%swap3A_551], %swap3A_554 {strides = array<i32>} : memref<128xi32, #tpu.memory_space<vmem>>, vector<16xi32>,
        %get3A_555 = arith.constant 1 : i32
        %get3A_556 = arith.index_cast %get3A_555 : i32 to index
        %get3A_557 = arith.constant 112 : index
        %get3A_558 = tpu.vector_load %arg8[%get3A_556, %get3A_557] {strides = array<i32>} : memref<2x128xi32, #tpu.memory_space<vmem>>, vector<1x16xi32>,
        %get3A_559 = vector.shape_cast %get3A_558 : vector<1x16xi32> to vector<16xi32>
        %swap3A_560 = arith.constant 112 : index
        %swap3A_561 = tpu.vector_load %arg11[%swap3A_560] {strides = array<i32>} : memref<128xi32, #tpu.memory_space<vmem>>, vector<16xi32>,
        %swap3A_562 = vector.shape_cast %swap3A_561 : vector<16xi32> to vector<16xi32>
        %swap3A_563 = vector.shape_cast %get3A_559 : vector<16xi32> to vector<16xi32>
        tpu.vector_store %arg11[%swap3A_560], %swap3A_563 {strides = array<i32>} : memref<128xi32, #tpu.memory_space<vmem>>, vector<16xi32>,
        %dma_start3A_564 = arith.constant 0 : i32
        %dma_start3A_565 = arith.constant 0 : i32
        %dma_start3A_566 = tpu.memref_slice %arg24[%dma_start3A_564, %dma_start3A_565] : memref<10000x128xf32, #tpu.memory_space<vmem_shared>> -> memref<10000x128xf32, #tpu.memory_space<vmem_shared>>
        tpu.enqueue_indirect_dma source(%arg14 : memref<128x128xf32, #tpu.memory_space<vmem>>) target(%dma_start3A_566 : memref<10000x128xf32, #tpu.memory_space<vmem_shared>>) offsets(%arg11 : memref<128xi32, #tpu.memory_space<vmem>>) semaphore(%arg23 : memref<!tpu.dma_semaphore, #tpu.memory_space<semaphore_mem>>) {add = true}
      } else {
      }
      %add3A_454 = arith.constant 1 : i32
      %add3A_455 = arith.addi %add3A_447, %add3A_454 : i32
      %lt3A_456 = arith.cmpi slt, %add3A_455, %select_n3A : i32
      %convert_element_type3A_457 = arith.extui %lt3A_456 : i1 to i32
      %cond3A_458 = arith.constant 0 : i32
      %cond3A_459 = arith.cmpi ne, %convert_element_type3A_457, %cond3A_458 : i32
      scf.if %cond3A_459 {
        %add3A_466 = arith.constant 1 : i32
        %add3A_467 = arith.addi %add3A_447, %add3A_466 : i32
        %dma_wait3A_468 = arith.constant 0 : i32
        %dma_wait3A_469 = arith.constant 0 : i32
        %dma_wait3A_470 = tpu.memref_slice %arg4[%dma_wait3A_468, %dma_wait3A_469] : memref<10000x128xf32, #tpu.memory_space<hbm>> -> memref<128x128xf32, #tpu.memory_space<hbm>>
        %dma_wait3A_471 = arith.constant 0 : i32
        %dma_wait3A_472 = arith.constant 0 : i32
        %dma_wait3A_473 = tpu.memref_slice %arg4[%dma_wait3A_471, %dma_wait3A_472] : memref<10000x128xf32, #tpu.memory_space<hbm>> -> memref<128x128xf32, #tpu.memory_space<hbm>>
        tpu.wait_dma2 semaphore(%arg22 : memref<!tpu.dma_semaphore, #tpu.memory_space<semaphore_mem>>) src(%dma_wait3A_473 : memref<128x128xf32, #tpu.memory_space<hbm>>) dst(%arg13 : memref<128x128xf32, #tpu.memory_space<vmem>>)
        %add3A_474 = arith.constant 2 : i32
        %add3A_475 = arith.addi %add3A_467, %add3A_474 : i32
        %lt3A_476 = arith.cmpi slt, %add3A_475, %select_n3A : i32
        %convert_element_type3A_477 = arith.extui %lt3A_476 : i1 to i32
        %cond3A_478 = arith.constant 0 : i32
        %cond3A_479 = arith.cmpi ne, %convert_element_type3A_477, %cond3A_478 : i32
        scf.if %cond3A_479 {
          %add3A_567 = arith.constant 2 : i32
          %add3A_568 = arith.addi %add3A_467, %add3A_567 : i32
          %mul3A_569 = arith.constant 16 : i32
          %mul3A_570 = arith.muli %mul3A_569, %add3A_568 : i32
          %add3A_571 = arith.addi %arg1, %mul3A_570 : i32
          %mul3A_572 = arith.constant 2 : i32
          %mul3A_573 = arith.muli %mul3A_572, %add3A_571 : i32
          %add3A_574 = arith.constant 0 : i32
          %add3A_575 = arith.addi %add3A_574, %mul3A_573 : i32
          %dma_start3A_576 = arith.constant 0 : i32
          %dma_start3A_577 = tpu.memref_slice %arg3[%add3A_575, %dma_start3A_576] : memref<5000x128xi32, #tpu.memory_space<hbm>> -> memref<2x128xi32, #tpu.memory_space<hbm>>
          %dma_start3A_578 = arith.constant 0 : i32
          %dma_start3A_579 = tpu.memref_slice %arg3[%add3A_575, %dma_start3A_578] : memref<5000x128xi32, #tpu.memory_space<hbm>> -> memref<2x128xi32, #tpu.memory_space<hbm>>
          tpu.enqueue_dma source(%dma_start3A_579 : memref<2x128xi32, #tpu.memory_space<hbm>>) target(%arg8 : memref<2x128xi32, #tpu.memory_space<vmem>>) target_semaphore(%arg17 : memref<!tpu.dma_semaphore, #tpu.memory_space<semaphore_mem>>)
        } else {
        }
        %add3A_480 = arith.constant 1 : i32
        %add3A_481 = arith.addi %add3A_467, %add3A_480 : i32
        %lt3A_482 = arith.cmpi slt, %add3A_481, %select_n3A : i32
        %convert_element_type3A_483 = arith.extui %lt3A_482 : i1 to i32
        %cond3A_484 = arith.constant 0 : i32
        %cond3A_485 = arith.cmpi ne, %convert_element_type3A_483, %cond3A_484 : i32
        scf.if %cond3A_485 {
          %dma_wait3A_567 = arith.constant 0 : i32
          %dma_wait3A_568 = arith.constant 0 : i32
          %dma_wait3A_569 = tpu.memref_slice %arg3[%dma_wait3A_567, %dma_wait3A_568] : memref<5000x128xi32, #tpu.memory_space<hbm>> -> memref<2x128xi32, #tpu.memory_space<hbm>>
          %dma_wait3A_570 = arith.constant 0 : i32
          %dma_wait3A_571 = arith.constant 0 : i32
          %dma_wait3A_572 = tpu.memref_slice %arg3[%dma_wait3A_570, %dma_wait3A_571] : memref<5000x128xi32, #tpu.memory_space<hbm>> -> memref<2x128xi32, #tpu.memory_space<hbm>>
          tpu.wait_dma2 semaphore(%arg16 : memref<!tpu.dma_semaphore, #tpu.memory_space<semaphore_mem>>) src(%dma_wait3A_572 : memref<2x128xi32, #tpu.memory_space<hbm>>) dst(%arg7 : memref<2x128xi32, #tpu.memory_space<vmem>>)
          %dma_start3A_573 = arith.constant 0 : i32
          %dma_start3A_574 = arith.constant 0 : i32
          %dma_start3A_575 = tpu.memref_slice %arg7[%dma_start3A_573, %dma_start3A_574] : memref<2x128xi32, #tpu.memory_space<vmem>> -> memref<1x128xi32, #tpu.memory_space<vmem>>
          %dma_start3A_576 = tpu.memref_squeeze %dma_start3A_575 : memref<1x128xi32, #tpu.memory_space<vmem>> -> memref<128xi32, #tpu.memory_space<vmem>>
          %dma_start3A_577 = arith.constant 0 : i32
          %dma_start3A_578 = arith.constant 0 : i32
          %dma_start3A_579 = tpu.memref_slice %arg2[%arg0, %dma_start3A_577, %dma_start3A_578] : memref<2x10000x128xf32, #tpu.memory_space<hbm>> -> memref<1x10000x128xf32, #tpu.memory_space<hbm>>
          %dma_start3A_580 = tpu.memref_squeeze %dma_start3A_579 : memref<1x10000x128xf32, #tpu.memory_space<hbm>> -> memref<10000x128xf32, #tpu.memory_space<hbm>>
          %dma_start3A_581 = arith.constant 0 : i32
          %dma_start3A_582 = arith.constant 0 : i32
          %dma_start3A_583 = tpu.memref_slice %dma_start3A_580[%dma_start3A_581, %dma_start3A_582] : memref<10000x128xf32, #tpu.memory_space<hbm>> -> memref<10000x128xf32, #tpu.memory_space<hbm>>
          tpu.enqueue_indirect_dma source(%dma_start3A_583 : memref<10000x128xf32, #tpu.memory_space<hbm>>) target(%arg13 : memref<128x128xf32, #tpu.memory_space<vmem>>) offsets(%dma_start3A_576 : memref<128xi32, #tpu.memory_space<vmem>>) semaphore(%arg19 : memref<!tpu.dma_semaphore, #tpu.memory_space<semaphore_mem>>)
        } else {
        }
        %dma_wait3A_486 = arith.constant 0 : i32
        %dma_wait3A_487 = arith.constant 0 : i32
        %dma_wait3A_488 = tpu.memref_slice %arg4[%dma_wait3A_486, %dma_wait3A_487] : memref<10000x128xf32, #tpu.memory_space<hbm>> -> memref<128x128xf32, #tpu.memory_space<hbm>>
        %dma_wait3A_489 = arith.constant 0 : i32
        %dma_wait3A_490 = arith.constant 0 : i32
        %dma_wait3A_491 = tpu.memref_slice %arg4[%dma_wait3A_489, %dma_wait3A_490] : memref<10000x128xf32, #tpu.memory_space<hbm>> -> memref<128x128xf32, #tpu.memory_space<hbm>>
        tpu.wait_dma2 semaphore(%arg18 : memref<!tpu.dma_semaphore, #tpu.memory_space<semaphore_mem>>) src(%dma_wait3A_491 : memref<128x128xf32, #tpu.memory_space<hbm>>) dst(%arg12 : memref<128x128xf32, #tpu.memory_space<vmem>>)
        %get3A_492 = arith.constant 1 : i32
        %get3A_493 = arith.index_cast %get3A_492 : i32 to index
        %get3A_494 = arith.constant 0 : index
        %get3A_495 = tpu.vector_load %arg6[%get3A_493, %get3A_494] {strides = array<i32>} : memref<2x128xi32, #tpu.memory_space<vmem>>, vector<1x16xi32>,
        %get3A_496 = vector.shape_cast %get3A_495 : vector<1x16xi32> to vector<16xi32>
        %swap3A_497 = arith.constant 0 : index
        %swap3A_498 = tpu.vector_load %arg9[%swap3A_497] {strides = array<i32>} : memref<128xi32, #tpu.memory_space<vmem>>, vector<16xi32>,
        %swap3A_499 = vector.shape_cast %swap3A_498 : vector<16xi32> to vector<16xi32>
        %swap3A_500 = vector.shape_cast %get3A_496 : vector<16xi32> to vector<16xi32>
        tpu.vector_store %arg9[%swap3A_497], %swap3A_500 {strides = array<i32>} : memref<128xi32, #tpu.memory_space<vmem>>, vector<16xi32>,
        %get3A_501 = arith.constant 1 : i32
        %get3A_502 = arith.index_cast %get3A_501 : i32 to index
        %get3A_503 = arith.constant 16 : index
        %get3A_504 = tpu.vector_load %arg6[%get3A_502, %get3A_503] {strides = array<i32>} : memref<2x128xi32, #tpu.memory_space<vmem>>, vector<1x16xi32>,
        %get3A_505 = vector.shape_cast %get3A_504 : vector<1x16xi32> to vector<16xi32>
        %swap3A_506 = arith.constant 16 : index
        %swap3A_507 = tpu.vector_load %arg9[%swap3A_506] {strides = array<i32>} : memref<128xi32, #tpu.memory_space<vmem>>, vector<16xi32>,
        %swap3A_508 = vector.shape_cast %swap3A_507 : vector<16xi32> to vector<16xi32>
        %swap3A_509 = vector.shape_cast %get3A_505 : vector<16xi32> to vector<16xi32>
        tpu.vector_store %arg9[%swap3A_506], %swap3A_509 {strides = array<i32>} : memref<128xi32, #tpu.memory_space<vmem>>, vector<16xi32>,
        %get3A_510 = arith.constant 1 : i32
        %get3A_511 = arith.index_cast %get3A_510 : i32 to index
        %get3A_512 = arith.constant 32 : index
        %get3A_513 = tpu.vector_load %arg6[%get3A_511, %get3A_512] {strides = array<i32>} : memref<2x128xi32, #tpu.memory_space<vmem>>, vector<1x16xi32>,
        %get3A_514 = vector.shape_cast %get3A_513 : vector<1x16xi32> to vector<16xi32>
        %swap3A_515 = arith.constant 32 : index
        %swap3A_516 = tpu.vector_load %arg9[%swap3A_515] {strides = array<i32>} : memref<128xi32, #tpu.memory_space<vmem>>, vector<16xi32>,
        %swap3A_517 = vector.shape_cast %swap3A_516 : vector<16xi32> to vector<16xi32>
        %swap3A_518 = vector.shape_cast %get3A_514 : vector<16xi32> to vector<16xi32>
        tpu.vector_store %arg9[%swap3A_515], %swap3A_518 {strides = array<i32>} : memref<128xi32, #tpu.memory_space<vmem>>, vector<16xi32>,
        %get3A_519 = arith.constant 1 : i32
        %get3A_520 = arith.index_cast %get3A_519 : i32 to index
        %get3A_521 = arith.constant 48 : index
        %get3A_522 = tpu.vector_load %arg6[%get3A_520, %get3A_521] {strides = array<i32>} : memref<2x128xi32, #tpu.memory_space<vmem>>, vector<1x16xi32>,
        %get3A_523 = vector.shape_cast %get3A_522 : vector<1x16xi32> to vector<16xi32>
        %swap3A_524 = arith.constant 48 : index
        %swap3A_525 = tpu.vector_load %arg9[%swap3A_524] {strides = array<i32>} : memref<128xi32, #tpu.memory_space<vmem>>, vector<16xi32>,
        %swap3A_526 = vector.shape_cast %swap3A_525 : vector<16xi32> to vector<16xi32>
        %swap3A_527 = vector.shape_cast %get3A_523 : vector<16xi32> to vector<16xi32>
        tpu.vector_store %arg9[%swap3A_524], %swap3A_527 {strides = array<i32>} : memref<128xi32, #tpu.memory_space<vmem>>, vector<16xi32>,
        %get3A_528 = arith.constant 1 : i32
        %get3A_529 = arith.index_cast %get3A_528 : i32 to index
        %get3A_530 = arith.constant 64 : index
        %get3A_531 = tpu.vector_load %arg6[%get3A_529, %get3A_530] {strides = array<i32>} : memref<2x128xi32, #tpu.memory_space<vmem>>, vector<1x16xi32>,
        %get3A_532 = vector.shape_cast %get3A_531 : vector<1x16xi32> to vector<16xi32>
        %swap3A_533 = arith.constant 64 : index
        %swap3A_534 = tpu.vector_load %arg9[%swap3A_533] {strides = array<i32>} : memref<128xi32, #tpu.memory_space<vmem>>, vector<16xi32>,
        %swap3A_535 = vector.shape_cast %swap3A_534 : vector<16xi32> to vector<16xi32>
        %swap3A_536 = vector.shape_cast %get3A_532 : vector<16xi32> to vector<16xi32>
        tpu.vector_store %arg9[%swap3A_533], %swap3A_536 {strides = array<i32>} : memref<128xi32, #tpu.memory_space<vmem>>, vector<16xi32>,
        %get3A_537 = arith.constant 1 : i32
        %get3A_538 = arith.index_cast %get3A_537 : i32 to index
        %get3A_539 = arith.constant 80 : index
        %get3A_540 = tpu.vector_load %arg6[%get3A_538, %get3A_539] {strides = array<i32>} : memref<2x128xi32, #tpu.memory_space<vmem>>, vector<1x16xi32>,
        %get3A_541 = vector.shape_cast %get3A_540 : vector<1x16xi32> to vector<16xi32>
        %swap3A_542 = arith.constant 80 : index
        %swap3A_543 = tpu.vector_load %arg9[%swap3A_542] {strides = array<i32>} : memref<128xi32, #tpu.memory_space<vmem>>, vector<16xi32>,
        %swap3A_544 = vector.shape_cast %swap3A_543 : vector<16xi32> to vector<16xi32>
        %swap3A_545 = vector.shape_cast %get3A_541 : vector<16xi32> to vector<16xi32>
        tpu.vector_store %arg9[%swap3A_542], %swap3A_545 {strides = array<i32>} : memref<128xi32, #tpu.memory_space<vmem>>, vector<16xi32>,
        %get3A_546 = arith.constant 1 : i32
        %get3A_547 = arith.index_cast %get3A_546 : i32 to index
        %get3A_548 = arith.constant 96 : index
        %get3A_549 = tpu.vector_load %arg6[%get3A_547, %get3A_548] {strides = array<i32>} : memref<2x128xi32, #tpu.memory_space<vmem>>, vector<1x16xi32>,
        %get3A_550 = vector.shape_cast %get3A_549 : vector<1x16xi32> to vector<16xi32>
        %swap3A_551 = arith.constant 96 : index
        %swap3A_552 = tpu.vector_load %arg9[%swap3A_551] {strides = array<i32>} : memref<128xi32, #tpu.memory_space<vmem>>, vector<16xi32>,
        %swap3A_553 = vector.shape_cast %swap3A_552 : vector<16xi32> to vector<16xi32>
        %swap3A_554 = vector.shape_cast %get3A_550 : vector<16xi32> to vector<16xi32>
        tpu.vector_store %arg9[%swap3A_551], %swap3A_554 {strides = array<i32>} : memref<128xi32, #tpu.memory_space<vmem>>, vector<16xi32>,
        %get3A_555 = arith.constant 1 : i32
        %get3A_556 = arith.index_cast %get3A_555 : i32 to index
        %get3A_557 = arith.constant 112 : index
        %get3A_558 = tpu.vector_load %arg6[%get3A_556, %get3A_557] {strides = array<i32>} : memref<2x128xi32, #tpu.memory_space<vmem>>, vector<1x16xi32>,
        %get3A_559 = vector.shape_cast %get3A_558 : vector<1x16xi32> to vector<16xi32>
        %swap3A_560 = arith.constant 112 : index
        %swap3A_561 = tpu.vector_load %arg9[%swap3A_560] {strides = array<i32>} : memref<128xi32, #tpu.memory_space<vmem>>, vector<16xi32>,
        %swap3A_562 = vector.shape_cast %swap3A_561 : vector<16xi32> to vector<16xi32>
        %swap3A_563 = vector.shape_cast %get3A_559 : vector<16xi32> to vector<16xi32>
        tpu.vector_store %arg9[%swap3A_560], %swap3A_563 {strides = array<i32>} : memref<128xi32, #tpu.memory_space<vmem>>, vector<16xi32>,
        %dma_start3A_564 = arith.constant 0 : i32
        %dma_start3A_565 = arith.constant 0 : i32
        %dma_start3A_566 = tpu.memref_slice %arg24[%dma_start3A_564, %dma_start3A_565] : memref<10000x128xf32, #tpu.memory_space<vmem_shared>> -> memref<10000x128xf32, #tpu.memory_space<vmem_shared>>
        tpu.enqueue_indirect_dma source(%arg12 : memref<128x128xf32, #tpu.memory_space<vmem>>) target(%dma_start3A_566 : memref<10000x128xf32, #tpu.memory_space<vmem_shared>>) offsets(%arg9 : memref<128xi32, #tpu.memory_space<vmem>>) semaphore(%arg21 : memref<!tpu.dma_semaphore, #tpu.memory_space<semaphore_mem>>) {add = true}
      } else {
      }
      %add3A_460 = arith.constant 2 : i32
      %add3A_461 = arith.addi %add3A_447, %add3A_460 : i32
      %lt3A_462 = arith.cmpi slt, %add3A_461, %select_n3A : i32
      %convert_element_type3A_463 = arith.extui %lt3A_462 : i1 to i32
      %cond3A_464 = arith.constant 0 : i32
      %cond3A_465 = arith.cmpi ne, %convert_element_type3A_463, %cond3A_464 : i32
      scf.if %cond3A_465 {
        %add3A_466 = arith.constant 2 : i32
        %add3A_467 = arith.addi %add3A_447, %add3A_466 : i32
        %dma_wait3A_468 = arith.constant 0 : i32
        %dma_wait3A_469 = arith.constant 0 : i32
        %dma_wait3A_470 = tpu.memref_slice %arg4[%dma_wait3A_468, %dma_wait3A_469] : memref<10000x128xf32, #tpu.memory_space<hbm>> -> memref<128x128xf32, #tpu.memory_space<hbm>>
        %dma_wait3A_471 = arith.constant 0 : i32
        %dma_wait3A_472 = arith.constant 0 : i32
        %dma_wait3A_473 = tpu.memref_slice %arg4[%dma_wait3A_471, %dma_wait3A_472] : memref<10000x128xf32, #tpu.memory_space<hbm>> -> memref<128x128xf32, #tpu.memory_space<hbm>>
        tpu.wait_dma2 semaphore(%arg23 : memref<!tpu.dma_semaphore, #tpu.memory_space<semaphore_mem>>) src(%dma_wait3A_473 : memref<128x128xf32, #tpu.memory_space<hbm>>) dst(%arg14 : memref<128x128xf32, #tpu.memory_space<vmem>>)
        %add3A_474 = arith.constant 2 : i32
        %add3A_475 = arith.addi %add3A_467, %add3A_474 : i32
        %lt3A_476 = arith.cmpi slt, %add3A_475, %select_n3A : i32
        %convert_element_type3A_477 = arith.extui %lt3A_476 : i1 to i32
        %cond3A_478 = arith.constant 0 : i32
        %cond3A_479 = arith.cmpi ne, %convert_element_type3A_477, %cond3A_478 : i32
        scf.if %cond3A_479 {
          %add3A_567 = arith.constant 2 : i32
          %add3A_568 = arith.addi %add3A_467, %add3A_567 : i32
          %mul3A_569 = arith.constant 16 : i32
          %mul3A_570 = arith.muli %mul3A_569, %add3A_568 : i32
          %add3A_571 = arith.addi %arg1, %mul3A_570 : i32
          %mul3A_572 = arith.constant 2 : i32
          %mul3A_573 = arith.muli %mul3A_572, %add3A_571 : i32
          %add3A_574 = arith.constant 0 : i32
          %add3A_575 = arith.addi %add3A_574, %mul3A_573 : i32
          %dma_start3A_576 = arith.constant 0 : i32
          %dma_start3A_577 = tpu.memref_slice %arg3[%add3A_575, %dma_start3A_576] : memref<5000x128xi32, #tpu.memory_space<hbm>> -> memref<2x128xi32, #tpu.memory_space<hbm>>
          %dma_start3A_578 = arith.constant 0 : i32
          %dma_start3A_579 = tpu.memref_slice %arg3[%add3A_575, %dma_start3A_578] : memref<5000x128xi32, #tpu.memory_space<hbm>> -> memref<2x128xi32, #tpu.memory_space<hbm>>
          tpu.enqueue_dma source(%dma_start3A_579 : memref<2x128xi32, #tpu.memory_space<hbm>>) target(%arg6 : memref<2x128xi32, #tpu.memory_space<vmem>>) target_semaphore(%arg15 : memref<!tpu.dma_semaphore, #tpu.memory_space<semaphore_mem>>)
        } else {
        }
        %add3A_480 = arith.constant 1 : i32
        %add3A_481 = arith.addi %add3A_467, %add3A_480 : i32
        %lt3A_482 = arith.cmpi slt, %add3A_481, %select_n3A : i32
        %convert_element_type3A_483 = arith.extui %lt3A_482 : i1 to i32
        %cond3A_484 = arith.constant 0 : i32
        %cond3A_485 = arith.cmpi ne, %convert_element_type3A_483, %cond3A_484 : i32
        scf.if %cond3A_485 {
          %dma_wait3A_567 = arith.constant 0 : i32
          %dma_wait3A_568 = arith.constant 0 : i32
          %dma_wait3A_569 = tpu.memref_slice %arg3[%dma_wait3A_567, %dma_wait3A_568] : memref<5000x128xi32, #tpu.memory_space<hbm>> -> memref<2x128xi32, #tpu.memory_space<hbm>>
          %dma_wait3A_570 = arith.constant 0 : i32
          %dma_wait3A_571 = arith.constant 0 : i32
          %dma_wait3A_572 = tpu.memref_slice %arg3[%dma_wait3A_570, %dma_wait3A_571] : memref<5000x128xi32, #tpu.memory_space<hbm>> -> memref<2x128xi32, #tpu.memory_space<hbm>>
          tpu.wait_dma2 semaphore(%arg17 : memref<!tpu.dma_semaphore, #tpu.memory_space<semaphore_mem>>) src(%dma_wait3A_572 : memref<2x128xi32, #tpu.memory_space<hbm>>) dst(%arg8 : memref<2x128xi32, #tpu.memory_space<vmem>>)
          %dma_start3A_573 = arith.constant 0 : i32
          %dma_start3A_574 = arith.constant 0 : i32
          %dma_start3A_575 = tpu.memref_slice %arg8[%dma_start3A_573, %dma_start3A_574] : memref<2x128xi32, #tpu.memory_space<vmem>> -> memref<1x128xi32, #tpu.memory_space<vmem>>
          %dma_start3A_576 = tpu.memref_squeeze %dma_start3A_575 : memref<1x128xi32, #tpu.memory_space<vmem>> -> memref<128xi32, #tpu.memory_space<vmem>>
          %dma_start3A_577 = arith.constant 0 : i32
          %dma_start3A_578 = arith.constant 0 : i32
          %dma_start3A_579 = tpu.memref_slice %arg2[%arg0, %dma_start3A_577, %dma_start3A_578] : memref<2x10000x128xf32, #tpu.memory_space<hbm>> -> memref<1x10000x128xf32, #tpu.memory_space<hbm>>
          %dma_start3A_580 = tpu.memref_squeeze %dma_start3A_579 : memref<1x10000x128xf32, #tpu.memory_space<hbm>> -> memref<10000x128xf32, #tpu.memory_space<hbm>>
          %dma_start3A_581 = arith.constant 0 : i32
          %dma_start3A_582 = arith.constant 0 : i32
          %dma_start3A_583 = tpu.memref_slice %dma_start3A_580[%dma_start3A_581, %dma_start3A_582] : memref<10000x128xf32, #tpu.memory_space<hbm>> -> memref<10000x128xf32, #tpu.memory_space<hbm>>
          tpu.enqueue_indirect_dma source(%dma_start3A_583 : memref<10000x128xf32, #tpu.memory_space<hbm>>) target(%arg14 : memref<128x128xf32, #tpu.memory_space<vmem>>) offsets(%dma_start3A_576 : memref<128xi32, #tpu.memory_space<vmem>>) semaphore(%arg20 : memref<!tpu.dma_semaphore, #tpu.memory_space<semaphore_mem>>)
        } else {
        }
        %dma_wait3A_486 = arith.constant 0 : i32
        %dma_wait3A_487 = arith.constant 0 : i32
        %dma_wait3A_488 = tpu.memref_slice %arg4[%dma_wait3A_486, %dma_wait3A_487] : memref<10000x128xf32, #tpu.memory_space<hbm>> -> memref<128x128xf32, #tpu.memory_space<hbm>>
        %dma_wait3A_489 = arith.constant 0 : i32
        %dma_wait3A_490 = arith.constant 0 : i32
        %dma_wait3A_491 = tpu.memref_slice %arg4[%dma_wait3A_489, %dma_wait3A_490] : memref<10000x128xf32, #tpu.memory_space<hbm>> -> memref<128x128xf32, #tpu.memory_space<hbm>>
        tpu.wait_dma2 semaphore(%arg19 : memref<!tpu.dma_semaphore, #tpu.memory_space<semaphore_mem>>) src(%dma_wait3A_491 : memref<128x128xf32, #tpu.memory_space<hbm>>) dst(%arg13 : memref<128x128xf32, #tpu.memory_space<vmem>>)
        %get3A_492 = arith.constant 1 : i32
        %get3A_493 = arith.index_cast %get3A_492 : i32 to index
        %get3A_494 = arith.constant 0 : index
        %get3A_495 = tpu.vector_load %arg7[%get3A_493, %get3A_494] {strides = array<i32>} : memref<2x128xi32, #tpu.memory_space<vmem>>, vector<1x16xi32>,
        %get3A_496 = vector.shape_cast %get3A_495 : vector<1x16xi32> to vector<16xi32>
        %swap3A_497 = arith.constant 0 : index
        %swap3A_498 = tpu.vector_load %arg10[%swap3A_497] {strides = array<i32>} : memref<128xi32, #tpu.memory_space<vmem>>, vector<16xi32>,
        %swap3A_499 = vector.shape_cast %swap3A_498 : vector<16xi32> to vector<16xi32>
        %swap3A_500 = vector.shape_cast %get3A_496 : vector<16xi32> to vector<16xi32>
        tpu.vector_store %arg10[%swap3A_497], %swap3A_500 {strides = array<i32>} : memref<128xi32, #tpu.memory_space<vmem>>, vector<16xi32>,
        %get3A_501 = arith.constant 1 : i32
        %get3A_502 = arith.index_cast %get3A_501 : i32 to index
        %get3A_503 = arith.constant 16 : index
        %get3A_504 = tpu.vector_load %arg7[%get3A_502, %get3A_503] {strides = array<i32>} : memref<2x128xi32, #tpu.memory_space<vmem>>, vector<1x16xi32>,
        %get3A_505 = vector.shape_cast %get3A_504 : vector<1x16xi32> to vector<16xi32>
        %swap3A_506 = arith.constant 16 : index
        %swap3A_507 = tpu.vector_load %arg10[%swap3A_506] {strides = array<i32>} : memref<128xi32, #tpu.memory_space<vmem>>, vector<16xi32>,
        %swap3A_508 = vector.shape_cast %swap3A_507 : vector<16xi32> to vector<16xi32>
        %swap3A_509 = vector.shape_cast %get3A_505 : vector<16xi32> to vector<16xi32>
        tpu.vector_store %arg10[%swap3A_506], %swap3A_509 {strides = array<i32>} : memref<128xi32, #tpu.memory_space<vmem>>, vector<16xi32>,
        %get3A_510 = arith.constant 1 : i32
        %get3A_511 = arith.index_cast %get3A_510 : i32 to index
        %get3A_512 = arith.constant 32 : index
        %get3A_513 = tpu.vector_load %arg7[%get3A_511, %get3A_512] {strides = array<i32>} : memref<2x128xi32, #tpu.memory_space<vmem>>, vector<1x16xi32>,
        %get3A_514 = vector.shape_cast %get3A_513 : vector<1x16xi32> to vector<16xi32>
        %swap3A_515 = arith.constant 32 : index
        %swap3A_516 = tpu.vector_load %arg10[%swap3A_515] {strides = array<i32>} : memref<128xi32, #tpu.memory_space<vmem>>, vector<16xi32>,
        %swap3A_517 = vector.shape_cast %swap3A_516 : vector<16xi32> to vector<16xi32>
        %swap3A_518 = vector.shape_cast %get3A_514 : vector<16xi32> to vector<16xi32>
        tpu.vector_store %arg10[%swap3A_515], %swap3A_518 {strides = array<i32>} : memref<128xi32, #tpu.memory_space<vmem>>, vector<16xi32>,
        %get3A_519 = arith.constant 1 : i32
        %get3A_520 = arith.index_cast %get3A_519 : i32 to index
        %get3A_521 = arith.constant 48 : index
        %get3A_522 = tpu.vector_load %arg7[%get3A_520, %get3A_521] {strides = array<i32>} : memref<2x128xi32, #tpu.memory_space<vmem>>, vector<1x16xi32>,
        %get3A_523 = vector.shape_cast %get3A_522 : vector<1x16xi32> to vector<16xi32>
        %swap3A_524 = arith.constant 48 : index
        %swap3A_525 = tpu.vector_load %arg10[%swap3A_524] {strides = array<i32>} : memref<128xi32, #tpu.memory_space<vmem>>, vector<16xi32>,
        %swap3A_526 = vector.shape_cast %swap3A_525 : vector<16xi32> to vector<16xi32>
        %swap3A_527 = vector.shape_cast %get3A_523 : vector<16xi32> to vector<16xi32>
        tpu.vector_store %arg10[%swap3A_524], %swap3A_527 {strides = array<i32>} : memref<128xi32, #tpu.memory_space<vmem>>, vector<16xi32>,
        %get3A_528 = arith.constant 1 : i32
        %get3A_529 = arith.index_cast %get3A_528 : i32 to index
        %get3A_530 = arith.constant 64 : index
        %get3A_531 = tpu.vector_load %arg7[%get3A_529, %get3A_530] {strides = array<i32>} : memref<2x128xi32, #tpu.memory_space<vmem>>, vector<1x16xi32>,
        %get3A_532 = vector.shape_cast %get3A_531 : vector<1x16xi32> to vector<16xi32>
        %swap3A_533 = arith.constant 64 : index
        %swap3A_534 = tpu.vector_load %arg10[%swap3A_533] {strides = array<i32>} : memref<128xi32, #tpu.memory_space<vmem>>, vector<16xi32>,
        %swap3A_535 = vector.shape_cast %swap3A_534 : vector<16xi32> to vector<16xi32>
        %swap3A_536 = vector.shape_cast %get3A_532 : vector<16xi32> to vector<16xi32>
        tpu.vector_store %arg10[%swap3A_533], %swap3A_536 {strides = array<i32>} : memref<128xi32, #tpu.memory_space<vmem>>, vector<16xi32>,
        %get3A_537 = arith.constant 1 : i32
        %get3A_538 = arith.index_cast %get3A_537 : i32 to index
        %get3A_539 = arith.constant 80 : index
        %get3A_540 = tpu.vector_load %arg7[%get3A_538, %get3A_539] {strides = array<i32>} : memref<2x128xi32, #tpu.memory_space<vmem>>, vector<1x16xi32>,
        %get3A_541 = vector.shape_cast %get3A_540 : vector<1x16xi32> to vector<16xi32>
        %swap3A_542 = arith.constant 80 : index
        %swap3A_543 = tpu.vector_load %arg10[%swap3A_542] {strides = array<i32>} : memref<128xi32, #tpu.memory_space<vmem>>, vector<16xi32>,
        %swap3A_544 = vector.shape_cast %swap3A_543 : vector<16xi32> to vector<16xi32>
        %swap3A_545 = vector.shape_cast %get3A_541 : vector<16xi32> to vector<16xi32>
        tpu.vector_store %arg10[%swap3A_542], %swap3A_545 {strides = array<i32>} : memref<128xi32, #tpu.memory_space<vmem>>, vector<16xi32>,
        %get3A_546 = arith.constant 1 : i32
        %get3A_547 = arith.index_cast %get3A_546 : i32 to index
        %get3A_548 = arith.constant 96 : index
        %get3A_549 = tpu.vector_load %arg7[%get3A_547, %get3A_548] {strides = array<i32>} : memref<2x128xi32, #tpu.memory_space<vmem>>, vector<1x16xi32>,
        %get3A_550 = vector.shape_cast %get3A_549 : vector<1x16xi32> to vector<16xi32>
        %swap3A_551 = arith.constant 96 : index
        %swap3A_552 = tpu.vector_load %arg10[%swap3A_551] {strides = array<i32>} : memref<128xi32, #tpu.memory_space<vmem>>, vector<16xi32>,
        %swap3A_553 = vector.shape_cast %swap3A_552 : vector<16xi32> to vector<16xi32>
        %swap3A_554 = vector.shape_cast %get3A_550 : vector<16xi32> to vector<16xi32>
        tpu.vector_store %arg10[%swap3A_551], %swap3A_554 {strides = array<i32>} : memref<128xi32, #tpu.memory_space<vmem>>, vector<16xi32>,
        %get3A_555 = arith.constant 1 : i32
        %get3A_556 = arith.index_cast %get3A_555 : i32 to index
        %get3A_557 = arith.constant 112 : index
        %get3A_558 = tpu.vector_load %arg7[%get3A_556, %get3A_557] {strides = array<i32>} : memref<2x128xi32, #tpu.memory_space<vmem>>, vector<1x16xi32>,
        %get3A_559 = vector.shape_cast %get3A_558 : vector<1x16xi32> to vector<16xi32>
        %swap3A_560 = arith.constant 112 : index
        %swap3A_561 = tpu.vector_load %arg10[%swap3A_560] {strides = array<i32>} : memref<128xi32, #tpu.memory_space<vmem>>, vector<16xi32>,
        %swap3A_562 = vector.shape_cast %swap3A_561 : vector<16xi32> to vector<16xi32>
        %swap3A_563 = vector.shape_cast %get3A_559 : vector<16xi32> to vector<16xi32>
        tpu.vector_store %arg10[%swap3A_560], %swap3A_563 {strides = array<i32>} : memref<128xi32, #tpu.memory_space<vmem>>, vector<16xi32>,
        %dma_start3A_564 = arith.constant 0 : i32
        %dma_start3A_565 = arith.constant 0 : i32
        %dma_start3A_566 = tpu.memref_slice %arg24[%dma_start3A_564, %dma_start3A_565] : memref<10000x128xf32, #tpu.memory_space<vmem_shared>> -> memref<10000x128xf32, #tpu.memory_space<vmem_shared>>
        tpu.enqueue_indirect_dma source(%arg13 : memref<128x128xf32, #tpu.memory_space<vmem>>) target(%dma_start3A_566 : memref<10000x128xf32, #tpu.memory_space<vmem_shared>>) offsets(%arg10 : memref<128xi32, #tpu.memory_space<vmem>>) semaphore(%arg22 : memref<!tpu.dma_semaphore, #tpu.memory_space<semaphore_mem>>) {add = true}
      } else {
      }
    }
    %sub3A_292 = arith.constant 2 : i32
    %sub3A_293 = arith.subi %select_n3A, %sub3A_292 : i32
    %jit3A_294 = arith.constant 3 : i32
    %eq3A_295 = arith.constant 0 : i32
    %eq3A_296 = arith.cmpi eq, %jit3A_294, %eq3A_295 : i32
    %jit3A_297 = arith.constant 1 : i32
    %select_n3A_298 = arith.select %eq3A_296, %jit3A_297, %jit3A_294 : i32
    %rem3A_299 = arith.remsi %sub3A_293, %select_n3A_298 : i32
    %ne3A_300 = arith.constant 0 : i32
    %ne3A_301 = arith.cmpi ne, %rem3A_299, %ne3A_300 : i32
    %lt3A_302 = arith.constant 0 : i32
    %lt3A_303 = arith.cmpi slt, %rem3A_299, %lt3A_302 : i32
    %lt3A_304 = arith.constant 0 : i32
    %lt3A_305 = arith.cmpi slt, %select_n3A_298, %lt3A_304 : i32
    %ne3A_306 = arith.xori %lt3A_303, %lt3A_305 : i1
    %and3A_307 = arith.andi %ne3A_306, %ne3A_301 : i1
    %add3A_308 = arith.addi %rem3A_299, %select_n3A_298 : i32
    %select_n3A_309 = arith.select %and3A_307, %add3A_308, %rem3A_299 : i32
    %eq3A_310 = arith.constant 0 : i32
    %eq3A_311 = arith.cmpi eq, %select_n3A_309, %eq3A_310 : i32
    %convert_element_type3A_312 = arith.extui %eq3A_311 : i1 to i32
    %cond3A_313 = arith.constant 0 : i32
    %cond3A_314 = arith.cmpi ne, %convert_element_type3A_312, %cond3A_313 : i32
    scf.if %cond3A_314 {
      %dma_wait3A_441 = arith.constant 0 : i32
      %dma_wait3A_442 = arith.constant 0 : i32
      %dma_wait3A_443 = tpu.memref_slice %arg4[%dma_wait3A_441, %dma_wait3A_442] : memref<10000x128xf32, #tpu.memory_space<hbm>> -> memref<128x128xf32, #tpu.memory_space<hbm>>
      %dma_wait3A_444 = arith.constant 0 : i32
      %dma_wait3A_445 = arith.constant 0 : i32
      %dma_wait3A_446 = tpu.memref_slice %arg4[%dma_wait3A_444, %dma_wait3A_445] : memref<10000x128xf32, #tpu.memory_space<hbm>> -> memref<128x128xf32, #tpu.memory_space<hbm>>
      tpu.wait_dma2 semaphore(%arg21 : memref<!tpu.dma_semaphore, #tpu.memory_space<semaphore_mem>>) src(%dma_wait3A_446 : memref<128x128xf32, #tpu.memory_space<hbm>>) dst(%arg12 : memref<128x128xf32, #tpu.memory_space<vmem>>)
    } else {
    }
    %sub3A_315 = arith.constant 2 : i32
    %sub3A_316 = arith.subi %select_n3A, %sub3A_315 : i32
    %jit3A_317 = arith.constant 3 : i32
    %eq3A_318 = arith.constant 0 : i32
    %eq3A_319 = arith.cmpi eq, %jit3A_317, %eq3A_318 : i32
    %jit3A_320 = arith.constant 1 : i32
    %select_n3A_321 = arith.select %eq3A_319, %jit3A_320, %jit3A_317 : i32
    %rem3A_322 = arith.remsi %sub3A_316, %select_n3A_321 : i32
    %ne3A_323 = arith.constant 0 : i32
    %ne3A_324 = arith.cmpi ne, %rem3A_322, %ne3A_323 : i32
    %lt3A_325 = arith.constant 0 : i32
    %lt3A_326 = arith.cmpi slt, %rem3A_322, %lt3A_325 : i32
    %lt3A_327 = arith.constant 0 : i32
    %lt3A_328 = arith.cmpi slt, %select_n3A_321, %lt3A_327 : i32
    %ne3A_329 = arith.xori %lt3A_326, %lt3A_328 : i1
    %and3A_330 = arith.andi %ne3A_329, %ne3A_324 : i1
    %add3A_331 = arith.addi %rem3A_322, %select_n3A_321 : i32
    %select_n3A_332 = arith.select %and3A_330, %add3A_331, %rem3A_322 : i32
    %eq3A_333 = arith.constant 1 : i32
    %eq3A_334 = arith.cmpi eq, %select_n3A_332, %eq3A_333 : i32
    %convert_element_type3A_335 = arith.extui %eq3A_334 : i1 to i32
    %cond3A_336 = arith.constant 0 : i32
    %cond3A_337 = arith.cmpi ne, %convert_element_type3A_335, %cond3A_336 : i32
    scf.if %cond3A_337 {
      %dma_wait3A_441 = arith.constant 0 : i32
      %dma_wait3A_442 = arith.constant 0 : i32
      %dma_wait3A_443 = tpu.memref_slice %arg4[%dma_wait3A_441, %dma_wait3A_442] : memref<10000x128xf32, #tpu.memory_space<hbm>> -> memref<128x128xf32, #tpu.memory_space<hbm>>
      %dma_wait3A_444 = arith.constant 0 : i32
      %dma_wait3A_445 = arith.constant 0 : i32
      %dma_wait3A_446 = tpu.memref_slice %arg4[%dma_wait3A_444, %dma_wait3A_445] : memref<10000x128xf32, #tpu.memory_space<hbm>> -> memref<128x128xf32, #tpu.memory_space<hbm>>
      tpu.wait_dma2 semaphore(%arg22 : memref<!tpu.dma_semaphore, #tpu.memory_space<semaphore_mem>>) src(%dma_wait3A_446 : memref<128x128xf32, #tpu.memory_space<hbm>>) dst(%arg13 : memref<128x128xf32, #tpu.memory_space<vmem>>)
    } else {
    }
    %sub3A_338 = arith.constant 2 : i32
    %sub3A_339 = arith.subi %select_n3A, %sub3A_338 : i32
    %jit3A_340 = arith.constant 3 : i32
    %eq3A_341 = arith.constant 0 : i32
    %eq3A_342 = arith.cmpi eq, %jit3A_340, %eq3A_341 : i32
    %jit3A_343 = arith.constant 1 : i32
    %select_n3A_344 = arith.select %eq3A_342, %jit3A_343, %jit3A_340 : i32
    %rem3A_345 = arith.remsi %sub3A_339, %select_n3A_344 : i32
    %ne3A_346 = arith.constant 0 : i32
    %ne3A_347 = arith.cmpi ne, %rem3A_345, %ne3A_346 : i32
    %lt3A_348 = arith.constant 0 : i32
    %lt3A_349 = arith.cmpi slt, %rem3A_345, %lt3A_348 : i32
    %lt3A_350 = arith.constant 0 : i32
    %lt3A_351 = arith.cmpi slt, %select_n3A_344, %lt3A_350 : i32
    %ne3A_352 = arith.xori %lt3A_349, %lt3A_351 : i1
    %and3A_353 = arith.andi %ne3A_352, %ne3A_347 : i1
    %add3A_354 = arith.addi %rem3A_345, %select_n3A_344 : i32
    %select_n3A_355 = arith.select %and3A_353, %add3A_354, %rem3A_345 : i32
    %eq3A_356 = arith.constant 2 : i32
    %eq3A_357 = arith.cmpi eq, %select_n3A_355, %eq3A_356 : i32
    %convert_element_type3A_358 = arith.extui %eq3A_357 : i1 to i32
    %cond3A_359 = arith.constant 0 : i32
    %cond3A_360 = arith.cmpi ne, %convert_element_type3A_358, %cond3A_359 : i32
    scf.if %cond3A_360 {
      %dma_wait3A_441 = arith.constant 0 : i32
      %dma_wait3A_442 = arith.constant 0 : i32
      %dma_wait3A_443 = tpu.memref_slice %arg4[%dma_wait3A_441, %dma_wait3A_442] : memref<10000x128xf32, #tpu.memory_space<hbm>> -> memref<128x128xf32, #tpu.memory_space<hbm>>
      %dma_wait3A_444 = arith.constant 0 : i32
      %dma_wait3A_445 = arith.constant 0 : i32
      %dma_wait3A_446 = tpu.memref_slice %arg4[%dma_wait3A_444, %dma_wait3A_445] : memref<10000x128xf32, #tpu.memory_space<hbm>> -> memref<128x128xf32, #tpu.memory_space<hbm>>
      tpu.wait_dma2 semaphore(%arg23 : memref<!tpu.dma_semaphore, #tpu.memory_space<semaphore_mem>>) src(%dma_wait3A_446 : memref<128x128xf32, #tpu.memory_space<hbm>>) dst(%arg14 : memref<128x128xf32, #tpu.memory_space<vmem>>)
    } else {
    }
    %sub3A_361 = arith.constant 1 : i32
    %sub3A_362 = arith.subi %select_n3A, %sub3A_361 : i32
    %jit3A_363 = arith.constant 3 : i32
    %eq3A_364 = arith.constant 0 : i32
    %eq3A_365 = arith.cmpi eq, %jit3A_363, %eq3A_364 : i32
    %jit3A_366 = arith.constant 1 : i32
    %select_n3A_367 = arith.select %eq3A_365, %jit3A_366, %jit3A_363 : i32
    %rem3A_368 = arith.remsi %sub3A_362, %select_n3A_367 : i32
    %ne3A_369 = arith.constant 0 : i32
    %ne3A_370 = arith.cmpi ne, %rem3A_368, %ne3A_369 : i32
    %lt3A_371 = arith.constant 0 : i32
    %lt3A_372 = arith.cmpi slt, %rem3A_368, %lt3A_371 : i32
    %lt3A_373 = arith.constant 0 : i32
    %lt3A_374 = arith.cmpi slt, %select_n3A_367, %lt3A_373 : i32
    %ne3A_375 = arith.xori %lt3A_372, %lt3A_374 : i1
    %and3A_376 = arith.andi %ne3A_375, %ne3A_370 : i1
    %add3A_377 = arith.addi %rem3A_368, %select_n3A_367 : i32
    %select_n3A_378 = arith.select %and3A_376, %add3A_377, %rem3A_368 : i32
    %eq3A_379 = arith.constant 0 : i32
    %eq3A_380 = arith.cmpi eq, %select_n3A_378, %eq3A_379 : i32
    %convert_element_type3A_381 = arith.extui %eq3A_380 : i1 to i32
    %cond3A_382 = arith.constant 0 : i32
    %cond3A_383 = arith.cmpi ne, %convert_element_type3A_381, %cond3A_382 : i32
    scf.if %cond3A_383 {
      %dma_wait3A_441 = arith.constant 0 : i32
      %dma_wait3A_442 = arith.constant 0 : i32
      %dma_wait3A_443 = tpu.memref_slice %arg4[%dma_wait3A_441, %dma_wait3A_442] : memref<10000x128xf32, #tpu.memory_space<hbm>> -> memref<128x128xf32, #tpu.memory_space<hbm>>
      %dma_wait3A_444 = arith.constant 0 : i32
      %dma_wait3A_445 = arith.constant 0 : i32
      %dma_wait3A_446 = tpu.memref_slice %arg4[%dma_wait3A_444, %dma_wait3A_445] : memref<10000x128xf32, #tpu.memory_space<hbm>> -> memref<128x128xf32, #tpu.memory_space<hbm>>
      tpu.wait_dma2 semaphore(%arg21 : memref<!tpu.dma_semaphore, #tpu.memory_space<semaphore_mem>>) src(%dma_wait3A_446 : memref<128x128xf32, #tpu.memory_space<hbm>>) dst(%arg12 : memref<128x128xf32, #tpu.memory_space<vmem>>)
    } else {
    }
    %sub3A_384 = arith.constant 1 : i32
    %sub3A_385 = arith.subi %select_n3A, %sub3A_384 : i32
    %jit3A_386 = arith.constant 3 : i32
    %eq3A_387 = arith.constant 0 : i32
    %eq3A_388 = arith.cmpi eq, %jit3A_386, %eq3A_387 : i32
    %jit3A_389 = arith.constant 1 : i32
    %select_n3A_390 = arith.select %eq3A_388, %jit3A_389, %jit3A_386 : i32
    %rem3A_391 = arith.remsi %sub3A_385, %select_n3A_390 : i32
    %ne3A_392 = arith.constant 0 : i32
    %ne3A_393 = arith.cmpi ne, %rem3A_391, %ne3A_392 : i32
    %lt3A_394 = arith.constant 0 : i32
    %lt3A_395 = arith.cmpi slt, %rem3A_391, %lt3A_394 : i32
    %lt3A_396 = arith.constant 0 : i32
    %lt3A_397 = arith.cmpi slt, %select_n3A_390, %lt3A_396 : i32
    %ne3A_398 = arith.xori %lt3A_395, %lt3A_397 : i1
    %and3A_399 = arith.andi %ne3A_398, %ne3A_393 : i1
    %add3A_400 = arith.addi %rem3A_391, %select_n3A_390 : i32
    %select_n3A_401 = arith.select %and3A_399, %add3A_400, %rem3A_391 : i32
    %eq3A_402 = arith.constant 1 : i32
    %eq3A_403 = arith.cmpi eq, %select_n3A_401, %eq3A_402 : i32
    %convert_element_type3A_404 = arith.extui %eq3A_403 : i1 to i32
    %cond3A_405 = arith.constant 0 : i32
    %cond3A_406 = arith.cmpi ne, %convert_element_type3A_404, %cond3A_405 : i32
    scf.if %cond3A_406 {
      %dma_wait3A_441 = arith.constant 0 : i32
      %dma_wait3A_442 = arith.constant 0 : i32
      %dma_wait3A_443 = tpu.memref_slice %arg4[%dma_wait3A_441, %dma_wait3A_442] : memref<10000x128xf32, #tpu.memory_space<hbm>> -> memref<128x128xf32, #tpu.memory_space<hbm>>
      %dma_wait3A_444 = arith.constant 0 : i32
      %dma_wait3A_445 = arith.constant 0 : i32
      %dma_wait3A_446 = tpu.memref_slice %arg4[%dma_wait3A_444, %dma_wait3A_445] : memref<10000x128xf32, #tpu.memory_space<hbm>> -> memref<128x128xf32, #tpu.memory_space<hbm>>
      tpu.wait_dma2 semaphore(%arg22 : memref<!tpu.dma_semaphore, #tpu.memory_space<semaphore_mem>>) src(%dma_wait3A_446 : memref<128x128xf32, #tpu.memory_space<hbm>>) dst(%arg13 : memref<128x128xf32, #tpu.memory_space<vmem>>)
    } else {
    }
    %sub3A_407 = arith.constant 1 : i32
    %sub3A_408 = arith.subi %select_n3A, %sub3A_407 : i32
    %jit3A_409 = arith.constant 3 : i32
    %eq3A_410 = arith.constant 0 : i32
    %eq3A_411 = arith.cmpi eq, %jit3A_409, %eq3A_410 : i32
    %jit3A_412 = arith.constant 1 : i32
    %select_n3A_413 = arith.select %eq3A_411, %jit3A_412, %jit3A_409 : i32
    %rem3A_414 = arith.remsi %sub3A_408, %select_n3A_413 : i32
    %ne3A_415 = arith.constant 0 : i32
    %ne3A_416 = arith.cmpi ne, %rem3A_414, %ne3A_415 : i32
    %lt3A_417 = arith.constant 0 : i32
    %lt3A_418 = arith.cmpi slt, %rem3A_414, %lt3A_417 : i32
    %lt3A_419 = arith.constant 0 : i32
    %lt3A_420 = arith.cmpi slt, %select_n3A_413, %lt3A_419 : i32
    %ne3A_421 = arith.xori %lt3A_418, %lt3A_420 : i1
    %and3A_422 = arith.andi %ne3A_421, %ne3A_416 : i1
    %add3A_423 = arith.addi %rem3A_414, %select_n3A_413 : i32
    %select_n3A_424 = arith.select %and3A_422, %add3A_423, %rem3A_414 : i32
    %eq3A_425 = arith.constant 2 : i32
    %eq3A_426 = arith.cmpi eq, %select_n3A_424, %eq3A_425 : i32
    %convert_element_type3A_427 = arith.extui %eq3A_426 : i1 to i32
    %cond3A_428 = arith.constant 0 : i32
    %cond3A_429 = arith.cmpi ne, %convert_element_type3A_427, %cond3A_428 : i32
    scf.if %cond3A_429 {
      %dma_wait3A_441 = arith.constant 0 : i32
      %dma_wait3A_442 = arith.constant 0 : i32
      %dma_wait3A_443 = tpu.memref_slice %arg4[%dma_wait3A_441, %dma_wait3A_442] : memref<10000x128xf32, #tpu.memory_space<hbm>> -> memref<128x128xf32, #tpu.memory_space<hbm>>
      %dma_wait3A_444 = arith.constant 0 : i32
      %dma_wait3A_445 = arith.constant 0 : i32
      %dma_wait3A_446 = tpu.memref_slice %arg4[%dma_wait3A_444, %dma_wait3A_445] : memref<10000x128xf32, #tpu.memory_space<hbm>> -> memref<128x128xf32, #tpu.memory_space<hbm>>
      tpu.wait_dma2 semaphore(%arg23 : memref<!tpu.dma_semaphore, #tpu.memory_space<semaphore_mem>>) src(%dma_wait3A_446 : memref<128x128xf32, #tpu.memory_space<hbm>>) dst(%arg14 : memref<128x128xf32, #tpu.memory_space<vmem>>)
    } else {
    }
    %barrier3A_430 = arith.constant 0 : index
    tpu.barrier barrier_id(%barrier3A_430)
    %lt3A_431 = arith.constant 15 : i32
    %lt3A_432 = arith.cmpi slt, %arg1, %lt3A_431 : i32
    %convert_element_type3A_433 = arith.extui %lt3A_432 : i1 to i32
    %cond3A_434 = arith.constant 0 : i32
    %cond3A_435 = arith.cmpi ne, %convert_element_type3A_433, %cond3A_434 : i32
    scf.if %cond3A_435 {
      %mul3A_441 = arith.constant 632 : i32
      %mul3A_442 = arith.muli %arg1, %mul3A_441 : i32
      %mul3A_443 = arith.constant 10000 : i32
      %mul3A_444 = arith.muli %arg0, %mul3A_443 : i32
      %add3A_445 = arith.addi %mul3A_444, %mul3A_442 : i32
      "tpu.region"() ({
        %run_scoped3A = tpu.sem_alloc : memref<!tpu.dma_semaphore, #tpu.memory_space<semaphore_mem>>
        %dma_start3A_446 = arith.constant 0 : i32
        %dma_start3A_447 = tpu.memref_slice %arg5[%add3A_445, %dma_start3A_446] : memref<20000x128xf32, #tpu.memory_space<hbm>> -> memref<632x128xf32, #tpu.memory_space<hbm>>
        %dma_start3A_448 = arith.constant 0 : i32
        %dma_start3A_449 = tpu.memref_slice %arg24[%mul3A_442, %dma_start3A_448] : memref<10000x128xf32, #tpu.memory_space<vmem_shared>> -> memref<632x128xf32, #tpu.memory_space<vmem_shared>>
        tpu.enqueue_dma source(%dma_start3A_449 : memref<632x128xf32, #tpu.memory_space<vmem_shared>>) target(%dma_start3A_447 : memref<632x128xf32, #tpu.memory_space<hbm>>) target_semaphore(%run_scoped3A : memref<!tpu.dma_semaphore, #tpu.memory_space<semaphore_mem>>)
        %dma_wait3A_450 = arith.constant 0 : i32
        %dma_wait3A_451 = tpu.memref_slice %arg5[%add3A_445, %dma_wait3A_450] : memref<20000x128xf32, #tpu.memory_space<hbm>> -> memref<632x128xf32, #tpu.memory_space<hbm>>
        %dma_wait3A_452 = arith.constant 0 : i32
        %dma_wait3A_453 = tpu.memref_slice %arg24[%mul3A_442, %dma_wait3A_452] : memref<10000x128xf32, #tpu.memory_space<vmem_shared>> -> memref<632x128xf32, #tpu.memory_space<vmem_shared>>
        tpu.wait_dma2 semaphore(%run_scoped3A : memref<!tpu.dma_semaphore, #tpu.memory_space<semaphore_mem>>) src(%dma_wait3A_453 : memref<632x128xf32, #tpu.memory_space<vmem_shared>>) dst(%dma_wait3A_451 : memref<632x128xf32, #tpu.memory_space<hbm>>)
        tpu.yield
      }) : () -> ()
    } else {
    }
    %eq3A_436 = arith.constant 15 : i32
    %eq3A_437 = arith.cmpi eq, %arg1, %eq3A_436 : i32
    %convert_element_type3A_438 = arith.extui %eq3A_437 : i1 to i32
    %cond3A_439 = arith.constant 0 : i32
    %cond3A_440 = arith.cmpi ne, %convert_element_type3A_438, %cond3A_439 : i32
    scf.if %cond3A_440 {
      %mul3A_441 = arith.constant 10000 : i32
      %mul3A_442 = arith.muli %arg0, %mul3A_441 : i32
      %add3A_443 = arith.constant 9480 : i32
      %add3A_444 = arith.addi %mul3A_442, %add3A_443 : i32
      "tpu.region"() ({
        %run_scoped3A = tpu.sem_alloc : memref<!tpu.dma_semaphore, #tpu.memory_space<semaphore_mem>>
        %dma_start3A_445 = arith.constant 0 : i32
        %dma_start3A_446 = tpu.memref_slice %arg5[%add3A_444, %dma_start3A_445] : memref<20000x128xf32, #tpu.memory_space<hbm>> -> memref<520x128xf32, #tpu.memory_space<hbm>>
        %dma_start3A_447 = arith.constant 9480 : i32
        %dma_start3A_448 = arith.constant 0 : i32
        %dma_start3A_449 = tpu.memref_slice %arg24[%dma_start3A_447, %dma_start3A_448] : memref<10000x128xf32, #tpu.memory_space<vmem_shared>> -> memref<520x128xf32, #tpu.memory_space<vmem_shared>>
        tpu.enqueue_dma source(%dma_start3A_449 : memref<520x128xf32, #tpu.memory_space<vmem_shared>>) target(%dma_start3A_446 : memref<520x128xf32, #tpu.memory_space<hbm>>) target_semaphore(%run_scoped3A : memref<!tpu.dma_semaphore, #tpu.memory_space<semaphore_mem>>)
        %dma_wait3A_450 = arith.constant 0 : i32
        %dma_wait3A_451 = tpu.memref_slice %arg5[%add3A_444, %dma_wait3A_450] : memref<20000x128xf32, #tpu.memory_space<hbm>> -> memref<520x128xf32, #tpu.memory_space<hbm>>
        %dma_wait3A_452 = arith.constant 9480 : i32
        %dma_wait3A_453 = arith.constant 0 : i32
        %dma_wait3A_454 = tpu.memref_slice %arg24[%dma_wait3A_452, %dma_wait3A_453] : memref<10000x128xf32, #tpu.memory_space<vmem_shared>> -> memref<520x128xf32, #tpu.memory_space<vmem_shared>>
        tpu.wait_dma2 semaphore(%run_scoped3A : memref<!tpu.dma_semaphore, #tpu.memory_space<semaphore_mem>>) src(%dma_wait3A_454 : memref<520x128xf32, #tpu.memory_space<vmem_shared>>) dst(%dma_wait3A_451 : memref<520x128xf32, #tpu.memory_space<hbm>>)
        tpu.yield
      }) : () -> ()
    } else {
    }
    return
  }
}

module attributes {stable_mosaic.version = 14 : i64} {
  func.func @_tc1_body(%arg0: i32, %arg1: memref<1000x128xf32, #tpu.memory_space<vmem>>, %arg2: memref<2x1000x128xf32, #tpu.memory_space<vmem>>, %arg3: memref<128x128xf32, #tpu.memory_space<vmem>>, %arg4: memref<1x128xf32, #tpu.memory_space<vmem>>, %arg5: memref<128x128xf32, #tpu.memory_space<vmem>>, %arg6: memref<1x128xf32, #tpu.memory_space<vmem>>, %arg7: memref<2x1000x128xf32, #tpu.memory_space<vmem>>) attributes {dimension_semantics = [#tpu.dimension_semantics<arbitrary>], iteration_bounds = array<i64: 10>, scalar_prefetch = 0 : i64, scratch_operands = 0 : i64, tpu.core_type = #tpu.core_type<tc>, window_params = [{transform_indices = @transform_0, window_bounds = array<i64: 1000, 128>}, {transform_indices = @transform_1, window_bounds = array<i64: 2, 1000, 128>}, {pipeline_mode = #tpu.pipeline_mode<synchronous>, transform_indices = @transform_2, window_bounds = array<i64: 128, 128>}, {pipeline_mode = #tpu.pipeline_mode<synchronous>, transform_indices = @transform_3, window_bounds = array<i64: 1, 128>}, {pipeline_mode = #tpu.pipeline_mode<synchronous>, transform_indices = @transform_4, window_bounds = array<i64: 128, 128>}, {pipeline_mode = #tpu.pipeline_mode<synchronous>, transform_indices = @transform_5, window_bounds = array<i64: 1, 128>}, {transform_indices = @transform_6, window_bounds = array<i64: 2, 1000, 128>}]} {
    %get3A = arith.constant 0 : index
    %get3A_0 = arith.constant 0 : index
    %get3A_1 = vector.load %arg1[%get3A, %get3A_0] : memref<1000x128xf32, #tpu.memory_space<vmem>>, vector<1000x128xf32>
    %get3A_2 = arith.constant 0 : index
    %get3A_3 = arith.constant 0 : index
    %get3A_4 = arith.constant 0 : index
    %get3A_5 = vector.load %arg2[%get3A_2, %get3A_3, %get3A_4] : memref<2x1000x128xf32, #tpu.memory_space<vmem>>, vector<1x1000x128xf32>
    %get3A_6 = vector.shape_cast %get3A_5 : vector<1x1000x128xf32> to vector<1000x128xf32>
    %add3A = arith.addf %get3A_1, %get3A_6 : vector<1000x128xf32>
    %get3A_7 = arith.constant 1 : index
    %get3A_8 = arith.constant 0 : index
    %get3A_9 = arith.constant 0 : index
    %get3A_10 = vector.load %arg2[%get3A_7, %get3A_8, %get3A_9] : memref<2x1000x128xf32, #tpu.memory_space<vmem>>, vector<1x1000x128xf32>
    %get3A_11 = vector.shape_cast %get3A_10 : vector<1x1000x128xf32> to vector<1000x128xf32>
    %add3A_12 = arith.addf %add3A, %get3A_11 : vector<1000x128xf32>
    %get3A_13 = arith.constant 0 : index
    %get3A_14 = arith.constant 0 : index
    %get3A_15 = vector.load %arg3[%get3A_13, %get3A_14] : memref<128x128xf32, #tpu.memory_space<vmem>>, vector<128x128xf32>
    %dot_general3A = arith.constant dense<0.000000e+00> : vector<1000x128xf32>
    %dot_general3A_16 = tpu.matmul %add3A_12, %get3A_15, %dot_general3A {dimension_numbers = #tpu.dot_dimension_numbers<[1], [0], [0], [1], [0, 0, 1, 1], [], []>, transpose_lhs_hint = false} : vector<1000x128xf32>, vector<128x128xf32>, vector<1000x128xf32> -> vector<1000x128xf32>
    %get3A_17 = arith.constant 0 : index
    %get3A_18 = arith.constant 0 : index
    %get3A_19 = vector.load %arg5[%get3A_17, %get3A_18] : memref<128x128xf32, #tpu.memory_space<vmem>>, vector<128x128xf32>
    %dot_general3A_20 = arith.constant dense<0.000000e+00> : vector<1000x128xf32>
    %dot_general3A_21 = tpu.matmul %add3A_12, %get3A_19, %dot_general3A_20 {dimension_numbers = #tpu.dot_dimension_numbers<[1], [0], [0], [1], [0, 0, 1, 1], [], []>, transpose_lhs_hint = false} : vector<1000x128xf32>, vector<128x128xf32>, vector<1000x128xf32> -> vector<1000x128xf32>
    %get3A_22 = arith.constant 0 : index
    %get3A_23 = arith.constant 0 : index
    %get3A_24 = vector.load %arg4[%get3A_22, %get3A_23] : memref<1x128xf32, #tpu.memory_space<vmem>>, vector<1x128xf32>
    %add3A_25 = vector.broadcast %get3A_24 : vector<1x128xf32> to vector<1000x128xf32>
    %add3A_26 = arith.addf %dot_general3A_16, %add3A_25 : vector<1000x128xf32>
    %max3A = arith.constant 0.000000e+00 : f32
    %max3A_27 = vector.broadcast %max3A : f32 to vector<1000x128xf32>
    %max3A_28 = arith.maximumf %add3A_26, %max3A_27 : vector<1000x128xf32>
    %swap3A = arith.constant 0 : index
    %swap3A_29 = arith.constant 0 : index
    %swap3A_30 = arith.constant 0 : index
    %swap3A_31 = vector.load %arg7[%swap3A, %swap3A_29, %swap3A_30] : memref<2x1000x128xf32, #tpu.memory_space<vmem>>, vector<1x1000x128xf32>
    %swap3A_32 = vector.shape_cast %swap3A_31 : vector<1x1000x128xf32> to vector<1000x128xf32>
    %swap3A_33 = vector.shape_cast %max3A_28 : vector<1000x128xf32> to vector<1x1000x128xf32>
    tpu.vector_store %arg7[%swap3A, %swap3A_29, %swap3A_30], %swap3A_33 {strides = array<i32>} : memref<2x1000x128xf32, #tpu.memory_space<vmem>>, vector<1x1000x128xf32>,
    %get3A_34 = arith.constant 0 : index
    %get3A_35 = arith.constant 0 : index
    %get3A_36 = vector.load %arg6[%get3A_34, %get3A_35] : memref<1x128xf32, #tpu.memory_space<vmem>>, vector<1x128xf32>
    %add3A_37 = vector.broadcast %get3A_36 : vector<1x128xf32> to vector<1000x128xf32>
    %add3A_38 = arith.addf %dot_general3A_21, %add3A_37 : vector<1000x128xf32>
    %max3A_39 = arith.constant 0.000000e+00 : f32
    %max3A_40 = vector.broadcast %max3A_39 : f32 to vector<1000x128xf32>
    %max3A_41 = arith.maximumf %add3A_38, %max3A_40 : vector<1000x128xf32>
    %swap3A_42 = arith.constant 1 : index
    %swap3A_43 = arith.constant 0 : index
    %swap3A_44 = arith.constant 0 : index
    %swap3A_45 = vector.load %arg7[%swap3A_42, %swap3A_43, %swap3A_44] : memref<2x1000x128xf32, #tpu.memory_space<vmem>>, vector<1x1000x128xf32>
    %swap3A_46 = vector.shape_cast %swap3A_45 : vector<1x1000x128xf32> to vector<1000x128xf32>
    %swap3A_47 = vector.shape_cast %max3A_41 : vector<1000x128xf32> to vector<1x1000x128xf32>
    tpu.vector_store %arg7[%swap3A_42, %swap3A_43, %swap3A_44], %swap3A_47 {strides = array<i32>} : memref<2x1000x128xf32, #tpu.memory_space<vmem>>, vector<1x1000x128xf32>,
    return
  }
  func.func @transform_0(%arg0: i32) -> (i32, i32) {
    %c0_i32 = arith.constant 0 : i32
    %c0_i32_0 = arith.constant 0 : i32
    return %arg0, %c0_i32 : i32, i32
  }
  func.func @transform_1(%arg0: i32) -> (i32, i32, i32) {
    %c0_i32 = arith.constant 0 : i32
    %c0_i32_0 = arith.constant 0 : i32
    %c0_i32_1 = arith.constant 0 : i32
    return %c0_i32, %arg0, %c0_i32_0 : i32, i32, i32
  }
  func.func @transform_2(%arg0: i32) -> (i32, i32) {
    %c0_i32 = arith.constant 0 : i32
    %c0_i32_0 = arith.constant 0 : i32
    %c0_i32_1 = arith.constant 0 : i32
    return %c0_i32, %c0_i32_0 : i32, i32
  }
  func.func @transform_3(%arg0: i32) -> (i32, i32) {
    %c0_i32 = arith.constant 0 : i32
    %c0_i32_0 = arith.constant 0 : i32
    %c0_i32_1 = arith.constant 0 : i32
    return %c0_i32, %c0_i32_0 : i32, i32
  }
  func.func @transform_4(%arg0: i32) -> (i32, i32) {
    %c0_i32 = arith.constant 0 : i32
    %c0_i32_0 = arith.constant 0 : i32
    %c0_i32_1 = arith.constant 0 : i32
    return %c0_i32, %c0_i32_0 : i32, i32
  }
  func.func @transform_5(%arg0: i32) -> (i32, i32) {
    %c0_i32 = arith.constant 0 : i32
    %c0_i32_0 = arith.constant 0 : i32
    %c0_i32_1 = arith.constant 0 : i32
    return %c0_i32, %c0_i32_0 : i32, i32
  }
  func.func @transform_6(%arg0: i32) -> (i32, i32, i32) {
    %c0_i32 = arith.constant 0 : i32
    %c0_i32_0 = arith.constant 0 : i32
    %c0_i32_1 = arith.constant 0 : i32
    return %c0_i32, %arg0, %c0_i32_0 : i32, i32, i32
  }
}

module attributes {stable_mosaic.version = 14 : i64} {
  func.func @_tc2_body(%arg0: i32, %arg1: memref<2x1000x128xf32, #tpu.memory_space<vmem>>, %arg2: memref<2x1000x128xf32, #tpu.memory_space<vmem>>, %arg3: memref<128x128xf32, #tpu.memory_space<vmem>>, %arg4: memref<1x128xf32, #tpu.memory_space<vmem>>, %arg5: memref<128x128xf32, #tpu.memory_space<vmem>>, %arg6: memref<1x128xf32, #tpu.memory_space<vmem>>, %arg7: memref<1000x128xf32, #tpu.memory_space<vmem>>, %arg8: memref<1000x128xf32, #tpu.memory_space<vmem>>) attributes {dimension_semantics = [#tpu.dimension_semantics<arbitrary>], iteration_bounds = array<i64: 10>, scalar_prefetch = 0 : i64, scratch_operands = 0 : i64, tpu.core_type = #tpu.core_type<tc>, window_params = [{transform_indices = @transform_0, window_bounds = array<i64: 2, 1000, 128>}, {transform_indices = @transform_1, window_bounds = array<i64: 2, 1000, 128>}, {pipeline_mode = #tpu.pipeline_mode<synchronous>, transform_indices = @transform_2, window_bounds = array<i64: 128, 128>}, {pipeline_mode = #tpu.pipeline_mode<synchronous>, transform_indices = @transform_3, window_bounds = array<i64: 1, 128>}, {pipeline_mode = #tpu.pipeline_mode<synchronous>, transform_indices = @transform_4, window_bounds = array<i64: 128, 128>}, {pipeline_mode = #tpu.pipeline_mode<synchronous>, transform_indices = @transform_5, window_bounds = array<i64: 1, 128>}, {transform_indices = @transform_6, window_bounds = array<i64: 1000, 128>}, {transform_indices = @transform_7, window_bounds = array<i64: 1000, 128>}]} {
    %get3A = arith.constant 0 : index
    %get3A_0 = arith.constant 0 : index
    %get3A_1 = arith.constant 0 : index
    %get3A_2 = vector.load %arg1[%get3A, %get3A_0, %get3A_1] : memref<2x1000x128xf32, #tpu.memory_space<vmem>>, vector<1x1000x128xf32>
    %get3A_3 = vector.shape_cast %get3A_2 : vector<1x1000x128xf32> to vector<1000x128xf32>
    %get3A_4 = arith.constant 0 : index
    %get3A_5 = arith.constant 0 : index
    %get3A_6 = arith.constant 0 : index
    %get3A_7 = vector.load %arg2[%get3A_4, %get3A_5, %get3A_6] : memref<2x1000x128xf32, #tpu.memory_space<vmem>>, vector<1x1000x128xf32>
    %get3A_8 = vector.shape_cast %get3A_7 : vector<1x1000x128xf32> to vector<1000x128xf32>
    %add3A = arith.addf %get3A_3, %get3A_8 : vector<1000x128xf32>
    %get3A_9 = arith.constant 1 : index
    %get3A_10 = arith.constant 0 : index
    %get3A_11 = arith.constant 0 : index
    %get3A_12 = vector.load %arg1[%get3A_9, %get3A_10, %get3A_11] : memref<2x1000x128xf32, #tpu.memory_space<vmem>>, vector<1x1000x128xf32>
    %get3A_13 = vector.shape_cast %get3A_12 : vector<1x1000x128xf32> to vector<1000x128xf32>
    %get3A_14 = arith.constant 1 : index
    %get3A_15 = arith.constant 0 : index
    %get3A_16 = arith.constant 0 : index
    %get3A_17 = vector.load %arg2[%get3A_14, %get3A_15, %get3A_16] : memref<2x1000x128xf32, #tpu.memory_space<vmem>>, vector<1x1000x128xf32>
    %get3A_18 = vector.shape_cast %get3A_17 : vector<1x1000x128xf32> to vector<1000x128xf32>
    %add3A_19 = arith.addf %get3A_13, %get3A_18 : vector<1000x128xf32>
    %get3A_20 = arith.constant 0 : index
    %get3A_21 = arith.constant 0 : index
    %get3A_22 = vector.load %arg3[%get3A_20, %get3A_21] : memref<128x128xf32, #tpu.memory_space<vmem>>, vector<128x128xf32>
    %dot_general3A = arith.constant dense<0.000000e+00> : vector<1000x128xf32>
    %dot_general3A_23 = tpu.matmul %add3A, %get3A_22, %dot_general3A {dimension_numbers = #tpu.dot_dimension_numbers<[1], [0], [0], [1], [0, 0, 1, 1], [], []>, transpose_lhs_hint = false} : vector<1000x128xf32>, vector<128x128xf32>, vector<1000x128xf32> -> vector<1000x128xf32>
    %get3A_24 = arith.constant 0 : index
    %get3A_25 = arith.constant 0 : index
    %get3A_26 = vector.load %arg4[%get3A_24, %get3A_25] : memref<1x128xf32, #tpu.memory_space<vmem>>, vector<1x128xf32>
    %add3A_27 = vector.broadcast %get3A_26 : vector<1x128xf32> to vector<1000x128xf32>
    %add3A_28 = arith.addf %dot_general3A_23, %add3A_27 : vector<1000x128xf32>
    %swap3A = arith.constant 0 : index
    %swap3A_29 = arith.constant 0 : index
    %swap3A_30 = vector.load %arg7[%swap3A, %swap3A_29] : memref<1000x128xf32, #tpu.memory_space<vmem>>, vector<1000x128xf32>
    tpu.vector_store %arg7[%swap3A, %swap3A_29], %add3A_28 {strides = array<i32>} : memref<1000x128xf32, #tpu.memory_space<vmem>>, vector<1000x128xf32>,
    %get3A_31 = arith.constant 0 : index
    %get3A_32 = arith.constant 0 : index
    %get3A_33 = vector.load %arg5[%get3A_31, %get3A_32] : memref<128x128xf32, #tpu.memory_space<vmem>>, vector<128x128xf32>
    %dot_general3A_34 = arith.constant dense<0.000000e+00> : vector<1000x128xf32>
    %dot_general3A_35 = tpu.matmul %add3A_19, %get3A_33, %dot_general3A_34 {dimension_numbers = #tpu.dot_dimension_numbers<[1], [0], [0], [1], [0, 0, 1, 1], [], []>, transpose_lhs_hint = false} : vector<1000x128xf32>, vector<128x128xf32>, vector<1000x128xf32> -> vector<1000x128xf32>
    %get3A_36 = arith.constant 0 : index
    %get3A_37 = arith.constant 0 : index
    %get3A_38 = vector.load %arg6[%get3A_36, %get3A_37] : memref<1x128xf32, #tpu.memory_space<vmem>>, vector<1x128xf32>
    %add3A_39 = vector.broadcast %get3A_38 : vector<1x128xf32> to vector<1000x128xf32>
    %add3A_40 = arith.addf %dot_general3A_35, %add3A_39 : vector<1000x128xf32>
    %swap3A_41 = arith.constant 0 : index
    %swap3A_42 = arith.constant 0 : index
    %swap3A_43 = vector.load %arg8[%swap3A_41, %swap3A_42] : memref<1000x128xf32, #tpu.memory_space<vmem>>, vector<1000x128xf32>
    tpu.vector_store %arg8[%swap3A_41, %swap3A_42], %add3A_40 {strides = array<i32>} : memref<1000x128xf32, #tpu.memory_space<vmem>>, vector<1000x128xf32>,
    return
  }
  func.func @transform_0(%arg0: i32) -> (i32, i32, i32) {
    %c0_i32 = arith.constant 0 : i32
    %c0_i32_0 = arith.constant 0 : i32
    %c0_i32_1 = arith.constant 0 : i32
    return %c0_i32, %arg0, %c0_i32_0 : i32, i32, i32
  }
  func.func @transform_1(%arg0: i32) -> (i32, i32, i32) {
    %c0_i32 = arith.constant 0 : i32
    %c0_i32_0 = arith.constant 0 : i32
    %c0_i32_1 = arith.constant 0 : i32
    return %c0_i32, %arg0, %c0_i32_0 : i32, i32, i32
  }
  func.func @transform_2(%arg0: i32) -> (i32, i32) {
    %c0_i32 = arith.constant 0 : i32
    %c0_i32_0 = arith.constant 0 : i32
    %c0_i32_1 = arith.constant 0 : i32
    return %c0_i32, %c0_i32_0 : i32, i32
  }
  func.func @transform_3(%arg0: i32) -> (i32, i32) {
    %c0_i32 = arith.constant 0 : i32
    %c0_i32_0 = arith.constant 0 : i32
    %c0_i32_1 = arith.constant 0 : i32
    return %c0_i32, %c0_i32_0 : i32, i32
  }
  func.func @transform_4(%arg0: i32) -> (i32, i32) {
    %c0_i32 = arith.constant 0 : i32
    %c0_i32_0 = arith.constant 0 : i32
    %c0_i32_1 = arith.constant 0 : i32
    return %c0_i32, %c0_i32_0 : i32, i32
  }
  func.func @transform_5(%arg0: i32) -> (i32, i32) {
    %c0_i32 = arith.constant 0 : i32
    %c0_i32_0 = arith.constant 0 : i32
    %c0_i32_1 = arith.constant 0 : i32
    return %c0_i32, %c0_i32_0 : i32, i32
  }
  func.func @transform_6(%arg0: i32) -> (i32, i32) {
    %c0_i32 = arith.constant 0 : i32
    %c0_i32_0 = arith.constant 0 : i32
    return %arg0, %c0_i32 : i32, i32
  }
  func.func @transform_7(%arg0: i32) -> (i32, i32) {
    %c0_i32 = arith.constant 0 : i32
    %c0_i32_0 = arith.constant 0 : i32
    return %arg0, %c0_i32 : i32, i32
  }
}

</mosaic_0001>

<sc_bundles>
// kernel: kernel.6.cloned.1.call-start
scs
__scs_entry_jumppad:
0x0: {  	(pc) =	sbr.rel $0x88, $3  }
0x1: {  	(tag) =	ssettag $0x0;
	lr =	simm.s32 $0x1  }
0x2: {  	[smem:$0x3F97] =	sst lr;
	_ =	strace $0xD0000000  }
0x3: {  	_ = 	snop  }
0x4: {  	_ = 	snop  }
0x5: {  	_ = 	snop  }
0x6: {  	_ = 	snop  }
0x7: {  	_ = 	snop  }
__scs_overlays_trampoline_lowered:
0x8: {  	[smem:$0x3FA6] =	sst s0  }
0x9: {  	[smem:$0x3FA7] =	sst s1  }
0xa: {  	[smem:$0x3FA8] =	sst s2  }
0xb: {  	[smem:$0x3FA9] =	sst s3  }
0xc: {  	[smem:$0x3FAA] =	sst s4  }
0xd: {  	[smem:$0x3FAB] =	sst s5  }
0xe: {  	[smem:$0x3FAC] =	sst s6  }
0xf: {  	[smem:$0x3FAD] =	sst s7  }
0x10: {  	[smem:$0x3FAE] =	sst s8  }
0x11: {  	[smem:$0x3FAF] =	sst s9;
	s0 =	simm.s32 @!p0 $0x0  }
0x12: {  	s1 =	sld [smem:$0x3F95];
	s0 =	simm.s32 @p0 $0x1  }
0x13: {  	[smem:$0x3FB0] =	sst s0;
	s0 =	simm.s32 @!p1 $0x0  }
0x14: {  	s2 =	sld [smem:$0x3F94];
	s0 =	simm.s32 @p1 $0x1  }
0x15: {  	[smem:$0x3FB1] =	sst s0;
	s0 =	simm.s32 @!p2 $0x0  }
0x16: {  	s3 =	sld [smem:$0x3FDB];
	s0 =	simm.s32 @p2 $0x1  }
0x17: {  	s4 =	simm.s32 $0x1BF5;
	[smem:$0x3FB3] =	sst s0  }
0x18: {  	s0 =	sld [smem:$0x3F96];
	_ =	swait.ge [sflag:s4], $0x0  }
0x19: {  	s7 =	sld [smem:$0x3F97]  }
0x1a: {  	s8 =	sadd.s32 $0xFFFFE003, lr  }
0x1b: {  	s9 =	sadd.s32 $0xFFFFFEF7, lr;
	s5 =	simm.s32 $0xFFFFFFFF;
	p2 =	slt.u32 s8, $0xFFFFF086  }
0x1c: {  	p1 =	slt.u32 s9, $0xF7A;
	s5 =	simm.s32 @!p2 $0x0  }
0x1d: {  	s5 =	simm.s32 @p1 $0x1;
	p0 =	seq.s32 s7, s2  }
0x1e: {  	s7 =	smul.u32 @!p0 $0xF7A, s2;
	p2 =	seq.s32 @!p0 s5, $0x0  }
0x1f: {  	s9 =	smul.u32 $0xF7A, s1;
	s8 =	simm.s32 @!p0 $0x1BF5;
	p2 =	por !p2, p0  }
0x20: {  	[sflag:s8] =	ssyncset.s32 @!p0 $0xFFFFF086;
	s6 =	sadd.s32 @!p0 s3, s7;
	s7 =	simm.s32 @!p0 $0x108  }
0x21: {  	s3 =	sadd.s32 s3, s9;
	s6 =	sadd.s32 @!p0 $0x88, s6;
	s7 =	simm.s32 @p2 $0x1082  }
0x22: {  	[simem:s7], [sflag:s8] =	dma.local @!p0 [hbm:s6], $0xF7A  }
0x23: {  	s9 =	sor.u32 $0xD0000000, s2;
	s6 =	simm.s32 $0x108;
	_ =	swait.ge @!p0 [sflag:s8], $0x0  }
0x24: {  	s3 =	sadd.s32 $0x88, s3;
	s6 =	simm.s32 @!p1 $0x1082;
	[sflag:s4] =	ssyncset.s32 $0xFFFFF086  }
0x25: {  	[simem:s6], [sflag:s4] =	dma.local [hbm:s3], $0xF7A  }
0x26: {  	[smem:$0x3F97] =	sst s1;
	(tag) =	ssettag s2;
	_ =	strace s9  }
0x27: {  	s1 =	sld [smem:$0x3FA7]  }
0x28: {  	s2 =	sld [smem:$0x3FA8]  }
0x29: {  	s4 =	sld [smem:$0x3FAA]  }
0x2a: {  	p0 =	seq.s32 s5, $0x0;
	s5 =	sld [smem:$0x3FAB]  }
0x2b: {  	s6 =	sld [smem:$0x3FAC]  }
0x2c: {  	s7 =	sld [smem:$0x3FAD]  }
0x2d: {  	s3 =	simm.s32 $0x108;
	s8 =	sld [smem:$0x3FAE]  }
0x2e: {  	s3 =	simm.s32 @!p0 $0x1082;
	s9 =	sld [smem:$0x3FAF]  }
0x2f: {  	lr =	sadd.s32 s0, s3;
	s0 =	sld [smem:$0x3FA6]  }
0x30: {  	s3 =	sld [smem:$0x3FA9]  }
0x31: {  	[smem:$0x3FB2] =	sst s10  }
0x32: {  	s10 =	sld [smem:$0x3FB0];
	_ =	sdelay $0x3  }
0x33: {  	p0 =	seq.s32 s10, $0x1;
	s10 =	sld [smem:$0x3FB2];
	_ =	sdelay $0x3  }
0x34: {  	[smem:$0x3FB2] =	sst s10  }
0x35: {  	s10 =	sld [smem:$0x3FB1];
	_ =	sdelay $0x3  }
0x36: {  	p1 =	seq.s32 s10, $0x1;
	s10 =	sld [smem:$0x3FB2];
	_ =	sdelay $0x3  }
0x37: {  	[smem:$0x3FB2] =	sst s10  }
0x38: {  	s10 =	sld [smem:$0x3FB3]  }
0x39: {  	_ = 	snop;
	(pc) =	sbr.ind lr, $3  }
0x3a: {  	_ = 	snop  }
0x3b: {  	_ = 	snop  }
0x3c: {  	p2 =	seq.s32 s10, $0x1;
	s10 =	sld [smem:$0x3FB2]  }
0x3d: {  	_ =	shalt  }
0x3e: {  	_ =	shalt  }
0x3f: {  	_ =	shalt  }
0x40: {  	_ =	shalt  }
0x41: {  	_ =	shalt  }
0x42: {  	_ =	shalt  }
0x43: {  	_ =	shalt  }
0x44: {  	_ =	shalt  }
0x45: {  	_ =	shalt  }
0x46: {  	_ =	shalt  }
0x47: {  	_ =	shalt  }
0x48: {  	_ =	shalt  }
0x49: {  	_ =	shalt  }
0x4a: {  	_ =	shalt  }
0x4b: {  	_ =	shalt  }
0x4c: {  	_ =	shalt  }
0x4d: {  	_ =	shalt  }
0x4e: {  	_ =	shalt  }
0x4f: {  	_ =	shalt  }
0x50: {  	_ =	shalt  }
0x51: {  	_ =	shalt  }
0x52: {  	_ =	shalt  }
0x53: {  	_ =	shalt  }
0x54: {  	_ =	shalt  }
0x55: {  	_ =	shalt  }
0x56: {  	_ =	shalt  }
0x57: {  	_ =	shalt  }
0x58: {  	_ =	shalt  }
0x59: {  	_ =	shalt  }
0x5a: {  	_ =	shalt  }
0x5b: {  	_ =	shalt  }
0x5c: {  	_ =	shalt  }
0x5d: {  	_ =	shalt  }
0x5e: {  	_ =	shalt  }
0x5f: {  	_ =	shalt  }
0x60: {  	_ =	shalt  }
0x61: {  	_ =	shalt  }
0x62: {  	_ =	shalt  }
0x63: {  	_ =	shalt  }
0x64: {  	_ =	shalt  }
0x65: {  	_ =	shalt  }
0x66: {  	_ =	shalt  }
0x67: {  	_ =	shalt  }
0x68: {  	_ =	shalt  }
0x69: {  	_ =	shalt  }
0x6a: {  	_ =	shalt  }
0x6b: {  	_ =	shalt  }
0x6c: {  	_ =	shalt  }
0x6d: {  	_ =	shalt  }
0x6e: {  	_ =	shalt  }
0x6f: {  	_ =	shalt  }
0x70: {  	_ =	shalt  }
0x71: {  	_ =	shalt  }
0x72: {  	_ =	shalt  }
0x73: {  	_ =	shalt  }
0x74: {  	_ =	shalt  }
0x75: {  	_ =	shalt  }
0x76: {  	_ =	shalt  }
0x77: {  	_ =	shalt  }
0x78: {  	_ =	shalt  }
0x79: {  	_ =	shalt  }
0x7a: {  	_ =	shalt  }
0x7b: {  	_ =	shalt  }
0x7c: {  	_ =	shalt  }
0x7d: {  	_ =	shalt  }
0x7e: {  	_ =	shalt  }
0x7f: {  	_ =	shalt  }
0x80: {  	_ =	shalt  }
0x81: {  	_ =	shalt  }
0x82: {  	_ =	shalt  }
0x83: {  	_ =	shalt  }
0x84: {  	_ =	shalt  }
0x85: {  	_ =	shalt  }
0x86: {  	_ =	shalt  }
0x87: {  	_ =	shalt  }
.Lfunc_end0:
.L_simem_size_0:
called_computation_lowered:
.L_overlay_start_0:
0x88: {  	s2 =	sld [smem:$0x3FD9]  }
0x89: {  	s3 =	sld [smem:$0x3FFE];
	_ =	sdelay $0x1  }
0x8a: {  	s1 =	srdreg.scid  }
0x8b: {  	s0 =	sand.u32 $0x1, s1  }
0x8c: {  	s14 =	sshll.u32 s0, $0xA;
	s2 =	sadd.s32 s3, s2  }
0x8d: {  	s2 =	sadd.s32 s2, s14  }
0x8e: {  	[smem:$0x3FBE] =	sst s2  }
0x8f: {  	_ = 	snop  }
0x90: {  	s2 =	sld [smem:$0x3FD0];
	_ =	sdelay $0x2  }
0x91: {  	s4 =	simm.s32 $0xA;
	s5 =	simm.s32 $0x10;
	s15 =	sld [smem:$0x3FC9]  }
0x92: {  	[smem:s5], [sflag:s4] =	dma.local [hbm:s2], $0x1  }
0x93: {  	_ =	swait.eq [sflag:s4], $0x1  }
0x94: {  	[sflag:s4] =	ssyncset.done $0x0  }
0x95: {  	s16 =	sld [smem:$0x10];
	[sflag:s4] =	ssyncadd.s32 $0xFFFFFFFF  }
0x96: {  	s17 =	sld [smem:$0x11];
	(tm) =	ssettm $0x1  }
0x97: {  	s18 =	sld [smem:$0x3FFB];
	_ =	sdelay $0x3  }
0x98: {  	_ =	strace s18  }
0x99: {  	s5 =	sld [smem:$0x3FFC];
	_ =	sdelay $0x3  }
0x9a: {  	_ =	strace s5  }
0x9b: {  	s5 =	sld [smem:$0x3FFD];
	_ =	sdelay $0x3  }
0x9c: {  	_ =	strace s5  }
0x9d: {  	_ =	strace $0x8FFFFFFF  }
0x9e: {  	s19 =	sld [smem:$0x3FDB];
	_ =	sdelay $0x1  }
0x9f: {  	s6 =	simm.s32 $_scs_section_size  }
0xa0: {  	s7 =	simm.s32 $_size__tile_overlayer_lowered;
	s8 =	simm.s32 $_tile_overlayer_lowered  }
0xa1: {  	s22 =	simm.s32 $0x1BFF;
	s21 =	sshll.u32 s8, $0x1;
	s5 =	sadd.s32 s6, s19  }
0xa2: {  	s9 =	simm.s32 $0x0;
	s20 =	sshll.u32 s7, $0x1;
	s7 =	sadd.s32 s21, s5  }
0xa3: {  	[timem:s9], [sflag:s22] =	dma.local [hbm:s7], s20  }
0xa4: {  	_ =	swait.ge [sflag:s22], s20  }
0xa5: {  	s6 =	ssub.s32 $0x0, s20;
	[sflag:s22] =	ssyncset.done $0x0  }
0xa6: {  	[sflag:s22] =	ssyncadd.s32 s6;
	_ =	sdelay $0x1  }
0xa7: {  	s23 =	simm.s32 $0x1B8B  }
0xa8: {  	_ =	swait.ge [sflag:s23], $0x1  }
0xa9: {  	[sflag:s23] =	ssyncset.done $0x0  }
0xaa: {  	s25 =	simm.s32 $0x1B8E;
	s24 =	sld [smem:$0x3FFE];
	[sflag:s23] =	ssyncadd.s32 $0xFFFFFFFF  }
0xab: {  	s26 =	simm.s32 $execute0_lowered;
	[smem:$0x3FD2] =	sst s25  }
0xac: {  	s7 =	sshll.u32 s26, $0x1;
	_ =	strace $0x80000046;
	[dreg:$0x1] =	wrdreg $0xFFFFFFFF  }
0xad: {  	s28 =	simm.s32 $_size_execute0_lowered;
	s5 =	sadd.s32 s5, s7;
	[dreg:$0x0] =	wrdreg $0x0  }
0xae: {  	s7 =	sshll.u32 s28, $0x1;
	[dreg:$0x2] =	wrdreg s5  }
0xaf: {  	[dreg:$0x3] =	wrdreg s7  }
0xb0: {  	[dreg:$0x4] =	wrdreg $0xC0  }
0xb1: {  	_ =	task [dreg:s9], $0x5FFFF  }
0xb2: {  	[dreg:$0x1] =	wrdreg $0xFFFFFFFF  }
0xb3: {  	[dreg:$0x0] =	wrdreg $0x60  }
0xb4: {  	[dreg:$0x2] =	wrdreg s15  }
0xb5: {  	[dreg:$0x3] =	wrdreg s16  }
0xb6: {  	[dreg:$0x4] =	wrdreg s17  }
0xb7: {  	[dreg:$0x5] =	wrdreg s24  }
0xb8: {  	[dreg:$0x6] =	wrdreg $0xC4800  }
0xb9: {  	[dreg:$0x7] =	wrdreg $0x9  }
0xba: {  	_ =	task.clear_ibuf [dreg:s9], $0x8FFFF;
	_ =	strace $0x90000046  }
0xbb: {  	s29 =	simm.s32 $0x9;
	_ =	strace $0x80000048  }
0xbc: {  	_ =	swait.ge [sflag:s29], $0x1  }
0xbd: {  	[sflag:s29] =	ssyncadd.s32 $0xFFFFFFFF  }
0xbe: {  	_ =	strace $0x90000048  }
0xbf: {  	_ =	sfence  }
0xc0: {  	s30 =	sld [smem:$0x0];
	_ =	sdelay $0x2  }
0xc1: {  	s31 =	sshll.u32 s1, $0xD;
	s1 =	sshrl.u32 s1, $0x2  }
0xc2: {  	s3 =	sand.u32 $0x4000, s31;
	s1 =	sadd.s32 s1, s30  }
0xc3: {  	s0 =	sor.u32 s3, s0;
	s1 =	sshll.u32 s1, $0x11  }
0xc4: {  	s0 =	sor.u32 s1, s0  }
0xc5: {  	s0 =	sadd.s32 $0x8F2B, s0  }
0xc6: {  	[sflag:s0] =	ssyncadd.remote.s32 $0x1  }
0xc7: {  	_ =	sfence.sel $0xFFFF  }
0xc8: {  	[dreg:$0x0] =	wrdreg $0xFFFFFFFF;
	(pc) =	sbr.abs _section_cstart, $3  }
0xc9: {  	[dreg:$0x1] =	wrdreg $0xFFFFFFFF  }
0xca: {  	_ =	task.clear_ibuf [dreg:s9], $0x2FFFF;
	_ =	strace $0x9FFFFFFF  }
0xcb: {  	(tm) =	ssettm $0x7FFFFFFF  }
tec
execute0_lowered:
.L_overlay_start_1:
0x0: {  	(tag) =	ssettag $0x1  }
0x1: {  	s1 =	rddreg [dreg:$0x0]  }
0x2: {  	s0 =	rddreg [dreg:$0x1]  }
0x3: {  	s3 =	rddreg [dreg:$0x2]  }
0x4: {  	s5 =	rddreg [dreg:$0x3]  }
0x5: {  	s2 =	rddreg [dreg:$0x4]  }
0x6: {  	s4 =	srdreg.scid;
	s16 =	stileid.u32  }
0x7: {  	s29 =	simm.s32 $0x3;
	s30 =	simm.s32 $0x8480;
	s31 =	simm.s32 $0x5  }
0x8: {  	s28 =	simm.s32 $0x7;
	s6 =	sand.u32 $0x1, s4;
	s9 =	smul.u32 $0x4F000, s16  }
0x9: {  	s4 =	simm.s32 $0x0;
	s10 =	sadd.s32 $0x1E00, s5;
	s26 =	smul.u32 $0x2780, s16  }
0xa: {  	p0 =	slt.u32 s16, $0x2;
	s5 =	simm.s32 $0x4F;
	s11 =	sshll.u32 s16, $0x6  }
0xb: {  	s7 =	ssub.s32 $0x2, s6;
	[smem:$0x7FF] =	sst s4;
	s22 =	smul.u32 $0x27100, s6  }
0xc: {  	s12 =	sshll.u32 s6, $0x5;
	s5 =	simm.s32 @!p0 $0x4E;
	s6 =	smul.u32 $0x138800, s6  }
0xd: {  	p0 =	seq.s32 s16, $0xF;
	s8 =	sshrl.u32 s7, $0x1;
	_ =	strace $0x80000047  }
0xe: {  	s25 =	sshrl.u32 s9, $0x2;
	s12 =	sor.u32 s12, s11;
	s14 =	sadd.s32 s3, s26  }
0xf: {  	s13 =	smul.u32 $0x56, s5;
	s3 =	sadd.s32 $0x25080, s3;
	s21 =	sadd.s32 $0xFFFFFFFD, s5  }
0x10: {  	s11 =	sand.u32 $0x380, s11;
	s7 =	ssub.s32 s7, s8;
	[dreg:$0xa] =	wrdreg s14  }
0x11: {  	s8 =	sadd.s32 s25, s2;
	s15 =	sadd.s32 s0, s12;
	[dreg:$0xd] =	wrdreg s3  }
0x12: {  	s14 =	sadd.s32 $0x128400, s2;
	[dreg:$0x6] =	wrdreg s21;
	s9 =	sadd.s32 s26, s22  }
0x13: {  	s6 =	sshrl.u32 s6, $0x3;
	s0 =	sadd.s32 s11, s0;
	s23 =	sand.u32 $0x60, s12  }
0x14: {  	s21 =	simm.s32 $0x80;
	s26 =	simm.s32 $0x400;
	[dreg:$0x9] =	wrdreg s8  }
0x15: {  	[dreg:$0xc] =	wrdreg s14;
	s17 =	sadd.s32 $0x400, s15;
	s18 =	sadd.s32 $0x800, s15  }
0x16: {  	[dreg:$0xb] =	wrdreg s15;
	s19 =	sadd.s32 $0xC00, s15;
	s20 =	sadd.s32 $0xFFFFFF54, s13  }
0x17: {  	s13 =	sadd.s32 $0xFFFFFFAA, s13;
	s14 =	sadd.s32 $0xFFFFFFFC, s5;
	s3 =	sshrl.u32 s20, $0x8  }
0x18: {  	s15 =	sadd.s32 $0xFFFFFFFB, s5;
	[dreg:$0x7] =	wrdreg s26;
	s3 =	smul.u32 $0x3, s3  }
0x19: {  	s24 =	sadd.s32 s10, s9;
	s6 =	sadd.s32 s10, s6;
	[dreg:$0xe] =	wrdreg s17  }
0x1a: {  	s0 =	sadd.s32 s23, s0;
	[dreg:$0xf] =	wrdreg s18;
	s3 =	ssub.s32 s5, s3  }
0x1b: {  	[dreg:$0x10] =	wrdreg s19;
	s13 =	sshrl.u32 s13, $0x8;
	s3 =	sadd.s32 $0xFFFFFFFE, s3  }
0x1c: {  	s12 =	sadd.s32 $0x1800, s0;
	s13 =	smul.u32 $0x3, s13;
	s0 =	sand.u32 $0xFF, s3  }
0x1d: {  	s25 =	smax.u32 s7, $0x1;
	[dreg:$0x8] =	wrdreg s15;
	p3 =	seq.s32 s0, $0x0  }
0x1e: {  	s13 =	sxor.u32 $0xFFFFFFFF, s13;
	p1 =	seq.s32 @!p3 s0, $0x2;
	s0 =	simm.s32 @!p3 $0x0  }
0x1f: {  	s13 =	sadd.s32 s5, s13;
	s0 =	simm.s32 @p3 $0x1;
	p1 =	por !p1, p3  }
0x20: {  	s3 =	sand.u32 $0xFF, s13;
	[smem:$0x7FA] =	sst s0;
	s0 =	simm.s32 @!p1 $0x0  }
0x21: {  	[dreg:$0x11] =	wrdreg s24;
	p4 =	seq.s32 s3, $0x0;
	s0 =	simm.s32 @p1 $0x1  }
0x22: {  	p2 =	seq.s32 @!p4 s3, $0x2;
	[smem:$0x7FB] =	sst s0;
	s0 =	simm.s32 @!p4 $0x0  }
0x23: {  	[dreg:$0x13] =	wrdreg s25;
	p1 =	por !p2, p4;
	s0 =	simm.s32 @p4 $0x1  }
0x24: {  	s6 =	sadd.s32 $0x25080, s6;
	[smem:$0x7FC] =	sst s0;
	s0 =	simm.s32 @!p1 $0x0  }
0x25: {  	s26 =	simm.s32 $0x4;
	[dreg:$0x12] =	wrdreg s6;
	s0 =	simm.s32 @p1 $0x1  }
0x26: {  	s3 =	simm.s32 $0x0;
	[smem:$0x7FD] =	sst s0;
	s0 =	simm.s32 $0x6  }
.LBB2_1:
0x27: {  	s6 =	rddreg [dreg:$0xc]  }
0x28: {  	s7 =	simm.s32 @p0 $0x1FCA;
	s8 =	rddreg [dreg:$0xd];
	s6 =	sshrl.u32 @p0 s6, $0x3  }
0x29: {  	[spmem:s6], [sflag:s7] =	dma.local @p0 [hbm:s8], $0x2080  }
0x2a: {  	s7 =	simm.s32 @p0 $0xA  }
0x2b: {  	_ =	swait.ge @p0 [sflag:s7], $0x2080  }
0x2c: {  	s10 =	simm.s32 @!p0 $0xA;
	s8 =	stileid.u32;
	[sflag:s7] =	ssyncset.done @p0 $0x0  }
0x2d: {  	s9 =	sshll.u32 @!p0 s8, $0x6;
	s8 =	rddreg [dreg:$0x9];
	[sflag:s7] =	ssyncadd.s32 @p0 $0xFFFFDF80  }
0x2e: {  	s7 =	sor.u32 @!p0 $0x1C0A, s9;
	s9 =	sshrl.u32 @!p0 s8, $0x3;
	s8 =	rddreg [dreg:$0xa]  }
0x2f: {  	[spmem:s9], [sflag:s7] =	dma.local @!p0 [hbm:s8], $0x2780  }
0x30: {  	_ =	swait.ge @!p0 [sflag:s10], $0x2780  }
0x31: {  	[sflag:s10] =	ssyncset.done @!p0 $0x0  }
0x32: {  	[sflag:s10] =	ssyncadd.s32 @!p0 $0xFFFFD880  }
0x33: {  	[bflag:$0x0] =	sbarrier.arrive $0xFFFF  }
0x34: {  	s13 =	rddreg [dreg:$0xb]  }
0x35: {  	[tilespmem:s4], [sflag:$0x1] =	stream.linear.gather [hbm4b:s13+s4], $0x100, $0x38;
	[tilespmem:$0x1FD00] =	vst v63  }
0x36: {  	s16 =	simm.s32 $0x100;
	s17 =	simm.s32 $0x1;
	s15 =	rddreg [dreg:$0xe]  }
0x37: {  	[tilespmem:s16], [sflag:$0x2] =	stream.linear.gather [hbm4b:s15+s4], $0x100, $0x38;
	[tilespmem:$0x1FD00] =	vst v63  }
0x38: {  	_ =	swait.ge [sflag:s17], $0x100  }
0x39: {  	[sflag:s17] =	ssyncset.done $0x0  }
0x3a: {  	s11 =	simm.s32 $0x480;
	[sflag:s17] =	ssyncadd.s32 $0xFFFFFF00  }
0x3b: {  	[tilespmem:s11], [sflag:$0x4] =	stream.indirect.gather [hbm4b:s1+s21], $0x80, s4, s21, $0xb8;
	[tilespmem:$0x1FD00] =	vst v63  }
0x3c: {  	s19 =	simm.s32 $0x2;
	s13 =	simm.s32 $0x200;
	s18 =	rddreg [dreg:$0xf]  }
0x3d: {  	[tilespmem:s13], [sflag:$0x3] =	stream.linear.gather [hbm4b:s18+s4], $0x100, $0x38;
	[tilespmem:$0x1FD00] =	vst v63  }
0x3e: {  	_ =	swait.ge [sflag:s19], $0x100  }
0x3f: {  	[sflag:s19] =	ssyncset.done $0x0  }
0x40: {  	s15 =	simm.s32 $0x4480;
	[sflag:s19] =	ssyncadd.s32 $0xFFFFFF00  }
0x41: {  	[tilespmem:s15], [sflag:$0x5] =	stream.indirect.gather [hbm4b:s1+s21], $0x80, s16, s21, $0xb8;
	[tilespmem:$0x1FD00] =	vst v63  }
0x42: {  	_ =	swait.ge [sflag:s26], $0x4000  }
0x43: {  	[sflag:s26] =	ssyncset.done $0x0  }
0x44: {  	[sflag:s26] =	ssyncadd.s32 $0xFFFFC000  }
0x45: {  	v0 =	vld [tilespmem:$0x80]  }
0x46: {  	v1 =	vld [tilespmem:$0x90]  }
0x47: {  	v2 =	vld [tilespmem:$0xA0]  }
0x48: {  	v3 =	vld [tilespmem:$0xB0]  }
0x49: {  	v4 =	vld [tilespmem:$0xC0]  }
0x4a: {  	[tilespmem:$0x300] =	vst v0;
	v0 =	vld [tilespmem:$0xD0]  }
0x4b: {  	[tilespmem:$0x310] =	vst v1;
	v1 =	vld [tilespmem:$0xE0]  }
0x4c: {  	[tilespmem:$0x320] =	vst v2;
	v2 =	vld [tilespmem:$0xF0]  }
0x4d: {  	[tilespmem:$0x330] =	vst v3  }
0x4e: {  	[tilespmem:$0x340] =	vst v4  }
0x4f: {  	[tilespmem:$0x350] =	vst v0  }
0x50: {  	[tilespmem:$0x360] =	vst v1  }
0x51: {  	s20 =	simm.s32 $0x300;
	[tilespmem:$0x370] =	vst v2  }
0x52: {  	[spmem:s2] =	stream.indirect.scatter.add.f32 [tilespmem:s11], [sflag:$0x7], $0x80, s20, s21, $0xb8;
	[tilespmem:$0x1FD00] =	vst v63  }
0x53: {  	s22 =	rddreg [dreg:$0x10]  }
0x54: {  	[tilespmem:s4], [sflag:$0x1] =	stream.linear.gather [hbm4b:s22+s4], $0x100, $0x38;
	[tilespmem:$0x1FD00] =	vst v63  }
0x55: {  	_ =	swait.ge [sflag:s29], $0x100  }
0x56: {  	[sflag:s29] =	ssyncset.done $0x0  }
0x57: {  	[sflag:s29] =	ssyncadd.s32 $0xFFFFFF00  }
0x58: {  	[tilespmem:s30], [sflag:$0x6] =	stream.indirect.gather [hbm4b:s1+s21], $0x80, s13, s21, $0xb8;
	[tilespmem:$0x1FD00] =	vst v63  }
0x59: {  	_ =	swait.ge [sflag:s31], $0x4000  }
0x5a: {  	[sflag:s31] =	ssyncset.done $0x0  }
0x5b: {  	[sflag:s31] =	ssyncadd.s32 $0xFFFFC000  }
0x5c: {  	v0 =	vld [tilespmem:$0x180]  }
0x5d: {  	v1 =	vld [tilespmem:$0x190]  }
0x5e: {  	v2 =	vld [tilespmem:$0x1A0]  }
0x5f: {  	v3 =	vld [tilespmem:$0x1B0]  }
0x60: {  	v4 =	vld [tilespmem:$0x1C0]  }
0x61: {  	[tilespmem:$0x380] =	vst v0;
	v0 =	vld [tilespmem:$0x1D0]  }
0x62: {  	[tilespmem:$0x390] =	vst v1;
	v1 =	vld [tilespmem:$0x1E0]  }
0x63: {  	[tilespmem:$0x3A0] =	vst v2;
	v2 =	vld [tilespmem:$0x1F0]  }
0x64: {  	[tilespmem:$0x3B0] =	vst v3  }
0x65: {  	[tilespmem:$0x3C0] =	vst v4  }
0x66: {  	[tilespmem:$0x3D0] =	vst v0  }
0x67: {  	[tilespmem:$0x3E0] =	vst v1  }
0x68: {  	s23 =	simm.s32 $0x380;
	p1 =	sle.u32 s5, $0x4;
	[tilespmem:$0x3F0] =	vst v2  }
0x69: {  	[spmem:s2] =	stream.indirect.scatter.add.f32 [tilespmem:s15], [sflag:$0x8], $0x80, s23, s21, $0xb8;
	[tilespmem:$0x1FD00] =	vst v63  }
0x6a: {  	s11 =	sadd.s32 @!p1 $0xFFFFF800, s12;
	_ =	swait.ge [sflag:s28], $0x4000  }
0x6b: {  	s13 =	simm.s32 @!p1 $0x0;
	s24 =	rddreg [dreg:$0x6];
	[sflag:s28] =	ssyncset.done $0x0  }
0x6c: {  	s15 =	simm.s32 @!p1 $0x100;
	[sflag:s28] =	ssyncadd.s32 $0xFFFFC000;
	p6 =	sle.u32 s24, $0x0  }
0x6d: {  	[tilespmem:s15], [sflag:$0x2] =	stream.linear.gather @!p1 [hbm4b:s11+s13], $0x100, $0x38;
	[tilespmem:$0x1FD00] =	vst v63  }
0x6e: {  	s10 =	simm.s32 @!p6 $0x1  }
0x6f: {  	_ =	swait.ge @!p6 [sflag:s10], $0x100  }
0x70: {  	s13 =	simm.s32 @!p6 $0x480;
	[sflag:s10] =	ssyncset.done @!p6 $0x0  }
0x71: {  	s19 =	simm.s32 @!p6 $0x80;
	[sflag:s10] =	ssyncadd.s32 @!p6 $0xFFFFFF00;
	s10 =	simm.s32 @!p6 $0x0  }
0x72: {  	[tilespmem:s13], [sflag:$0x4] =	stream.indirect.gather @!p6 [hbm4b:s1+s19], $0x80, s10, s19, $0xb8;
	[tilespmem:$0x1FD00] =	vst v63  }
0x73: {  	_ =	swait.ge [sflag:s0], $0x4000  }
0x74: {  	[sflag:s0] =	ssyncset.done $0x0  }
0x75: {  	[sflag:s0] =	ssyncadd.s32 $0xFFFFC000  }
0x76: {  	v0 =	vld [tilespmem:$0x2F0]  }
0x77: {  	v1 =	vld [tilespmem:$0x2D0]  }
0x78: {  	v2 =	vld [tilespmem:$0x2C0]  }
0x79: {  	v3 =	vld [tilespmem:$0x2B0]  }
0x7a: {  	v4 =	vld [tilespmem:$0x2E0]  }
0x7b: {  	v5 =	vld [tilespmem:$0x280];
	[tilespmem:$0x470] =	vst v0  }
0x7c: {  	v0 =	vld [tilespmem:$0x2A0];
	[tilespmem:$0x450] =	vst v1  }
0x7d: {  	v1 =	vld [tilespmem:$0x290];
	[tilespmem:$0x440] =	vst v2  }
0x7e: {  	[tilespmem:$0x430] =	vst v3  }
0x7f: {  	[tilespmem:$0x460] =	vst v4  }
0x80: {  	[tilespmem:$0x400] =	vst v5  }
0x81: {  	p1 =	sle.u32 @!p6 s5, $0x5;
	[tilespmem:$0x420] =	vst v0  }
0x82: {  	s11 =	simm.s32 @!p6 $0x8;
	p2 =	sle.u32 @!p6 s14, $0x0;
	s25 =	rddreg [dreg:$0x7];
	[tilespmem:$0x410] =	vst v1  }
0x83: {  	[spmem:s2] =	stream.indirect.scatter.add.f32 [tilespmem:s30], [sflag:$0x9], $0x80, s25, s21, $0xb8;
	[tilespmem:$0x1FD00] =	vst v63  }
0x84: {  	p1 =	por p1, p6;
	p2 =	por p2, p6;
	_ =	swait.ge @!p6 [sflag:s11], $0x4000  }
0x85: {  	s15 =	simm.s32 @!p1 $0x200;
	s18 =	sadd.s32 @!p1 $0xFFFFFC00, s12;
	[sflag:s11] =	ssyncset.done @!p6 $0x0  }
0x86: {  	s10 =	simm.s32 @!p1 $0x0;
	[sflag:s11] =	ssyncadd.s32 @!p6 $0xFFFFC000;
	s11 =	simm.s32 @!p2 $0x2  }
0x87: {  	[tilespmem:s15], [sflag:$0x3] =	stream.linear.gather @!p1 [hbm4b:s18+s10], $0x100, $0x38;
	[tilespmem:$0x1FD00] =	vst v63  }
0x88: {  	_ =	swait.ge @!p2 [sflag:s11], $0x100  }
0x89: {  	s10 =	simm.s32 @!p2 $0x4480;
	s15 =	simm.s32 @!p6 $0x4;
	[sflag:s11] =	ssyncset.done @!p2 $0x0  }
0x8a: {  	s18 =	simm.s32 @!p2 $0x80;
	[sflag:s11] =	ssyncadd.s32 @!p2 $0xFFFFFF00;
	s11 =	simm.s32 @!p2 $0x100  }
0x8b: {  	[tilespmem:s10], [sflag:$0x5] =	stream.indirect.gather @!p2 [hbm4b:s1+s18], $0x80, s11, s18, $0xb8;
	[tilespmem:$0x1FD00] =	vst v63  }
0x8c: {  	_ =	swait.ge @!p6 [sflag:s15], $0x4000  }
0x8d: {  	[sflag:s15] =	ssyncset.done @!p6 $0x0  }
0x8e: {  	[sflag:s15] =	ssyncadd.s32 @!p6 $0xFFFFC000  }
0x8f: {  	v4 =	vld @!p6 [tilespmem:$0xF0]  }
0x90: {  	v5 =	vld @!p6 [tilespmem:$0xC0]  }
0x91: {  	v3 =	vld @!p6 [tilespmem:$0xE0]  }
0x92: {  	p5 =	sle.u32 s14, $0x0;
	v0 =	vld @!p6 [tilespmem:$0x90]  }
0x93: {  	p1 =	sle.u32 @!p5 s5, $0x6;
	v1 =	vld @!p6 [tilespmem:$0xA0]  }
0x94: {  	s11 =	simm.s32 $0x9;
	p2 =	por p1, p5;
	v2 =	vld @!p6 [tilespmem:$0x80];
	[tilespmem:$0x370] =	vst @!p6 v4  }
0x95: {  	s10 =	smov.u32 s12;
	s18 =	smov.u32 s12;
	s15 =	simm.s32 $0x0;
	[tilespmem:$0x340] =	vst @!p6 v5;
	v4 =	vld @!p6 [tilespmem:$0xD0]  }
.LBB2_2:
0x96: {  	v5 =	vld @!p6 [tilespmem:$0xB0];
	[tilespmem:$0x360] =	vst @!p6 v3  }
0x97: {  	[tilespmem:$0x310] =	vst @!p6 v0  }
0x98: {  	[tilespmem:$0x320] =	vst @!p6 v1  }
0x99: {  	[tilespmem:$0x300] =	vst @!p6 v2  }
0x9a: {  	[tilespmem:$0x350] =	vst @!p6 v4  }
0x9b: {  	s16 =	simm.s32 @!p6 $0x300;
	s17 =	simm.s32 @!p5 $0x9;
	[tilespmem:$0x330] =	vst @!p6 v5  }
0x9c: {  	[spmem:s2] =	stream.indirect.scatter.add.f32 @!p6 [tilespmem:s13], [sflag:$0x7], $0x80, s16, s19, $0xb8;
	[tilespmem:$0x1FD00] =	vst v63  }
0x9d: {  	_ =	swait.ge @!p5 [sflag:s17], $0x4000  }
0x9e: {  	[sflag:s17] =	ssyncset.done @!p5 $0x0  }
0x9f: {  	s16 =	simm.s32 @!p2 $0x0;
	s13 =	rddreg [dreg:$0x8];
	[sflag:s17] =	ssyncadd.s32 @!p5 $0xFFFFC000  }
0xa0: {  	[tilespmem:s16], [sflag:$0x1] =	stream.linear.gather @!p2 [hbm4b:s18+s16], $0x100, $0x38;
	[tilespmem:$0x1FD00] =	vst v63  }
0xa1: {  	p2 =	sge.u32 @!p5 s15, s13  }
0xa2: {  	p2 =	por p2, p5  }
0xa3: {  	s13 =	simm.s32 @!p2 $0x3  }
0xa4: {  	_ =	swait.ge @!p2 [sflag:s13], $0x100  }
0xa5: {  	s16 =	simm.s32 @!p5 $0x5;
	s15 =	simm.s32 @!p2 $0x80;
	[sflag:s13] =	ssyncset.done @!p2 $0x0  }
0xa6: {  	s17 =	simm.s32 @!p2 $0x8480;
	[sflag:s13] =	ssyncadd.s32 @!p2 $0xFFFFFF00;
	s13 =	simm.s32 @!p2 $0x200  }
0xa7: {  	[tilespmem:s17], [sflag:$0x6] =	stream.indirect.gather @!p2 [hbm4b:s1+s15], $0x80, s13, s15, $0xb8;
	[tilespmem:$0x1FD00] =	vst v63  }
0xa8: {  	_ =	swait.ge @!p5 [sflag:s16], $0x4000  }
0xa9: {  	[sflag:s16] =	ssyncset.done @!p5 $0x0  }
0xaa: {  	[sflag:s16] =	ssyncadd.s32 @!p5 $0xFFFFC000  }
0xab: {  	v0 =	vld @!p5 [tilespmem:$0x180]  }
0xac: {  	v1 =	vld @!p5 [tilespmem:$0x190]  }
0xad: {  	v2 =	vld @!p5 [tilespmem:$0x1F0]  }
0xae: {  	v3 =	vld @!p5 [tilespmem:$0x1B0]  }
0xaf: {  	v4 =	vld @!p5 [tilespmem:$0x1E0]  }
0xb0: {  	v5 =	vld @!p5 [tilespmem:$0x1C0];
	[tilespmem:$0x380] =	vst @!p5 v0  }
0xb1: {  	v0 =	vld @!p5 [tilespmem:$0x1D0];
	[tilespmem:$0x390] =	vst @!p5 v1  }
0xb2: {  	v1 =	vld @!p5 [tilespmem:$0x1A0];
	[tilespmem:$0x3F0] =	vst @!p5 v2  }
0xb3: {  	[tilespmem:$0x3B0] =	vst @!p5 v3  }
0xb4: {  	[tilespmem:$0x3E0] =	vst @!p5 v4  }
0xb5: {  	s22 =	smov.u32 s11;
	[tilespmem:$0x3C0] =	vst @!p5 v5  }
0xb6: {  	s10 =	sadd.s32 $0xC00, s10;
	s20 =	sadd.s32 $0xFFFFFFFE, s22;
	s13 =	simm.s32 @!p5 $0x80;
	[tilespmem:$0x3D0] =	vst @!p5 v0  }
0xb7: {  	s15 =	simm.s32 @!p5 $0x380;
	p2 =	sge.u32 s20, s5;
	s16 =	simm.s32 @!p5 $0x4480;
	[tilespmem:$0x3A0] =	vst @!p5 v1  }
0xb8: {  	[spmem:s2] =	stream.indirect.scatter.add.f32 @!p5 [tilespmem:s16], [sflag:$0x8], $0x80, s15, s13, $0xb8;
	[tilespmem:$0x1FD00] =	vst v63  }
0xb9: {  	s17 =	simm.s32 @!p2 $0x0;
	s19 =	simm.s32 @!p2 $0x100;
	_ =	swait.ge [sflag:s28], $0x4000  }
0xba: {  	s15 =	sadd.s32 $0xFFFFFFFA, s22;
	[sflag:s28] =	ssyncset.done $0x0;
	s23 =	rddreg [dreg:$0x6]  }
0xbb: {  	s16 =	sadd.s32 @!p2 $0xFFFFF800, s10;
	[sflag:s28] =	ssyncadd.s32 $0xFFFFC000;
	p6 =	sge.u32 s15, s23  }
0xbc: {  	[tilespmem:s19], [sflag:$0x2] =	stream.linear.gather @!p2 [hbm4b:s16+s17], $0x100, $0x38;
	[tilespmem:$0x1FD00] =	vst v63  }
0xbd: {  	s16 =	simm.s32 @!p6 $0x1  }
0xbe: {  	_ =	swait.ge @!p6 [sflag:s16], $0x100  }
0xbf: {  	s13 =	simm.s32 @!p6 $0x480;
	[sflag:s16] =	ssyncset.done @!p6 $0x0  }
0xc0: {  	s19 =	simm.s32 @!p6 $0x80;
	[sflag:s16] =	ssyncadd.s32 @!p6 $0xFFFFFF00;
	s16 =	simm.s32 @!p6 $0x0  }
0xc1: {  	[tilespmem:s13], [sflag:$0x4] =	stream.indirect.gather @!p6 [hbm4b:s1+s19], $0x80, s16, s19, $0xb8;
	[tilespmem:$0x1FD00] =	vst v63  }
0xc2: {  	_ =	swait.ge [sflag:s0], $0x4000  }
0xc3: {  	[sflag:s0] =	ssyncset.done $0x0  }
0xc4: {  	[sflag:s0] =	ssyncadd.s32 $0xFFFFC000  }
0xc5: {  	v0 =	vld [tilespmem:$0x2F0]  }
0xc6: {  	v1 =	vld [tilespmem:$0x2D0]  }
0xc7: {  	v2 =	vld [tilespmem:$0x2C0]  }
0xc8: {  	v3 =	vld [tilespmem:$0x2B0]  }
0xc9: {  	v4 =	vld [tilespmem:$0x2E0]  }
0xca: {  	v5 =	vld [tilespmem:$0x280];
	[tilespmem:$0x470] =	vst v0  }
0xcb: {  	v0 =	vld [tilespmem:$0x2A0];
	[tilespmem:$0x450] =	vst v1  }
0xcc: {  	v1 =	vld [tilespmem:$0x290];
	[tilespmem:$0x440] =	vst v2  }
0xcd: {  	[tilespmem:$0x430] =	vst v3  }
0xce: {  	[tilespmem:$0x460] =	vst v4  }
0xcf: {  	p5 =	sge.u32 s15, s14;
	[tilespmem:$0x400] =	vst v5  }
0xd0: {  	s17 =	sadd.s32 @!p6 $0xFFFFFFFF, s22;
	p4 =	sge.u32 @!p6 s15, s14;
	s23 =	simm.s32 @!p6 $0x8;
	[tilespmem:$0x420] =	vst v0  }
0xd1: {  	p2 =	sge.u32 @!p6 s17, s5;
	p4 =	por p4, p6;
	s24 =	rddreg [dreg:$0x7];
	[tilespmem:$0x410] =	vst v1  }
0xd2: {  	[spmem:s2] =	stream.indirect.scatter.add.f32 [tilespmem:s30], [sflag:$0x9], $0x80, s24, s21, $0xb8;
	[tilespmem:$0x1FD00] =	vst v63  }
0xd3: {  	p3 =	por p2, p6;
	p2 =	sge.u32 @!p5 s22, s5;
	_ =	swait.ge @!p6 [sflag:s23], $0x4000  }
0xd4: {  	s8 =	simm.s32 @!p4 $0x2;
	s17 =	simm.s32 @!p3 $0x0;
	[sflag:s23] =	ssyncset.done @!p6 $0x0  }
0xd5: {  	s22 =	simm.s32 @!p3 $0x200;
	s25 =	sadd.s32 @!p3 $0xFFFFFC00, s10;
	[sflag:s23] =	ssyncadd.s32 @!p6 $0xFFFFC000  }
0xd6: {  	[tilespmem:s22], [sflag:$0x3] =	stream.linear.gather @!p3 [hbm4b:s25+s17], $0x100, $0x38;
	[tilespmem:$0x1FD00] =	vst v63  }
0xd7: {  	_ =	swait.ge @!p4 [sflag:s8], $0x100  }
0xd8: {  	s20 =	simm.s32 @!p6 $0x4;
	s16 =	simm.s32 @!p4 $0x4480;
	[sflag:s8] =	ssyncset.done @!p4 $0x0  }
0xd9: {  	s24 =	simm.s32 @!p4 $0x100;
	s23 =	simm.s32 @!p4 $0x80;
	[sflag:s8] =	ssyncadd.s32 @!p4 $0xFFFFFF00  }
0xda: {  	[tilespmem:s16], [sflag:$0x5] =	stream.indirect.gather @!p4 [hbm4b:s1+s23], $0x80, s24, s23, $0xb8;
	[tilespmem:$0x1FD00] =	vst v63  }
0xdb: {  	_ =	swait.ge @!p6 [sflag:s20], $0x4000  }
0xdc: {  	[sflag:s20] =	ssyncset.done @!p6 $0x0  }
0xdd: {  	[sflag:s20] =	ssyncadd.s32 @!p6 $0xFFFFC000  }
0xde: {  	s11 =	sadd.s32 $0x3, s11;
	v4 =	vld @!p6 [tilespmem:$0xF0]  }
0xdf: {  	p1 =	sne.s32 s11, $0x54;
	v5 =	vld @!p6 [tilespmem:$0xC0]  }
.Ltmp0:
0xe0: {  	v3 =	vld @!p6 [tilespmem:$0xE0];
	(pc) =	sbr.rel @p1 .LBB2_2-.Ltmp0, $4  }
0xe1: {  	v0 =	vld @!p6 [tilespmem:$0x90]  }
0xe2: {  	v1 =	vld @!p6 [tilespmem:$0xA0]  }
0xe3: {  	v2 =	vld @!p6 [tilespmem:$0x80];
	[tilespmem:$0x370] =	vst @!p6 v4  }
0xe4: {  	s18 =	smov.u32 s10;
	p2 =	por p2, p5;
	[tilespmem:$0x340] =	vst @!p6 v5;
	v4 =	vld @!p6 [tilespmem:$0xD0]  }
0xe5: {  	v5 =	vld @!p6 [tilespmem:$0xB0];
	[tilespmem:$0x360] =	vst @!p6 v3  }
0xe6: {  	[tilespmem:$0x310] =	vst @!p6 v0  }
0xe7: {  	[tilespmem:$0x320] =	vst @!p6 v1  }
0xe8: {  	[tilespmem:$0x300] =	vst @!p6 v2  }
0xe9: {  	[tilespmem:$0x350] =	vst @!p6 v4  }
0xea: {  	s8 =	simm.s32 @!p6 $0x300;
	s10 =	simm.s32 @!p5 $0x9;
	[tilespmem:$0x330] =	vst @!p6 v5  }
0xeb: {  	[spmem:s2] =	stream.indirect.scatter.add.f32 @!p6 [tilespmem:s13], [sflag:$0x7], $0x80, s8, s19, $0xb8;
	[tilespmem:$0x1FD00] =	vst v63  }
0xec: {  	_ =	swait.ge @!p5 [sflag:s10], $0x4000  }
0xed: {  	[sflag:s10] =	ssyncset.done @!p5 $0x0;
	s8 =	rddreg [dreg:$0x8]  }
0xee: {  	[sflag:s10] =	ssyncadd.s32 @!p5 $0xFFFFC000;
	s10 =	simm.s32 @!p2 $0x0;
	p1 =	sge.u32 @!p5 s15, s8  }
0xef: {  	[tilespmem:s10], [sflag:$0x1] =	stream.linear.gather @!p2 [hbm4b:s18+s10], $0x100, $0x38;
	[tilespmem:$0x1FD00] =	vst v63  }
0xf0: {  	p1 =	por p1, p5  }
0xf1: {  	s8 =	simm.s32 @!p1 $0x3  }
0xf2: {  	_ =	swait.ge @!p1 [sflag:s8], $0x100  }
0xf3: {  	s11 =	simm.s32 @!p5 $0x5;
	s10 =	simm.s32 @!p1 $0x80;
	[sflag:s8] =	ssyncset.done @!p1 $0x0  }
0xf4: {  	s13 =	simm.s32 @!p1 $0x8480;
	[sflag:s8] =	ssyncadd.s32 @!p1 $0xFFFFFF00;
	s8 =	simm.s32 @!p1 $0x200  }
0xf5: {  	[tilespmem:s13], [sflag:$0x6] =	stream.indirect.gather @!p1 [hbm4b:s1+s10], $0x80, s8, s10, $0xb8;
	[tilespmem:$0x1FD00] =	vst v63  }
0xf6: {  	_ =	swait.ge @!p5 [sflag:s11], $0x4000  }
0xf7: {  	[sflag:s11] =	ssyncset.done @!p5 $0x0  }
0xf8: {  	[sflag:s11] =	ssyncadd.s32 @!p5 $0xFFFFC000  }
0xf9: {  	v0 =	vld @!p5 [tilespmem:$0x180]  }
0xfa: {  	v1 =	vld @!p5 [tilespmem:$0x190]  }
0xfb: {  	v2 =	vld @!p5 [tilespmem:$0x1F0]  }
0xfc: {  	v3 =	vld @!p5 [tilespmem:$0x1B0]  }
0xfd: {  	v4 =	vld @!p5 [tilespmem:$0x1E0]  }
0xfe: {  	v5 =	vld @!p5 [tilespmem:$0x1C0];
	[tilespmem:$0x380] =	vst @!p5 v0  }
0xff: {  	v0 =	vld @!p5 [tilespmem:$0x1D0];
	[tilespmem:$0x390] =	vst @!p5 v1  }
0x100: {  	v1 =	vld @!p5 [tilespmem:$0x1A0];
	[tilespmem:$0x3F0] =	vst @!p5 v2  }
0x101: {  	[tilespmem:$0x3B0] =	vst @!p5 v3  }
0x102: {  	s20 =	sld [smem:$0x7FB];
	[tilespmem:$0x3E0] =	vst @!p5 v4  }
0x103: {  	[tilespmem:$0x3C0] =	vst @!p5 v5  }
0x104: {  	s8 =	simm.s32 @!p5 $0x80;
	s10 =	simm.s32 @!p5 $0x380;
	[tilespmem:$0x3D0] =	vst @!p5 v0  }
0x105: {  	s22 =	sld [smem:$0x7FA];
	s11 =	simm.s32 @!p5 $0x4480;
	p1 =	seq.s32 s20, $0x1;
	[tilespmem:$0x3A0] =	vst @!p5 v1  }
0x106: {  	[spmem:s2] =	stream.indirect.scatter.add.f32 @!p5 [tilespmem:s11], [sflag:$0x8], $0x80, s10, s8, $0xb8;
	[tilespmem:$0x1FD00] =	vst v63  }
0x107: {  	s10 =	simm.s32 @!p1 $0x9  }
0x108: {  	s10 =	simm.s32 @p1 $0x8;
	p1 =	seq.s32 s22, $0x1  }
0x109: {  	s10 =	simm.s32 @p1 $0x7  }
0x10a: {  	_ =	swait.ge [sflag:s10], $0x4000  }
0x10b: {  	s23 =	sld [smem:$0x7FD];
	_ =	sdelay $0x1  }
0x10c: {  	s24 =	sld [smem:$0x7FC]  }
0x10d: {  	p1 =	seq.s32 s23, $0x1  }
0x10e: {  	s8 =	simm.s32 @!p1 $0x9  }
0x10f: {  	[sflag:s10] =	ssyncset.done $0x0;
	s8 =	simm.s32 @p1 $0x8;
	p1 =	seq.s32 s24, $0x1  }
0x110: {  	[sflag:s10] =	ssyncadd.s32 $0xFFFFC000;
	s8 =	simm.s32 @p1 $0x7  }
0x111: {  	_ =	swait.ge [sflag:s8], $0x4000  }
0x112: {  	[sflag:s8] =	ssyncset.done $0x0  }
0x113: {  	[sflag:s8] =	ssyncadd.s32 $0xFFFFC000  }
0x114: {  	[bflag:$0x0] =	sbarrier.arrive $0xFFFF  }
0x115: {  	s8 =	simm.s32 @p0 $0x1FCA;
	s10 =	rddreg [dreg:$0x12]  }
0x116: {  	[hbm:s10], [sflag:s8] =	dma.local @p0 [spmem:s6], $0x2080  }
0x117: {  	s6 =	simm.s32 @p0 $0xA  }
0x118: {  	_ =	swait.ge @p0 [sflag:s6], $0x2080  }
0x119: {  	[sflag:s6] =	ssyncset.done @p0 $0x0  }
0x11a: {  	[sflag:s6] =	ssyncadd.s32 @p0 $0xFFFFDF80;
	s6 =	rddreg [dreg:$0x11]  }
0x11b: {  	[hbm:s6], [sflag:s7] =	dma.local @!p0 [spmem:s9], $0x2780  }
0x11c: {  	s6 =	simm.s32 @!p0 $0xA  }
0x11d: {  	_ =	swait.ge @!p0 [sflag:s6], $0x2780  }
0x11e: {  	s3 =	sadd.s32 $0x1, s3;
	s25 =	rddreg [dreg:$0x13]  }
0x11f: {  	p1 =	sne.s32 s3, s25  }
.Ltmp1:
0x120: {  	_ = 	snop;
	(pc) =	sbr.rel @p1 .LBB2_1-.Ltmp1, $3  }
0x121: {  	_ =	sdelay $0x1  }
0x122: {  	[sflag:s6] =	ssyncset.done @!p0 $0x0  }
0x123: {  	[sflag:s6] =	ssyncadd.s32 @!p0 $0xFFFFD880  }
0x124: {  	_ =	sfence.sel $0x180000  }
0x125: {  	[bflag:$0x0] =	sbarrier.arrive $0xFFFF  }
0x126: {  	_ =	strace $0x90000047  }
0x127: {  	s0 =	stileid.u32;
	[bflag:$0x2] =	sbarrier.arrive $0xFFFF  }
0x128: {  	p0 =	sne.s32 s0, $0x0;
	s0 =	rddreg [dreg:$0x5]  }
0x129: {  	s0 =	sadd.s32 @!p0 $0x100000, s0  }
0x12a: {  	[sflag:s0] =	ssyncadd.tile.s32 @!p0 $0x1;
	_ =	shalt  }
.Lfunc_end2:
_tile_overlayer_lowered:
.L_overlay_start_2:
0x12b: {  	(tag) =	ssettag $0x2  }
0x12c: {  	s0 =	rddreg [dreg:$0x0];
	s2 =	stileid.u32  }
0x12d: {  	s1 =	rddreg [dreg:$0x1];
	p0 =	sne.s32 s2, $0x0  }
0x12e: {  	s3 =	rddreg [dreg:$0x2];
	[bflag:$0x3] =	sbarrier.arrive $0xFFFF;
	s2 =	simm.s32 @!p0 $0x1C0A  }
0x12f: {  	[timem:s3], [sflag:s2] =	dma.local @!p0 [hbm:s0], s1  }
0x130: {  	s0 =	simm.s32 @!p0 $0xA  }
0x131: {  	_ =	swait.ge @!p0 [sflag:s0], s1  }
0x132: {  	s1 =	ssub.s32 @!p0 $0x0, s1;
	[sflag:s0] =	ssyncset.done @!p0 $0x0  }
0x133: {  	[sflag:s0] =	ssyncadd.s32 @!p0 s1  }
0x134: {  	[bflag:$0x3] =	sbarrier.arrive $0xFFFF  }
0x135: {  	_ =	shalt  }

// kernel: kernel.9.cloned.1.call-start
scs
__scs_entry_jumppad:
0x0: {  	(pc) =	sbr.rel $0x88, $3  }
0x1: {  	(tag) =	ssettag $0x0;
	lr =	simm.s32 $0x1  }
0x2: {  	[smem:$0x3F97] =	sst lr;
	_ =	strace $0xD0000000  }
0x3: {  	_ = 	snop  }
0x4: {  	_ = 	snop  }
0x5: {  	_ = 	snop  }
0x6: {  	_ = 	snop  }
0x7: {  	_ = 	snop  }
__scs_overlays_trampoline_lowered:
0x8: {  	[smem:$0x3FA6] =	sst s0  }
0x9: {  	[smem:$0x3FA7] =	sst s1  }
0xa: {  	[smem:$0x3FA8] =	sst s2  }
0xb: {  	[smem:$0x3FA9] =	sst s3  }
0xc: {  	[smem:$0x3FAA] =	sst s4  }
0xd: {  	[smem:$0x3FAB] =	sst s5  }
0xe: {  	[smem:$0x3FAC] =	sst s6  }
0xf: {  	[smem:$0x3FAD] =	sst s7  }
0x10: {  	[smem:$0x3FAE] =	sst s8  }
0x11: {  	[smem:$0x3FAF] =	sst s9;
	s0 =	simm.s32 @!p0 $0x0  }
0x12: {  	s1 =	sld [smem:$0x3F95];
	s0 =	simm.s32 @p0 $0x1  }
0x13: {  	[smem:$0x3FB0] =	sst s0;
	s0 =	simm.s32 @!p1 $0x0  }
0x14: {  	s2 =	sld [smem:$0x3F94];
	s0 =	simm.s32 @p1 $0x1  }
0x15: {  	[smem:$0x3FB1] =	sst s0;
	s0 =	simm.s32 @!p2 $0x0  }
0x16: {  	s3 =	sld [smem:$0x3FDB];
	s0 =	simm.s32 @p2 $0x1  }
0x17: {  	s4 =	simm.s32 $0x1BF5;
	[smem:$0x3FB3] =	sst s0  }
0x18: {  	s0 =	sld [smem:$0x3F96];
	_ =	swait.ge [sflag:s4], $0x0  }
0x19: {  	s7 =	sld [smem:$0x3F97]  }
0x1a: {  	s8 =	sadd.s32 $0xFFFFE003, lr  }
0x1b: {  	s9 =	sadd.s32 $0xFFFFFEF7, lr;
	s5 =	simm.s32 $0xFFFFFFFF;
	p2 =	slt.u32 s8, $0xFFFFF086  }
0x1c: {  	p1 =	slt.u32 s9, $0xF7A;
	s5 =	simm.s32 @!p2 $0x0  }
0x1d: {  	s5 =	simm.s32 @p1 $0x1;
	p0 =	seq.s32 s7, s2  }
0x1e: {  	s7 =	smul.u32 @!p0 $0xF7A, s2;
	p2 =	seq.s32 @!p0 s5, $0x0  }
0x1f: {  	s9 =	smul.u32 $0xF7A, s1;
	s8 =	simm.s32 @!p0 $0x1BF5;
	p2 =	por !p2, p0  }
0x20: {  	[sflag:s8] =	ssyncset.s32 @!p0 $0xFFFFF086;
	s6 =	sadd.s32 @!p0 s3, s7;
	s7 =	simm.s32 @!p0 $0x108  }
0x21: {  	s3 =	sadd.s32 s3, s9;
	s6 =	sadd.s32 @!p0 $0x88, s6;
	s7 =	simm.s32 @p2 $0x1082  }
0x22: {  	[simem:s7], [sflag:s8] =	dma.local @!p0 [hbm:s6], $0xF7A  }
0x23: {  	s9 =	sor.u32 $0xD0000000, s2;
	s6 =	simm.s32 $0x108;
	_ =	swait.ge @!p0 [sflag:s8], $0x0  }
0x24: {  	s3 =	sadd.s32 $0x88, s3;
	s6 =	simm.s32 @!p1 $0x1082;
	[sflag:s4] =	ssyncset.s32 $0xFFFFF086  }
0x25: {  	[simem:s6], [sflag:s4] =	dma.local [hbm:s3], $0xF7A  }
0x26: {  	[smem:$0x3F97] =	sst s1;
	(tag) =	ssettag s2;
	_ =	strace s9  }
0x27: {  	s1 =	sld [smem:$0x3FA7]  }
0x28: {  	s2 =	sld [smem:$0x3FA8]  }
0x29: {  	s4 =	sld [smem:$0x3FAA]  }
0x2a: {  	p0 =	seq.s32 s5, $0x0;
	s5 =	sld [smem:$0x3FAB]  }
0x2b: {  	s6 =	sld [smem:$0x3FAC]  }
0x2c: {  	s7 =	sld [smem:$0x3FAD]  }
0x2d: {  	s3 =	simm.s32 $0x108;
	s8 =	sld [smem:$0x3FAE]  }
0x2e: {  	s3 =	simm.s32 @!p0 $0x1082;
	s9 =	sld [smem:$0x3FAF]  }
0x2f: {  	lr =	sadd.s32 s0, s3;
	s0 =	sld [smem:$0x3FA6]  }
0x30: {  	s3 =	sld [smem:$0x3FA9]  }
0x31: {  	[smem:$0x3FB2] =	sst s10  }
0x32: {  	s10 =	sld [smem:$0x3FB0];
	_ =	sdelay $0x3  }
0x33: {  	p0 =	seq.s32 s10, $0x1;
	s10 =	sld [smem:$0x3FB2];
	_ =	sdelay $0x3  }
0x34: {  	[smem:$0x3FB2] =	sst s10  }
0x35: {  	s10 =	sld [smem:$0x3FB1];
	_ =	sdelay $0x3  }
0x36: {  	p1 =	seq.s32 s10, $0x1;
	s10 =	sld [smem:$0x3FB2];
	_ =	sdelay $0x3  }
0x37: {  	[smem:$0x3FB2] =	sst s10  }
0x38: {  	s10 =	sld [smem:$0x3FB3]  }
0x39: {  	_ = 	snop;
	(pc) =	sbr.ind lr, $3  }
0x3a: {  	_ = 	snop  }
0x3b: {  	_ = 	snop  }
0x3c: {  	p2 =	seq.s32 s10, $0x1;
	s10 =	sld [smem:$0x3FB2]  }
0x3d: {  	_ =	shalt  }
0x3e: {  	_ =	shalt  }
0x3f: {  	_ =	shalt  }
0x40: {  	_ =	shalt  }
0x41: {  	_ =	shalt  }
0x42: {  	_ =	shalt  }
0x43: {  	_ =	shalt  }
0x44: {  	_ =	shalt  }
0x45: {  	_ =	shalt  }
0x46: {  	_ =	shalt  }
0x47: {  	_ =	shalt  }
0x48: {  	_ =	shalt  }
0x49: {  	_ =	shalt  }
0x4a: {  	_ =	shalt  }
0x4b: {  	_ =	shalt  }
0x4c: {  	_ =	shalt  }
0x4d: {  	_ =	shalt  }
0x4e: {  	_ =	shalt  }
0x4f: {  	_ =	shalt  }
0x50: {  	_ =	shalt  }
0x51: {  	_ =	shalt  }
0x52: {  	_ =	shalt  }
0x53: {  	_ =	shalt  }
0x54: {  	_ =	shalt  }
0x55: {  	_ =	shalt  }
0x56: {  	_ =	shalt  }
0x57: {  	_ =	shalt  }
0x58: {  	_ =	shalt  }
0x59: {  	_ =	shalt  }
0x5a: {  	_ =	shalt  }
0x5b: {  	_ =	shalt  }
0x5c: {  	_ =	shalt  }
0x5d: {  	_ =	shalt  }
0x5e: {  	_ =	shalt  }
0x5f: {  	_ =	shalt  }
0x60: {  	_ =	shalt  }
0x61: {  	_ =	shalt  }
0x62: {  	_ =	shalt  }
0x63: {  	_ =	shalt  }
0x64: {  	_ =	shalt  }
0x65: {  	_ =	shalt  }
0x66: {  	_ =	shalt  }
0x67: {  	_ =	shalt  }
0x68: {  	_ =	shalt  }
0x69: {  	_ =	shalt  }
0x6a: {  	_ =	shalt  }
0x6b: {  	_ =	shalt  }
0x6c: {  	_ =	shalt  }
0x6d: {  	_ =	shalt  }
0x6e: {  	_ =	shalt  }
0x6f: {  	_ =	shalt  }
0x70: {  	_ =	shalt  }
0x71: {  	_ =	shalt  }
0x72: {  	_ =	shalt  }
0x73: {  	_ =	shalt  }
0x74: {  	_ =	shalt  }
0x75: {  	_ =	shalt  }
0x76: {  	_ =	shalt  }
0x77: {  	_ =	shalt  }
0x78: {  	_ =	shalt  }
0x79: {  	_ =	shalt  }
0x7a: {  	_ =	shalt  }
0x7b: {  	_ =	shalt  }
0x7c: {  	_ =	shalt  }
0x7d: {  	_ =	shalt  }
0x7e: {  	_ =	shalt  }
0x7f: {  	_ =	shalt  }
0x80: {  	_ =	shalt  }
0x81: {  	_ =	shalt  }
0x82: {  	_ =	shalt  }
0x83: {  	_ =	shalt  }
0x84: {  	_ =	shalt  }
0x85: {  	_ =	shalt  }
0x86: {  	_ =	shalt  }
0x87: {  	_ =	shalt  }
.Lfunc_end0:
.L_simem_size_0:
called_computation.1_lowered:
.L_overlay_start_0:
0x88: {  	s2 =	sld [smem:$0x3FD9]  }
0x89: {  	s3 =	sld [smem:$0x3FFE];
	_ =	sdelay $0x1  }
0x8a: {  	s1 =	srdreg.scid  }
0x8b: {  	s0 =	sand.u32 $0x1, s1  }
0x8c: {  	s14 =	sshll.u32 s0, $0xA;
	s2 =	sadd.s32 s3, s2  }
0x8d: {  	s2 =	sadd.s32 s2, s14  }
0x8e: {  	[smem:$0x3FBE] =	sst s2  }
0x8f: {  	_ = 	snop  }
0x90: {  	s2 =	sld [smem:$0x3FD0];
	_ =	sdelay $0x2  }
0x91: {  	s15 =	simm.s32 $0xA;
	s4 =	simm.s32 $0x10  }
0x92: {  	[smem:s4], [sflag:s15] =	dma.local [hbm:s2], $0x1  }
0x93: {  	_ =	swait.eq [sflag:s15], $0x1  }
0x94: {  	[sflag:s15] =	ssyncset.done $0x0  }
0x95: {  	s16 =	sld [smem:$0x10];
	[sflag:s15] =	ssyncadd.s32 $0xFFFFFFFF  }
0x96: {  	s17 =	sld [smem:$0x11];
	(tm) =	ssettm $0x1  }
0x97: {  	s18 =	sld [smem:$0x3FFB];
	_ =	sdelay $0x3  }
0x98: {  	_ =	strace s18  }
0x99: {  	s4 =	sld [smem:$0x3FFC];
	_ =	sdelay $0x3  }
0x9a: {  	_ =	strace s4  }
0x9b: {  	s4 =	sld [smem:$0x3FFD];
	_ =	sdelay $0x3  }
0x9c: {  	_ =	strace s4  }
0x9d: {  	_ =	strace $0x8FFFFFFF  }
0x9e: {  	s19 =	sld [smem:$0x3FDB];
	_ =	sdelay $0x1  }
0x9f: {  	s5 =	simm.s32 $_scs_section_size  }
0xa0: {  	s6 =	simm.s32 $_size__tile_overlayer_lowered;
	s7 =	simm.s32 $_tile_overlayer_lowered  }
0xa1: {  	s22 =	simm.s32 $0x1BFF;
	s21 =	sshll.u32 s7, $0x1;
	s4 =	sadd.s32 s5, s19  }
0xa2: {  	s8 =	simm.s32 $0x0;
	s20 =	sshll.u32 s6, $0x1;
	s6 =	sadd.s32 s21, s4  }
0xa3: {  	[timem:s8], [sflag:s22] =	dma.local [hbm:s6], s20  }
0xa4: {  	_ =	swait.ge [sflag:s22], s20  }
0xa5: {  	s5 =	ssub.s32 $0x0, s20;
	[sflag:s22] =	ssyncset.done $0x0  }
0xa6: {  	[sflag:s22] =	ssyncadd.s32 s5;
	_ =	sdelay $0x1  }
0xa7: {  	s23 =	simm.s32 $0x1B8B  }
0xa8: {  	_ =	swait.ge [sflag:s23], $0x1  }
0xa9: {  	[sflag:s23] =	ssyncset.done $0x0  }
0xaa: {  	s25 =	simm.s32 $0x1B8E;
	s24 =	sld [smem:$0x3FFE];
	[sflag:s23] =	ssyncadd.s32 $0xFFFFFFFF  }
0xab: {  	s26 =	simm.s32 $execute0_lowered;
	[smem:$0x3FD2] =	sst s25  }
0xac: {  	s6 =	sshll.u32 s26, $0x1;
	_ =	strace $0x80000049;
	[dreg:$0x1] =	wrdreg $0xFFFFFFFF  }
0xad: {  	s28 =	simm.s32 $_size_execute0_lowered;
	s4 =	sadd.s32 s4, s6;
	[dreg:$0x0] =	wrdreg $0x0  }
0xae: {  	s6 =	sshll.u32 s28, $0x1;
	[dreg:$0x2] =	wrdreg s4  }
0xaf: {  	[dreg:$0x3] =	wrdreg s6  }
0xb0: {  	[dreg:$0x4] =	wrdreg $0xC0  }
0xb1: {  	_ =	task [dreg:s8], $0x5FFFF  }
0xb2: {  	[dreg:$0x1] =	wrdreg $0xFFFFFFFF  }
0xb3: {  	[dreg:$0x0] =	wrdreg $0x60  }
0xb4: {  	[dreg:$0x2] =	wrdreg s24  }
0xb5: {  	[dreg:$0x3] =	wrdreg s16  }
0xb6: {  	[dreg:$0x4] =	wrdreg s17  }
0xb7: {  	[dreg:$0x5] =	wrdreg $0xC4800  }
0xb8: {  	[dreg:$0x6] =	wrdreg $0x9  }
0xb9: {  	_ =	task.clear_ibuf [dreg:s8], $0x7FFFF;
	_ =	strace $0x90000049  }
0xba: {  	s29 =	simm.s32 $0x9;
	_ =	strace $0x8000004B  }
0xbb: {  	_ =	swait.ge [sflag:s29], $0x1  }
0xbc: {  	[sflag:s29] =	ssyncadd.s32 $0xFFFFFFFF  }
0xbd: {  	_ =	strace $0x9000004B  }
0xbe: {  	_ =	sfence  }
0xbf: {  	s30 =	sld [smem:$0x0];
	_ =	sdelay $0x2  }
0xc0: {  	s31 =	sshll.u32 s1, $0xD;
	s1 =	sshrl.u32 s1, $0x2  }
0xc1: {  	s3 =	sand.u32 $0x4000, s31;
	s1 =	sadd.s32 s1, s30  }
0xc2: {  	s0 =	sor.u32 s3, s0;
	s1 =	sshll.u32 s1, $0x11  }
0xc3: {  	s0 =	sor.u32 s1, s0  }
0xc4: {  	s0 =	sadd.s32 $0x8F2B, s0  }
0xc5: {  	[sflag:s0] =	ssyncadd.remote.s32 $0x1  }
0xc6: {  	_ =	sfence.sel $0xFFFF  }
0xc7: {  	[dreg:$0x0] =	wrdreg $0xFFFFFFFF;
	(pc) =	sbr.abs _section_cstart, $3  }
0xc8: {  	[dreg:$0x1] =	wrdreg $0xFFFFFFFF  }
0xc9: {  	_ =	task.clear_ibuf [dreg:s8], $0x2FFFF;
	_ =	strace $0x9FFFFFFF  }
0xca: {  	(tm) =	ssettm $0x7FFFFFFF  }
0xcb: {  	_ =	shalt  }
tec
execute0_lowered:
.L_overlay_start_1:
0x0: {  	(tag) =	ssettag $0x1  }
0x1: {  	s0 =	rddreg [dreg:$0x0]  }
0x2: {  	s2 =	rddreg [dreg:$0x1]  }
0x3: {  	s5 =	rddreg [dreg:$0x2]  }
0x4: {  	s1 =	rddreg [dreg:$0x3];
	s3 =	srdreg.scid  }
0x5: {  	s15 =	stileid.u32;
	s26 =	simm.s32 $0x400;
	s29 =	simm.s32 $0x3  }
0x6: {  	s30 =	simm.s32 $0x8480;
	s31 =	simm.s32 $0x5;
	s28 =	simm.s32 $0x7  }
0x7: {  	s6 =	sand.u32 $0x1, s3;
	s3 =	simm.s32 $0x0;
	s4 =	smul.u32 $0x4F000, s15  }
0x8: {  	s12 =	smul.u32 $0x2780, s15;
	p0 =	slt.u32 s15, $0x4;
	s17 =	sshll.u32 s15, $0x5  }
0x9: {  	s18 =	sadd.s32 $0x128400, s1;
	s7 =	smul.u32 $0x27100, s6;
	[smem:$0x7FF] =	sst s3  }
0xa: {  	s9 =	ssub.s32 $0x2, s6;
	s6 =	smul.u32 $0x138800, s6;
	_ =	strace $0x8000004A  }
0xb: {  	s10 =	sshrl.u32 s9, $0x1;
	s11 =	sshrl.u32 s4, $0x2;
	s4 =	simm.s32 $0x9D  }
0xc: {  	s16 =	sadd.s32 s5, s12;
	[dreg:$0xa] =	wrdreg s18;
	s5 =	sadd.s32 $0x25080, s5  }
0xd: {  	[dreg:$0x6] =	wrdreg s26;
	s26 =	simm.s32 $0x4;
	s8 =	sadd.s32 s7, s0  }
0xe: {  	s0 =	sadd.s32 $0x50000, s0;
	s10 =	ssub.s32 s9, s10;
	[dreg:$0x9] =	wrdreg s16  }
0xf: {  	s14 =	sadd.s32 s11, s1;
	s4 =	simm.s32 @!p0 $0x9C;
	[dreg:$0xb] =	wrdreg s5  }
0x10: {  	s9 =	sadd.s32 s2, s17;
	s7 =	sadd.s32 s12, s7;
	s6 =	sshrl.u32 s6, $0x3  }
0x11: {  	p0 =	seq.s32 s15, $0xF;
	[dreg:$0x8] =	wrdreg s14;
	s13 =	smul.u32 $0xAB, s4  }
0x12: {  	s2 =	sadd.s32 $0x200, s9;
	s11 =	sadd.s32 $0x1E00, s8;
	s20 =	sadd.s32 $0x400, s9  }
0x13: {  	s22 =	sadd.s32 $0xFFFFFFFD, s4;
	s23 =	sadd.s32 $0x600, s9;
	s19 =	sadd.s32 $0xFFFFFEAA, s13  }
0x14: {  	s24 =	sadd.s32 $0xFFFFFFFB, s4;
	[dreg:$0xd] =	wrdreg s2;
	s2 =	sshrl.u32 s19, $0x9  }
0x15: {  	s14 =	sadd.s32 $0xFFFFFFFC, s4;
	[dreg:$0xc] =	wrdreg s9;
	s2 =	smul.u32 $0x3, s2  }
0x16: {  	s7 =	sadd.s32 s0, s7;
	s0 =	sadd.s32 s0, s6;
	[dreg:$0xe] =	wrdreg s20  }
0x17: {  	[dreg:$0xf] =	wrdreg s23;
	s21 =	sadd.s32 $0xFFFFFF55, s13;
	s2 =	ssub.s32 s4, s2  }
0x18: {  	s0 =	sadd.s32 $0x25080, s0;
	s5 =	sshrl.u32 s21, $0x9;
	s2 =	sadd.s32 $0xFFFFFFFE, s2  }
0x19: {  	[dreg:$0x11] =	wrdreg s0;
	s5 =	smul.u32 $0x3, s5;
	s0 =	sand.u32 $0xFF, s2  }
0x1a: {  	s25 =	smax.u32 s10, $0x1;
	[dreg:$0x5] =	wrdreg s22;
	p3 =	seq.s32 s0, $0x0  }
0x1b: {  	s5 =	sxor.u32 $0xFFFFFFFF, s5;
	p1 =	seq.s32 @!p3 s0, $0x2;
	s0 =	simm.s32 @!p3 $0x0  }
0x1c: {  	s5 =	sadd.s32 s4, s5;
	s0 =	simm.s32 @p3 $0x1;
	p1 =	por !p1, p3  }
0x1d: {  	s2 =	sand.u32 $0xFF, s5;
	[smem:$0x7FA] =	sst s0;
	s0 =	simm.s32 @!p1 $0x0  }
0x1e: {  	[dreg:$0x7] =	wrdreg s24;
	p4 =	seq.s32 s2, $0x0;
	s0 =	simm.s32 @p1 $0x1  }
0x1f: {  	p2 =	seq.s32 @!p4 s2, $0x2;
	[smem:$0x7FB] =	sst s0;
	s0 =	simm.s32 @!p4 $0x0  }
0x20: {  	[dreg:$0x10] =	wrdreg s7;
	p1 =	por !p2, p4;
	s0 =	simm.s32 @p4 $0x1  }
0x21: {  	s12 =	sadd.s32 $0xC00, s9;
	[smem:$0x7FC] =	sst s0;
	s0 =	simm.s32 @!p1 $0x0  }
0x22: {  	[dreg:$0x12] =	wrdreg s25;
	s21 =	simm.s32 $0x80;
	s0 =	simm.s32 @p1 $0x1  }
0x23: {  	s2 =	simm.s32 $0x0;
	[smem:$0x7FD] =	sst s0;
	s0 =	simm.s32 $0x6  }
.LBB2_1:
0x24: {  	s5 =	rddreg [dreg:$0xa]  }
0x25: {  	s6 =	simm.s32 @p0 $0x1FCA;
	s7 =	rddreg [dreg:$0xb];
	s5 =	sshrl.u32 @p0 s5, $0x3  }
0x26: {  	[spmem:s5], [sflag:s6] =	dma.local @p0 [hbm:s7], $0x2080  }
0x27: {  	s6 =	simm.s32 @p0 $0xA  }
0x28: {  	s7 =	stileid.u32;
	_ =	swait.ge @p0 [sflag:s6], $0x2080  }
0x29: {  	s7 =	sshll.u32 @!p0 s7, $0x6;
	[sflag:s6] =	ssyncset.done @p0 $0x0  }
0x2a: {  	[sflag:s6] =	ssyncadd.s32 @p0 $0xFFFFDF80;
	s6 =	sor.u32 @!p0 $0x1C0A, s7;
	s7 =	rddreg [dreg:$0x8]  }
0x2b: {  	s8 =	rddreg [dreg:$0x9];
	s7 =	sshrl.u32 @!p0 s7, $0x3  }
0x2c: {  	[spmem:s7], [sflag:s6] =	dma.local @!p0 [hbm:s8], $0x2780  }
0x2d: {  	s8 =	simm.s32 @!p0 $0xA  }
0x2e: {  	_ =	swait.ge @!p0 [sflag:s8], $0x2780  }
0x2f: {  	[sflag:s8] =	ssyncset.done @!p0 $0x0  }
0x30: {  	[sflag:s8] =	ssyncadd.s32 @!p0 $0xFFFFD880  }
0x31: {  	[bflag:$0x0] =	sbarrier.arrive $0xFFFF  }
0x32: {  	s15 =	rddreg [dreg:$0xc]  }
0x33: {  	[tilespmem:s3], [sflag:$0x1] =	stream.linear.gather [hbm4b:s15+s3], $0x100, $0x38;
	[tilespmem:$0x1FD00] =	vst v63  }
0x34: {  	s9 =	simm.s32 $0x100;
	s17 =	simm.s32 $0x1;
	s16 =	rddreg [dreg:$0xd]  }
0x35: {  	[tilespmem:s9], [sflag:$0x2] =	stream.linear.gather [hbm4b:s16+s3], $0x100, $0x38;
	[tilespmem:$0x1FD00] =	vst v63  }
0x36: {  	_ =	swait.ge [sflag:s17], $0x100  }
0x37: {  	[sflag:s17] =	ssyncset.done $0x0  }
0x38: {  	s10 =	simm.s32 $0x480;
	[sflag:s17] =	ssyncadd.s32 $0xFFFFFF00  }
0x39: {  	[tilespmem:s10], [sflag:$0x4] =	stream.indirect.gather [hbm4b:s11+s21], $0x80, s3, s21, $0xb8;
	[tilespmem:$0x1FD00] =	vst v63  }
0x3a: {  	s13 =	simm.s32 $0x200;
	s19 =	simm.s32 $0x2;
	s18 =	rddreg [dreg:$0xe]  }
0x3b: {  	[tilespmem:s13], [sflag:$0x3] =	stream.linear.gather [hbm4b:s18+s3], $0x100, $0x38;
	[tilespmem:$0x1FD00] =	vst v63  }
0x3c: {  	_ =	swait.ge [sflag:s19], $0x100  }
0x3d: {  	[sflag:s19] =	ssyncset.done $0x0  }
0x3e: {  	s15 =	simm.s32 $0x4480;
	[sflag:s19] =	ssyncadd.s32 $0xFFFFFF00  }
0x3f: {  	[tilespmem:s15], [sflag:$0x5] =	stream.indirect.gather [hbm4b:s11+s21], $0x80, s9, s21, $0xb8;
	[tilespmem:$0x1FD00] =	vst v63  }
0x40: {  	_ =	swait.ge [sflag:s26], $0x4000  }
0x41: {  	[sflag:s26] =	ssyncset.done $0x0  }
0x42: {  	[sflag:s26] =	ssyncadd.s32 $0xFFFFC000  }
0x43: {  	v0 =	vld [tilespmem:$0x80]  }
0x44: {  	v1 =	vld [tilespmem:$0x90]  }
0x45: {  	v2 =	vld [tilespmem:$0xA0]  }
0x46: {  	v3 =	vld [tilespmem:$0xB0]  }
0x47: {  	v4 =	vld [tilespmem:$0xC0]  }
0x48: {  	[tilespmem:$0x300] =	vst v0;
	v0 =	vld [tilespmem:$0xD0]  }
0x49: {  	[tilespmem:$0x310] =	vst v1;
	v1 =	vld [tilespmem:$0xE0]  }
0x4a: {  	[tilespmem:$0x320] =	vst v2;
	v2 =	vld [tilespmem:$0xF0]  }
0x4b: {  	[tilespmem:$0x330] =	vst v3  }
0x4c: {  	[tilespmem:$0x340] =	vst v4  }
0x4d: {  	[tilespmem:$0x350] =	vst v0  }
0x4e: {  	[tilespmem:$0x360] =	vst v1  }
0x4f: {  	s20 =	simm.s32 $0x300;
	[tilespmem:$0x370] =	vst v2  }
0x50: {  	[spmem:s1] =	stream.indirect.scatter.add.f32 [tilespmem:s10], [sflag:$0x7], $0x80, s20, s21, $0xb8;
	[tilespmem:$0x1FD00] =	vst v63  }
0x51: {  	s22 =	rddreg [dreg:$0xf]  }
0x52: {  	[tilespmem:s3], [sflag:$0x1] =	stream.linear.gather [hbm4b:s22+s3], $0x100, $0x38;
	[tilespmem:$0x1FD00] =	vst v63  }
0x53: {  	_ =	swait.ge [sflag:s29], $0x100  }
0x54: {  	[sflag:s29] =	ssyncset.done $0x0  }
0x55: {  	[sflag:s29] =	ssyncadd.s32 $0xFFFFFF00  }
0x56: {  	[tilespmem:s30], [sflag:$0x6] =	stream.indirect.gather [hbm4b:s11+s21], $0x80, s13, s21, $0xb8;
	[tilespmem:$0x1FD00] =	vst v63  }
0x57: {  	_ =	swait.ge [sflag:s31], $0x4000  }
0x58: {  	[sflag:s31] =	ssyncset.done $0x0  }
0x59: {  	[sflag:s31] =	ssyncadd.s32 $0xFFFFC000  }
0x5a: {  	v0 =	vld [tilespmem:$0x180]  }
0x5b: {  	v1 =	vld [tilespmem:$0x190]  }
0x5c: {  	v2 =	vld [tilespmem:$0x1A0]  }
0x5d: {  	v3 =	vld [tilespmem:$0x1B0]  }
0x5e: {  	v4 =	vld [tilespmem:$0x1C0]  }
0x5f: {  	[tilespmem:$0x380] =	vst v0;
	v0 =	vld [tilespmem:$0x1D0]  }
0x60: {  	[tilespmem:$0x390] =	vst v1;
	v1 =	vld [tilespmem:$0x1E0]  }
0x61: {  	[tilespmem:$0x3A0] =	vst v2;
	v2 =	vld [tilespmem:$0x1F0]  }
0x62: {  	[tilespmem:$0x3B0] =	vst v3  }
0x63: {  	[tilespmem:$0x3C0] =	vst v4  }
0x64: {  	[tilespmem:$0x3D0] =	vst v0  }
0x65: {  	[tilespmem:$0x3E0] =	vst v1  }
0x66: {  	s23 =	simm.s32 $0x380;
	p1 =	sle.u32 s4, $0x4;
	[tilespmem:$0x3F0] =	vst v2  }
0x67: {  	[spmem:s1] =	stream.indirect.scatter.add.f32 [tilespmem:s15], [sflag:$0x8], $0x80, s23, s21, $0xb8;
	[tilespmem:$0x1FD00] =	vst v63  }
0x68: {  	s10 =	sadd.s32 @!p1 $0xFFFFFC00, s12;
	_ =	swait.ge [sflag:s28], $0x4000  }
0x69: {  	s13 =	simm.s32 @!p1 $0x0;
	s24 =	rddreg [dreg:$0x5];
	[sflag:s28] =	ssyncset.done $0x0  }
0x6a: {  	s15 =	simm.s32 @!p1 $0x100;
	[sflag:s28] =	ssyncadd.s32 $0xFFFFC000;
	p6 =	sle.u32 s24, $0x0  }
0x6b: {  	[tilespmem:s15], [sflag:$0x2] =	stream.linear.gather @!p1 [hbm4b:s10+s13], $0x100, $0x38;
	[tilespmem:$0x1FD00] =	vst v63  }
0x6c: {  	s8 =	simm.s32 @!p6 $0x1  }
0x6d: {  	_ =	swait.ge @!p6 [sflag:s8], $0x100  }
0x6e: {  	s13 =	simm.s32 @!p6 $0x480;
	[sflag:s8] =	ssyncset.done @!p6 $0x0  }
0x6f: {  	s19 =	simm.s32 @!p6 $0x80;
	[sflag:s8] =	ssyncadd.s32 @!p6 $0xFFFFFF00;
	s8 =	simm.s32 @!p6 $0x0  }
0x70: {  	[tilespmem:s13], [sflag:$0x4] =	stream.indirect.gather @!p6 [hbm4b:s11+s19], $0x80, s8, s19, $0xb8;
	[tilespmem:$0x1FD00] =	vst v63  }
0x71: {  	_ =	swait.ge [sflag:s0], $0x4000  }
0x72: {  	[sflag:s0] =	ssyncset.done $0x0  }
0x73: {  	[sflag:s0] =	ssyncadd.s32 $0xFFFFC000  }
0x74: {  	v0 =	vld [tilespmem:$0x2F0]  }
0x75: {  	v1 =	vld [tilespmem:$0x2D0]  }
0x76: {  	v2 =	vld [tilespmem:$0x2C0]  }
0x77: {  	v3 =	vld [tilespmem:$0x2B0]  }
0x78: {  	v4 =	vld [tilespmem:$0x2E0]  }
0x79: {  	v5 =	vld [tilespmem:$0x280];
	[tilespmem:$0x470] =	vst v0  }
0x7a: {  	v0 =	vld [tilespmem:$0x2A0];
	[tilespmem:$0x450] =	vst v1  }
0x7b: {  	v1 =	vld [tilespmem:$0x290];
	[tilespmem:$0x440] =	vst v2  }
0x7c: {  	[tilespmem:$0x430] =	vst v3  }
0x7d: {  	[tilespmem:$0x460] =	vst v4  }
0x7e: {  	[tilespmem:$0x400] =	vst v5  }
0x7f: {  	p1 =	sle.u32 @!p6 s4, $0x5;
	[tilespmem:$0x420] =	vst v0  }
0x80: {  	s10 =	simm.s32 @!p6 $0x8;
	p2 =	sle.u32 @!p6 s14, $0x0;
	s25 =	rddreg [dreg:$0x6];
	[tilespmem:$0x410] =	vst v1  }
0x81: {  	[spmem:s1] =	stream.indirect.scatter.add.f32 [tilespmem:s30], [sflag:$0x9], $0x80, s25, s21, $0xb8;
	[tilespmem:$0x1FD00] =	vst v63  }
0x82: {  	p1 =	por p1, p6;
	p2 =	por p2, p6;
	_ =	swait.ge @!p6 [sflag:s10], $0x4000  }
0x83: {  	s15 =	simm.s32 @!p1 $0x200;
	s18 =	sadd.s32 @!p1 $0xFFFFFE00, s12;
	[sflag:s10] =	ssyncset.done @!p6 $0x0  }
0x84: {  	s8 =	simm.s32 @!p1 $0x0;
	[sflag:s10] =	ssyncadd.s32 @!p6 $0xFFFFC000;
	s10 =	simm.s32 @!p2 $0x2  }
0x85: {  	[tilespmem:s15], [sflag:$0x3] =	stream.linear.gather @!p1 [hbm4b:s18+s8], $0x100, $0x38;
	[tilespmem:$0x1FD00] =	vst v63  }
0x86: {  	_ =	swait.ge @!p2 [sflag:s10], $0x100  }
0x87: {  	s8 =	simm.s32 @!p2 $0x4480;
	s15 =	simm.s32 @!p6 $0x4;
	[sflag:s10] =	ssyncset.done @!p2 $0x0  }
0x88: {  	s18 =	simm.s32 @!p2 $0x80;
	[sflag:s10] =	ssyncadd.s32 @!p2 $0xFFFFFF00;
	s10 =	simm.s32 @!p2 $0x100  }
0x89: {  	[tilespmem:s8], [sflag:$0x5] =	stream.indirect.gather @!p2 [hbm4b:s11+s18], $0x80, s10, s18, $0xb8;
	[tilespmem:$0x1FD00] =	vst v63  }
0x8a: {  	_ =	swait.ge @!p6 [sflag:s15], $0x4000  }
0x8b: {  	[sflag:s15] =	ssyncset.done @!p6 $0x0  }
0x8c: {  	[sflag:s15] =	ssyncadd.s32 @!p6 $0xFFFFC000  }
0x8d: {  	v4 =	vld @!p6 [tilespmem:$0xF0]  }
0x8e: {  	v5 =	vld @!p6 [tilespmem:$0xC0]  }
0x8f: {  	v3 =	vld @!p6 [tilespmem:$0xE0]  }
0x90: {  	p5 =	sle.u32 s14, $0x0;
	v0 =	vld @!p6 [tilespmem:$0x90]  }
0x91: {  	p1 =	sle.u32 @!p5 s4, $0x6;
	v1 =	vld @!p6 [tilespmem:$0xA0]  }
0x92: {  	s10 =	simm.s32 $0x9;
	p2 =	por p1, p5;
	v2 =	vld @!p6 [tilespmem:$0x80];
	[tilespmem:$0x370] =	vst @!p6 v4  }
0x93: {  	s8 =	smov.u32 s12;
	s18 =	smov.u32 s12;
	s15 =	simm.s32 $0x0;
	[tilespmem:$0x340] =	vst @!p6 v5;
	v4 =	vld @!p6 [tilespmem:$0xD0]  }
.LBB2_2:
0x94: {  	v5 =	vld @!p6 [tilespmem:$0xB0];
	[tilespmem:$0x360] =	vst @!p6 v3  }
0x95: {  	[tilespmem:$0x310] =	vst @!p6 v0  }
0x96: {  	[tilespmem:$0x320] =	vst @!p6 v1  }
0x97: {  	[tilespmem:$0x300] =	vst @!p6 v2  }
0x98: {  	[tilespmem:$0x350] =	vst @!p6 v4  }
0x99: {  	s16 =	simm.s32 @!p6 $0x300;
	s17 =	simm.s32 @!p5 $0x9;
	[tilespmem:$0x330] =	vst @!p6 v5  }
0x9a: {  	[spmem:s1] =	stream.indirect.scatter.add.f32 @!p6 [tilespmem:s13], [sflag:$0x7], $0x80, s16, s19, $0xb8;
	[tilespmem:$0x1FD00] =	vst v63  }
0x9b: {  	_ =	swait.ge @!p5 [sflag:s17], $0x4000  }
0x9c: {  	[sflag:s17] =	ssyncset.done @!p5 $0x0  }
0x9d: {  	s16 =	simm.s32 @!p2 $0x0;
	s13 =	rddreg [dreg:$0x7];
	[sflag:s17] =	ssyncadd.s32 @!p5 $0xFFFFC000  }
0x9e: {  	[tilespmem:s16], [sflag:$0x1] =	stream.linear.gather @!p2 [hbm4b:s18+s16], $0x100, $0x38;
	[tilespmem:$0x1FD00] =	vst v63  }
0x9f: {  	p2 =	sge.u32 @!p5 s15, s13  }
0xa0: {  	p2 =	por p2, p5  }
0xa1: {  	s13 =	simm.s32 @!p2 $0x3  }
0xa2: {  	_ =	swait.ge @!p2 [sflag:s13], $0x100  }
0xa3: {  	s16 =	simm.s32 @!p5 $0x5;
	s15 =	simm.s32 @!p2 $0x80;
	[sflag:s13] =	ssyncset.done @!p2 $0x0  }
0xa4: {  	s17 =	simm.s32 @!p2 $0x8480;
	[sflag:s13] =	ssyncadd.s32 @!p2 $0xFFFFFF00;
	s13 =	simm.s32 @!p2 $0x200  }
0xa5: {  	[tilespmem:s17], [sflag:$0x6] =	stream.indirect.gather @!p2 [hbm4b:s11+s15], $0x80, s13, s15, $0xb8;
	[tilespmem:$0x1FD00] =	vst v63  }
0xa6: {  	_ =	swait.ge @!p5 [sflag:s16], $0x4000  }
0xa7: {  	[sflag:s16] =	ssyncset.done @!p5 $0x0  }
0xa8: {  	[sflag:s16] =	ssyncadd.s32 @!p5 $0xFFFFC000  }
0xa9: {  	v0 =	vld @!p5 [tilespmem:$0x180]  }
0xaa: {  	v1 =	vld @!p5 [tilespmem:$0x190]  }
0xab: {  	v2 =	vld @!p5 [tilespmem:$0x1F0]  }
0xac: {  	v3 =	vld @!p5 [tilespmem:$0x1B0]  }
0xad: {  	v4 =	vld @!p5 [tilespmem:$0x1E0]  }
0xae: {  	v5 =	vld @!p5 [tilespmem:$0x1C0];
	[tilespmem:$0x380] =	vst @!p5 v0  }
0xaf: {  	v0 =	vld @!p5 [tilespmem:$0x1D0];
	[tilespmem:$0x390] =	vst @!p5 v1  }
0xb0: {  	v1 =	vld @!p5 [tilespmem:$0x1A0];
	[tilespmem:$0x3F0] =	vst @!p5 v2  }
0xb1: {  	[tilespmem:$0x3B0] =	vst @!p5 v3  }
0xb2: {  	[tilespmem:$0x3E0] =	vst @!p5 v4  }
0xb3: {  	s22 =	smov.u32 s10;
	[tilespmem:$0x3C0] =	vst @!p5 v5  }
0xb4: {  	s8 =	sadd.s32 $0x600, s8;
	s20 =	sadd.s32 $0xFFFFFFFE, s22;
	s13 =	simm.s32 @!p5 $0x80;
	[tilespmem:$0x3D0] =	vst @!p5 v0  }
0xb5: {  	s15 =	simm.s32 @!p5 $0x380;
	p2 =	sge.u32 s20, s4;
	s16 =	simm.s32 @!p5 $0x4480;
	[tilespmem:$0x3A0] =	vst @!p5 v1  }
0xb6: {  	[spmem:s1] =	stream.indirect.scatter.add.f32 @!p5 [tilespmem:s16], [sflag:$0x8], $0x80, s15, s13, $0xb8;
	[tilespmem:$0x1FD00] =	vst v63  }
0xb7: {  	s17 =	simm.s32 @!p2 $0x0;
	s19 =	simm.s32 @!p2 $0x100;
	_ =	swait.ge [sflag:s28], $0x4000  }
0xb8: {  	s15 =	sadd.s32 $0xFFFFFFFA, s22;
	[sflag:s28] =	ssyncset.done $0x0;
	s23 =	rddreg [dreg:$0x5]  }
0xb9: {  	s16 =	sadd.s32 @!p2 $0xFFFFFC00, s8;
	[sflag:s28] =	ssyncadd.s32 $0xFFFFC000;
	p6 =	sge.u32 s15, s23  }
0xba: {  	[tilespmem:s19], [sflag:$0x2] =	stream.linear.gather @!p2 [hbm4b:s16+s17], $0x100, $0x38;
	[tilespmem:$0x1FD00] =	vst v63  }
0xbb: {  	s16 =	simm.s32 @!p6 $0x1  }
0xbc: {  	_ =	swait.ge @!p6 [sflag:s16], $0x100  }
0xbd: {  	s13 =	simm.s32 @!p6 $0x480;
	[sflag:s16] =	ssyncset.done @!p6 $0x0  }
0xbe: {  	s19 =	simm.s32 @!p6 $0x80;
	[sflag:s16] =	ssyncadd.s32 @!p6 $0xFFFFFF00;
	s16 =	simm.s32 @!p6 $0x0  }
0xbf: {  	[tilespmem:s13], [sflag:$0x4] =	stream.indirect.gather @!p6 [hbm4b:s11+s19], $0x80, s16, s19, $0xb8;
	[tilespmem:$0x1FD00] =	vst v63  }
0xc0: {  	_ =	swait.ge [sflag:s0], $0x4000  }
0xc1: {  	[sflag:s0] =	ssyncset.done $0x0  }
0xc2: {  	[sflag:s0] =	ssyncadd.s32 $0xFFFFC000  }
0xc3: {  	v0 =	vld [tilespmem:$0x2F0]  }
0xc4: {  	v1 =	vld [tilespmem:$0x2D0]  }
0xc5: {  	v2 =	vld [tilespmem:$0x2C0]  }
0xc6: {  	v3 =	vld [tilespmem:$0x2B0]  }
0xc7: {  	v4 =	vld [tilespmem:$0x2E0]  }
0xc8: {  	v5 =	vld [tilespmem:$0x280];
	[tilespmem:$0x470] =	vst v0  }
0xc9: {  	v0 =	vld [tilespmem:$0x2A0];
	[tilespmem:$0x450] =	vst v1  }
0xca: {  	v1 =	vld [tilespmem:$0x290];
	[tilespmem:$0x440] =	vst v2  }
0xcb: {  	[tilespmem:$0x430] =	vst v3  }
0xcc: {  	[tilespmem:$0x460] =	vst v4  }
0xcd: {  	p5 =	sge.u32 s15, s14;
	[tilespmem:$0x400] =	vst v5  }
0xce: {  	s17 =	sadd.s32 @!p6 $0xFFFFFFFF, s22;
	p4 =	sge.u32 @!p6 s15, s14;
	s23 =	simm.s32 @!p6 $0x8;
	[tilespmem:$0x420] =	vst v0  }
0xcf: {  	p2 =	sge.u32 @!p6 s17, s4;
	p4 =	por p4, p6;
	s24 =	rddreg [dreg:$0x6];
	[tilespmem:$0x410] =	vst v1  }
0xd0: {  	[spmem:s1] =	stream.indirect.scatter.add.f32 [tilespmem:s30], [sflag:$0x9], $0x80, s24, s21, $0xb8;
	[tilespmem:$0x1FD00] =	vst v63  }
0xd1: {  	p3 =	por p2, p6;
	p2 =	sge.u32 @!p5 s22, s4;
	_ =	swait.ge @!p6 [sflag:s23], $0x4000  }
0xd2: {  	s9 =	simm.s32 @!p4 $0x2;
	s17 =	simm.s32 @!p3 $0x0;
	[sflag:s23] =	ssyncset.done @!p6 $0x0  }
0xd3: {  	s22 =	simm.s32 @!p3 $0x200;
	s25 =	sadd.s32 @!p3 $0xFFFFFE00, s8;
	[sflag:s23] =	ssyncadd.s32 @!p6 $0xFFFFC000  }
0xd4: {  	[tilespmem:s22], [sflag:$0x3] =	stream.linear.gather @!p3 [hbm4b:s25+s17], $0x100, $0x38;
	[tilespmem:$0x1FD00] =	vst v63  }
0xd5: {  	_ =	swait.ge @!p4 [sflag:s9], $0x100  }
0xd6: {  	s20 =	simm.s32 @!p6 $0x4;
	s16 =	simm.s32 @!p4 $0x4480;
	[sflag:s9] =	ssyncset.done @!p4 $0x0  }
0xd7: {  	s24 =	simm.s32 @!p4 $0x100;
	s23 =	simm.s32 @!p4 $0x80;
	[sflag:s9] =	ssyncadd.s32 @!p4 $0xFFFFFF00  }
0xd8: {  	[tilespmem:s16], [sflag:$0x5] =	stream.indirect.gather @!p4 [hbm4b:s11+s23], $0x80, s24, s23, $0xb8;
	[tilespmem:$0x1FD00] =	vst v63  }
0xd9: {  	_ =	swait.ge @!p6 [sflag:s20], $0x4000  }
0xda: {  	[sflag:s20] =	ssyncset.done @!p6 $0x0  }
0xdb: {  	[sflag:s20] =	ssyncadd.s32 @!p6 $0xFFFFC000  }
0xdc: {  	s10 =	sadd.s32 $0x3, s10;
	v4 =	vld @!p6 [tilespmem:$0xF0]  }
0xdd: {  	p1 =	sne.s32 s10, $0xA2;
	v5 =	vld @!p6 [tilespmem:$0xC0]  }
.Ltmp0:
0xde: {  	v3 =	vld @!p6 [tilespmem:$0xE0];
	(pc) =	sbr.rel @p1 .LBB2_2-.Ltmp0, $4  }
0xdf: {  	v0 =	vld @!p6 [tilespmem:$0x90]  }
0xe0: {  	v1 =	vld @!p6 [tilespmem:$0xA0]  }
0xe1: {  	v2 =	vld @!p6 [tilespmem:$0x80];
	[tilespmem:$0x370] =	vst @!p6 v4  }
0xe2: {  	s18 =	smov.u32 s8;
	p2 =	por p2, p5;
	[tilespmem:$0x340] =	vst @!p6 v5;
	v4 =	vld @!p6 [tilespmem:$0xD0]  }
0xe3: {  	v5 =	vld @!p6 [tilespmem:$0xB0];
	[tilespmem:$0x360] =	vst @!p6 v3  }
0xe4: {  	[tilespmem:$0x310] =	vst @!p6 v0  }
0xe5: {  	[tilespmem:$0x320] =	vst @!p6 v1  }
0xe6: {  	[tilespmem:$0x300] =	vst @!p6 v2  }
0xe7: {  	[tilespmem:$0x350] =	vst @!p6 v4  }
0xe8: {  	s8 =	simm.s32 @!p6 $0x300;
	s9 =	simm.s32 @!p5 $0x9;
	[tilespmem:$0x330] =	vst @!p6 v5  }
0xe9: {  	[spmem:s1] =	stream.indirect.scatter.add.f32 @!p6 [tilespmem:s13], [sflag:$0x7], $0x80, s8, s19, $0xb8;
	[tilespmem:$0x1FD00] =	vst v63  }
0xea: {  	_ =	swait.ge @!p5 [sflag:s9], $0x4000  }
0xeb: {  	[sflag:s9] =	ssyncset.done @!p5 $0x0;
	s8 =	rddreg [dreg:$0x7]  }
0xec: {  	[sflag:s9] =	ssyncadd.s32 @!p5 $0xFFFFC000;
	s9 =	simm.s32 @!p2 $0x0;
	p1 =	sge.u32 @!p5 s15, s8  }
0xed: {  	[tilespmem:s9], [sflag:$0x1] =	stream.linear.gather @!p2 [hbm4b:s18+s9], $0x100, $0x38;
	[tilespmem:$0x1FD00] =	vst v63  }
0xee: {  	p1 =	por p1, p5  }
0xef: {  	s8 =	simm.s32 @!p1 $0x3  }
0xf0: {  	_ =	swait.ge @!p1 [sflag:s8], $0x100  }
0xf1: {  	s10 =	simm.s32 @!p5 $0x5;
	s9 =	simm.s32 @!p1 $0x80;
	[sflag:s8] =	ssyncset.done @!p1 $0x0  }
0xf2: {  	s13 =	simm.s32 @!p1 $0x8480;
	[sflag:s8] =	ssyncadd.s32 @!p1 $0xFFFFFF00;
	s8 =	simm.s32 @!p1 $0x200  }
0xf3: {  	[tilespmem:s13], [sflag:$0x6] =	stream.indirect.gather @!p1 [hbm4b:s11+s9], $0x80, s8, s9, $0xb8;
	[tilespmem:$0x1FD00] =	vst v63  }
0xf4: {  	_ =	swait.ge @!p5 [sflag:s10], $0x4000  }
0xf5: {  	[sflag:s10] =	ssyncset.done @!p5 $0x0  }
0xf6: {  	[sflag:s10] =	ssyncadd.s32 @!p5 $0xFFFFC000  }
0xf7: {  	v0 =	vld @!p5 [tilespmem:$0x180]  }
0xf8: {  	v1 =	vld @!p5 [tilespmem:$0x190]  }
0xf9: {  	v2 =	vld @!p5 [tilespmem:$0x1F0]  }
0xfa: {  	v3 =	vld @!p5 [tilespmem:$0x1B0]  }
0xfb: {  	v4 =	vld @!p5 [tilespmem:$0x1E0]  }
0xfc: {  	v5 =	vld @!p5 [tilespmem:$0x1C0];
	[tilespmem:$0x380] =	vst @!p5 v0  }
0xfd: {  	v0 =	vld @!p5 [tilespmem:$0x1D0];
	[tilespmem:$0x390] =	vst @!p5 v1  }
0xfe: {  	v1 =	vld @!p5 [tilespmem:$0x1A0];
	[tilespmem:$0x3F0] =	vst @!p5 v2  }
0xff: {  	[tilespmem:$0x3B0] =	vst @!p5 v3  }
0x100: {  	s20 =	sld [smem:$0x7FB];
	[tilespmem:$0x3E0] =	vst @!p5 v4  }
0x101: {  	[tilespmem:$0x3C0] =	vst @!p5 v5  }
0x102: {  	s8 =	simm.s32 @!p5 $0x80;
	s9 =	simm.s32 @!p5 $0x380;
	[tilespmem:$0x3D0] =	vst @!p5 v0  }
0x103: {  	s22 =	sld [smem:$0x7FA];
	s10 =	simm.s32 @!p5 $0x4480;
	p1 =	seq.s32 s20, $0x1;
	[tilespmem:$0x3A0] =	vst @!p5 v1  }
0x104: {  	[spmem:s1] =	stream.indirect.scatter.add.f32 @!p5 [tilespmem:s10], [sflag:$0x8], $0x80, s9, s8, $0xb8;
	[tilespmem:$0x1FD00] =	vst v63  }
0x105: {  	s8 =	simm.s32 @!p1 $0x9  }
0x106: {  	s8 =	simm.s32 @p1 $0x8;
	p1 =	seq.s32 s22, $0x1  }
0x107: {  	s8 =	simm.s32 @p1 $0x7  }
0x108: {  	_ =	swait.ge [sflag:s8], $0x4000  }
0x109: {  	s23 =	sld [smem:$0x7FD];
	_ =	sdelay $0x1  }
0x10a: {  	s24 =	sld [smem:$0x7FC]  }
0x10b: {  	p1 =	seq.s32 s23, $0x1  }
0x10c: {  	s9 =	simm.s32 @!p1 $0x9  }
0x10d: {  	[sflag:s8] =	ssyncset.done $0x0;
	s9 =	simm.s32 @p1 $0x8;
	p1 =	seq.s32 s24, $0x1  }
0x10e: {  	[sflag:s8] =	ssyncadd.s32 $0xFFFFC000;
	s9 =	simm.s32 @p1 $0x7  }
0x10f: {  	_ =	swait.ge [sflag:s9], $0x4000  }
0x110: {  	[sflag:s9] =	ssyncset.done $0x0  }
0x111: {  	[sflag:s9] =	ssyncadd.s32 $0xFFFFC000  }
0x112: {  	[bflag:$0x0] =	sbarrier.arrive $0xFFFF  }
0x113: {  	s8 =	simm.s32 @p0 $0x1FCA;
	s9 =	rddreg [dreg:$0x11]  }
0x114: {  	[hbm:s9], [sflag:s8] =	dma.local @p0 [spmem:s5], $0x2080  }
0x115: {  	s5 =	simm.s32 @p0 $0xA  }
0x116: {  	_ =	swait.ge @p0 [sflag:s5], $0x2080  }
0x117: {  	[sflag:s5] =	ssyncset.done @p0 $0x0  }
0x118: {  	[sflag:s5] =	ssyncadd.s32 @p0 $0xFFFFDF80;
	s5 =	rddreg [dreg:$0x10]  }
0x119: {  	[hbm:s5], [sflag:s6] =	dma.local @!p0 [spmem:s7], $0x2780  }
0x11a: {  	s5 =	simm.s32 @!p0 $0xA  }
0x11b: {  	_ =	swait.ge @!p0 [sflag:s5], $0x2780  }
0x11c: {  	s2 =	sadd.s32 $0x1, s2;
	s25 =	rddreg [dreg:$0x12]  }
0x11d: {  	p1 =	sne.s32 s2, s25  }
.Ltmp1:
0x11e: {  	_ = 	snop;
	(pc) =	sbr.rel @p1 .LBB2_1-.Ltmp1, $3  }
0x11f: {  	_ =	sdelay $0x1  }
0x120: {  	[sflag:s5] =	ssyncset.done @!p0 $0x0  }
0x121: {  	[sflag:s5] =	ssyncadd.s32 @!p0 $0xFFFFD880  }
0x122: {  	_ =	sfence.sel $0x180000  }
0x123: {  	[bflag:$0x0] =	sbarrier.arrive $0xFFFF  }
0x124: {  	_ =	strace $0x9000004A  }
0x125: {  	s0 =	stileid.u32;
	[bflag:$0x2] =	sbarrier.arrive $0xFFFF  }
0x126: {  	p0 =	sne.s32 s0, $0x0;
	s0 =	rddreg [dreg:$0x4]  }
0x127: {  	s0 =	sadd.s32 @!p0 $0x100000, s0  }
0x128: {  	[sflag:s0] =	ssyncadd.tile.s32 @!p0 $0x1;
	_ =	shalt  }
.Lfunc_end2:
_tile_overlayer_lowered:
.L_overlay_start_2:
0x129: {  	(tag) =	ssettag $0x2  }
0x12a: {  	s0 =	rddreg [dreg:$0x0];
	s2 =	stileid.u32  }
0x12b: {  	s1 =	rddreg [dreg:$0x1];
	p0 =	sne.s32 s2, $0x0  }
0x12c: {  	s3 =	rddreg [dreg:$0x2];
	[bflag:$0x3] =	sbarrier.arrive $0xFFFF;
	s2 =	simm.s32 @!p0 $0x1C0A  }
0x12d: {  	[timem:s3], [sflag:s2] =	dma.local @!p0 [hbm:s0], s1  }
0x12e: {  	s0 =	simm.s32 @!p0 $0xA  }
0x12f: {  	_ =	swait.ge @!p0 [sflag:s0], s1  }
0x130: {  	s1 =	ssub.s32 @!p0 $0x0, s1;
	[sflag:s0] =	ssyncset.done @!p0 $0x0  }
0x131: {  	[sflag:s0] =	ssyncadd.s32 @!p0 s1  }
0x132: {  	[bflag:$0x3] =	sbarrier.arrive $0xFFFF  }
0x133: {  	_ =	shalt  }

</sc_bundles>
